<compile_context>
chip_gen: v7x
topology: tpu7x:2x2x1
jax: 0.10.2.dev20260603
libtpu: 0.0.44.dev20260713+nightly
codegen_flags: <defaults>
</compile_context>

<pallas_src>
import functools

import jax
import jax.numpy as jnp
from jax import lax
from jax.experimental import pallas as pl
from jax.experimental.pallas import tpu as pltpu
from jax.experimental.pallas import tpu_sc as plsc

N = 8192
K = 20
NUM_GRAPHS = 8
F32 = jnp.float32
MASKV = 1e37
NEDGE = N * K


def _dot(a, b):
    return lax.dot(a, b, precision=lax.Precision.DEFAULT,
                   preferred_element_type=F32)


def _extract_topk(dist_s, idx_ref, BR, W, base):
    colids = lax.broadcasted_iota(jnp.int32, (BR, W), 1)
    cols = []
    for _ in range(K):
        dcur = dist_s[...]
        m = jnp.min(dcur, axis=1, keepdims=True)
        cand = jnp.where(dcur == m, colids, jnp.int32(N))
        j = jnp.min(cand, axis=1, keepdims=True)
        cols.append(jnp.minimum(j + base, N - 1))
        dist_s[...] = jnp.where(colids == j, jnp.inf, dcur)
    idx_ref[...] = jnp.concatenate(cols, axis=1)


def _knn_full_body(x_ref, xt_ref, br_ref, bc_ref, idx_ref, dist_s, *, BR):
    xb = x_ref[...]
    sqr = jnp.sum(xb * xb, axis=1, keepdims=True)
    xt = xt_ref[...]
    sqc = jnp.sum(xt * xt, axis=0, keepdims=True)
    d = sqr + sqc - 2.0 * _dot(xb, xt)
    mask = br_ref[...] != bc_ref[...]
    dist_s[...] = jnp.where(mask, MASKV, d)
    _extract_topk(dist_s, idx_ref, BR, N, 0)


def _knn_full(x, xt, br, bc):
    BR = 64
    f = x.shape[1]
    return pl.pallas_call(
        functools.partial(_knn_full_body, BR=BR),
        grid=(N // BR,),
        in_specs=[
            pl.BlockSpec((BR, f), lambda i: (i, 0)),
            pl.BlockSpec((f, N), lambda i: (0, 0)),
            pl.BlockSpec((BR, 1), lambda i: (i, 0)),
            pl.BlockSpec((1, N), lambda i: (0, 0)),
        ],
        out_specs=pl.BlockSpec((BR, K), lambda i: (i, 0)),
        out_shape=jax.ShapeDtypeStruct((N, K), jnp.int32),
        scratch_shapes=[pltpu.VMEM((BR, N), F32)],
    )(x, xt, br, bc)


SLOT = 1280
NP = NUM_GRAPHS * SLOT


def _knn_pad_body(x_ref, xtg_ref, br_ref, bcg_ref, st_ref, idx_ref, dist_s,
                  *, BR):
    xb = x_ref[...]
    sqr = jnp.sum(xb * xb, axis=1, keepdims=True)
    xt = xtg_ref[0]
    sqc = jnp.sum(xt * xt, axis=0, keepdims=True)
    d = sqr + sqc - 2.0 * _dot(xb, xt)
    mask = br_ref[...] != bcg_ref[0]
    dist_s[...] = jnp.where(mask, MASKV, d)
    _extract_topk(dist_s, idx_ref, BR, SLOT, st_ref[0, 0, 0])


def _knn_pad(xp, xtg, brp, bcg, starts):
    BR = 640
    bpg = SLOT // BR
    f = xp.shape[1]
    return pl.pallas_call(
        functools.partial(_knn_pad_body, BR=BR),
        grid=(NP // BR,),
        in_specs=[
            pl.BlockSpec((BR, f), lambda i: (i, 0)),
            pl.BlockSpec((1, f, SLOT), lambda i: (i // bpg, 0, 0)),
            pl.BlockSpec((BR, 1), lambda i: (i, 0)),
            pl.BlockSpec((1, 1, SLOT), lambda i: (i // bpg, 0, 0)),
            pl.BlockSpec((1, 1, 1), lambda i: (i // bpg, 0, 0)),
        ],
        out_specs=pl.BlockSpec((BR, K), lambda i: (i, 0)),
        out_shape=jax.ShapeDtypeStruct((NP, K), jnp.int32),
        scratch_shapes=[pltpu.VMEM((BR, SLOT), F32)],
    )(xp, xtg, brp, bcg, starts)


def _sc_gather(V1, idxf):
    mesh = plsc.VectorSubcoreMesh(core_axis_name="c", subcore_axis_name="s")
    E = idxf.shape[0]
    chunk = E // 32
    CH = 128 if chunk % 128 == 0 else 64
    dt = V1.dtype

    @functools.partial(
        pl.kernel,
        mesh=mesh,
        out_type=jax.ShapeDtypeStruct((E, 128), dt),
        scratch_types=[
            pltpu.VMEM((CH,), jnp.int32),
            pltpu.VMEM((CH, 128), dt),
            pltpu.SemaphoreType.DMA,
        ],
    )
    def k_fn(v1_hbm, idx_hbm, g1_hbm, idx_v, rows_v, sem):
        wid = lax.axis_index("s") * 2 + lax.axis_index("c")
        i0 = wid * chunk

        def body(t, carry):
            eoff = i0 + t * CH
            pltpu.sync_copy(idx_hbm.at[pl.ds(eoff, CH)], idx_v)
            pltpu.async_copy(v1_hbm.at[idx_v], rows_v, sem).wait()
            pltpu.sync_copy(rows_v, g1_hbm.at[pl.ds(eoff, CH)])
            return carry

        lax.fori_loop(0, chunk // CH, body, 0)

    return k_fn(V1, idxf)


def _sc_maxgather(V2, idxf):
    mesh = plsc.VectorSubcoreMesh(core_axis_name="c", subcore_axis_name="s")
    CH = 128
    npts = N // 32

    @functools.partial(
        pl.kernel,
        mesh=mesh,
        out_type=jax.ShapeDtypeStruct((N, 128), F32),
        scratch_types=[
            pltpu.VMEM((CH,), jnp.int32),
            pltpu.VMEM((CH, 128), F32),
            pltpu.VMEM((CH, 128), F32),
            pltpu.SemaphoreType.DMA,
        ],
    )
    def k_fn(v2_hbm, idx_hbm, m_hbm, idx_v, rows_v, acc_v, sem):
        wid = lax.axis_index("s") * 2 + lax.axis_index("c")
        i0 = wid * npts

        def half(h, carry):
            base = i0 + h * CH

            def plane(k, c2):
                pltpu.sync_copy(idx_hbm.at[pl.ds(k * N + base, CH)], idx_v)
                @pl.when(k == 0)
                def _():
                    pltpu.async_copy(v2_hbm.at[idx_v], acc_v, sem).wait()

                @pl.when(k > 0)
                def _():
                    pltpu.async_copy(v2_hbm.at[idx_v], rows_v, sem).wait()

                    def row(r, c3):
                        for c in range(8):
                            sl = pl.ds(c * 16, 16)
                            acc_v[r, sl] = jnp.maximum(
                                acc_v[r, sl], rows_v[r, sl])
                        return c3

                    lax.fori_loop(0, CH, row, 0)
                return c2

            lax.fori_loop(0, K, plane, 0)
            pltpu.sync_copy(acc_v, m_hbm.at[pl.ds(base, CH)])
            return carry

        lax.fori_loop(0, npts // CH, half, 0)

    return k_fn(V2, idxf)


def _b_body(g1_ref, pos_ref, w1a_ref, w1b_ref, b1_ref, g_ref, bt_ref,
            w2_ref, b2_ref, h2_ref, st2_ref, st1_s):
    p = pl.program_id(0)
    k = pl.program_id(1)
    i = pl.program_id(2)
    first = (k == 0) & (i == 0)
    xi = pos_ref[...]
    h1 = (_dot(xi, w1a_ref[...])
          + _dot(g1_ref[:, :8] - xi, w1b_ref[...]) + b1_ref[...])

    @pl.when((p == 0) & first)
    def _():
        st1_s[...] = jnp.zeros_like(st1_s)

    @pl.when(p == 0)
    def _():
        st1_s[0:1, :] += jnp.sum(h1, axis=0, keepdims=True)
        st1_s[1:2, :] += jnp.sum(h1 * h1, axis=0, keepdims=True)

    @pl.when((p == 1) & first)
    def _():
        st2_ref[...] = jnp.zeros_like(st2_ref)

    @pl.when(p == 1)
    def _():
        mtot = jnp.float32(NEDGE)
        mean = st1_s[0:1, :] / mtot
        var = st1_s[1:2, :] / mtot - mean * mean
        al = g_ref[...] * lax.rsqrt(var + 1e-5)
        be = bt_ref[...] - al * mean
        y1 = jnp.maximum(al * h1 + be, 0.0)
        h2 = _dot(y1, w2_ref[...]) + b2_ref[...]
        h2_ref[...] = h2
        st2_ref[0:1, :] += jnp.sum(h2, axis=0, keepdims=True)
        st2_ref[1:2, :] += jnp.sum(h2 * h2, axis=0, keepdims=True)


def _conv1_mid(G1, posp, w1a, w1b, b1r, g1r, bt1r, W2, b2r):
    BR = 512
    nb = N // BR
    return pl.pallas_call(
        _b_body,
        grid=(2, K, nb),
        in_specs=[
            pl.BlockSpec((BR, 128), lambda p, k, i: (k * nb + i, 0)),
            pl.BlockSpec((BR, 8), lambda p, k, i: (i, 0)),
            pl.BlockSpec((8, 64), lambda p, k, i: (0, 0)),
            pl.BlockSpec((8, 64), lambda p, k, i: (0, 0)),
            pl.BlockSpec((1, 64), lambda p, k, i: (0, 0)),
            pl.BlockSpec((1, 64), lambda p, k, i: (0, 0)),
            pl.BlockSpec((1, 64), lambda p, k, i: (0, 0)),
            pl.BlockSpec((64, 64), lambda p, k, i: (0, 0)),
            pl.BlockSpec((1, 64), lambda p, k, i: (0, 0)),
        ],
        out_specs=[
            pl.BlockSpec((BR, 64), lambda p, k, i: (k * nb + i, 0)),
            pl.BlockSpec((2, 64), lambda p, k, i: (0, 0)),
        ],
        out_shape=[
            jax.ShapeDtypeStruct((NEDGE, 64), F32),
            jax.ShapeDtypeStruct((2, 64), F32),
        ],
        scratch_shapes=[pltpu.VMEM((2, 64), F32)],
    )(G1, posp, w1a, w1b, b1r, g1r, bt1r, W2, b2r)


def _c_body(h2_ref, st2_ref, g_ref, bt_ref, w3_ref, b3_ref,
            wd4_ref, w4b_ref, b4_ref, x1_ref, a2_ref, v2_ref, acc_s):
    k = pl.program_id(1)
    mtot = jnp.float32(NEDGE)
    mean = st2_ref[0:1, :] / mtot
    var = st2_ref[1:2, :] / mtot - mean * mean
    al = g_ref[...] * lax.rsqrt(var + 1e-5)
    be = bt_ref[...] - al * mean
    y2 = jnp.maximum(al * h2_ref[...] + be, 0.0)
    h3 = _dot(y2, w3_ref[...]) + b3_ref[...]

    @pl.when(k == 0)
    def _():
        acc_s[...] = h3

    @pl.when(k > 0)
    def _():
        acc_s[...] = jnp.maximum(acc_s[...], h3)

    @pl.when(k == K - 1)
    def _():
        x1b = acc_s[...]
        x1_ref[...] = x1b
        a2_ref[...] = _dot(x1b, wd4_ref[...]) + b4_ref[...]
        v2_ref[...] = _dot(x1b, w4b_ref[...])


def _conv1_tail(h2, st2, g2r, bt2r, W3, b3r, wd4, w4b, b4r):
    BR = 512
    nb = N // BR
    return pl.pallas_call(
        _c_body,
        grid=(nb, K),
        in_specs=[
            pl.BlockSpec((BR, 64), lambda i, k: (k * nb + i, 0)),
            pl.BlockSpec((2, 64), lambda i, k: (0, 0)),
            pl.BlockSpec((1, 64), lambda i, k: (0, 0)),
            pl.BlockSpec((1, 64), lambda i, k: (0, 0)),
            pl.BlockSpec((64, 64), lambda i, k: (0, 0)),
            pl.BlockSpec((1, 64), lambda i, k: (0, 0)),
            pl.BlockSpec((64, 128), lambda i, k: (0, 0)),
            pl.BlockSpec((64, 128), lambda i, k: (0, 0)),
            pl.BlockSpec((1, 128), lambda i, k: (0, 0)),
        ],
        out_specs=[
            pl.BlockSpec((BR, 64), lambda i, k: (i, 0)),
            pl.BlockSpec((BR, 128), lambda i, k: (i, 0)),
            pl.BlockSpec((BR, 128), lambda i, k: (i, 0)),
        ],
        out_shape=[
            jax.ShapeDtypeStruct((N, 64), F32),
            jax.ShapeDtypeStruct((N, 128), F32),
            jax.ShapeDtypeStruct((N, 128), F32),
        ],
        scratch_shapes=[pltpu.VMEM((BR, 64), F32)],
    )(h2, st2, g2r, bt2r, W3, b3r, wd4, w4b, b4r)


def _e_body(x1_ref, a2_ref, m_ref, b_ref, w5a_ref, w5b_ref, b5_ref,
            w6_ref, b6_ref, w7_ref, b7_ref, w8_ref, b8_ref,
            out_ref, pool_s, *, BR, NB):
    i = pl.program_id(0)

    @pl.when(i == 0)
    def _():
        pool_s[...] = jnp.full_like(pool_s, -jnp.inf)

    x2 = a2_ref[...] + m_ref[...]
    o = _dot(x1_ref[...], w5a_ref[...]) + _dot(x2, w5b_ref[...]) + b5_ref[...]
    bcol = b_ref[...]
    bmin = bcol[0, 0]
    bmax = bcol[BR - 1, 0]
    for s in range(NUM_GRAPHS):
        @pl.when((bmin <= s) & (s <= bmax))
        def _():
            seg = jnp.where(bcol == s, o, -jnp.inf)
            pool_s[s:s + 1, :] = jnp.maximum(
                pool_s[s:s + 1, :],
                jnp.max(seg, axis=0, keepdims=True))

    @pl.when(i == NB - 1)
    def _():
        h = jnp.maximum(_dot(pool_s[...], w6_ref[...]) + b6_ref[...], 0.0)
        h = jnp.maximum(_dot(h, w7_ref[...]) + b7_ref[...], 0.0)
        out_ref[...] = _dot(h, w8_ref[...]) + b8_ref[...]


def _tail(x1, A2, M, bcol, w5a, w5b, b5r, W6, b6r, W7, b7r, W8, b8r):
    BR = 512
    NB = N // BR
    return pl.pallas_call(
        functools.partial(_e_body, BR=BR, NB=NB),
        grid=(NB,),
        in_specs=[
            pl.BlockSpec((BR, 64), lambda i: (i, 0)),
            pl.BlockSpec((BR, 128), lambda i: (i, 0)),
            pl.BlockSpec((BR, 128), lambda i: (i, 0)),
            pl.BlockSpec((BR, 1), lambda i: (i, 0)),
            pl.BlockSpec((64, 1024), lambda i: (0, 0)),
            pl.BlockSpec((128, 1024), lambda i: (0, 0)),
            pl.BlockSpec((1, 1024), lambda i: (0, 0)),
            pl.BlockSpec((1024, 512), lambda i: (0, 0)),
            pl.BlockSpec((1, 512), lambda i: (0, 0)),
            pl.BlockSpec((512, 256), lambda i: (0, 0)),
            pl.BlockSpec((1, 256), lambda i: (0, 0)),
            pl.BlockSpec((256, 40), lambda i: (0, 0)),
            pl.BlockSpec((1, 40), lambda i: (0, 0)),
        ],
        out_specs=pl.BlockSpec((NUM_GRAPHS, 40), lambda i: (0, 0)),
        out_shape=jax.ShapeDtypeStruct((NUM_GRAPHS, 40), F32),
        scratch_shapes=[pltpu.VMEM((NUM_GRAPHS, 1024), F32)],
    )(x1, A2, M, bcol, w5a, w5b, b5r, W6, b6r, W7, b7r, W8, b8r)


def kernel(pos, batch, W1, b1, g1, bt1, W2, b2, g2, bt2, W3, b3,
           W4, b4, W5, b5, W6, b6, W7, b7, W8, b8):
    batch = batch.astype(jnp.int32)
    br = batch[:, None]
    bc = batch[None, :]

    gids = jnp.arange(NUM_GRAPHS, dtype=jnp.int32)
    starts = jnp.searchsorted(batch, gids).astype(jnp.int32)
    ends = jnp.searchsorted(batch, gids, side="right").astype(jnp.int32)
    counts = ends - starts
    fits = jnp.max(counts) <= SLOT
    slot = jnp.arange(NP, dtype=jnp.int32)
    sg = slot // SLOT
    soff = slot % SLOT
    p = jnp.minimum(starts[sg] + soff, N - 1)
    batch_pad = jnp.where(soff < counts[sg], sg, -1).astype(jnp.int32)
    brp = batch_pad[:, None]
    bcg = batch_pad.reshape(NUM_GRAPHS, 1, SLOT)
    starts2 = starts.reshape(NUM_GRAPHS, 1, 1)
    pinv = batch * SLOT + (jnp.arange(N, dtype=jnp.int32) - starts[batch])

    def _knn_via_slots(x128, f):
        xp = _sc_gather(x128, p)[:, :f]
        xtg = xp.T.reshape(f, NUM_GRAPHS, SLOT).transpose(1, 0, 2)
        idxp = _knn_pad(xp, xtg, brp, bcg, starts2)
        idxp128 = jnp.pad(idxp, ((0, 0), (0, 128 - K)))
        return _sc_gather(idxp128, pinv)[:, :K]

    posp = jnp.pad(pos, ((0, 0), (0, 5)))
    posp128 = jnp.pad(pos, ((0, 0), (0, 125)))
    w1a = jnp.pad(W1[:3], ((0, 5), (0, 0)))
    w1b = jnp.pad(W1[3:], ((0, 5), (0, 0)))

    idx1 = lax.cond(fits,
                    lambda: _knn_via_slots(posp128, 8),
                    lambda: _knn_full(posp, posp.T, br, bc))
    G1 = _sc_gather(posp128, idx1.T.reshape(-1))

    h2, st2 = _conv1_mid(G1, posp, w1a, w1b, b1[None, :],
                         g1[None, :], bt1[None, :], W2, b2[None, :])
    x1, A2, V2 = _conv1_tail(
        h2, st2, g2[None, :], bt2[None, :], W3, b3[None, :],
        W4[:64] - W4[64:], W4[64:], b4[None, :])

    x1p128 = jnp.pad(x1, ((0, 0), (0, 64)))
    idx2 = lax.cond(fits,
                    lambda: _knn_via_slots(x1p128, 64),
                    lambda: _knn_full(x1, x1.T, br, bc))
    M = _sc_maxgather(V2, idx2.T.reshape(-1))

    return _tail(x1, A2, M, br, W5[:64], W5[64:], b5[None, :],
                 W6, b6[None, :], W7, b7[None, :], W8, b8[None, :])

# --- scband reference (transcript-rebuilt; emitter-appended) ---
"""Pipeline reference for scband-dgcnn-16844861735561 (READ-ONLY COPY).

The authoritative reference and input builder live on the scoring server;
editing this copy changes nothing except your own understanding.
"""

import jax, jax.numpy as jnp
import numpy as np

N = 8192
K = 20
NUM_GRAPHS = 8
OUT_DIM = 40

def _lin(key, fin, fout):
    return jax.random.normal(key, (fin, fout), dtype=jnp.float32) * (1.0 / np.sqrt(fin))

def setup_inputs(seed: int = 0) -> dict:
    key = jax.random.key(seed)
    ks = jax.random.split(key, 24)
    pos = jax.random.normal(ks[0], (N, 3), dtype=jnp.float32)
    batch = jnp.sort(jax.random.randint(ks[1], (N,), 0, NUM_GRAPHS)).astype(jnp.int32)
    d = {"pos": pos, "batch": batch}
    # conv1 MLP([6,64,64,64]) with batch_norm + relu on first two layers, plain last
    d["W1"] = _lin(ks[2], 6, 64);   d["b1"] = jnp.zeros((64,), jnp.float32)
    d["g1"] = jnp.ones((64,), jnp.float32); d["bt1"] = jnp.zeros((64,), jnp.float32)
    d["W2"] = _lin(ks[3], 64, 64);  d["b2"] = jnp.zeros((64,), jnp.float32)
    d["g2"] = jnp.ones((64,), jnp.float32); d["bt2"] = jnp.zeros((64,), jnp.float32)
    d["W3"] = _lin(ks[4], 64, 64);  d["b3"] = jnp.zeros((64,), jnp.float32)
    # conv2 MLP([128,128]): single plain Linear
    d["W4"] = _lin(ks[5], 128, 128); d["b4"] = jnp.zeros((128,), jnp.float32)
    # lin1: Linear(192, 1024)
    d["W5"] = _lin(ks[6], 192, 1024); d["b5"] = jnp.zeros((1024,), jnp.float32)
    # head MLP([1024,512,256,40]), norm=None, dropout inactive at eval
    d["W6"] = _lin(ks[7], 1024, 512); d["b6"] = jnp.zeros((512,), jnp.float32)
    d["W7"] = _lin(ks[8], 512, 256);  d["b7"] = jnp.zeros((256,), jnp.float32)
    d["W8"] = _lin(ks[9], 256, OUT_DIM); d["b8"] = jnp.zeros((OUT_DIM,), jnp.float32)
    return d

def _bn(h, g, b):
    m = jnp.mean(h, axis=0, keepdims=True)
    v = jnp.var(h, axis=0, keepdims=True)
    return g * (h - m) / jnp.sqrt(v + 1e-5) + b

def _knn_idx(x, batch, k):
    sq = jnp.sum(x * x, axis=1)
    dist = sq[:, None] + sq[None, :] - 2.0 * (x @ x.T)
    mask = batch[:, None] != batch[None, :]
    dist = jnp.where(mask, jnp.inf, dist)
    _, idx = jax.lax.top_k(-dist, k)
    return idx

def _edge_conv(x, idx, mlp_fn):
    xj = x[idx]                                  # [N, K, F] gather
    xi = jnp.broadcast_to(x[:, None, :], xj.shape)
    msg = jnp.concatenate([xi, xj - xi], axis=-1)  # [N, K, 2F]
    n, k, f2 = msg.shape
    h = mlp_fn(msg.reshape(n * k, f2))
    return jnp.max(h.reshape(n, k, -1), axis=1)    # max aggregation

def reference(pos, batch, W1, b1, g1, bt1, W2, b2, g2, bt2, W3, b3, W4, b4, W5, b5, W6, b6, W7, b7, W8, b8):
    batch = batch.astype(jnp.int32)

    def mlp1(h):
        h = jax.nn.relu(_bn(h @ W1 + b1, g1, bt1))
        h = jax.nn.relu(_bn(h @ W2 + b2, g2, bt2))
        return h @ W3 + b3

    idx1 = _knn_idx(pos, batch, K)
    x1 = _edge_conv(pos, idx1, mlp1)             # [N, 64]
    idx2 = _knn_idx(x1, batch, K)
    x2 = _edge_conv(x1, idx2, lambda m: m @ W4 + b4)  # [N, 128]
    out = jnp.concatenate([x1, x2], axis=1) @ W5 + b5  # [N, 1024]
    pooled = jax.ops.segment_max(out, batch, num_segments=NUM_GRAPHS)  # [8, 1024]
    h = jax.nn.relu(pooled @ W6 + b6)
    h = jax.nn.relu(h @ W7 + b7)
    return h @ W8 + b8

if __name__ == "__main__":
    import jax
    _d = setup_inputs()
    print(jax.jit(kernel)(*tuple(_d.values())))

</pallas_src>

<mosaic_0001>
#map = affine_map<(d0, d1) -> (0, 0)>
#map1 = affine_map<(d0, d1) -> (0)>
module attributes {stable_mosaic.version = 14 : i64} {
  func.func @k_fn(%arg0: i32, %arg1: i32, %arg2: memref<10240x128xi32, #tpu.memory_space<hbm>>, %arg3: memref<8192xi32, #tpu.memory_space<hbm>>, %arg4: memref<8192x128xi32, #tpu.memory_space<hbm>>, %arg5: memref<128xi32, #tpu.memory_space<vmem>>, %arg6: memref<128x128xi32, #tpu.memory_space<vmem>>, %arg7: memref<!tpu.dma_semaphore, #tpu.memory_space<semaphore_mem>>) attributes {dimension_semantics = [#tpu.dimension_semantics<core_parallel>, #tpu.dimension_semantics<subcore_parallel>], iteration_bounds = array<i64: 2, 16>, scalar_prefetch = 0 : i64, scratch_operands = 3 : i64, tpu.core_type = #tpu.core_type<sc_vector_subcore>, window_params = [{transform_indices = #map}, {transform_indices = #map1}, {transform_indices = #map}]} {
    %mul3A = arith.constant 2 : i32
    %mul3A_0 = arith.muli %arg1, %mul3A : i32
    %add3A = arith.addi %mul3A_0, %arg0 : i32
    %mul3A_1 = arith.constant 256 : i32
    %mul3A_2 = arith.muli %add3A, %mul3A_1 : i32
    %scan3A = arith.constant 0 : i32
    %scan3A_3 = arith.constant 0 : i32
    %scan3A_4 = arith.constant 2 : i32
    %scan3A_5 = arith.addi %scan3A_3, %scan3A_4 : i32
    %scan3A_6 = arith.constant 1 : i32
    scf.for %scan3A_8 = %scan3A_3 to %scan3A_5 step %scan3A_6  : i32 {
      %mul3A_9 = arith.constant 128 : i32
      %mul3A_10 = arith.muli %scan3A_8, %mul3A_9 : i32
      %add3A_11 = arith.addi %mul3A_2, %mul3A_10 : i32
      "tpu.region"() ({
        %run_scoped3A = tpu.sem_alloc : memref<!tpu.dma_semaphore, #tpu.memory_space<semaphore_mem>>
        %dma_start3A_16 = tpu.memref_slice %arg3[%add3A_11] : memref<8192xi32, #tpu.memory_space<hbm>> -> memref<128xi32, #tpu.memory_space<hbm>>
        %dma_start3A_17 = tpu.memref_slice %arg3[%add3A_11] : memref<8192xi32, #tpu.memory_space<hbm>> -> memref<128xi32, #tpu.memory_space<hbm>>
        tpu.enqueue_dma source(%dma_start3A_17 : memref<128xi32, #tpu.memory_space<hbm>>) target(%arg5 : memref<128xi32, #tpu.memory_space<vmem>>) target_semaphore(%run_scoped3A : memref<!tpu.dma_semaphore, #tpu.memory_space<semaphore_mem>>)
        %dma_wait3A_18 = tpu.memref_slice %arg3[%add3A_11] : memref<8192xi32, #tpu.memory_space<hbm>> -> memref<128xi32, #tpu.memory_space<hbm>>
        %dma_wait3A_19 = tpu.memref_slice %arg3[%add3A_11] : memref<8192xi32, #tpu.memory_space<hbm>> -> memref<128xi32, #tpu.memory_space<hbm>>
        tpu.wait_dma2 semaphore(%run_scoped3A : memref<!tpu.dma_semaphore, #tpu.memory_space<semaphore_mem>>) src(%dma_wait3A_19 : memref<128xi32, #tpu.memory_space<hbm>>) dst(%arg5 : memref<128xi32, #tpu.memory_space<vmem>>)
        tpu.yield
      }) : () -> ()
      %dma_start3A = arith.constant 0 : i32
      %dma_start3A_12 = arith.constant 0 : i32
      %dma_start3A_13 = tpu.memref_slice %arg2[%dma_start3A, %dma_start3A_12] : memref<10240x128xi32, #tpu.memory_space<hbm>> -> memref<10240x128xi32, #tpu.memory_space<hbm>>
      tpu.enqueue_indirect_dma source(%dma_start3A_13 : memref<10240x128xi32, #tpu.memory_space<hbm>>) target(%arg6 : memref<128x128xi32, #tpu.memory_space<vmem>>) offsets(%arg5 : memref<128xi32, #tpu.memory_space<vmem>>) semaphore(%arg7 : memref<!tpu.dma_semaphore, #tpu.memory_space<semaphore_mem>>)
      %dma_wait3A = arith.constant 0 : i32
      %dma_wait3A_14 = arith.constant 0 : i32
      %dma_wait3A_15 = tpu.memref_slice %arg2[%dma_wait3A, %dma_wait3A_14] : memref<10240x128xi32, #tpu.memory_space<hbm>> -> memref<10240x128xi32, #tpu.memory_space<hbm>>
      tpu.wait_indirect_dma semaphore(%arg7 : memref<!tpu.dma_semaphore, #tpu.memory_space<semaphore_mem>>) src(%dma_wait3A_15 : memref<10240x128xi32, #tpu.memory_space<hbm>>) dst(%arg6 : memref<128x128xi32, #tpu.memory_space<vmem>>)
      "tpu.region"() ({
        %run_scoped3A = tpu.sem_alloc : memref<!tpu.dma_semaphore, #tpu.memory_space<semaphore_mem>>
        %dma_start3A_16 = arith.constant 0 : i32
        %dma_start3A_17 = tpu.memref_slice %arg4[%add3A_11, %dma_start3A_16] : memref<8192x128xi32, #tpu.memory_space<hbm>> -> memref<128x128xi32, #tpu.memory_space<hbm>>
        %dma_start3A_18 = arith.constant 0 : i32
        %dma_start3A_19 = tpu.memref_slice %arg4[%add3A_11, %dma_start3A_18] : memref<8192x128xi32, #tpu.memory_space<hbm>> -> memref<128x128xi32, #tpu.memory_space<hbm>>
        tpu.enqueue_dma source(%arg6 : memref<128x128xi32, #tpu.memory_space<vmem>>) target(%dma_start3A_19 : memref<128x128xi32, #tpu.memory_space<hbm>>) target_semaphore(%run_scoped3A : memref<!tpu.dma_semaphore, #tpu.memory_space<semaphore_mem>>)
        %dma_wait3A_20 = arith.constant 0 : i32
        %dma_wait3A_21 = tpu.memref_slice %arg4[%add3A_11, %dma_wait3A_20] : memref<8192x128xi32, #tpu.memory_space<hbm>> -> memref<128x128xi32, #tpu.memory_space<hbm>>
        %dma_wait3A_22 = arith.constant 0 : i32
        %dma_wait3A_23 = tpu.memref_slice %arg4[%add3A_11, %dma_wait3A_22] : memref<8192x128xi32, #tpu.memory_space<hbm>> -> memref<128x128xi32, #tpu.memory_space<hbm>>
        tpu.wait_dma2 semaphore(%run_scoped3A : memref<!tpu.dma_semaphore, #tpu.memory_space<semaphore_mem>>) src(%arg6 : memref<128x128xi32, #tpu.memory_space<vmem>>) dst(%dma_wait3A_23 : memref<128x128xi32, #tpu.memory_space<hbm>>)
        tpu.yield
      }) : () -> ()
    }
    %scan3A_7 = arith.constant 2 : i32
    return
  }
}

#map = affine_map<(d0, d1) -> (0, 0)>
#map1 = affine_map<(d0, d1) -> (0)>
module attributes {stable_mosaic.version = 14 : i64} {
  func.func @k_fn(%arg0: i32, %arg1: i32, %arg2: memref<10240x128xi32, #tpu.memory_space<hbm>>, %arg3: memref<8192xi32, #tpu.memory_space<hbm>>, %arg4: memref<8192x128xi32, #tpu.memory_space<hbm>>, %arg5: memref<128xi32, #tpu.memory_space<vmem>>, %arg6: memref<128x128xi32, #tpu.memory_space<vmem>>, %arg7: memref<!tpu.dma_semaphore, #tpu.memory_space<semaphore_mem>>) attributes {dimension_semantics = [#tpu.dimension_semantics<core_parallel>, #tpu.dimension_semantics<subcore_parallel>], iteration_bounds = array<i64: 2, 16>, scalar_prefetch = 0 : i64, scratch_operands = 3 : i64, tpu.core_type = #tpu.core_type<sc_vector_subcore>, window_params = [{transform_indices = #map}, {transform_indices = #map1}, {transform_indices = #map}]} {
    %mul3A = arith.constant 2 : i32
    %mul3A_0 = arith.muli %arg1, %mul3A : i32
    %add3A = arith.addi %mul3A_0, %arg0 : i32
    %mul3A_1 = arith.constant 256 : i32
    %mul3A_2 = arith.muli %add3A, %mul3A_1 : i32
    %scan3A = arith.constant 0 : i32
    %scan3A_3 = arith.constant 0 : i32
    %scan3A_4 = arith.constant 2 : i32
    %scan3A_5 = arith.addi %scan3A_3, %scan3A_4 : i32
    %scan3A_6 = arith.constant 1 : i32
    scf.for %scan3A_8 = %scan3A_3 to %scan3A_5 step %scan3A_6  : i32 {
      %mul3A_9 = arith.constant 128 : i32
      %mul3A_10 = arith.muli %scan3A_8, %mul3A_9 : i32
      %add3A_11 = arith.addi %mul3A_2, %mul3A_10 : i32
      "tpu.region"() ({
        %run_scoped3A = tpu.sem_alloc : memref<!tpu.dma_semaphore, #tpu.memory_space<semaphore_mem>>
        %dma_start3A_16 = tpu.memref_slice %arg3[%add3A_11] : memref<8192xi32, #tpu.memory_space<hbm>> -> memref<128xi32, #tpu.memory_space<hbm>>
        %dma_start3A_17 = tpu.memref_slice %arg3[%add3A_11] : memref<8192xi32, #tpu.memory_space<hbm>> -> memref<128xi32, #tpu.memory_space<hbm>>
        tpu.enqueue_dma source(%dma_start3A_17 : memref<128xi32, #tpu.memory_space<hbm>>) target(%arg5 : memref<128xi32, #tpu.memory_space<vmem>>) target_semaphore(%run_scoped3A : memref<!tpu.dma_semaphore, #tpu.memory_space<semaphore_mem>>)
        %dma_wait3A_18 = tpu.memref_slice %arg3[%add3A_11] : memref<8192xi32, #tpu.memory_space<hbm>> -> memref<128xi32, #tpu.memory_space<hbm>>
        %dma_wait3A_19 = tpu.memref_slice %arg3[%add3A_11] : memref<8192xi32, #tpu.memory_space<hbm>> -> memref<128xi32, #tpu.memory_space<hbm>>
        tpu.wait_dma2 semaphore(%run_scoped3A : memref<!tpu.dma_semaphore, #tpu.memory_space<semaphore_mem>>) src(%dma_wait3A_19 : memref<128xi32, #tpu.memory_space<hbm>>) dst(%arg5 : memref<128xi32, #tpu.memory_space<vmem>>)
        tpu.yield
      }) : () -> ()
      %dma_start3A = arith.constant 0 : i32
      %dma_start3A_12 = arith.constant 0 : i32
      %dma_start3A_13 = tpu.memref_slice %arg2[%dma_start3A, %dma_start3A_12] : memref<10240x128xi32, #tpu.memory_space<hbm>> -> memref<10240x128xi32, #tpu.memory_space<hbm>>
      tpu.enqueue_indirect_dma source(%dma_start3A_13 : memref<10240x128xi32, #tpu.memory_space<hbm>>) target(%arg6 : memref<128x128xi32, #tpu.memory_space<vmem>>) offsets(%arg5 : memref<128xi32, #tpu.memory_space<vmem>>) semaphore(%arg7 : memref<!tpu.dma_semaphore, #tpu.memory_space<semaphore_mem>>)
      %dma_wait3A = arith.constant 0 : i32
      %dma_wait3A_14 = arith.constant 0 : i32
      %dma_wait3A_15 = tpu.memref_slice %arg2[%dma_wait3A, %dma_wait3A_14] : memref<10240x128xi32, #tpu.memory_space<hbm>> -> memref<10240x128xi32, #tpu.memory_space<hbm>>
      tpu.wait_indirect_dma semaphore(%arg7 : memref<!tpu.dma_semaphore, #tpu.memory_space<semaphore_mem>>) src(%dma_wait3A_15 : memref<10240x128xi32, #tpu.memory_space<hbm>>) dst(%arg6 : memref<128x128xi32, #tpu.memory_space<vmem>>)
      "tpu.region"() ({
        %run_scoped3A = tpu.sem_alloc : memref<!tpu.dma_semaphore, #tpu.memory_space<semaphore_mem>>
        %dma_start3A_16 = arith.constant 0 : i32
        %dma_start3A_17 = tpu.memref_slice %arg4[%add3A_11, %dma_start3A_16] : memref<8192x128xi32, #tpu.memory_space<hbm>> -> memref<128x128xi32, #tpu.memory_space<hbm>>
        %dma_start3A_18 = arith.constant 0 : i32
        %dma_start3A_19 = tpu.memref_slice %arg4[%add3A_11, %dma_start3A_18] : memref<8192x128xi32, #tpu.memory_space<hbm>> -> memref<128x128xi32, #tpu.memory_space<hbm>>
        tpu.enqueue_dma source(%arg6 : memref<128x128xi32, #tpu.memory_space<vmem>>) target(%dma_start3A_19 : memref<128x128xi32, #tpu.memory_space<hbm>>) target_semaphore(%run_scoped3A : memref<!tpu.dma_semaphore, #tpu.memory_space<semaphore_mem>>)
        %dma_wait3A_20 = arith.constant 0 : i32
        %dma_wait3A_21 = tpu.memref_slice %arg4[%add3A_11, %dma_wait3A_20] : memref<8192x128xi32, #tpu.memory_space<hbm>> -> memref<128x128xi32, #tpu.memory_space<hbm>>
        %dma_wait3A_22 = arith.constant 0 : i32
        %dma_wait3A_23 = tpu.memref_slice %arg4[%add3A_11, %dma_wait3A_22] : memref<8192x128xi32, #tpu.memory_space<hbm>> -> memref<128x128xi32, #tpu.memory_space<hbm>>
        tpu.wait_dma2 semaphore(%run_scoped3A : memref<!tpu.dma_semaphore, #tpu.memory_space<semaphore_mem>>) src(%arg6 : memref<128x128xi32, #tpu.memory_space<vmem>>) dst(%dma_wait3A_23 : memref<128x128xi32, #tpu.memory_space<hbm>>)
        tpu.yield
      }) : () -> ()
    }
    %scan3A_7 = arith.constant 2 : i32
    return
  }
}

#map = affine_map<(d0, d1) -> (0, 0)>
#map1 = affine_map<(d0, d1) -> (0)>
module attributes {stable_mosaic.version = 14 : i64} {
  func.func @k_fn(%arg0: i32, %arg1: i32, %arg2: memref<8192x128xf32, #tpu.memory_space<hbm>>, %arg3: memref<10240xi32, #tpu.memory_space<hbm>>, %arg4: memref<10240x128xf32, #tpu.memory_space<hbm>>, %arg5: memref<64xi32, #tpu.memory_space<vmem>>, %arg6: memref<64x128xf32, #tpu.memory_space<vmem>>, %arg7: memref<!tpu.dma_semaphore, #tpu.memory_space<semaphore_mem>>) attributes {dimension_semantics = [#tpu.dimension_semantics<core_parallel>, #tpu.dimension_semantics<subcore_parallel>], iteration_bounds = array<i64: 2, 16>, scalar_prefetch = 0 : i64, scratch_operands = 3 : i64, tpu.core_type = #tpu.core_type<sc_vector_subcore>, window_params = [{transform_indices = #map}, {transform_indices = #map1}, {transform_indices = #map}]} {
    %mul3A = arith.constant 2 : i32
    %mul3A_0 = arith.muli %arg1, %mul3A : i32
    %add3A = arith.addi %mul3A_0, %arg0 : i32
    %mul3A_1 = arith.constant 320 : i32
    %mul3A_2 = arith.muli %add3A, %mul3A_1 : i32
    %scan3A = arith.constant 0 : i32
    %scan3A_3 = arith.constant 0 : i32
    %scan3A_4 = arith.constant 5 : i32
    %scan3A_5 = arith.addi %scan3A_3, %scan3A_4 : i32
    %scan3A_6 = arith.constant 1 : i32
    scf.for %scan3A_8 = %scan3A_3 to %scan3A_5 step %scan3A_6  : i32 {
      %mul3A_9 = arith.constant 64 : i32
      %mul3A_10 = arith.muli %scan3A_8, %mul3A_9 : i32
      %add3A_11 = arith.addi %mul3A_2, %mul3A_10 : i32
      "tpu.region"() ({
        %run_scoped3A = tpu.sem_alloc : memref<!tpu.dma_semaphore, #tpu.memory_space<semaphore_mem>>
        %dma_start3A_16 = tpu.memref_slice %arg3[%add3A_11] : memref<10240xi32, #tpu.memory_space<hbm>> -> memref<64xi32, #tpu.memory_space<hbm>>
        %dma_start3A_17 = tpu.memref_slice %arg3[%add3A_11] : memref<10240xi32, #tpu.memory_space<hbm>> -> memref<64xi32, #tpu.memory_space<hbm>>
        tpu.enqueue_dma source(%dma_start3A_17 : memref<64xi32, #tpu.memory_space<hbm>>) target(%arg5 : memref<64xi32, #tpu.memory_space<vmem>>) target_semaphore(%run_scoped3A : memref<!tpu.dma_semaphore, #tpu.memory_space<semaphore_mem>>)
        %dma_wait3A_18 = tpu.memref_slice %arg3[%add3A_11] : memref<10240xi32, #tpu.memory_space<hbm>> -> memref<64xi32, #tpu.memory_space<hbm>>
        %dma_wait3A_19 = tpu.memref_slice %arg3[%add3A_11] : memref<10240xi32, #tpu.memory_space<hbm>> -> memref<64xi32, #tpu.memory_space<hbm>>
        tpu.wait_dma2 semaphore(%run_scoped3A : memref<!tpu.dma_semaphore, #tpu.memory_space<semaphore_mem>>) src(%dma_wait3A_19 : memref<64xi32, #tpu.memory_space<hbm>>) dst(%arg5 : memref<64xi32, #tpu.memory_space<vmem>>)
        tpu.yield
      }) : () -> ()
      %dma_start3A = arith.constant 0 : i32
      %dma_start3A_12 = arith.constant 0 : i32
      %dma_start3A_13 = tpu.memref_slice %arg2[%dma_start3A, %dma_start3A_12] : memref<8192x128xf32, #tpu.memory_space<hbm>> -> memref<8192x128xf32, #tpu.memory_space<hbm>>
      tpu.enqueue_indirect_dma source(%dma_start3A_13 : memref<8192x128xf32, #tpu.memory_space<hbm>>) target(%arg6 : memref<64x128xf32, #tpu.memory_space<vmem>>) offsets(%arg5 : memref<64xi32, #tpu.memory_space<vmem>>) semaphore(%arg7 : memref<!tpu.dma_semaphore, #tpu.memory_space<semaphore_mem>>)
      %dma_wait3A = arith.constant 0 : i32
      %dma_wait3A_14 = arith.constant 0 : i32
      %dma_wait3A_15 = tpu.memref_slice %arg2[%dma_wait3A, %dma_wait3A_14] : memref<8192x128xf32, #tpu.memory_space<hbm>> -> memref<8192x128xf32, #tpu.memory_space<hbm>>
      tpu.wait_indirect_dma semaphore(%arg7 : memref<!tpu.dma_semaphore, #tpu.memory_space<semaphore_mem>>) src(%dma_wait3A_15 : memref<8192x128xf32, #tpu.memory_space<hbm>>) dst(%arg6 : memref<64x128xf32, #tpu.memory_space<vmem>>)
      "tpu.region"() ({
        %run_scoped3A = tpu.sem_alloc : memref<!tpu.dma_semaphore, #tpu.memory_space<semaphore_mem>>
        %dma_start3A_16 = arith.constant 0 : i32
        %dma_start3A_17 = tpu.memref_slice %arg4[%add3A_11, %dma_start3A_16] : memref<10240x128xf32, #tpu.memory_space<hbm>> -> memref<64x128xf32, #tpu.memory_space<hbm>>
        %dma_start3A_18 = arith.constant 0 : i32
        %dma_start3A_19 = tpu.memref_slice %arg4[%add3A_11, %dma_start3A_18] : memref<10240x128xf32, #tpu.memory_space<hbm>> -> memref<64x128xf32, #tpu.memory_space<hbm>>
        tpu.enqueue_dma source(%arg6 : memref<64x128xf32, #tpu.memory_space<vmem>>) target(%dma_start3A_19 : memref<64x128xf32, #tpu.memory_space<hbm>>) target_semaphore(%run_scoped3A : memref<!tpu.dma_semaphore, #tpu.memory_space<semaphore_mem>>)
        %dma_wait3A_20 = arith.constant 0 : i32
        %dma_wait3A_21 = tpu.memref_slice %arg4[%add3A_11, %dma_wait3A_20] : memref<10240x128xf32, #tpu.memory_space<hbm>> -> memref<64x128xf32, #tpu.memory_space<hbm>>
        %dma_wait3A_22 = arith.constant 0 : i32
        %dma_wait3A_23 = tpu.memref_slice %arg4[%add3A_11, %dma_wait3A_22] : memref<10240x128xf32, #tpu.memory_space<hbm>> -> memref<64x128xf32, #tpu.memory_space<hbm>>
        tpu.wait_dma2 semaphore(%run_scoped3A : memref<!tpu.dma_semaphore, #tpu.memory_space<semaphore_mem>>) src(%arg6 : memref<64x128xf32, #tpu.memory_space<vmem>>) dst(%dma_wait3A_23 : memref<64x128xf32, #tpu.memory_space<hbm>>)
        tpu.yield
      }) : () -> ()
    }
    %scan3A_7 = arith.constant 5 : i32
    return
  }
}

#map = affine_map<(d0, d1) -> (0, 0)>
#map1 = affine_map<(d0, d1) -> (0)>
module attributes {stable_mosaic.version = 14 : i64} {
  func.func @k_fn(%arg0: i32, %arg1: i32, %arg2: memref<8192x128xf32, #tpu.memory_space<hbm>>, %arg3: memref<10240xi32, #tpu.memory_space<hbm>>, %arg4: memref<10240x128xf32, #tpu.memory_space<hbm>>, %arg5: memref<64xi32, #tpu.memory_space<vmem>>, %arg6: memref<64x128xf32, #tpu.memory_space<vmem>>, %arg7: memref<!tpu.dma_semaphore, #tpu.memory_space<semaphore_mem>>) attributes {dimension_semantics = [#tpu.dimension_semantics<core_parallel>, #tpu.dimension_semantics<subcore_parallel>], iteration_bounds = array<i64: 2, 16>, scalar_prefetch = 0 : i64, scratch_operands = 3 : i64, tpu.core_type = #tpu.core_type<sc_vector_subcore>, window_params = [{transform_indices = #map}, {transform_indices = #map1}, {transform_indices = #map}]} {
    %mul3A = arith.constant 2 : i32
    %mul3A_0 = arith.muli %arg1, %mul3A : i32
    %add3A = arith.addi %mul3A_0, %arg0 : i32
    %mul3A_1 = arith.constant 320 : i32
    %mul3A_2 = arith.muli %add3A, %mul3A_1 : i32
    %scan3A = arith.constant 0 : i32
    %scan3A_3 = arith.constant 0 : i32
    %scan3A_4 = arith.constant 5 : i32
    %scan3A_5 = arith.addi %scan3A_3, %scan3A_4 : i32
    %scan3A_6 = arith.constant 1 : i32
    scf.for %scan3A_8 = %scan3A_3 to %scan3A_5 step %scan3A_6  : i32 {
      %mul3A_9 = arith.constant 64 : i32
      %mul3A_10 = arith.muli %scan3A_8, %mul3A_9 : i32
      %add3A_11 = arith.addi %mul3A_2, %mul3A_10 : i32
      "tpu.region"() ({
        %run_scoped3A = tpu.sem_alloc : memref<!tpu.dma_semaphore, #tpu.memory_space<semaphore_mem>>
        %dma_start3A_16 = tpu.memref_slice %arg3[%add3A_11] : memref<10240xi32, #tpu.memory_space<hbm>> -> memref<64xi32, #tpu.memory_space<hbm>>
        %dma_start3A_17 = tpu.memref_slice %arg3[%add3A_11] : memref<10240xi32, #tpu.memory_space<hbm>> -> memref<64xi32, #tpu.memory_space<hbm>>
        tpu.enqueue_dma source(%dma_start3A_17 : memref<64xi32, #tpu.memory_space<hbm>>) target(%arg5 : memref<64xi32, #tpu.memory_space<vmem>>) target_semaphore(%run_scoped3A : memref<!tpu.dma_semaphore, #tpu.memory_space<semaphore_mem>>)
        %dma_wait3A_18 = tpu.memref_slice %arg3[%add3A_11] : memref<10240xi32, #tpu.memory_space<hbm>> -> memref<64xi32, #tpu.memory_space<hbm>>
        %dma_wait3A_19 = tpu.memref_slice %arg3[%add3A_11] : memref<10240xi32, #tpu.memory_space<hbm>> -> memref<64xi32, #tpu.memory_space<hbm>>
        tpu.wait_dma2 semaphore(%run_scoped3A : memref<!tpu.dma_semaphore, #tpu.memory_space<semaphore_mem>>) src(%dma_wait3A_19 : memref<64xi32, #tpu.memory_space<hbm>>) dst(%arg5 : memref<64xi32, #tpu.memory_space<vmem>>)
        tpu.yield
      }) : () -> ()
      %dma_start3A = arith.constant 0 : i32
      %dma_start3A_12 = arith.constant 0 : i32
      %dma_start3A_13 = tpu.memref_slice %arg2[%dma_start3A, %dma_start3A_12] : memref<8192x128xf32, #tpu.memory_space<hbm>> -> memref<8192x128xf32, #tpu.memory_space<hbm>>
      tpu.enqueue_indirect_dma source(%dma_start3A_13 : memref<8192x128xf32, #tpu.memory_space<hbm>>) target(%arg6 : memref<64x128xf32, #tpu.memory_space<vmem>>) offsets(%arg5 : memref<64xi32, #tpu.memory_space<vmem>>) semaphore(%arg7 : memref<!tpu.dma_semaphore, #tpu.memory_space<semaphore_mem>>)
      %dma_wait3A = arith.constant 0 : i32
      %dma_wait3A_14 = arith.constant 0 : i32
      %dma_wait3A_15 = tpu.memref_slice %arg2[%dma_wait3A, %dma_wait3A_14] : memref<8192x128xf32, #tpu.memory_space<hbm>> -> memref<8192x128xf32, #tpu.memory_space<hbm>>
      tpu.wait_indirect_dma semaphore(%arg7 : memref<!tpu.dma_semaphore, #tpu.memory_space<semaphore_mem>>) src(%dma_wait3A_15 : memref<8192x128xf32, #tpu.memory_space<hbm>>) dst(%arg6 : memref<64x128xf32, #tpu.memory_space<vmem>>)
      "tpu.region"() ({
        %run_scoped3A = tpu.sem_alloc : memref<!tpu.dma_semaphore, #tpu.memory_space<semaphore_mem>>
        %dma_start3A_16 = arith.constant 0 : i32
        %dma_start3A_17 = tpu.memref_slice %arg4[%add3A_11, %dma_start3A_16] : memref<10240x128xf32, #tpu.memory_space<hbm>> -> memref<64x128xf32, #tpu.memory_space<hbm>>
        %dma_start3A_18 = arith.constant 0 : i32
        %dma_start3A_19 = tpu.memref_slice %arg4[%add3A_11, %dma_start3A_18] : memref<10240x128xf32, #tpu.memory_space<hbm>> -> memref<64x128xf32, #tpu.memory_space<hbm>>
        tpu.enqueue_dma source(%arg6 : memref<64x128xf32, #tpu.memory_space<vmem>>) target(%dma_start3A_19 : memref<64x128xf32, #tpu.memory_space<hbm>>) target_semaphore(%run_scoped3A : memref<!tpu.dma_semaphore, #tpu.memory_space<semaphore_mem>>)
        %dma_wait3A_20 = arith.constant 0 : i32
        %dma_wait3A_21 = tpu.memref_slice %arg4[%add3A_11, %dma_wait3A_20] : memref<10240x128xf32, #tpu.memory_space<hbm>> -> memref<64x128xf32, #tpu.memory_space<hbm>>
        %dma_wait3A_22 = arith.constant 0 : i32
        %dma_wait3A_23 = tpu.memref_slice %arg4[%add3A_11, %dma_wait3A_22] : memref<10240x128xf32, #tpu.memory_space<hbm>> -> memref<64x128xf32, #tpu.memory_space<hbm>>
        tpu.wait_dma2 semaphore(%run_scoped3A : memref<!tpu.dma_semaphore, #tpu.memory_space<semaphore_mem>>) src(%arg6 : memref<64x128xf32, #tpu.memory_space<vmem>>) dst(%dma_wait3A_23 : memref<64x128xf32, #tpu.memory_space<hbm>>)
        tpu.yield
      }) : () -> ()
    }
    %scan3A_7 = arith.constant 5 : i32
    return
  }
}

#map = affine_map<(d0, d1) -> (0, 0)>
#map1 = affine_map<(d0, d1) -> (0)>
module attributes {stable_mosaic.version = 14 : i64} {
  func.func @k_fn(%arg0: i32, %arg1: i32, %arg2: memref<8192x128xf32, #tpu.memory_space<hbm>>, %arg3: memref<163840xi32, #tpu.memory_space<hbm>>, %arg4: memref<163840x128xf32, #tpu.memory_space<hbm>>, %arg5: memref<128xi32, #tpu.memory_space<vmem>>, %arg6: memref<128x128xf32, #tpu.memory_space<vmem>>, %arg7: memref<!tpu.dma_semaphore, #tpu.memory_space<semaphore_mem>>) attributes {dimension_semantics = [#tpu.dimension_semantics<core_parallel>, #tpu.dimension_semantics<subcore_parallel>], iteration_bounds = array<i64: 2, 16>, scalar_prefetch = 0 : i64, scratch_operands = 3 : i64, tpu.core_type = #tpu.core_type<sc_vector_subcore>, window_params = [{transform_indices = #map}, {transform_indices = #map1}, {transform_indices = #map}]} {
    %mul3A = arith.constant 2 : i32
    %mul3A_0 = arith.muli %arg1, %mul3A : i32
    %add3A = arith.addi %mul3A_0, %arg0 : i32
    %mul3A_1 = arith.constant 5120 : i32
    %mul3A_2 = arith.muli %add3A, %mul3A_1 : i32
    %scan3A = arith.constant 0 : i32
    %scan3A_3 = arith.constant 0 : i32
    %scan3A_4 = arith.constant 40 : i32
    %scan3A_5 = arith.addi %scan3A_3, %scan3A_4 : i32
    %scan3A_6 = arith.constant 1 : i32
    scf.for %scan3A_8 = %scan3A_3 to %scan3A_5 step %scan3A_6  : i32 {
      %mul3A_9 = arith.constant 128 : i32
      %mul3A_10 = arith.muli %scan3A_8, %mul3A_9 : i32
      %add3A_11 = arith.addi %mul3A_2, %mul3A_10 : i32
      "tpu.region"() ({
        %run_scoped3A = tpu.sem_alloc : memref<!tpu.dma_semaphore, #tpu.memory_space<semaphore_mem>>
        %dma_start3A_16 = tpu.memref_slice %arg3[%add3A_11] : memref<163840xi32, #tpu.memory_space<hbm>> -> memref<128xi32, #tpu.memory_space<hbm>>
        %dma_start3A_17 = tpu.memref_slice %arg3[%add3A_11] : memref<163840xi32, #tpu.memory_space<hbm>> -> memref<128xi32, #tpu.memory_space<hbm>>
        tpu.enqueue_dma source(%dma_start3A_17 : memref<128xi32, #tpu.memory_space<hbm>>) target(%arg5 : memref<128xi32, #tpu.memory_space<vmem>>) target_semaphore(%run_scoped3A : memref<!tpu.dma_semaphore, #tpu.memory_space<semaphore_mem>>)
        %dma_wait3A_18 = tpu.memref_slice %arg3[%add3A_11] : memref<163840xi32, #tpu.memory_space<hbm>> -> memref<128xi32, #tpu.memory_space<hbm>>
        %dma_wait3A_19 = tpu.memref_slice %arg3[%add3A_11] : memref<163840xi32, #tpu.memory_space<hbm>> -> memref<128xi32, #tpu.memory_space<hbm>>
        tpu.wait_dma2 semaphore(%run_scoped3A : memref<!tpu.dma_semaphore, #tpu.memory_space<semaphore_mem>>) src(%dma_wait3A_19 : memref<128xi32, #tpu.memory_space<hbm>>) dst(%arg5 : memref<128xi32, #tpu.memory_space<vmem>>)
        tpu.yield
      }) : () -> ()
      %dma_start3A = arith.constant 0 : i32
      %dma_start3A_12 = arith.constant 0 : i32
      %dma_start3A_13 = tpu.memref_slice %arg2[%dma_start3A, %dma_start3A_12] : memref<8192x128xf32, #tpu.memory_space<hbm>> -> memref<8192x128xf32, #tpu.memory_space<hbm>>
      tpu.enqueue_indirect_dma source(%dma_start3A_13 : memref<8192x128xf32, #tpu.memory_space<hbm>>) target(%arg6 : memref<128x128xf32, #tpu.memory_space<vmem>>) offsets(%arg5 : memref<128xi32, #tpu.memory_space<vmem>>) semaphore(%arg7 : memref<!tpu.dma_semaphore, #tpu.memory_space<semaphore_mem>>)
      %dma_wait3A = arith.constant 0 : i32
      %dma_wait3A_14 = arith.constant 0 : i32
      %dma_wait3A_15 = tpu.memref_slice %arg2[%dma_wait3A, %dma_wait3A_14] : memref<8192x128xf32, #tpu.memory_space<hbm>> -> memref<8192x128xf32, #tpu.memory_space<hbm>>
      tpu.wait_indirect_dma semaphore(%arg7 : memref<!tpu.dma_semaphore, #tpu.memory_space<semaphore_mem>>) src(%dma_wait3A_15 : memref<8192x128xf32, #tpu.memory_space<hbm>>) dst(%arg6 : memref<128x128xf32, #tpu.memory_space<vmem>>)
      "tpu.region"() ({
        %run_scoped3A = tpu.sem_alloc : memref<!tpu.dma_semaphore, #tpu.memory_space<semaphore_mem>>
        %dma_start3A_16 = arith.constant 0 : i32
        %dma_start3A_17 = tpu.memref_slice %arg4[%add3A_11, %dma_start3A_16] : memref<163840x128xf32, #tpu.memory_space<hbm>> -> memref<128x128xf32, #tpu.memory_space<hbm>>
        %dma_start3A_18 = arith.constant 0 : i32
        %dma_start3A_19 = tpu.memref_slice %arg4[%add3A_11, %dma_start3A_18] : memref<163840x128xf32, #tpu.memory_space<hbm>> -> memref<128x128xf32, #tpu.memory_space<hbm>>
        tpu.enqueue_dma source(%arg6 : memref<128x128xf32, #tpu.memory_space<vmem>>) target(%dma_start3A_19 : memref<128x128xf32, #tpu.memory_space<hbm>>) target_semaphore(%run_scoped3A : memref<!tpu.dma_semaphore, #tpu.memory_space<semaphore_mem>>)
        %dma_wait3A_20 = arith.constant 0 : i32
        %dma_wait3A_21 = tpu.memref_slice %arg4[%add3A_11, %dma_wait3A_20] : memref<163840x128xf32, #tpu.memory_space<hbm>> -> memref<128x128xf32, #tpu.memory_space<hbm>>
        %dma_wait3A_22 = arith.constant 0 : i32
        %dma_wait3A_23 = tpu.memref_slice %arg4[%add3A_11, %dma_wait3A_22] : memref<163840x128xf32, #tpu.memory_space<hbm>> -> memref<128x128xf32, #tpu.memory_space<hbm>>
        tpu.wait_dma2 semaphore(%run_scoped3A : memref<!tpu.dma_semaphore, #tpu.memory_space<semaphore_mem>>) src(%arg6 : memref<128x128xf32, #tpu.memory_space<vmem>>) dst(%dma_wait3A_23 : memref<128x128xf32, #tpu.memory_space<hbm>>)
        tpu.yield
      }) : () -> ()
    }
    %scan3A_7 = arith.constant 40 : i32
    return
  }
}

#map = affine_map<(d0, d1) -> (0, 0)>
#map1 = affine_map<(d0, d1) -> (0)>
module attributes {stable_mosaic.version = 14 : i64} {
  func.func @k_fn(%arg0: i32, %arg1: i32, %arg2: memref<8192x128xf32, #tpu.memory_space<hbm>>, %arg3: memref<163840xi32, #tpu.memory_space<hbm>>, %arg4: memref<8192x128xf32, #tpu.memory_space<hbm>>, %arg5: memref<128xi32, #tpu.memory_space<vmem>>, %arg6: memref<128x128xf32, #tpu.memory_space<vmem>>, %arg7: memref<128x128xf32, #tpu.memory_space<vmem>>, %arg8: memref<!tpu.dma_semaphore, #tpu.memory_space<semaphore_mem>>) attributes {dimension_semantics = [#tpu.dimension_semantics<core_parallel>, #tpu.dimension_semantics<subcore_parallel>], iteration_bounds = array<i64: 2, 16>, scalar_prefetch = 0 : i64, scratch_operands = 4 : i64, tpu.core_type = #tpu.core_type<sc_vector_subcore>, window_params = [{transform_indices = #map}, {transform_indices = #map1}, {transform_indices = #map}]} {
    %mul3A = arith.constant 2 : i32
    %mul3A_0 = arith.muli %arg1, %mul3A : i32
    %add3A = arith.addi %mul3A_0, %arg0 : i32
    %mul3A_1 = arith.constant 256 : i32
    %mul3A_2 = arith.muli %add3A, %mul3A_1 : i32
    %scan3A = arith.constant 0 : i32
    %scan3A_3 = arith.constant 0 : i32
    %scan3A_4 = arith.constant 2 : i32
    %scan3A_5 = arith.addi %scan3A_3, %scan3A_4 : i32
    %scan3A_6 = arith.constant 1 : i32
    scf.for %scan3A_8 = %scan3A_3 to %scan3A_5 step %scan3A_6  : i32 {
      %mul3A_9 = arith.constant 128 : i32
      %mul3A_10 = arith.muli %scan3A_8, %mul3A_9 : i32
      %add3A_11 = arith.addi %mul3A_2, %mul3A_10 : i32
      %scan3A_12 = arith.constant 0 : i32
      %scan3A_13 = arith.constant 0 : i32
      %scan3A_14 = arith.constant 20 : i32
      %scan3A_15 = arith.addi %scan3A_13, %scan3A_14 : i32
      %scan3A_16 = arith.constant 1 : i32
      scf.for %scan3A_18 = %scan3A_13 to %scan3A_15 step %scan3A_16  : i32 {
        %mul3A_19 = arith.constant 8192 : i32
        %mul3A_20 = arith.muli %scan3A_18, %mul3A_19 : i32
        %add3A_21 = arith.addi %mul3A_20, %add3A_11 : i32
        "tpu.region"() ({
          %run_scoped3A = tpu.sem_alloc : memref<!tpu.dma_semaphore, #tpu.memory_space<semaphore_mem>>
          %dma_start3A = tpu.memref_slice %arg3[%add3A_21] : memref<163840xi32, #tpu.memory_space<hbm>> -> memref<128xi32, #tpu.memory_space<hbm>>
          %dma_start3A_28 = tpu.memref_slice %arg3[%add3A_21] : memref<163840xi32, #tpu.memory_space<hbm>> -> memref<128xi32, #tpu.memory_space<hbm>>
          tpu.enqueue_dma source(%dma_start3A_28 : memref<128xi32, #tpu.memory_space<hbm>>) target(%arg5 : memref<128xi32, #tpu.memory_space<vmem>>) target_semaphore(%run_scoped3A : memref<!tpu.dma_semaphore, #tpu.memory_space<semaphore_mem>>)
          %dma_wait3A = tpu.memref_slice %arg3[%add3A_21] : memref<163840xi32, #tpu.memory_space<hbm>> -> memref<128xi32, #tpu.memory_space<hbm>>
          %dma_wait3A_29 = tpu.memref_slice %arg3[%add3A_21] : memref<163840xi32, #tpu.memory_space<hbm>> -> memref<128xi32, #tpu.memory_space<hbm>>
          tpu.wait_dma2 semaphore(%run_scoped3A : memref<!tpu.dma_semaphore, #tpu.memory_space<semaphore_mem>>) src(%dma_wait3A_29 : memref<128xi32, #tpu.memory_space<hbm>>) dst(%arg5 : memref<128xi32, #tpu.memory_space<vmem>>)
          tpu.yield
        }) : () -> ()
        %eq3A = arith.constant 0 : i32
        %eq3A_22 = arith.cmpi eq, %scan3A_18, %eq3A : i32
        %convert_element_type3A = arith.extui %eq3A_22 : i1 to i32
        %cond3A = arith.constant 0 : i32
        %cond3A_23 = arith.cmpi ne, %convert_element_type3A, %cond3A : i32
        scf.if %cond3A_23 {
          %dma_start3A = arith.constant 0 : i32
          %dma_start3A_28 = arith.constant 0 : i32
          %dma_start3A_29 = tpu.memref_slice %arg2[%dma_start3A, %dma_start3A_28] : memref<8192x128xf32, #tpu.memory_space<hbm>> -> memref<8192x128xf32, #tpu.memory_space<hbm>>
          tpu.enqueue_indirect_dma source(%dma_start3A_29 : memref<8192x128xf32, #tpu.memory_space<hbm>>) target(%arg7 : memref<128x128xf32, #tpu.memory_space<vmem>>) offsets(%arg5 : memref<128xi32, #tpu.memory_space<vmem>>) semaphore(%arg8 : memref<!tpu.dma_semaphore, #tpu.memory_space<semaphore_mem>>)
          %dma_wait3A = arith.constant 0 : i32
          %dma_wait3A_30 = arith.constant 0 : i32
          %dma_wait3A_31 = tpu.memref_slice %arg2[%dma_wait3A, %dma_wait3A_30] : memref<8192x128xf32, #tpu.memory_space<hbm>> -> memref<8192x128xf32, #tpu.memory_space<hbm>>
          tpu.wait_indirect_dma semaphore(%arg8 : memref<!tpu.dma_semaphore, #tpu.memory_space<semaphore_mem>>) src(%dma_wait3A_31 : memref<8192x128xf32, #tpu.memory_space<hbm>>) dst(%arg7 : memref<128x128xf32, #tpu.memory_space<vmem>>)
        } else {
        }
        %gt3A = arith.constant 0 : i32
        %gt3A_24 = arith.cmpi sgt, %scan3A_18, %gt3A : i32
        %convert_element_type3A_25 = arith.extui %gt3A_24 : i1 to i32
        %cond3A_26 = arith.constant 0 : i32
        %cond3A_27 = arith.cmpi ne, %convert_element_type3A_25, %cond3A_26 : i32
        scf.if %cond3A_27 {
          %dma_start3A = arith.constant 0 : i32
          %dma_start3A_28 = arith.constant 0 : i32
          %dma_start3A_29 = tpu.memref_slice %arg2[%dma_start3A, %dma_start3A_28] : memref<8192x128xf32, #tpu.memory_space<hbm>> -> memref<8192x128xf32, #tpu.memory_space<hbm>>
          tpu.enqueue_indirect_dma source(%dma_start3A_29 : memref<8192x128xf32, #tpu.memory_space<hbm>>) target(%arg6 : memref<128x128xf32, #tpu.memory_space<vmem>>) offsets(%arg5 : memref<128xi32, #tpu.memory_space<vmem>>) semaphore(%arg8 : memref<!tpu.dma_semaphore, #tpu.memory_space<semaphore_mem>>)
          %dma_wait3A = arith.constant 0 : i32
          %dma_wait3A_30 = arith.constant 0 : i32
          %dma_wait3A_31 = tpu.memref_slice %arg2[%dma_wait3A, %dma_wait3A_30] : memref<8192x128xf32, #tpu.memory_space<hbm>> -> memref<8192x128xf32, #tpu.memory_space<hbm>>
          tpu.wait_indirect_dma semaphore(%arg8 : memref<!tpu.dma_semaphore, #tpu.memory_space<semaphore_mem>>) src(%dma_wait3A_31 : memref<8192x128xf32, #tpu.memory_space<hbm>>) dst(%arg6 : memref<128x128xf32, #tpu.memory_space<vmem>>)
          %scan3A_32 = arith.constant 0 : i32
          %scan3A_33 = arith.constant 0 : i32
          %scan3A_34 = arith.constant 128 : i32
          %scan3A_35 = arith.addi %scan3A_33, %scan3A_34 : i32
          %scan3A_36 = arith.constant 1 : i32
          scf.for %scan3A_38 = %scan3A_33 to %scan3A_35 step %scan3A_36  : i32 {
            %get3A = arith.index_cast %scan3A_38 : i32 to index
            %get3A_39 = arith.constant 0 : index
            %get3A_40 = tpu.vector_load %arg7[%get3A, %get3A_39] {strides = array<i32>} : memref<128x128xf32, #tpu.memory_space<vmem>>, vector<1x16xf32>,
            %get3A_41 = vector.shape_cast %get3A_40 : vector<1x16xf32> to vector<16xf32>
            %get3A_42 = arith.index_cast %scan3A_38 : i32 to index
            %get3A_43 = arith.constant 0 : index
            %get3A_44 = tpu.vector_load %arg6[%get3A_42, %get3A_43] {strides = array<i32>} : memref<128x128xf32, #tpu.memory_space<vmem>>, vector<1x16xf32>,
            %get3A_45 = vector.shape_cast %get3A_44 : vector<1x16xf32> to vector<16xf32>
            %max3A = arith.maximumf %get3A_41, %get3A_45 : vector<16xf32>
            %swap3A = arith.index_cast %scan3A_38 : i32 to index
            %swap3A_46 = arith.constant 0 : index
            %swap3A_47 = tpu.vector_load %arg7[%swap3A, %swap3A_46] {strides = array<i32>} : memref<128x128xf32, #tpu.memory_space<vmem>>, vector<1x16xf32>,
            %swap3A_48 = vector.shape_cast %swap3A_47 : vector<1x16xf32> to vector<16xf32>
            %swap3A_49 = vector.shape_cast %max3A : vector<16xf32> to vector<1x16xf32>
            tpu.vector_store %arg7[%swap3A, %swap3A_46], %swap3A_49 {strides = array<i32>} : memref<128x128xf32, #tpu.memory_space<vmem>>, vector<1x16xf32>,
            %get3A_50 = arith.index_cast %scan3A_38 : i32 to index
            %get3A_51 = arith.constant 16 : index
            %get3A_52 = tpu.vector_load %arg7[%get3A_50, %get3A_51] {strides = array<i32>} : memref<128x128xf32, #tpu.memory_space<vmem>>, vector<1x16xf32>,
            %get3A_53 = vector.shape_cast %get3A_52 : vector<1x16xf32> to vector<16xf32>
            %get3A_54 = arith.index_cast %scan3A_38 : i32 to index
            %get3A_55 = arith.constant 16 : index
            %get3A_56 = tpu.vector_load %arg6[%get3A_54, %get3A_55] {strides = array<i32>} : memref<128x128xf32, #tpu.memory_space<vmem>>, vector<1x16xf32>,
            %get3A_57 = vector.shape_cast %get3A_56 : vector<1x16xf32> to vector<16xf32>
            %max3A_58 = arith.maximumf %get3A_53, %get3A_57 : vector<16xf32>
            %swap3A_59 = arith.index_cast %scan3A_38 : i32 to index
            %swap3A_60 = arith.constant 16 : index
            %swap3A_61 = tpu.vector_load %arg7[%swap3A_59, %swap3A_60] {strides = array<i32>} : memref<128x128xf32, #tpu.memory_space<vmem>>, vector<1x16xf32>,
            %swap3A_62 = vector.shape_cast %swap3A_61 : vector<1x16xf32> to vector<16xf32>
            %swap3A_63 = vector.shape_cast %max3A_58 : vector<16xf32> to vector<1x16xf32>
            tpu.vector_store %arg7[%swap3A_59, %swap3A_60], %swap3A_63 {strides = array<i32>} : memref<128x128xf32, #tpu.memory_space<vmem>>, vector<1x16xf32>,
            %get3A_64 = arith.index_cast %scan3A_38 : i32 to index
            %get3A_65 = arith.constant 32 : index
            %get3A_66 = tpu.vector_load %arg7[%get3A_64, %get3A_65] {strides = array<i32>} : memref<128x128xf32, #tpu.memory_space<vmem>>, vector<1x16xf32>,
            %get3A_67 = vector.shape_cast %get3A_66 : vector<1x16xf32> to vector<16xf32>
            %get3A_68 = arith.index_cast %scan3A_38 : i32 to index
            %get3A_69 = arith.constant 32 : index
            %get3A_70 = tpu.vector_load %arg6[%get3A_68, %get3A_69] {strides = array<i32>} : memref<128x128xf32, #tpu.memory_space<vmem>>, vector<1x16xf32>,
            %get3A_71 = vector.shape_cast %get3A_70 : vector<1x16xf32> to vector<16xf32>
            %max3A_72 = arith.maximumf %get3A_67, %get3A_71 : vector<16xf32>
            %swap3A_73 = arith.index_cast %scan3A_38 : i32 to index
            %swap3A_74 = arith.constant 32 : index
            %swap3A_75 = tpu.vector_load %arg7[%swap3A_73, %swap3A_74] {strides = array<i32>} : memref<128x128xf32, #tpu.memory_space<vmem>>, vector<1x16xf32>,
            %swap3A_76 = vector.shape_cast %swap3A_75 : vector<1x16xf32> to vector<16xf32>
            %swap3A_77 = vector.shape_cast %max3A_72 : vector<16xf32> to vector<1x16xf32>
            tpu.vector_store %arg7[%swap3A_73, %swap3A_74], %swap3A_77 {strides = array<i32>} : memref<128x128xf32, #tpu.memory_space<vmem>>, vector<1x16xf32>,
            %get3A_78 = arith.index_cast %scan3A_38 : i32 to index
            %get3A_79 = arith.constant 48 : index
            %get3A_80 = tpu.vector_load %arg7[%get3A_78, %get3A_79] {strides = array<i32>} : memref<128x128xf32, #tpu.memory_space<vmem>>, vector<1x16xf32>,
            %get3A_81 = vector.shape_cast %get3A_80 : vector<1x16xf32> to vector<16xf32>
            %get3A_82 = arith.index_cast %scan3A_38 : i32 to index
            %get3A_83 = arith.constant 48 : index
            %get3A_84 = tpu.vector_load %arg6[%get3A_82, %get3A_83] {strides = array<i32>} : memref<128x128xf32, #tpu.memory_space<vmem>>, vector<1x16xf32>,
            %get3A_85 = vector.shape_cast %get3A_84 : vector<1x16xf32> to vector<16xf32>
            %max3A_86 = arith.maximumf %get3A_81, %get3A_85 : vector<16xf32>
            %swap3A_87 = arith.index_cast %scan3A_38 : i32 to index
            %swap3A_88 = arith.constant 48 : index
            %swap3A_89 = tpu.vector_load %arg7[%swap3A_87, %swap3A_88] {strides = array<i32>} : memref<128x128xf32, #tpu.memory_space<vmem>>, vector<1x16xf32>,
            %swap3A_90 = vector.shape_cast %swap3A_89 : vector<1x16xf32> to vector<16xf32>
            %swap3A_91 = vector.shape_cast %max3A_86 : vector<16xf32> to vector<1x16xf32>
            tpu.vector_store %arg7[%swap3A_87, %swap3A_88], %swap3A_91 {strides = array<i32>} : memref<128x128xf32, #tpu.memory_space<vmem>>, vector<1x16xf32>,
            %get3A_92 = arith.index_cast %scan3A_38 : i32 to index
            %get3A_93 = arith.constant 64 : index
            %get3A_94 = tpu.vector_load %arg7[%get3A_92, %get3A_93] {strides = array<i32>} : memref<128x128xf32, #tpu.memory_space<vmem>>, vector<1x16xf32>,
            %get3A_95 = vector.shape_cast %get3A_94 : vector<1x16xf32> to vector<16xf32>
            %get3A_96 = arith.index_cast %scan3A_38 : i32 to index
            %get3A_97 = arith.constant 64 : index
            %get3A_98 = tpu.vector_load %arg6[%get3A_96, %get3A_97] {strides = array<i32>} : memref<128x128xf32, #tpu.memory_space<vmem>>, vector<1x16xf32>,
            %get3A_99 = vector.shape_cast %get3A_98 : vector<1x16xf32> to vector<16xf32>
            %max3A_100 = arith.maximumf %get3A_95, %get3A_99 : vector<16xf32>
            %swap3A_101 = arith.index_cast %scan3A_38 : i32 to index
            %swap3A_102 = arith.constant 64 : index
            %swap3A_103 = tpu.vector_load %arg7[%swap3A_101, %swap3A_102] {strides = array<i32>} : memref<128x128xf32, #tpu.memory_space<vmem>>, vector<1x16xf32>,
            %swap3A_104 = vector.shape_cast %swap3A_103 : vector<1x16xf32> to vector<16xf32>
            %swap3A_105 = vector.shape_cast %max3A_100 : vector<16xf32> to vector<1x16xf32>
            tpu.vector_store %arg7[%swap3A_101, %swap3A_102], %swap3A_105 {strides = array<i32>} : memref<128x128xf32, #tpu.memory_space<vmem>>, vector<1x16xf32>,
            %get3A_106 = arith.index_cast %scan3A_38 : i32 to index
            %get3A_107 = arith.constant 80 : index
            %get3A_108 = tpu.vector_load %arg7[%get3A_106, %get3A_107] {strides = array<i32>} : memref<128x128xf32, #tpu.memory_space<vmem>>, vector<1x16xf32>,
            %get3A_109 = vector.shape_cast %get3A_108 : vector<1x16xf32> to vector<16xf32>
            %get3A_110 = arith.index_cast %scan3A_38 : i32 to index
            %get3A_111 = arith.constant 80 : index
            %get3A_112 = tpu.vector_load %arg6[%get3A_110, %get3A_111] {strides = array<i32>} : memref<128x128xf32, #tpu.memory_space<vmem>>, vector<1x16xf32>,
            %get3A_113 = vector.shape_cast %get3A_112 : vector<1x16xf32> to vector<16xf32>
            %max3A_114 = arith.maximumf %get3A_109, %get3A_113 : vector<16xf32>
            %swap3A_115 = arith.index_cast %scan3A_38 : i32 to index
            %swap3A_116 = arith.constant 80 : index
            %swap3A_117 = tpu.vector_load %arg7[%swap3A_115, %swap3A_116] {strides = array<i32>} : memref<128x128xf32, #tpu.memory_space<vmem>>, vector<1x16xf32>,
            %swap3A_118 = vector.shape_cast %swap3A_117 : vector<1x16xf32> to vector<16xf32>
            %swap3A_119 = vector.shape_cast %max3A_114 : vector<16xf32> to vector<1x16xf32>
            tpu.vector_store %arg7[%swap3A_115, %swap3A_116], %swap3A_119 {strides = array<i32>} : memref<128x128xf32, #tpu.memory_space<vmem>>, vector<1x16xf32>,
            %get3A_120 = arith.index_cast %scan3A_38 : i32 to index
            %get3A_121 = arith.constant 96 : index
            %get3A_122 = tpu.vector_load %arg7[%get3A_120, %get3A_121] {strides = array<i32>} : memref<128x128xf32, #tpu.memory_space<vmem>>, vector<1x16xf32>,
            %get3A_123 = vector.shape_cast %get3A_122 : vector<1x16xf32> to vector<16xf32>
            %get3A_124 = arith.index_cast %scan3A_38 : i32 to index
            %get3A_125 = arith.constant 96 : index
            %get3A_126 = tpu.vector_load %arg6[%get3A_124, %get3A_125] {strides = array<i32>} : memref<128x128xf32, #tpu.memory_space<vmem>>, vector<1x16xf32>,
            %get3A_127 = vector.shape_cast %get3A_126 : vector<1x16xf32> to vector<16xf32>
            %max3A_128 = arith.maximumf %get3A_123, %get3A_127 : vector<16xf32>
            %swap3A_129 = arith.index_cast %scan3A_38 : i32 to index
            %swap3A_130 = arith.constant 96 : index
            %swap3A_131 = tpu.vector_load %arg7[%swap3A_129, %swap3A_130] {strides = array<i32>} : memref<128x128xf32, #tpu.memory_space<vmem>>, vector<1x16xf32>,
            %swap3A_132 = vector.shape_cast %swap3A_131 : vector<1x16xf32> to vector<16xf32>
            %swap3A_133 = vector.shape_cast %max3A_128 : vector<16xf32> to vector<1x16xf32>
            tpu.vector_store %arg7[%swap3A_129, %swap3A_130], %swap3A_133 {strides = array<i32>} : memref<128x128xf32, #tpu.memory_space<vmem>>, vector<1x16xf32>,
            %get3A_134 = arith.index_cast %scan3A_38 : i32 to index
            %get3A_135 = arith.constant 112 : index
            %get3A_136 = tpu.vector_load %arg7[%get3A_134, %get3A_135] {strides = array<i32>} : memref<128x128xf32, #tpu.memory_space<vmem>>, vector<1x16xf32>,
            %get3A_137 = vector.shape_cast %get3A_136 : vector<1x16xf32> to vector<16xf32>
            %get3A_138 = arith.index_cast %scan3A_38 : i32 to index
            %get3A_139 = arith.constant 112 : index
            %get3A_140 = tpu.vector_load %arg6[%get3A_138, %get3A_139] {strides = array<i32>} : memref<128x128xf32, #tpu.memory_space<vmem>>, vector<1x16xf32>,
            %get3A_141 = vector.shape_cast %get3A_140 : vector<1x16xf32> to vector<16xf32>
            %max3A_142 = arith.maximumf %get3A_137, %get3A_141 : vector<16xf32>
            %swap3A_143 = arith.index_cast %scan3A_38 : i32 to index
            %swap3A_144 = arith.constant 112 : index
            %swap3A_145 = tpu.vector_load %arg7[%swap3A_143, %swap3A_144] {strides = array<i32>} : memref<128x128xf32, #tpu.memory_space<vmem>>, vector<1x16xf32>,
            %swap3A_146 = vector.shape_cast %swap3A_145 : vector<1x16xf32> to vector<16xf32>
            %swap3A_147 = vector.shape_cast %max3A_142 : vector<16xf32> to vector<1x16xf32>
            tpu.vector_store %arg7[%swap3A_143, %swap3A_144], %swap3A_147 {strides = array<i32>} : memref<128x128xf32, #tpu.memory_space<vmem>>, vector<1x16xf32>,
          }
          %scan3A_37 = arith.constant 128 : i32
        } else {
        }
      }
      %scan3A_17 = arith.constant 20 : i32
      "tpu.region"() ({
        %run_scoped3A = tpu.sem_alloc : memref<!tpu.dma_semaphore, #tpu.memory_space<semaphore_mem>>
        %dma_start3A = arith.constant 0 : i32
        %dma_start3A_18 = tpu.memref_slice %arg4[%add3A_11, %dma_start3A] : memref<8192x128xf32, #tpu.memory_space<hbm>> -> memref<128x128xf32, #tpu.memory_space<hbm>>
        %dma_start3A_19 = arith.constant 0 : i32
        %dma_start3A_20 = tpu.memref_slice %arg4[%add3A_11, %dma_start3A_19] : memref<8192x128xf32, #tpu.memory_space<hbm>> -> memref<128x128xf32, #tpu.memory_space<hbm>>
        tpu.enqueue_dma source(%arg7 : memref<128x128xf32, #tpu.memory_space<vmem>>) target(%dma_start3A_20 : memref<128x128xf32, #tpu.memory_space<hbm>>) target_semaphore(%run_scoped3A : memref<!tpu.dma_semaphore, #tpu.memory_space<semaphore_mem>>)
        %dma_wait3A = arith.constant 0 : i32
        %dma_wait3A_21 = tpu.memref_slice %arg4[%add3A_11, %dma_wait3A] : memref<8192x128xf32, #tpu.memory_space<hbm>> -> memref<128x128xf32, #tpu.memory_space<hbm>>
        %dma_wait3A_22 = arith.constant 0 : i32
        %dma_wait3A_23 = tpu.memref_slice %arg4[%add3A_11, %dma_wait3A_22] : memref<8192x128xf32, #tpu.memory_space<hbm>> -> memref<128x128xf32, #tpu.memory_space<hbm>>
        tpu.wait_dma2 semaphore(%run_scoped3A : memref<!tpu.dma_semaphore, #tpu.memory_space<semaphore_mem>>) src(%arg7 : memref<128x128xf32, #tpu.memory_space<vmem>>) dst(%dma_wait3A_23 : memref<128x128xf32, #tpu.memory_space<hbm>>)
        tpu.yield
      }) : () -> ()
    }
    %scan3A_7 = arith.constant 2 : i32
    return
  }
}

module attributes {stable_mosaic.version = 14 : i64} {
  func.func @_knn_full_body(%arg0: i32, %arg1: memref<64x8xf32, #tpu.memory_space<vmem>>, %arg2: memref<8x8192xf32, #tpu.memory_space<vmem>>, %arg3: memref<64x1xi32, #tpu.memory_space<vmem>>, %arg4: memref<1x8192xi32, #tpu.memory_space<vmem>>, %arg5: memref<64x20xi32, #tpu.memory_space<vmem>>, %arg6: memref<64x8192xf32, #tpu.memory_space<vmem>>) attributes {dimension_semantics = [#tpu.dimension_semantics<arbitrary>], iteration_bounds = array<i64: 128>, scalar_prefetch = 0 : i64, scratch_operands = 1 : i64, tpu.core_type = #tpu.core_type<tc>, window_params = [{transform_indices = @transform_0, window_bounds = array<i64: 64, 8>}, {pipeline_mode = #tpu.pipeline_mode<synchronous>, transform_indices = @transform_1, window_bounds = array<i64: 8, 8192>}, {transform_indices = @transform_2, window_bounds = array<i64: 64, 1>}, {pipeline_mode = #tpu.pipeline_mode<synchronous>, transform_indices = @transform_3, window_bounds = array<i64: 1, 8192>}, {transform_indices = @transform_4, window_bounds = array<i64: 64, 20>}]} {
    %get3A = arith.constant 0 : index
    %get3A_0 = arith.constant 0 : index
    %get3A_1 = vector.load %arg1[%get3A, %get3A_0] : memref<64x8xf32, #tpu.memory_space<vmem>>, vector<64x8xf32>
    %mul3A = arith.mulf %get3A_1, %get3A_1 : vector<64x8xf32>
    %reduce_sum3A = arith.constant dense<0.000000e+00> : vector<64xf32>
    %reduce_sum3A_2 = vector.multi_reduction <add>, %mul3A, %reduce_sum3A [1] : vector<64x8xf32> to vector<64xf32>
    %broadcast_in_dim3A = vector.shape_cast %reduce_sum3A_2 : vector<64xf32> to vector<64x1xf32>
    %get3A_3 = arith.constant 0 : index
    %get3A_4 = arith.constant 0 : index
    %get3A_5 = vector.load %arg2[%get3A_3, %get3A_4] : memref<8x8192xf32, #tpu.memory_space<vmem>>, vector<8x8192xf32>
    %mul3A_6 = arith.mulf %get3A_5, %get3A_5 : vector<8x8192xf32>
    %reduce_sum3A_7 = arith.constant dense<0.000000e+00> : vector<8192xf32>
    %reduce_sum3A_8 = vector.multi_reduction <add>, %mul3A_6, %reduce_sum3A_7 [0] : vector<8x8192xf32> to vector<8192xf32>
    %broadcast_in_dim3A_9 = vector.shape_cast %reduce_sum3A_8 : vector<8192xf32> to vector<1x8192xf32>
    %add3A = vector.broadcast %broadcast_in_dim3A : vector<64x1xf32> to vector<64x8192xf32>
    %add3A_10 = vector.broadcast %broadcast_in_dim3A_9 : vector<1x8192xf32> to vector<64x8192xf32>
    %add3A_11 = arith.addf %add3A, %add3A_10 : vector<64x8192xf32>
    %dot_general3A = arith.constant dense<0.000000e+00> : vector<64x8192xf32>
    %dot_general3A_12 = tpu.matmul %get3A_1, %get3A_5, %dot_general3A {dimension_numbers = #tpu.dot_dimension_numbers<[1], [0], [0], [1], [0, 0, 1, 1], [], []>, transpose_lhs_hint = false} : vector<64x8xf32>, vector<8x8192xf32>, vector<64x8192xf32> -> vector<64x8192xf32>
    %mul3A_13 = arith.constant 2.000000e+00 : f32
    %mul3A_14 = vector.broadcast %mul3A_13 : f32 to vector<64x8192xf32>
    %mul3A_15 = arith.mulf %mul3A_14, %dot_general3A_12 : vector<64x8192xf32>
    %sub3A = arith.subf %add3A_11, %mul3A_15 : vector<64x8192xf32>
    %get3A_16 = arith.constant 0 : index
    %get3A_17 = arith.constant 0 : index
    %get3A_18 = vector.load %arg3[%get3A_16, %get3A_17] : memref<64x1xi32, #tpu.memory_space<vmem>>, vector<64x1xi32>
    %get3A_19 = arith.constant 0 : index
    %get3A_20 = arith.constant 0 : index
    %get3A_21 = vector.load %arg4[%get3A_19, %get3A_20] : memref<1x8192xi32, #tpu.memory_space<vmem>>, vector<1x8192xi32>
    %ne3A = vector.broadcast %get3A_18 : vector<64x1xi32> to vector<64x8192xi32>
    %ne3A_22 = vector.broadcast %get3A_21 : vector<1x8192xi32> to vector<64x8192xi32>
    %ne3A_23 = arith.cmpi ne, %ne3A, %ne3A_22 : vector<64x8192xi32>
    %jit3A = arith.constant 9.99999993E+36 : f32
    %broadcast_in_dim3A_24 = vector.broadcast %jit3A : f32 to vector<64x8192xf32>
    %select_n3A = arith.select %ne3A_23, %broadcast_in_dim3A_24, %sub3A : vector<64x8192xi1>, vector<64x8192xf32>
    %swap3A = arith.constant 0 : index
    %swap3A_25 = arith.constant 0 : index
    %swap3A_26 = vector.load %arg6[%swap3A, %swap3A_25] : memref<64x8192xf32, #tpu.memory_space<vmem>>, vector<64x8192xf32>
    tpu.vector_store %arg6[%swap3A, %swap3A_25], %select_n3A {strides = array<i32>} : memref<64x8192xf32, #tpu.memory_space<vmem>>, vector<64x8192xf32>,
    %iota3A = tpu.iota {dimensions = array<i32: 1>} : vector<64x8192xi32>
    %get3A_27 = arith.constant 0 : index
    %get3A_28 = arith.constant 0 : index
    %get3A_29 = vector.load %arg6[%get3A_27, %get3A_28] : memref<64x8192xf32, #tpu.memory_space<vmem>>, vector<64x8192xf32>
    %reduce_min3A = arith.constant dense<0x7F800000> : vector<64xf32>
    %reduce_min3A_30 = vector.multi_reduction <minimumf>, %get3A_29, %reduce_min3A [1] : vector<64x8192xf32> to vector<64xf32>
    %broadcast_in_dim3A_31 = vector.shape_cast %reduce_min3A_30 : vector<64xf32> to vector<64x1xf32>
    %eq3A = vector.broadcast %broadcast_in_dim3A_31 : vector<64x1xf32> to vector<64x8192xf32>
    %eq3A_32 = arith.cmpf oeq, %get3A_29, %eq3A : vector<64x8192xf32>
    %jit3A_33 = arith.constant 8192 : i32
    %broadcast_in_dim3A_34 = vector.broadcast %jit3A_33 : i32 to vector<64x8192xi32>
    %select_n3A_35 = arith.select %eq3A_32, %iota3A, %broadcast_in_dim3A_34 : vector<64x8192xi1>, vector<64x8192xi32>
    %reduce_min3A_36 = arith.constant dense<2147483647> : vector<64xi32>
    %reduce_min3A_37 = vector.multi_reduction <minsi>, %select_n3A_35, %reduce_min3A_36 [1] : vector<64x8192xi32> to vector<64xi32>
    %broadcast_in_dim3A_38 = vector.shape_cast %reduce_min3A_37 : vector<64xi32> to vector<64x1xi32>
    %add3A_39 = arith.constant 0 : i32
    %add3A_40 = vector.broadcast %add3A_39 : i32 to vector<64x1xi32>
    %add3A_41 = arith.addi %broadcast_in_dim3A_38, %add3A_40 : vector<64x1xi32>
    %min3A = arith.constant 8191 : i32
    %min3A_42 = vector.broadcast %min3A : i32 to vector<64x1xi32>
    %min3A_43 = arith.minsi %add3A_41, %min3A_42 : vector<64x1xi32>
    %eq3A_44 = vector.broadcast %broadcast_in_dim3A_38 : vector<64x1xi32> to vector<64x8192xi32>
    %eq3A_45 = arith.cmpi eq, %iota3A, %eq3A_44 : vector<64x8192xi32>
    %jit3A_46 = arith.constant 0x7F800000 : f32
    %broadcast_in_dim3A_47 = vector.broadcast %jit3A_46 : f32 to vector<64x8192xf32>
    %select_n3A_48 = arith.select %eq3A_45, %broadcast_in_dim3A_47, %get3A_29 : vector<64x8192xi1>, vector<64x8192xf32>
    %swap3A_49 = arith.constant 0 : index
    %swap3A_50 = arith.constant 0 : index
    %swap3A_51 = vector.load %arg6[%swap3A_49, %swap3A_50] : memref<64x8192xf32, #tpu.memory_space<vmem>>, vector<64x8192xf32>
    tpu.vector_store %arg6[%swap3A_49, %swap3A_50], %select_n3A_48 {strides = array<i32>} : memref<64x8192xf32, #tpu.memory_space<vmem>>, vector<64x8192xf32>,
    %get3A_52 = arith.constant 0 : index
    %get3A_53 = arith.constant 0 : index
    %get3A_54 = vector.load %arg6[%get3A_52, %get3A_53] : memref<64x8192xf32, #tpu.memory_space<vmem>>, vector<64x8192xf32>
    %reduce_min3A_55 = arith.constant dense<0x7F800000> : vector<64xf32>
    %reduce_min3A_56 = vector.multi_reduction <minimumf>, %get3A_54, %reduce_min3A_55 [1] : vector<64x8192xf32> to vector<64xf32>
    %broadcast_in_dim3A_57 = vector.shape_cast %reduce_min3A_56 : vector<64xf32> to vector<64x1xf32>
    %eq3A_58 = vector.broadcast %broadcast_in_dim3A_57 : vector<64x1xf32> to vector<64x8192xf32>
    %eq3A_59 = arith.cmpf oeq, %get3A_54, %eq3A_58 : vector<64x8192xf32>
    %jit3A_60 = arith.constant 8192 : i32
    %broadcast_in_dim3A_61 = vector.broadcast %jit3A_60 : i32 to vector<64x8192xi32>
    %select_n3A_62 = arith.select %eq3A_59, %iota3A, %broadcast_in_dim3A_61 : vector<64x8192xi1>, vector<64x8192xi32>
    %reduce_min3A_63 = arith.constant dense<2147483647> : vector<64xi32>
    %reduce_min3A_64 = vector.multi_reduction <minsi>, %select_n3A_62, %reduce_min3A_63 [1] : vector<64x8192xi32> to vector<64xi32>
    %broadcast_in_dim3A_65 = vector.shape_cast %reduce_min3A_64 : vector<64xi32> to vector<64x1xi32>
    %add3A_66 = arith.constant 0 : i32
    %add3A_67 = vector.broadcast %add3A_66 : i32 to vector<64x1xi32>
    %add3A_68 = arith.addi %broadcast_in_dim3A_65, %add3A_67 : vector<64x1xi32>
    %min3A_69 = arith.constant 8191 : i32
    %min3A_70 = vector.broadcast %min3A_69 : i32 to vector<64x1xi32>
    %min3A_71 = arith.minsi %add3A_68, %min3A_70 : vector<64x1xi32>
    %eq3A_72 = vector.broadcast %broadcast_in_dim3A_65 : vector<64x1xi32> to vector<64x8192xi32>
    %eq3A_73 = arith.cmpi eq, %iota3A, %eq3A_72 : vector<64x8192xi32>
    %jit3A_74 = arith.constant 0x7F800000 : f32
    %broadcast_in_dim3A_75 = vector.broadcast %jit3A_74 : f32 to vector<64x8192xf32>
    %select_n3A_76 = arith.select %eq3A_73, %broadcast_in_dim3A_75, %get3A_54 : vector<64x8192xi1>, vector<64x8192xf32>
    %swap3A_77 = arith.constant 0 : index
    %swap3A_78 = arith.constant 0 : index
    %swap3A_79 = vector.load %arg6[%swap3A_77, %swap3A_78] : memref<64x8192xf32, #tpu.memory_space<vmem>>, vector<64x8192xf32>
    tpu.vector_store %arg6[%swap3A_77, %swap3A_78], %select_n3A_76 {strides = array<i32>} : memref<64x8192xf32, #tpu.memory_space<vmem>>, vector<64x8192xf32>,
    %get3A_80 = arith.constant 0 : index
    %get3A_81 = arith.constant 0 : index
    %get3A_82 = vector.load %arg6[%get3A_80, %get3A_81] : memref<64x8192xf32, #tpu.memory_space<vmem>>, vector<64x8192xf32>
    %reduce_min3A_83 = arith.constant dense<0x7F800000> : vector<64xf32>
    %reduce_min3A_84 = vector.multi_reduction <minimumf>, %get3A_82, %reduce_min3A_83 [1] : vector<64x8192xf32> to vector<64xf32>
    %broadcast_in_dim3A_85 = vector.shape_cast %reduce_min3A_84 : vector<64xf32> to vector<64x1xf32>
    %eq3A_86 = vector.broadcast %broadcast_in_dim3A_85 : vector<64x1xf32> to vector<64x8192xf32>
    %eq3A_87 = arith.cmpf oeq, %get3A_82, %eq3A_86 : vector<64x8192xf32>
    %jit3A_88 = arith.constant 8192 : i32
    %broadcast_in_dim3A_89 = vector.broadcast %jit3A_88 : i32 to vector<64x8192xi32>
    %select_n3A_90 = arith.select %eq3A_87, %iota3A, %broadcast_in_dim3A_89 : vector<64x8192xi1>, vector<64x8192xi32>
    %reduce_min3A_91 = arith.constant dense<2147483647> : vector<64xi32>
    %reduce_min3A_92 = vector.multi_reduction <minsi>, %select_n3A_90, %reduce_min3A_91 [1] : vector<64x8192xi32> to vector<64xi32>
    %broadcast_in_dim3A_93 = vector.shape_cast %reduce_min3A_92 : vector<64xi32> to vector<64x1xi32>
    %add3A_94 = arith.constant 0 : i32
    %add3A_95 = vector.broadcast %add3A_94 : i32 to vector<64x1xi32>
    %add3A_96 = arith.addi %broadcast_in_dim3A_93, %add3A_95 : vector<64x1xi32>
    %min3A_97 = arith.constant 8191 : i32
    %min3A_98 = vector.broadcast %min3A_97 : i32 to vector<64x1xi32>
    %min3A_99 = arith.minsi %add3A_96, %min3A_98 : vector<64x1xi32>
    %eq3A_100 = vector.broadcast %broadcast_in_dim3A_93 : vector<64x1xi32> to vector<64x8192xi32>
    %eq3A_101 = arith.cmpi eq, %iota3A, %eq3A_100 : vector<64x8192xi32>
    %jit3A_102 = arith.constant 0x7F800000 : f32
    %broadcast_in_dim3A_103 = vector.broadcast %jit3A_102 : f32 to vector<64x8192xf32>
    %select_n3A_104 = arith.select %eq3A_101, %broadcast_in_dim3A_103, %get3A_82 : vector<64x8192xi1>, vector<64x8192xf32>
    %swap3A_105 = arith.constant 0 : index
    %swap3A_106 = arith.constant 0 : index
    %swap3A_107 = vector.load %arg6[%swap3A_105, %swap3A_106] : memref<64x8192xf32, #tpu.memory_space<vmem>>, vector<64x8192xf32>
    tpu.vector_store %arg6[%swap3A_105, %swap3A_106], %select_n3A_104 {strides = array<i32>} : memref<64x8192xf32, #tpu.memory_space<vmem>>, vector<64x8192xf32>,
    %get3A_108 = arith.constant 0 : index
    %get3A_109 = arith.constant 0 : index
    %get3A_110 = vector.load %arg6[%get3A_108, %get3A_109] : memref<64x8192xf32, #tpu.memory_space<vmem>>, vector<64x8192xf32>
    %reduce_min3A_111 = arith.constant dense<0x7F800000> : vector<64xf32>
    %reduce_min3A_112 = vector.multi_reduction <minimumf>, %get3A_110, %reduce_min3A_111 [1] : vector<64x8192xf32> to vector<64xf32>
    %broadcast_in_dim3A_113 = vector.shape_cast %reduce_min3A_112 : vector<64xf32> to vector<64x1xf32>
    %eq3A_114 = vector.broadcast %broadcast_in_dim3A_113 : vector<64x1xf32> to vector<64x8192xf32>
    %eq3A_115 = arith.cmpf oeq, %get3A_110, %eq3A_114 : vector<64x8192xf32>
    %jit3A_116 = arith.constant 8192 : i32
    %broadcast_in_dim3A_117 = vector.broadcast %jit3A_116 : i32 to vector<64x8192xi32>
    %select_n3A_118 = arith.select %eq3A_115, %iota3A, %broadcast_in_dim3A_117 : vector<64x8192xi1>, vector<64x8192xi32>
    %reduce_min3A_119 = arith.constant dense<2147483647> : vector<64xi32>
    %reduce_min3A_120 = vector.multi_reduction <minsi>, %select_n3A_118, %reduce_min3A_119 [1] : vector<64x8192xi32> to vector<64xi32>
    %broadcast_in_dim3A_121 = vector.shape_cast %reduce_min3A_120 : vector<64xi32> to vector<64x1xi32>
    %add3A_122 = arith.constant 0 : i32
    %add3A_123 = vector.broadcast %add3A_122 : i32 to vector<64x1xi32>
    %add3A_124 = arith.addi %broadcast_in_dim3A_121, %add3A_123 : vector<64x1xi32>
    %min3A_125 = arith.constant 8191 : i32
    %min3A_126 = vector.broadcast %min3A_125 : i32 to vector<64x1xi32>
    %min3A_127 = arith.minsi %add3A_124, %min3A_126 : vector<64x1xi32>
    %eq3A_128 = vector.broadcast %broadcast_in_dim3A_121 : vector<64x1xi32> to vector<64x8192xi32>
    %eq3A_129 = arith.cmpi eq, %iota3A, %eq3A_128 : vector<64x8192xi32>
    %jit3A_130 = arith.constant 0x7F800000 : f32
    %broadcast_in_dim3A_131 = vector.broadcast %jit3A_130 : f32 to vector<64x8192xf32>
    %select_n3A_132 = arith.select %eq3A_129, %broadcast_in_dim3A_131, %get3A_110 : vector<64x8192xi1>, vector<64x8192xf32>
    %swap3A_133 = arith.constant 0 : index
    %swap3A_134 = arith.constant 0 : index
    %swap3A_135 = vector.load %arg6[%swap3A_133, %swap3A_134] : memref<64x8192xf32, #tpu.memory_space<vmem>>, vector<64x8192xf32>
    tpu.vector_store %arg6[%swap3A_133, %swap3A_134], %select_n3A_132 {strides = array<i32>} : memref<64x8192xf32, #tpu.memory_space<vmem>>, vector<64x8192xf32>,
    %get3A_136 = arith.constant 0 : index
    %get3A_137 = arith.constant 0 : index
    %get3A_138 = vector.load %arg6[%get3A_136, %get3A_137] : memref<64x8192xf32, #tpu.memory_space<vmem>>, vector<64x8192xf32>
    %reduce_min3A_139 = arith.constant dense<0x7F800000> : vector<64xf32>
    %reduce_min3A_140 = vector.multi_reduction <minimumf>, %get3A_138, %reduce_min3A_139 [1] : vector<64x8192xf32> to vector<64xf32>
    %broadcast_in_dim3A_141 = vector.shape_cast %reduce_min3A_140 : vector<64xf32> to vector<64x1xf32>
    %eq3A_142 = vector.broadcast %broadcast_in_dim3A_141 : vector<64x1xf32> to vector<64x8192xf32>
    %eq3A_143 = arith.cmpf oeq, %get3A_138, %eq3A_142 : vector<64x8192xf32>
    %jit3A_144 = arith.constant 8192 : i32
    %broadcast_in_dim3A_145 = vector.broadcast %jit3A_144 : i32 to vector<64x8192xi32>
    %select_n3A_146 = arith.select %eq3A_143, %iota3A, %broadcast_in_dim3A_145 : vector<64x8192xi1>, vector<64x8192xi32>
    %reduce_min3A_147 = arith.constant dense<2147483647> : vector<64xi32>
    %reduce_min3A_148 = vector.multi_reduction <minsi>, %select_n3A_146, %reduce_min3A_147 [1] : vector<64x8192xi32> to vector<64xi32>
    %broadcast_in_dim3A_149 = vector.shape_cast %reduce_min3A_148 : vector<64xi32> to vector<64x1xi32>
    %add3A_150 = arith.constant 0 : i32
    %add3A_151 = vector.broadcast %add3A_150 : i32 to vector<64x1xi32>
    %add3A_152 = arith.addi %broadcast_in_dim3A_149, %add3A_151 : vector<64x1xi32>
    %min3A_153 = arith.constant 8191 : i32
    %min3A_154 = vector.broadcast %min3A_153 : i32 to vector<64x1xi32>
    %min3A_155 = arith.minsi %add3A_152, %min3A_154 : vector<64x1xi32>
    %eq3A_156 = vector.broadcast %broadcast_in_dim3A_149 : vector<64x1xi32> to vector<64x8192xi32>
    %eq3A_157 = arith.cmpi eq, %iota3A, %eq3A_156 : vector<64x8192xi32>
    %jit3A_158 = arith.constant 0x7F800000 : f32
    %broadcast_in_dim3A_159 = vector.broadcast %jit3A_158 : f32 to vector<64x8192xf32>
    %select_n3A_160 = arith.select %eq3A_157, %broadcast_in_dim3A_159, %get3A_138 : vector<64x8192xi1>, vector<64x8192xf32>
    %swap3A_161 = arith.constant 0 : index
    %swap3A_162 = arith.constant 0 : index
    %swap3A_163 = vector.load %arg6[%swap3A_161, %swap3A_162] : memref<64x8192xf32, #tpu.memory_space<vmem>>, vector<64x8192xf32>
    tpu.vector_store %arg6[%swap3A_161, %swap3A_162], %select_n3A_160 {strides = array<i32>} : memref<64x8192xf32, #tpu.memory_space<vmem>>, vector<64x8192xf32>,
    %get3A_164 = arith.constant 0 : index
    %get3A_165 = arith.constant 0 : index
    %get3A_166 = vector.load %arg6[%get3A_164, %get3A_165] : memref<64x8192xf32, #tpu.memory_space<vmem>>, vector<64x8192xf32>
    %reduce_min3A_167 = arith.constant dense<0x7F800000> : vector<64xf32>
    %reduce_min3A_168 = vector.multi_reduction <minimumf>, %get3A_166, %reduce_min3A_167 [1] : vector<64x8192xf32> to vector<64xf32>
    %broadcast_in_dim3A_169 = vector.shape_cast %reduce_min3A_168 : vector<64xf32> to vector<64x1xf32>
    %eq3A_170 = vector.broadcast %broadcast_in_dim3A_169 : vector<64x1xf32> to vector<64x8192xf32>
    %eq3A_171 = arith.cmpf oeq, %get3A_166, %eq3A_170 : vector<64x8192xf32>
    %jit3A_172 = arith.constant 8192 : i32
    %broadcast_in_dim3A_173 = vector.broadcast %jit3A_172 : i32 to vector<64x8192xi32>
    %select_n3A_174 = arith.select %eq3A_171, %iota3A, %broadcast_in_dim3A_173 : vector<64x8192xi1>, vector<64x8192xi32>
    %reduce_min3A_175 = arith.constant dense<2147483647> : vector<64xi32>
    %reduce_min3A_176 = vector.multi_reduction <minsi>, %select_n3A_174, %reduce_min3A_175 [1] : vector<64x8192xi32> to vector<64xi32>
    %broadcast_in_dim3A_177 = vector.shape_cast %reduce_min3A_176 : vector<64xi32> to vector<64x1xi32>
    %add3A_178 = arith.constant 0 : i32
    %add3A_179 = vector.broadcast %add3A_178 : i32 to vector<64x1xi32>
    %add3A_180 = arith.addi %broadcast_in_dim3A_177, %add3A_179 : vector<64x1xi32>
    %min3A_181 = arith.constant 8191 : i32
    %min3A_182 = vector.broadcast %min3A_181 : i32 to vector<64x1xi32>
    %min3A_183 = arith.minsi %add3A_180, %min3A_182 : vector<64x1xi32>
    %eq3A_184 = vector.broadcast %broadcast_in_dim3A_177 : vector<64x1xi32> to vector<64x8192xi32>
    %eq3A_185 = arith.cmpi eq, %iota3A, %eq3A_184 : vector<64x8192xi32>
    %jit3A_186 = arith.constant 0x7F800000 : f32
    %broadcast_in_dim3A_187 = vector.broadcast %jit3A_186 : f32 to vector<64x8192xf32>
    %select_n3A_188 = arith.select %eq3A_185, %broadcast_in_dim3A_187, %get3A_166 : vector<64x8192xi1>, vector<64x8192xf32>
    %swap3A_189 = arith.constant 0 : index
    %swap3A_190 = arith.constant 0 : index
    %swap3A_191 = vector.load %arg6[%swap3A_189, %swap3A_190] : memref<64x8192xf32, #tpu.memory_space<vmem>>, vector<64x8192xf32>
    tpu.vector_store %arg6[%swap3A_189, %swap3A_190], %select_n3A_188 {strides = array<i32>} : memref<64x8192xf32, #tpu.memory_space<vmem>>, vector<64x8192xf32>,
    %get3A_192 = arith.constant 0 : index
    %get3A_193 = arith.constant 0 : index
    %get3A_194 = vector.load %arg6[%get3A_192, %get3A_193] : memref<64x8192xf32, #tpu.memory_space<vmem>>, vector<64x8192xf32>
    %reduce_min3A_195 = arith.constant dense<0x7F800000> : vector<64xf32>
    %reduce_min3A_196 = vector.multi_reduction <minimumf>, %get3A_194, %reduce_min3A_195 [1] : vector<64x8192xf32> to vector<64xf32>
    %broadcast_in_dim3A_197 = vector.shape_cast %reduce_min3A_196 : vector<64xf32> to vector<64x1xf32>
    %eq3A_198 = vector.broadcast %broadcast_in_dim3A_197 : vector<64x1xf32> to vector<64x8192xf32>
    %eq3A_199 = arith.cmpf oeq, %get3A_194, %eq3A_198 : vector<64x8192xf32>
    %jit3A_200 = arith.constant 8192 : i32
    %broadcast_in_dim3A_201 = vector.broadcast %jit3A_200 : i32 to vector<64x8192xi32>
    %select_n3A_202 = arith.select %eq3A_199, %iota3A, %broadcast_in_dim3A_201 : vector<64x8192xi1>, vector<64x8192xi32>
    %reduce_min3A_203 = arith.constant dense<2147483647> : vector<64xi32>
    %reduce_min3A_204 = vector.multi_reduction <minsi>, %select_n3A_202, %reduce_min3A_203 [1] : vector<64x8192xi32> to vector<64xi32>
    %broadcast_in_dim3A_205 = vector.shape_cast %reduce_min3A_204 : vector<64xi32> to vector<64x1xi32>
    %add3A_206 = arith.constant 0 : i32
    %add3A_207 = vector.broadcast %add3A_206 : i32 to vector<64x1xi32>
    %add3A_208 = arith.addi %broadcast_in_dim3A_205, %add3A_207 : vector<64x1xi32>
    %min3A_209 = arith.constant 8191 : i32
    %min3A_210 = vector.broadcast %min3A_209 : i32 to vector<64x1xi32>
    %min3A_211 = arith.minsi %add3A_208, %min3A_210 : vector<64x1xi32>
    %eq3A_212 = vector.broadcast %broadcast_in_dim3A_205 : vector<64x1xi32> to vector<64x8192xi32>
    %eq3A_213 = arith.cmpi eq, %iota3A, %eq3A_212 : vector<64x8192xi32>
    %jit3A_214 = arith.constant 0x7F800000 : f32
    %broadcast_in_dim3A_215 = vector.broadcast %jit3A_214 : f32 to vector<64x8192xf32>
    %select_n3A_216 = arith.select %eq3A_213, %broadcast_in_dim3A_215, %get3A_194 : vector<64x8192xi1>, vector<64x8192xf32>
    %swap3A_217 = arith.constant 0 : index
    %swap3A_218 = arith.constant 0 : index
    %swap3A_219 = vector.load %arg6[%swap3A_217, %swap3A_218] : memref<64x8192xf32, #tpu.memory_space<vmem>>, vector<64x8192xf32>
    tpu.vector_store %arg6[%swap3A_217, %swap3A_218], %select_n3A_216 {strides = array<i32>} : memref<64x8192xf32, #tpu.memory_space<vmem>>, vector<64x8192xf32>,
    %get3A_220 = arith.constant 0 : index
    %get3A_221 = arith.constant 0 : index
    %get3A_222 = vector.load %arg6[%get3A_220, %get3A_221] : memref<64x8192xf32, #tpu.memory_space<vmem>>, vector<64x8192xf32>
    %reduce_min3A_223 = arith.constant dense<0x7F800000> : vector<64xf32>
    %reduce_min3A_224 = vector.multi_reduction <minimumf>, %get3A_222, %reduce_min3A_223 [1] : vector<64x8192xf32> to vector<64xf32>
    %broadcast_in_dim3A_225 = vector.shape_cast %reduce_min3A_224 : vector<64xf32> to vector<64x1xf32>
    %eq3A_226 = vector.broadcast %broadcast_in_dim3A_225 : vector<64x1xf32> to vector<64x8192xf32>
    %eq3A_227 = arith.cmpf oeq, %get3A_222, %eq3A_226 : vector<64x8192xf32>
    %jit3A_228 = arith.constant 8192 : i32
    %broadcast_in_dim3A_229 = vector.broadcast %jit3A_228 : i32 to vector<64x8192xi32>
    %select_n3A_230 = arith.select %eq3A_227, %iota3A, %broadcast_in_dim3A_229 : vector<64x8192xi1>, vector<64x8192xi32>
    %reduce_min3A_231 = arith.constant dense<2147483647> : vector<64xi32>
    %reduce_min3A_232 = vector.multi_reduction <minsi>, %select_n3A_230, %reduce_min3A_231 [1] : vector<64x8192xi32> to vector<64xi32>
    %broadcast_in_dim3A_233 = vector.shape_cast %reduce_min3A_232 : vector<64xi32> to vector<64x1xi32>
    %add3A_234 = arith.constant 0 : i32
    %add3A_235 = vector.broadcast %add3A_234 : i32 to vector<64x1xi32>
    %add3A_236 = arith.addi %broadcast_in_dim3A_233, %add3A_235 : vector<64x1xi32>
    %min3A_237 = arith.constant 8191 : i32
    %min3A_238 = vector.broadcast %min3A_237 : i32 to vector<64x1xi32>
    %min3A_239 = arith.minsi %add3A_236, %min3A_238 : vector<64x1xi32>
    %eq3A_240 = vector.broadcast %broadcast_in_dim3A_233 : vector<64x1xi32> to vector<64x8192xi32>
    %eq3A_241 = arith.cmpi eq, %iota3A, %eq3A_240 : vector<64x8192xi32>
    %jit3A_242 = arith.constant 0x7F800000 : f32
    %broadcast_in_dim3A_243 = vector.broadcast %jit3A_242 : f32 to vector<64x8192xf32>
    %select_n3A_244 = arith.select %eq3A_241, %broadcast_in_dim3A_243, %get3A_222 : vector<64x8192xi1>, vector<64x8192xf32>
    %swap3A_245 = arith.constant 0 : index
    %swap3A_246 = arith.constant 0 : index
    %swap3A_247 = vector.load %arg6[%swap3A_245, %swap3A_246] : memref<64x8192xf32, #tpu.memory_space<vmem>>, vector<64x8192xf32>
    tpu.vector_store %arg6[%swap3A_245, %swap3A_246], %select_n3A_244 {strides = array<i32>} : memref<64x8192xf32, #tpu.memory_space<vmem>>, vector<64x8192xf32>,
    %get3A_248 = arith.constant 0 : index
    %get3A_249 = arith.constant 0 : index
    %get3A_250 = vector.load %arg6[%get3A_248, %get3A_249] : memref<64x8192xf32, #tpu.memory_space<vmem>>, vector<64x8192xf32>
    %reduce_min3A_251 = arith.constant dense<0x7F800000> : vector<64xf32>
    %reduce_min3A_252 = vector.multi_reduction <minimumf>, %get3A_250, %reduce_min3A_251 [1] : vector<64x8192xf32> to vector<64xf32>
    %broadcast_in_dim3A_253 = vector.shape_cast %reduce_min3A_252 : vector<64xf32> to vector<64x1xf32>
    %eq3A_254 = vector.broadcast %broadcast_in_dim3A_253 : vector<64x1xf32> to vector<64x8192xf32>
    %eq3A_255 = arith.cmpf oeq, %get3A_250, %eq3A_254 : vector<64x8192xf32>
    %jit3A_256 = arith.constant 8192 : i32
    %broadcast_in_dim3A_257 = vector.broadcast %jit3A_256 : i32 to vector<64x8192xi32>
    %select_n3A_258 = arith.select %eq3A_255, %iota3A, %broadcast_in_dim3A_257 : vector<64x8192xi1>, vector<64x8192xi32>
    %reduce_min3A_259 = arith.constant dense<2147483647> : vector<64xi32>
    %reduce_min3A_260 = vector.multi_reduction <minsi>, %select_n3A_258, %reduce_min3A_259 [1] : vector<64x8192xi32> to vector<64xi32>
    %broadcast_in_dim3A_261 = vector.shape_cast %reduce_min3A_260 : vector<64xi32> to vector<64x1xi32>
    %add3A_262 = arith.constant 0 : i32
    %add3A_263 = vector.broadcast %add3A_262 : i32 to vector<64x1xi32>
    %add3A_264 = arith.addi %broadcast_in_dim3A_261, %add3A_263 : vector<64x1xi32>
    %min3A_265 = arith.constant 8191 : i32
    %min3A_266 = vector.broadcast %min3A_265 : i32 to vector<64x1xi32>
    %min3A_267 = arith.minsi %add3A_264, %min3A_266 : vector<64x1xi32>
    %eq3A_268 = vector.broadcast %broadcast_in_dim3A_261 : vector<64x1xi32> to vector<64x8192xi32>
    %eq3A_269 = arith.cmpi eq, %iota3A, %eq3A_268 : vector<64x8192xi32>
    %jit3A_270 = arith.constant 0x7F800000 : f32
    %broadcast_in_dim3A_271 = vector.broadcast %jit3A_270 : f32 to vector<64x8192xf32>
    %select_n3A_272 = arith.select %eq3A_269, %broadcast_in_dim3A_271, %get3A_250 : vector<64x8192xi1>, vector<64x8192xf32>
    %swap3A_273 = arith.constant 0 : index
    %swap3A_274 = arith.constant 0 : index
    %swap3A_275 = vector.load %arg6[%swap3A_273, %swap3A_274] : memref<64x8192xf32, #tpu.memory_space<vmem>>, vector<64x8192xf32>
    tpu.vector_store %arg6[%swap3A_273, %swap3A_274], %select_n3A_272 {strides = array<i32>} : memref<64x8192xf32, #tpu.memory_space<vmem>>, vector<64x8192xf32>,
    %get3A_276 = arith.constant 0 : index
    %get3A_277 = arith.constant 0 : index
    %get3A_278 = vector.load %arg6[%get3A_276, %get3A_277] : memref<64x8192xf32, #tpu.memory_space<vmem>>, vector<64x8192xf32>
    %reduce_min3A_279 = arith.constant dense<0x7F800000> : vector<64xf32>
    %reduce_min3A_280 = vector.multi_reduction <minimumf>, %get3A_278, %reduce_min3A_279 [1] : vector<64x8192xf32> to vector<64xf32>
    %broadcast_in_dim3A_281 = vector.shape_cast %reduce_min3A_280 : vector<64xf32> to vector<64x1xf32>
    %eq3A_282 = vector.broadcast %broadcast_in_dim3A_281 : vector<64x1xf32> to vector<64x8192xf32>
    %eq3A_283 = arith.cmpf oeq, %get3A_278, %eq3A_282 : vector<64x8192xf32>
    %jit3A_284 = arith.constant 8192 : i32
    %broadcast_in_dim3A_285 = vector.broadcast %jit3A_284 : i32 to vector<64x8192xi32>
    %select_n3A_286 = arith.select %eq3A_283, %iota3A, %broadcast_in_dim3A_285 : vector<64x8192xi1>, vector<64x8192xi32>
    %reduce_min3A_287 = arith.constant dense<2147483647> : vector<64xi32>
    %reduce_min3A_288 = vector.multi_reduction <minsi>, %select_n3A_286, %reduce_min3A_287 [1] : vector<64x8192xi32> to vector<64xi32>
    %broadcast_in_dim3A_289 = vector.shape_cast %reduce_min3A_288 : vector<64xi32> to vector<64x1xi32>
    %add3A_290 = arith.constant 0 : i32
    %add3A_291 = vector.broadcast %add3A_290 : i32 to vector<64x1xi32>
    %add3A_292 = arith.addi %broadcast_in_dim3A_289, %add3A_291 : vector<64x1xi32>
    %min3A_293 = arith.constant 8191 : i32
    %min3A_294 = vector.broadcast %min3A_293 : i32 to vector<64x1xi32>
    %min3A_295 = arith.minsi %add3A_292, %min3A_294 : vector<64x1xi32>
    %eq3A_296 = vector.broadcast %broadcast_in_dim3A_289 : vector<64x1xi32> to vector<64x8192xi32>
    %eq3A_297 = arith.cmpi eq, %iota3A, %eq3A_296 : vector<64x8192xi32>
    %jit3A_298 = arith.constant 0x7F800000 : f32
    %broadcast_in_dim3A_299 = vector.broadcast %jit3A_298 : f32 to vector<64x8192xf32>
    %select_n3A_300 = arith.select %eq3A_297, %broadcast_in_dim3A_299, %get3A_278 : vector<64x8192xi1>, vector<64x8192xf32>
    %swap3A_301 = arith.constant 0 : index
    %swap3A_302 = arith.constant 0 : index
    %swap3A_303 = vector.load %arg6[%swap3A_301, %swap3A_302] : memref<64x8192xf32, #tpu.memory_space<vmem>>, vector<64x8192xf32>
    tpu.vector_store %arg6[%swap3A_301, %swap3A_302], %select_n3A_300 {strides = array<i32>} : memref<64x8192xf32, #tpu.memory_space<vmem>>, vector<64x8192xf32>,
    %get3A_304 = arith.constant 0 : index
    %get3A_305 = arith.constant 0 : index
    %get3A_306 = vector.load %arg6[%get3A_304, %get3A_305] : memref<64x8192xf32, #tpu.memory_space<vmem>>, vector<64x8192xf32>
    %reduce_min3A_307 = arith.constant dense<0x7F800000> : vector<64xf32>
    %reduce_min3A_308 = vector.multi_reduction <minimumf>, %get3A_306, %reduce_min3A_307 [1] : vector<64x8192xf32> to vector<64xf32>
    %broadcast_in_dim3A_309 = vector.shape_cast %reduce_min3A_308 : vector<64xf32> to vector<64x1xf32>
    %eq3A_310 = vector.broadcast %broadcast_in_dim3A_309 : vector<64x1xf32> to vector<64x8192xf32>
    %eq3A_311 = arith.cmpf oeq, %get3A_306, %eq3A_310 : vector<64x8192xf32>
    %jit3A_312 = arith.constant 8192 : i32
    %broadcast_in_dim3A_313 = vector.broadcast %jit3A_312 : i32 to vector<64x8192xi32>
    %select_n3A_314 = arith.select %eq3A_311, %iota3A, %broadcast_in_dim3A_313 : vector<64x8192xi1>, vector<64x8192xi32>
    %reduce_min3A_315 = arith.constant dense<2147483647> : vector<64xi32>
    %reduce_min3A_316 = vector.multi_reduction <minsi>, %select_n3A_314, %reduce_min3A_315 [1] : vector<64x8192xi32> to vector<64xi32>
    %broadcast_in_dim3A_317 = vector.shape_cast %reduce_min3A_316 : vector<64xi32> to vector<64x1xi32>
    %add3A_318 = arith.constant 0 : i32
    %add3A_319 = vector.broadcast %add3A_318 : i32 to vector<64x1xi32>
    %add3A_320 = arith.addi %broadcast_in_dim3A_317, %add3A_319 : vector<64x1xi32>
    %min3A_321 = arith.constant 8191 : i32
    %min3A_322 = vector.broadcast %min3A_321 : i32 to vector<64x1xi32>
    %min3A_323 = arith.minsi %add3A_320, %min3A_322 : vector<64x1xi32>
    %eq3A_324 = vector.broadcast %broadcast_in_dim3A_317 : vector<64x1xi32> to vector<64x8192xi32>
    %eq3A_325 = arith.cmpi eq, %iota3A, %eq3A_324 : vector<64x8192xi32>
    %jit3A_326 = arith.constant 0x7F800000 : f32
    %broadcast_in_dim3A_327 = vector.broadcast %jit3A_326 : f32 to vector<64x8192xf32>
    %select_n3A_328 = arith.select %eq3A_325, %broadcast_in_dim3A_327, %get3A_306 : vector<64x8192xi1>, vector<64x8192xf32>
    %swap3A_329 = arith.constant 0 : index
    %swap3A_330 = arith.constant 0 : index
    %swap3A_331 = vector.load %arg6[%swap3A_329, %swap3A_330] : memref<64x8192xf32, #tpu.memory_space<vmem>>, vector<64x8192xf32>
    tpu.vector_store %arg6[%swap3A_329, %swap3A_330], %select_n3A_328 {strides = array<i32>} : memref<64x8192xf32, #tpu.memory_space<vmem>>, vector<64x8192xf32>,
    %get3A_332 = arith.constant 0 : index
    %get3A_333 = arith.constant 0 : index
    %get3A_334 = vector.load %arg6[%get3A_332, %get3A_333] : memref<64x8192xf32, #tpu.memory_space<vmem>>, vector<64x8192xf32>
    %reduce_min3A_335 = arith.constant dense<0x7F800000> : vector<64xf32>
    %reduce_min3A_336 = vector.multi_reduction <minimumf>, %get3A_334, %reduce_min3A_335 [1] : vector<64x8192xf32> to vector<64xf32>
    %broadcast_in_dim3A_337 = vector.shape_cast %reduce_min3A_336 : vector<64xf32> to vector<64x1xf32>
    %eq3A_338 = vector.broadcast %broadcast_in_dim3A_337 : vector<64x1xf32> to vector<64x8192xf32>
    %eq3A_339 = arith.cmpf oeq, %get3A_334, %eq3A_338 : vector<64x8192xf32>
    %jit3A_340 = arith.constant 8192 : i32
    %broadcast_in_dim3A_341 = vector.broadcast %jit3A_340 : i32 to vector<64x8192xi32>
    %select_n3A_342 = arith.select %eq3A_339, %iota3A, %broadcast_in_dim3A_341 : vector<64x8192xi1>, vector<64x8192xi32>
    %reduce_min3A_343 = arith.constant dense<2147483647> : vector<64xi32>
    %reduce_min3A_344 = vector.multi_reduction <minsi>, %select_n3A_342, %reduce_min3A_343 [1] : vector<64x8192xi32> to vector<64xi32>
    %broadcast_in_dim3A_345 = vector.shape_cast %reduce_min3A_344 : vector<64xi32> to vector<64x1xi32>
    %add3A_346 = arith.constant 0 : i32
    %add3A_347 = vector.broadcast %add3A_346 : i32 to vector<64x1xi32>
    %add3A_348 = arith.addi %broadcast_in_dim3A_345, %add3A_347 : vector<64x1xi32>
    %min3A_349 = arith.constant 8191 : i32
    %min3A_350 = vector.broadcast %min3A_349 : i32 to vector<64x1xi32>
    %min3A_351 = arith.minsi %add3A_348, %min3A_350 : vector<64x1xi32>
    %eq3A_352 = vector.broadcast %broadcast_in_dim3A_345 : vector<64x1xi32> to vector<64x8192xi32>
    %eq3A_353 = arith.cmpi eq, %iota3A, %eq3A_352 : vector<64x8192xi32>
    %jit3A_354 = arith.constant 0x7F800000 : f32
    %broadcast_in_dim3A_355 = vector.broadcast %jit3A_354 : f32 to vector<64x8192xf32>
    %select_n3A_356 = arith.select %eq3A_353, %broadcast_in_dim3A_355, %get3A_334 : vector<64x8192xi1>, vector<64x8192xf32>
    %swap3A_357 = arith.constant 0 : index
    %swap3A_358 = arith.constant 0 : index
    %swap3A_359 = vector.load %arg6[%swap3A_357, %swap3A_358] : memref<64x8192xf32, #tpu.memory_space<vmem>>, vector<64x8192xf32>
    tpu.vector_store %arg6[%swap3A_357, %swap3A_358], %select_n3A_356 {strides = array<i32>} : memref<64x8192xf32, #tpu.memory_space<vmem>>, vector<64x8192xf32>,
    %get3A_360 = arith.constant 0 : index
    %get3A_361 = arith.constant 0 : index
    %get3A_362 = vector.load %arg6[%get3A_360, %get3A_361] : memref<64x8192xf32, #tpu.memory_space<vmem>>, vector<64x8192xf32>
    %reduce_min3A_363 = arith.constant dense<0x7F800000> : vector<64xf32>
    %reduce_min3A_364 = vector.multi_reduction <minimumf>, %get3A_362, %reduce_min3A_363 [1] : vector<64x8192xf32> to vector<64xf32>
    %broadcast_in_dim3A_365 = vector.shape_cast %reduce_min3A_364 : vector<64xf32> to vector<64x1xf32>
    %eq3A_366 = vector.broadcast %broadcast_in_dim3A_365 : vector<64x1xf32> to vector<64x8192xf32>
    %eq3A_367 = arith.cmpf oeq, %get3A_362, %eq3A_366 : vector<64x8192xf32>
    %jit3A_368 = arith.constant 8192 : i32
    %broadcast_in_dim3A_369 = vector.broadcast %jit3A_368 : i32 to vector<64x8192xi32>
    %select_n3A_370 = arith.select %eq3A_367, %iota3A, %broadcast_in_dim3A_369 : vector<64x8192xi1>, vector<64x8192xi32>
    %reduce_min3A_371 = arith.constant dense<2147483647> : vector<64xi32>
    %reduce_min3A_372 = vector.multi_reduction <minsi>, %select_n3A_370, %reduce_min3A_371 [1] : vector<64x8192xi32> to vector<64xi32>
    %broadcast_in_dim3A_373 = vector.shape_cast %reduce_min3A_372 : vector<64xi32> to vector<64x1xi32>
    %add3A_374 = arith.constant 0 : i32
    %add3A_375 = vector.broadcast %add3A_374 : i32 to vector<64x1xi32>
    %add3A_376 = arith.addi %broadcast_in_dim3A_373, %add3A_375 : vector<64x1xi32>
    %min3A_377 = arith.constant 8191 : i32
    %min3A_378 = vector.broadcast %min3A_377 : i32 to vector<64x1xi32>
    %min3A_379 = arith.minsi %add3A_376, %min3A_378 : vector<64x1xi32>
    %eq3A_380 = vector.broadcast %broadcast_in_dim3A_373 : vector<64x1xi32> to vector<64x8192xi32>
    %eq3A_381 = arith.cmpi eq, %iota3A, %eq3A_380 : vector<64x8192xi32>
    %jit3A_382 = arith.constant 0x7F800000 : f32
    %broadcast_in_dim3A_383 = vector.broadcast %jit3A_382 : f32 to vector<64x8192xf32>
    %select_n3A_384 = arith.select %eq3A_381, %broadcast_in_dim3A_383, %get3A_362 : vector<64x8192xi1>, vector<64x8192xf32>
    %swap3A_385 = arith.constant 0 : index
    %swap3A_386 = arith.constant 0 : index
    %swap3A_387 = vector.load %arg6[%swap3A_385, %swap3A_386] : memref<64x8192xf32, #tpu.memory_space<vmem>>, vector<64x8192xf32>
    tpu.vector_store %arg6[%swap3A_385, %swap3A_386], %select_n3A_384 {strides = array<i32>} : memref<64x8192xf32, #tpu.memory_space<vmem>>, vector<64x8192xf32>,
    %get3A_388 = arith.constant 0 : index
    %get3A_389 = arith.constant 0 : index
    %get3A_390 = vector.load %arg6[%get3A_388, %get3A_389] : memref<64x8192xf32, #tpu.memory_space<vmem>>, vector<64x8192xf32>
    %reduce_min3A_391 = arith.constant dense<0x7F800000> : vector<64xf32>
    %reduce_min3A_392 = vector.multi_reduction <minimumf>, %get3A_390, %reduce_min3A_391 [1] : vector<64x8192xf32> to vector<64xf32>
    %broadcast_in_dim3A_393 = vector.shape_cast %reduce_min3A_392 : vector<64xf32> to vector<64x1xf32>
    %eq3A_394 = vector.broadcast %broadcast_in_dim3A_393 : vector<64x1xf32> to vector<64x8192xf32>
    %eq3A_395 = arith.cmpf oeq, %get3A_390, %eq3A_394 : vector<64x8192xf32>
    %jit3A_396 = arith.constant 8192 : i32
    %broadcast_in_dim3A_397 = vector.broadcast %jit3A_396 : i32 to vector<64x8192xi32>
    %select_n3A_398 = arith.select %eq3A_395, %iota3A, %broadcast_in_dim3A_397 : vector<64x8192xi1>, vector<64x8192xi32>
    %reduce_min3A_399 = arith.constant dense<2147483647> : vector<64xi32>
    %reduce_min3A_400 = vector.multi_reduction <minsi>, %select_n3A_398, %reduce_min3A_399 [1] : vector<64x8192xi32> to vector<64xi32>
    %broadcast_in_dim3A_401 = vector.shape_cast %reduce_min3A_400 : vector<64xi32> to vector<64x1xi32>
    %add3A_402 = arith.constant 0 : i32
    %add3A_403 = vector.broadcast %add3A_402 : i32 to vector<64x1xi32>
    %add3A_404 = arith.addi %broadcast_in_dim3A_401, %add3A_403 : vector<64x1xi32>
    %min3A_405 = arith.constant 8191 : i32
    %min3A_406 = vector.broadcast %min3A_405 : i32 to vector<64x1xi32>
    %min3A_407 = arith.minsi %add3A_404, %min3A_406 : vector<64x1xi32>
    %eq3A_408 = vector.broadcast %broadcast_in_dim3A_401 : vector<64x1xi32> to vector<64x8192xi32>
    %eq3A_409 = arith.cmpi eq, %iota3A, %eq3A_408 : vector<64x8192xi32>
    %jit3A_410 = arith.constant 0x7F800000 : f32
    %broadcast_in_dim3A_411 = vector.broadcast %jit3A_410 : f32 to vector<64x8192xf32>
    %select_n3A_412 = arith.select %eq3A_409, %broadcast_in_dim3A_411, %get3A_390 : vector<64x8192xi1>, vector<64x8192xf32>
    %swap3A_413 = arith.constant 0 : index
    %swap3A_414 = arith.constant 0 : index
    %swap3A_415 = vector.load %arg6[%swap3A_413, %swap3A_414] : memref<64x8192xf32, #tpu.memory_space<vmem>>, vector<64x8192xf32>
    tpu.vector_store %arg6[%swap3A_413, %swap3A_414], %select_n3A_412 {strides = array<i32>} : memref<64x8192xf32, #tpu.memory_space<vmem>>, vector<64x8192xf32>,
    %get3A_416 = arith.constant 0 : index
    %get3A_417 = arith.constant 0 : index
    %get3A_418 = vector.load %arg6[%get3A_416, %get3A_417] : memref<64x8192xf32, #tpu.memory_space<vmem>>, vector<64x8192xf32>
    %reduce_min3A_419 = arith.constant dense<0x7F800000> : vector<64xf32>
    %reduce_min3A_420 = vector.multi_reduction <minimumf>, %get3A_418, %reduce_min3A_419 [1] : vector<64x8192xf32> to vector<64xf32>
    %broadcast_in_dim3A_421 = vector.shape_cast %reduce_min3A_420 : vector<64xf32> to vector<64x1xf32>
    %eq3A_422 = vector.broadcast %broadcast_in_dim3A_421 : vector<64x1xf32> to vector<64x8192xf32>
    %eq3A_423 = arith.cmpf oeq, %get3A_418, %eq3A_422 : vector<64x8192xf32>
    %jit3A_424 = arith.constant 8192 : i32
    %broadcast_in_dim3A_425 = vector.broadcast %jit3A_424 : i32 to vector<64x8192xi32>
    %select_n3A_426 = arith.select %eq3A_423, %iota3A, %broadcast_in_dim3A_425 : vector<64x8192xi1>, vector<64x8192xi32>
    %reduce_min3A_427 = arith.constant dense<2147483647> : vector<64xi32>
    %reduce_min3A_428 = vector.multi_reduction <minsi>, %select_n3A_426, %reduce_min3A_427 [1] : vector<64x8192xi32> to vector<64xi32>
    %broadcast_in_dim3A_429 = vector.shape_cast %reduce_min3A_428 : vector<64xi32> to vector<64x1xi32>
    %add3A_430 = arith.constant 0 : i32
    %add3A_431 = vector.broadcast %add3A_430 : i32 to vector<64x1xi32>
    %add3A_432 = arith.addi %broadcast_in_dim3A_429, %add3A_431 : vector<64x1xi32>
    %min3A_433 = arith.constant 8191 : i32
    %min3A_434 = vector.broadcast %min3A_433 : i32 to vector<64x1xi32>
    %min3A_435 = arith.minsi %add3A_432, %min3A_434 : vector<64x1xi32>
    %eq3A_436 = vector.broadcast %broadcast_in_dim3A_429 : vector<64x1xi32> to vector<64x8192xi32>
    %eq3A_437 = arith.cmpi eq, %iota3A, %eq3A_436 : vector<64x8192xi32>
    %jit3A_438 = arith.constant 0x7F800000 : f32
    %broadcast_in_dim3A_439 = vector.broadcast %jit3A_438 : f32 to vector<64x8192xf32>
    %select_n3A_440 = arith.select %eq3A_437, %broadcast_in_dim3A_439, %get3A_418 : vector<64x8192xi1>, vector<64x8192xf32>
    %swap3A_441 = arith.constant 0 : index
    %swap3A_442 = arith.constant 0 : index
    %swap3A_443 = vector.load %arg6[%swap3A_441, %swap3A_442] : memref<64x8192xf32, #tpu.memory_space<vmem>>, vector<64x8192xf32>
    tpu.vector_store %arg6[%swap3A_441, %swap3A_442], %select_n3A_440 {strides = array<i32>} : memref<64x8192xf32, #tpu.memory_space<vmem>>, vector<64x8192xf32>,
    %get3A_444 = arith.constant 0 : index
    %get3A_445 = arith.constant 0 : index
    %get3A_446 = vector.load %arg6[%get3A_444, %get3A_445] : memref<64x8192xf32, #tpu.memory_space<vmem>>, vector<64x8192xf32>
    %reduce_min3A_447 = arith.constant dense<0x7F800000> : vector<64xf32>
    %reduce_min3A_448 = vector.multi_reduction <minimumf>, %get3A_446, %reduce_min3A_447 [1] : vector<64x8192xf32> to vector<64xf32>
    %broadcast_in_dim3A_449 = vector.shape_cast %reduce_min3A_448 : vector<64xf32> to vector<64x1xf32>
    %eq3A_450 = vector.broadcast %broadcast_in_dim3A_449 : vector<64x1xf32> to vector<64x8192xf32>
    %eq3A_451 = arith.cmpf oeq, %get3A_446, %eq3A_450 : vector<64x8192xf32>
    %jit3A_452 = arith.constant 8192 : i32
    %broadcast_in_dim3A_453 = vector.broadcast %jit3A_452 : i32 to vector<64x8192xi32>
    %select_n3A_454 = arith.select %eq3A_451, %iota3A, %broadcast_in_dim3A_453 : vector<64x8192xi1>, vector<64x8192xi32>
    %reduce_min3A_455 = arith.constant dense<2147483647> : vector<64xi32>
    %reduce_min3A_456 = vector.multi_reduction <minsi>, %select_n3A_454, %reduce_min3A_455 [1] : vector<64x8192xi32> to vector<64xi32>
    %broadcast_in_dim3A_457 = vector.shape_cast %reduce_min3A_456 : vector<64xi32> to vector<64x1xi32>
    %add3A_458 = arith.constant 0 : i32
    %add3A_459 = vector.broadcast %add3A_458 : i32 to vector<64x1xi32>
    %add3A_460 = arith.addi %broadcast_in_dim3A_457, %add3A_459 : vector<64x1xi32>
    %min3A_461 = arith.constant 8191 : i32
    %min3A_462 = vector.broadcast %min3A_461 : i32 to vector<64x1xi32>
    %min3A_463 = arith.minsi %add3A_460, %min3A_462 : vector<64x1xi32>
    %eq3A_464 = vector.broadcast %broadcast_in_dim3A_457 : vector<64x1xi32> to vector<64x8192xi32>
    %eq3A_465 = arith.cmpi eq, %iota3A, %eq3A_464 : vector<64x8192xi32>
    %jit3A_466 = arith.constant 0x7F800000 : f32
    %broadcast_in_dim3A_467 = vector.broadcast %jit3A_466 : f32 to vector<64x8192xf32>
    %select_n3A_468 = arith.select %eq3A_465, %broadcast_in_dim3A_467, %get3A_446 : vector<64x8192xi1>, vector<64x8192xf32>
    %swap3A_469 = arith.constant 0 : index
    %swap3A_470 = arith.constant 0 : index
    %swap3A_471 = vector.load %arg6[%swap3A_469, %swap3A_470] : memref<64x8192xf32, #tpu.memory_space<vmem>>, vector<64x8192xf32>
    tpu.vector_store %arg6[%swap3A_469, %swap3A_470], %select_n3A_468 {strides = array<i32>} : memref<64x8192xf32, #tpu.memory_space<vmem>>, vector<64x8192xf32>,
    %get3A_472 = arith.constant 0 : index
    %get3A_473 = arith.constant 0 : index
    %get3A_474 = vector.load %arg6[%get3A_472, %get3A_473] : memref<64x8192xf32, #tpu.memory_space<vmem>>, vector<64x8192xf32>
    %reduce_min3A_475 = arith.constant dense<0x7F800000> : vector<64xf32>
    %reduce_min3A_476 = vector.multi_reduction <minimumf>, %get3A_474, %reduce_min3A_475 [1] : vector<64x8192xf32> to vector<64xf32>
    %broadcast_in_dim3A_477 = vector.shape_cast %reduce_min3A_476 : vector<64xf32> to vector<64x1xf32>
    %eq3A_478 = vector.broadcast %broadcast_in_dim3A_477 : vector<64x1xf32> to vector<64x8192xf32>
    %eq3A_479 = arith.cmpf oeq, %get3A_474, %eq3A_478 : vector<64x8192xf32>
    %jit3A_480 = arith.constant 8192 : i32
    %broadcast_in_dim3A_481 = vector.broadcast %jit3A_480 : i32 to vector<64x8192xi32>
    %select_n3A_482 = arith.select %eq3A_479, %iota3A, %broadcast_in_dim3A_481 : vector<64x8192xi1>, vector<64x8192xi32>
    %reduce_min3A_483 = arith.constant dense<2147483647> : vector<64xi32>
    %reduce_min3A_484 = vector.multi_reduction <minsi>, %select_n3A_482, %reduce_min3A_483 [1] : vector<64x8192xi32> to vector<64xi32>
    %broadcast_in_dim3A_485 = vector.shape_cast %reduce_min3A_484 : vector<64xi32> to vector<64x1xi32>
    %add3A_486 = arith.constant 0 : i32
    %add3A_487 = vector.broadcast %add3A_486 : i32 to vector<64x1xi32>
    %add3A_488 = arith.addi %broadcast_in_dim3A_485, %add3A_487 : vector<64x1xi32>
    %min3A_489 = arith.constant 8191 : i32
    %min3A_490 = vector.broadcast %min3A_489 : i32 to vector<64x1xi32>
    %min3A_491 = arith.minsi %add3A_488, %min3A_490 : vector<64x1xi32>
    %eq3A_492 = vector.broadcast %broadcast_in_dim3A_485 : vector<64x1xi32> to vector<64x8192xi32>
    %eq3A_493 = arith.cmpi eq, %iota3A, %eq3A_492 : vector<64x8192xi32>
    %jit3A_494 = arith.constant 0x7F800000 : f32
    %broadcast_in_dim3A_495 = vector.broadcast %jit3A_494 : f32 to vector<64x8192xf32>
    %select_n3A_496 = arith.select %eq3A_493, %broadcast_in_dim3A_495, %get3A_474 : vector<64x8192xi1>, vector<64x8192xf32>
    %swap3A_497 = arith.constant 0 : index
    %swap3A_498 = arith.constant 0 : index
    %swap3A_499 = vector.load %arg6[%swap3A_497, %swap3A_498] : memref<64x8192xf32, #tpu.memory_space<vmem>>, vector<64x8192xf32>
    tpu.vector_store %arg6[%swap3A_497, %swap3A_498], %select_n3A_496 {strides = array<i32>} : memref<64x8192xf32, #tpu.memory_space<vmem>>, vector<64x8192xf32>,
    %get3A_500 = arith.constant 0 : index
    %get3A_501 = arith.constant 0 : index
    %get3A_502 = vector.load %arg6[%get3A_500, %get3A_501] : memref<64x8192xf32, #tpu.memory_space<vmem>>, vector<64x8192xf32>
    %reduce_min3A_503 = arith.constant dense<0x7F800000> : vector<64xf32>
    %reduce_min3A_504 = vector.multi_reduction <minimumf>, %get3A_502, %reduce_min3A_503 [1] : vector<64x8192xf32> to vector<64xf32>
    %broadcast_in_dim3A_505 = vector.shape_cast %reduce_min3A_504 : vector<64xf32> to vector<64x1xf32>
    %eq3A_506 = vector.broadcast %broadcast_in_dim3A_505 : vector<64x1xf32> to vector<64x8192xf32>
    %eq3A_507 = arith.cmpf oeq, %get3A_502, %eq3A_506 : vector<64x8192xf32>
    %jit3A_508 = arith.constant 8192 : i32
    %broadcast_in_dim3A_509 = vector.broadcast %jit3A_508 : i32 to vector<64x8192xi32>
    %select_n3A_510 = arith.select %eq3A_507, %iota3A, %broadcast_in_dim3A_509 : vector<64x8192xi1>, vector<64x8192xi32>
    %reduce_min3A_511 = arith.constant dense<2147483647> : vector<64xi32>
    %reduce_min3A_512 = vector.multi_reduction <minsi>, %select_n3A_510, %reduce_min3A_511 [1] : vector<64x8192xi32> to vector<64xi32>
    %broadcast_in_dim3A_513 = vector.shape_cast %reduce_min3A_512 : vector<64xi32> to vector<64x1xi32>
    %add3A_514 = arith.constant 0 : i32
    %add3A_515 = vector.broadcast %add3A_514 : i32 to vector<64x1xi32>
    %add3A_516 = arith.addi %broadcast_in_dim3A_513, %add3A_515 : vector<64x1xi32>
    %min3A_517 = arith.constant 8191 : i32
    %min3A_518 = vector.broadcast %min3A_517 : i32 to vector<64x1xi32>
    %min3A_519 = arith.minsi %add3A_516, %min3A_518 : vector<64x1xi32>
    %eq3A_520 = vector.broadcast %broadcast_in_dim3A_513 : vector<64x1xi32> to vector<64x8192xi32>
    %eq3A_521 = arith.cmpi eq, %iota3A, %eq3A_520 : vector<64x8192xi32>
    %jit3A_522 = arith.constant 0x7F800000 : f32
    %broadcast_in_dim3A_523 = vector.broadcast %jit3A_522 : f32 to vector<64x8192xf32>
    %select_n3A_524 = arith.select %eq3A_521, %broadcast_in_dim3A_523, %get3A_502 : vector<64x8192xi1>, vector<64x8192xf32>
    %swap3A_525 = arith.constant 0 : index
    %swap3A_526 = arith.constant 0 : index
    %swap3A_527 = vector.load %arg6[%swap3A_525, %swap3A_526] : memref<64x8192xf32, #tpu.memory_space<vmem>>, vector<64x8192xf32>
    tpu.vector_store %arg6[%swap3A_525, %swap3A_526], %select_n3A_524 {strides = array<i32>} : memref<64x8192xf32, #tpu.memory_space<vmem>>, vector<64x8192xf32>,
    %get3A_528 = arith.constant 0 : index
    %get3A_529 = arith.constant 0 : index
    %get3A_530 = vector.load %arg6[%get3A_528, %get3A_529] : memref<64x8192xf32, #tpu.memory_space<vmem>>, vector<64x8192xf32>
    %reduce_min3A_531 = arith.constant dense<0x7F800000> : vector<64xf32>
    %reduce_min3A_532 = vector.multi_reduction <minimumf>, %get3A_530, %reduce_min3A_531 [1] : vector<64x8192xf32> to vector<64xf32>
    %broadcast_in_dim3A_533 = vector.shape_cast %reduce_min3A_532 : vector<64xf32> to vector<64x1xf32>
    %eq3A_534 = vector.broadcast %broadcast_in_dim3A_533 : vector<64x1xf32> to vector<64x8192xf32>
    %eq3A_535 = arith.cmpf oeq, %get3A_530, %eq3A_534 : vector<64x8192xf32>
    %jit3A_536 = arith.constant 8192 : i32
    %broadcast_in_dim3A_537 = vector.broadcast %jit3A_536 : i32 to vector<64x8192xi32>
    %select_n3A_538 = arith.select %eq3A_535, %iota3A, %broadcast_in_dim3A_537 : vector<64x8192xi1>, vector<64x8192xi32>
    %reduce_min3A_539 = arith.constant dense<2147483647> : vector<64xi32>
    %reduce_min3A_540 = vector.multi_reduction <minsi>, %select_n3A_538, %reduce_min3A_539 [1] : vector<64x8192xi32> to vector<64xi32>
    %broadcast_in_dim3A_541 = vector.shape_cast %reduce_min3A_540 : vector<64xi32> to vector<64x1xi32>
    %add3A_542 = arith.constant 0 : i32
    %add3A_543 = vector.broadcast %add3A_542 : i32 to vector<64x1xi32>
    %add3A_544 = arith.addi %broadcast_in_dim3A_541, %add3A_543 : vector<64x1xi32>
    %min3A_545 = arith.constant 8191 : i32
    %min3A_546 = vector.broadcast %min3A_545 : i32 to vector<64x1xi32>
    %min3A_547 = arith.minsi %add3A_544, %min3A_546 : vector<64x1xi32>
    %eq3A_548 = vector.broadcast %broadcast_in_dim3A_541 : vector<64x1xi32> to vector<64x8192xi32>
    %eq3A_549 = arith.cmpi eq, %iota3A, %eq3A_548 : vector<64x8192xi32>
    %jit3A_550 = arith.constant 0x7F800000 : f32
    %broadcast_in_dim3A_551 = vector.broadcast %jit3A_550 : f32 to vector<64x8192xf32>
    %select_n3A_552 = arith.select %eq3A_549, %broadcast_in_dim3A_551, %get3A_530 : vector<64x8192xi1>, vector<64x8192xf32>
    %swap3A_553 = arith.constant 0 : index
    %swap3A_554 = arith.constant 0 : index
    %swap3A_555 = vector.load %arg6[%swap3A_553, %swap3A_554] : memref<64x8192xf32, #tpu.memory_space<vmem>>, vector<64x8192xf32>
    tpu.vector_store %arg6[%swap3A_553, %swap3A_554], %select_n3A_552 {strides = array<i32>} : memref<64x8192xf32, #tpu.memory_space<vmem>>, vector<64x8192xf32>,
    %get3A_556 = arith.constant 0 : index
    %get3A_557 = arith.constant 0 : index
    %get3A_558 = vector.load %arg6[%get3A_556, %get3A_557] : memref<64x8192xf32, #tpu.memory_space<vmem>>, vector<64x8192xf32>
    %reduce_min3A_559 = arith.constant dense<0x7F800000> : vector<64xf32>
    %reduce_min3A_560 = vector.multi_reduction <minimumf>, %get3A_558, %reduce_min3A_559 [1] : vector<64x8192xf32> to vector<64xf32>
    %broadcast_in_dim3A_561 = vector.shape_cast %reduce_min3A_560 : vector<64xf32> to vector<64x1xf32>
    %eq3A_562 = vector.broadcast %broadcast_in_dim3A_561 : vector<64x1xf32> to vector<64x8192xf32>
    %eq3A_563 = arith.cmpf oeq, %get3A_558, %eq3A_562 : vector<64x8192xf32>
    %jit3A_564 = arith.constant 8192 : i32
    %broadcast_in_dim3A_565 = vector.broadcast %jit3A_564 : i32 to vector<64x8192xi32>
    %select_n3A_566 = arith.select %eq3A_563, %iota3A, %broadcast_in_dim3A_565 : vector<64x8192xi1>, vector<64x8192xi32>
    %reduce_min3A_567 = arith.constant dense<2147483647> : vector<64xi32>
    %reduce_min3A_568 = vector.multi_reduction <minsi>, %select_n3A_566, %reduce_min3A_567 [1] : vector<64x8192xi32> to vector<64xi32>
    %broadcast_in_dim3A_569 = vector.shape_cast %reduce_min3A_568 : vector<64xi32> to vector<64x1xi32>
    %add3A_570 = arith.constant 0 : i32
    %add3A_571 = vector.broadcast %add3A_570 : i32 to vector<64x1xi32>
    %add3A_572 = arith.addi %broadcast_in_dim3A_569, %add3A_571 : vector<64x1xi32>
    %min3A_573 = arith.constant 8191 : i32
    %min3A_574 = vector.broadcast %min3A_573 : i32 to vector<64x1xi32>
    %min3A_575 = arith.minsi %add3A_572, %min3A_574 : vector<64x1xi32>
    %eq3A_576 = vector.broadcast %broadcast_in_dim3A_569 : vector<64x1xi32> to vector<64x8192xi32>
    %eq3A_577 = arith.cmpi eq, %iota3A, %eq3A_576 : vector<64x8192xi32>
    %jit3A_578 = arith.constant 0x7F800000 : f32
    %broadcast_in_dim3A_579 = vector.broadcast %jit3A_578 : f32 to vector<64x8192xf32>
    %select_n3A_580 = arith.select %eq3A_577, %broadcast_in_dim3A_579, %get3A_558 : vector<64x8192xi1>, vector<64x8192xf32>
    %swap3A_581 = arith.constant 0 : index
    %swap3A_582 = arith.constant 0 : index
    %swap3A_583 = vector.load %arg6[%swap3A_581, %swap3A_582] : memref<64x8192xf32, #tpu.memory_space<vmem>>, vector<64x8192xf32>
    tpu.vector_store %arg6[%swap3A_581, %swap3A_582], %select_n3A_580 {strides = array<i32>} : memref<64x8192xf32, #tpu.memory_space<vmem>>, vector<64x8192xf32>,
    %concatenate3A = tpu.concatenate %min3A_43, %min3A_71, %min3A_99, %min3A_127, %min3A_155, %min3A_183, %min3A_211, %min3A_239, %min3A_267, %min3A_295, %min3A_323, %min3A_351, %min3A_379, %min3A_407, %min3A_435, %min3A_463, %min3A_491, %min3A_519, %min3A_547, %min3A_575 in 1 : vector<64x1xi32>, vector<64x1xi32>, vector<64x1xi32>, vector<64x1xi32>, vector<64x1xi32>, vector<64x1xi32>, vector<64x1xi32>, vector<64x1xi32>, vector<64x1xi32>, vector<64x1xi32>, vector<64x1xi32>, vector<64x1xi32>, vector<64x1xi32>, vector<64x1xi32>, vector<64x1xi32>, vector<64x1xi32>, vector<64x1xi32>, vector<64x1xi32>, vector<64x1xi32>, vector<64x1xi32> -> vector<64x20xi32>
    %swap3A_584 = arith.constant 0 : index
    %swap3A_585 = arith.constant 0 : index
    %swap3A_586 = vector.load %arg5[%swap3A_584, %swap3A_585] : memref<64x20xi32, #tpu.memory_space<vmem>>, vector<64x20xi32>
    tpu.vector_store %arg5[%swap3A_584, %swap3A_585], %concatenate3A {strides = array<i32>} : memref<64x20xi32, #tpu.memory_space<vmem>>, vector<64x20xi32>,
    return
  }
  func.func @transform_0(%arg0: i32) -> (i32, i32) {
    %c0_i32 = arith.constant 0 : i32
    %c0_i32_0 = arith.constant 0 : i32
    return %arg0, %c0_i32 : i32, i32
  }
  func.func @transform_1(%arg0: i32) -> (i32, i32) {
    %c0_i32 = arith.constant 0 : i32
    %c0_i32_0 = arith.constant 0 : i32
    %c0_i32_1 = arith.constant 0 : i32
    return %c0_i32, %c0_i32_0 : i32, i32
  }
  func.func @transform_2(%arg0: i32) -> (i32, i32) {
    %c0_i32 = arith.constant 0 : i32
    %c0_i32_0 = arith.constant 0 : i32
    return %arg0, %c0_i32 : i32, i32
  }
  func.func @transform_3(%arg0: i32) -> (i32, i32) {
    %c0_i32 = arith.constant 0 : i32
    %c0_i32_0 = arith.constant 0 : i32
    %c0_i32_1 = arith.constant 0 : i32
    return %c0_i32, %c0_i32_0 : i32, i32
  }
  func.func @transform_4(%arg0: i32) -> (i32, i32) {
    %c0_i32 = arith.constant 0 : i32
    %c0_i32_0 = arith.constant 0 : i32
    return %arg0, %c0_i32 : i32, i32
  }
}

module attributes {stable_mosaic.version = 14 : i64} {
  func.func @_knn_pad_body(%arg0: i32, %arg1: memref<640x8xf32, #tpu.memory_space<vmem>>, %arg2: memref<1x8x1280xf32, #tpu.memory_space<vmem>>, %arg3: memref<640x1xi32, #tpu.memory_space<vmem>>, %arg4: memref<1x1x1280xi32, #tpu.memory_space<vmem>>, %arg5: memref<1x1x1xi32, #tpu.memory_space<vmem>>, %arg6: memref<640x20xi32, #tpu.memory_space<vmem>>, %arg7: memref<640x1280xf32, #tpu.memory_space<vmem>>) attributes {dimension_semantics = [#tpu.dimension_semantics<arbitrary>], iteration_bounds = array<i64: 16>, scalar_prefetch = 0 : i64, scratch_operands = 1 : i64, tpu.core_type = #tpu.core_type<tc>, window_params = [{transform_indices = @transform_0, window_bounds = array<i64: 640, 8>}, {transform_indices = @transform_1, window_bounds = array<i64: 1, 8, 1280>}, {transform_indices = @transform_2, window_bounds = array<i64: 640, 1>}, {transform_indices = @transform_3, window_bounds = array<i64: 1, 1, 1280>}, {transform_indices = @transform_4, window_bounds = array<i64: 1, 1, 1>}, {transform_indices = @transform_5, window_bounds = array<i64: 640, 20>}]} {
    %get3A = arith.constant 0 : index
    %get3A_0 = arith.constant 0 : index
    %get3A_1 = vector.load %arg1[%get3A, %get3A_0] : memref<640x8xf32, #tpu.memory_space<vmem>>, vector<640x8xf32>
    %mul3A = arith.mulf %get3A_1, %get3A_1 : vector<640x8xf32>
    %reduce_sum3A = arith.constant dense<0.000000e+00> : vector<640xf32>
    %reduce_sum3A_2 = vector.multi_reduction <add>, %mul3A, %reduce_sum3A [1] : vector<640x8xf32> to vector<640xf32>
    %broadcast_in_dim3A = vector.shape_cast %reduce_sum3A_2 : vector<640xf32> to vector<640x1xf32>
    %get3A_3 = arith.constant 0 : index
    %get3A_4 = arith.constant 0 : index
    %get3A_5 = arith.constant 0 : index
    %get3A_6 = vector.load %arg2[%get3A_3, %get3A_4, %get3A_5] : memref<1x8x1280xf32, #tpu.memory_space<vmem>>, vector<1x8x1280xf32>
    %get3A_7 = vector.shape_cast %get3A_6 : vector<1x8x1280xf32> to vector<8x1280xf32>
    %mul3A_8 = arith.mulf %get3A_7, %get3A_7 : vector<8x1280xf32>
    %reduce_sum3A_9 = arith.constant dense<0.000000e+00> : vector<1280xf32>
    %reduce_sum3A_10 = vector.multi_reduction <add>, %mul3A_8, %reduce_sum3A_9 [0] : vector<8x1280xf32> to vector<1280xf32>
    %broadcast_in_dim3A_11 = vector.shape_cast %reduce_sum3A_10 : vector<1280xf32> to vector<1x1280xf32>
    %add3A = vector.broadcast %broadcast_in_dim3A : vector<640x1xf32> to vector<640x1280xf32>
    %add3A_12 = vector.broadcast %broadcast_in_dim3A_11 : vector<1x1280xf32> to vector<640x1280xf32>
    %add3A_13 = arith.addf %add3A, %add3A_12 : vector<640x1280xf32>
    %dot_general3A = arith.constant dense<0.000000e+00> : vector<640x1280xf32>
    %dot_general3A_14 = tpu.matmul %get3A_1, %get3A_7, %dot_general3A {dimension_numbers = #tpu.dot_dimension_numbers<[1], [0], [0], [1], [0, 0, 1, 1], [], []>, transpose_lhs_hint = false} : vector<640x8xf32>, vector<8x1280xf32>, vector<640x1280xf32> -> vector<640x1280xf32>
    %mul3A_15 = arith.constant 2.000000e+00 : f32
    %mul3A_16 = vector.broadcast %mul3A_15 : f32 to vector<640x1280xf32>
    %mul3A_17 = arith.mulf %mul3A_16, %dot_general3A_14 : vector<640x1280xf32>
    %sub3A = arith.subf %add3A_13, %mul3A_17 : vector<640x1280xf32>
    %get3A_18 = arith.constant 0 : index
    %get3A_19 = arith.constant 0 : index
    %get3A_20 = vector.load %arg3[%get3A_18, %get3A_19] : memref<640x1xi32, #tpu.memory_space<vmem>>, vector<640x1xi32>
    %get3A_21 = arith.constant 0 : index
    %get3A_22 = arith.constant 0 : index
    %get3A_23 = arith.constant 0 : index
    %get3A_24 = vector.load %arg4[%get3A_21, %get3A_22, %get3A_23] : memref<1x1x1280xi32, #tpu.memory_space<vmem>>, vector<1x1x1280xi32>
    %get3A_25 = vector.shape_cast %get3A_24 : vector<1x1x1280xi32> to vector<1x1280xi32>
    %ne3A = vector.broadcast %get3A_20 : vector<640x1xi32> to vector<640x1280xi32>
    %ne3A_26 = vector.broadcast %get3A_25 : vector<1x1280xi32> to vector<640x1280xi32>
    %ne3A_27 = arith.cmpi ne, %ne3A, %ne3A_26 : vector<640x1280xi32>
    %jit3A = arith.constant 9.99999993E+36 : f32
    %broadcast_in_dim3A_28 = vector.broadcast %jit3A : f32 to vector<640x1280xf32>
    %select_n3A = arith.select %ne3A_27, %broadcast_in_dim3A_28, %sub3A : vector<640x1280xi1>, vector<640x1280xf32>
    %swap3A = arith.constant 0 : index
    %swap3A_29 = arith.constant 0 : index
    %swap3A_30 = vector.load %arg7[%swap3A, %swap3A_29] : memref<640x1280xf32, #tpu.memory_space<vmem>>, vector<640x1280xf32>
    tpu.vector_store %arg7[%swap3A, %swap3A_29], %select_n3A {strides = array<i32>} : memref<640x1280xf32, #tpu.memory_space<vmem>>, vector<640x1280xf32>,
    %get3A_31 = arith.constant 0 : index
    %get3A_32 = arith.constant 0 : index
    %get3A_33 = arith.constant 0 : index
    %get3A_34 = vector.load %arg5[%get3A_31, %get3A_32, %get3A_33] : memref<1x1x1xi32, #tpu.memory_space<vmem>>, vector<1x1x1xi32>
    %get3A_35 = vector.extract %get3A_34[0, 0, 0] : i32 from vector<1x1x1xi32>
    %iota3A = tpu.iota {dimensions = array<i32: 1>} : vector<640x1280xi32>
    %get3A_36 = arith.constant 0 : index
    %get3A_37 = arith.constant 0 : index
    %get3A_38 = vector.load %arg7[%get3A_36, %get3A_37] : memref<640x1280xf32, #tpu.memory_space<vmem>>, vector<640x1280xf32>
    %reduce_min3A = arith.constant dense<0x7F800000> : vector<640xf32>
    %reduce_min3A_39 = vector.multi_reduction <minimumf>, %get3A_38, %reduce_min3A [1] : vector<640x1280xf32> to vector<640xf32>
    %broadcast_in_dim3A_40 = vector.shape_cast %reduce_min3A_39 : vector<640xf32> to vector<640x1xf32>
    %eq3A = vector.broadcast %broadcast_in_dim3A_40 : vector<640x1xf32> to vector<640x1280xf32>
    %eq3A_41 = arith.cmpf oeq, %get3A_38, %eq3A : vector<640x1280xf32>
    %jit3A_42 = arith.constant 8192 : i32
    %broadcast_in_dim3A_43 = vector.broadcast %jit3A_42 : i32 to vector<640x1280xi32>
    %select_n3A_44 = arith.select %eq3A_41, %iota3A, %broadcast_in_dim3A_43 : vector<640x1280xi1>, vector<640x1280xi32>
    %reduce_min3A_45 = arith.constant dense<2147483647> : vector<640xi32>
    %reduce_min3A_46 = vector.multi_reduction <minsi>, %select_n3A_44, %reduce_min3A_45 [1] : vector<640x1280xi32> to vector<640xi32>
    %broadcast_in_dim3A_47 = vector.shape_cast %reduce_min3A_46 : vector<640xi32> to vector<640x1xi32>
    %add3A_48 = vector.broadcast %get3A_35 : i32 to vector<640x1xi32>
    %add3A_49 = arith.addi %broadcast_in_dim3A_47, %add3A_48 : vector<640x1xi32>
    %min3A = arith.constant 8191 : i32
    %min3A_50 = vector.broadcast %min3A : i32 to vector<640x1xi32>
    %min3A_51 = arith.minsi %add3A_49, %min3A_50 : vector<640x1xi32>
    %eq3A_52 = vector.broadcast %broadcast_in_dim3A_47 : vector<640x1xi32> to vector<640x1280xi32>
    %eq3A_53 = arith.cmpi eq, %iota3A, %eq3A_52 : vector<640x1280xi32>
    %jit3A_54 = arith.constant 0x7F800000 : f32
    %broadcast_in_dim3A_55 = vector.broadcast %jit3A_54 : f32 to vector<640x1280xf32>
    %select_n3A_56 = arith.select %eq3A_53, %broadcast_in_dim3A_55, %get3A_38 : vector<640x1280xi1>, vector<640x1280xf32>
    %swap3A_57 = arith.constant 0 : index
    %swap3A_58 = arith.constant 0 : index
    %swap3A_59 = vector.load %arg7[%swap3A_57, %swap3A_58] : memref<640x1280xf32, #tpu.memory_space<vmem>>, vector<640x1280xf32>
    tpu.vector_store %arg7[%swap3A_57, %swap3A_58], %select_n3A_56 {strides = array<i32>} : memref<640x1280xf32, #tpu.memory_space<vmem>>, vector<640x1280xf32>,
    %get3A_60 = arith.constant 0 : index
    %get3A_61 = arith.constant 0 : index
    %get3A_62 = vector.load %arg7[%get3A_60, %get3A_61] : memref<640x1280xf32, #tpu.memory_space<vmem>>, vector<640x1280xf32>
    %reduce_min3A_63 = arith.constant dense<0x7F800000> : vector<640xf32>
    %reduce_min3A_64 = vector.multi_reduction <minimumf>, %get3A_62, %reduce_min3A_63 [1] : vector<640x1280xf32> to vector<640xf32>
    %broadcast_in_dim3A_65 = vector.shape_cast %reduce_min3A_64 : vector<640xf32> to vector<640x1xf32>
    %eq3A_66 = vector.broadcast %broadcast_in_dim3A_65 : vector<640x1xf32> to vector<640x1280xf32>
    %eq3A_67 = arith.cmpf oeq, %get3A_62, %eq3A_66 : vector<640x1280xf32>
    %jit3A_68 = arith.constant 8192 : i32
    %broadcast_in_dim3A_69 = vector.broadcast %jit3A_68 : i32 to vector<640x1280xi32>
    %select_n3A_70 = arith.select %eq3A_67, %iota3A, %broadcast_in_dim3A_69 : vector<640x1280xi1>, vector<640x1280xi32>
    %reduce_min3A_71 = arith.constant dense<2147483647> : vector<640xi32>
    %reduce_min3A_72 = vector.multi_reduction <minsi>, %select_n3A_70, %reduce_min3A_71 [1] : vector<640x1280xi32> to vector<640xi32>
    %broadcast_in_dim3A_73 = vector.shape_cast %reduce_min3A_72 : vector<640xi32> to vector<640x1xi32>
    %add3A_74 = vector.broadcast %get3A_35 : i32 to vector<640x1xi32>
    %add3A_75 = arith.addi %broadcast_in_dim3A_73, %add3A_74 : vector<640x1xi32>
    %min3A_76 = arith.constant 8191 : i32
    %min3A_77 = vector.broadcast %min3A_76 : i32 to vector<640x1xi32>
    %min3A_78 = arith.minsi %add3A_75, %min3A_77 : vector<640x1xi32>
    %eq3A_79 = vector.broadcast %broadcast_in_dim3A_73 : vector<640x1xi32> to vector<640x1280xi32>
    %eq3A_80 = arith.cmpi eq, %iota3A, %eq3A_79 : vector<640x1280xi32>
    %jit3A_81 = arith.constant 0x7F800000 : f32
    %broadcast_in_dim3A_82 = vector.broadcast %jit3A_81 : f32 to vector<640x1280xf32>
    %select_n3A_83 = arith.select %eq3A_80, %broadcast_in_dim3A_82, %get3A_62 : vector<640x1280xi1>, vector<640x1280xf32>
    %swap3A_84 = arith.constant 0 : index
    %swap3A_85 = arith.constant 0 : index
    %swap3A_86 = vector.load %arg7[%swap3A_84, %swap3A_85] : memref<640x1280xf32, #tpu.memory_space<vmem>>, vector<640x1280xf32>
    tpu.vector_store %arg7[%swap3A_84, %swap3A_85], %select_n3A_83 {strides = array<i32>} : memref<640x1280xf32, #tpu.memory_space<vmem>>, vector<640x1280xf32>,
    %get3A_87 = arith.constant 0 : index
    %get3A_88 = arith.constant 0 : index
    %get3A_89 = vector.load %arg7[%get3A_87, %get3A_88] : memref<640x1280xf32, #tpu.memory_space<vmem>>, vector<640x1280xf32>
    %reduce_min3A_90 = arith.constant dense<0x7F800000> : vector<640xf32>
    %reduce_min3A_91 = vector.multi_reduction <minimumf>, %get3A_89, %reduce_min3A_90 [1] : vector<640x1280xf32> to vector<640xf32>
    %broadcast_in_dim3A_92 = vector.shape_cast %reduce_min3A_91 : vector<640xf32> to vector<640x1xf32>
    %eq3A_93 = vector.broadcast %broadcast_in_dim3A_92 : vector<640x1xf32> to vector<640x1280xf32>
    %eq3A_94 = arith.cmpf oeq, %get3A_89, %eq3A_93 : vector<640x1280xf32>
    %jit3A_95 = arith.constant 8192 : i32
    %broadcast_in_dim3A_96 = vector.broadcast %jit3A_95 : i32 to vector<640x1280xi32>
    %select_n3A_97 = arith.select %eq3A_94, %iota3A, %broadcast_in_dim3A_96 : vector<640x1280xi1>, vector<640x1280xi32>
    %reduce_min3A_98 = arith.constant dense<2147483647> : vector<640xi32>
    %reduce_min3A_99 = vector.multi_reduction <minsi>, %select_n3A_97, %reduce_min3A_98 [1] : vector<640x1280xi32> to vector<640xi32>
    %broadcast_in_dim3A_100 = vector.shape_cast %reduce_min3A_99 : vector<640xi32> to vector<640x1xi32>
    %add3A_101 = vector.broadcast %get3A_35 : i32 to vector<640x1xi32>
    %add3A_102 = arith.addi %broadcast_in_dim3A_100, %add3A_101 : vector<640x1xi32>
    %min3A_103 = arith.constant 8191 : i32
    %min3A_104 = vector.broadcast %min3A_103 : i32 to vector<640x1xi32>
    %min3A_105 = arith.minsi %add3A_102, %min3A_104 : vector<640x1xi32>
    %eq3A_106 = vector.broadcast %broadcast_in_dim3A_100 : vector<640x1xi32> to vector<640x1280xi32>
    %eq3A_107 = arith.cmpi eq, %iota3A, %eq3A_106 : vector<640x1280xi32>
    %jit3A_108 = arith.constant 0x7F800000 : f32
    %broadcast_in_dim3A_109 = vector.broadcast %jit3A_108 : f32 to vector<640x1280xf32>
    %select_n3A_110 = arith.select %eq3A_107, %broadcast_in_dim3A_109, %get3A_89 : vector<640x1280xi1>, vector<640x1280xf32>
    %swap3A_111 = arith.constant 0 : index
    %swap3A_112 = arith.constant 0 : index
    %swap3A_113 = vector.load %arg7[%swap3A_111, %swap3A_112] : memref<640x1280xf32, #tpu.memory_space<vmem>>, vector<640x1280xf32>
    tpu.vector_store %arg7[%swap3A_111, %swap3A_112], %select_n3A_110 {strides = array<i32>} : memref<640x1280xf32, #tpu.memory_space<vmem>>, vector<640x1280xf32>,
    %get3A_114 = arith.constant 0 : index
    %get3A_115 = arith.constant 0 : index
    %get3A_116 = vector.load %arg7[%get3A_114, %get3A_115] : memref<640x1280xf32, #tpu.memory_space<vmem>>, vector<640x1280xf32>
    %reduce_min3A_117 = arith.constant dense<0x7F800000> : vector<640xf32>
    %reduce_min3A_118 = vector.multi_reduction <minimumf>, %get3A_116, %reduce_min3A_117 [1] : vector<640x1280xf32> to vector<640xf32>
    %broadcast_in_dim3A_119 = vector.shape_cast %reduce_min3A_118 : vector<640xf32> to vector<640x1xf32>
    %eq3A_120 = vector.broadcast %broadcast_in_dim3A_119 : vector<640x1xf32> to vector<640x1280xf32>
    %eq3A_121 = arith.cmpf oeq, %get3A_116, %eq3A_120 : vector<640x1280xf32>
    %jit3A_122 = arith.constant 8192 : i32
    %broadcast_in_dim3A_123 = vector.broadcast %jit3A_122 : i32 to vector<640x1280xi32>
    %select_n3A_124 = arith.select %eq3A_121, %iota3A, %broadcast_in_dim3A_123 : vector<640x1280xi1>, vector<640x1280xi32>
    %reduce_min3A_125 = arith.constant dense<2147483647> : vector<640xi32>
    %reduce_min3A_126 = vector.multi_reduction <minsi>, %select_n3A_124, %reduce_min3A_125 [1] : vector<640x1280xi32> to vector<640xi32>
    %broadcast_in_dim3A_127 = vector.shape_cast %reduce_min3A_126 : vector<640xi32> to vector<640x1xi32>
    %add3A_128 = vector.broadcast %get3A_35 : i32 to vector<640x1xi32>
    %add3A_129 = arith.addi %broadcast_in_dim3A_127, %add3A_128 : vector<640x1xi32>
    %min3A_130 = arith.constant 8191 : i32
    %min3A_131 = vector.broadcast %min3A_130 : i32 to vector<640x1xi32>
    %min3A_132 = arith.minsi %add3A_129, %min3A_131 : vector<640x1xi32>
    %eq3A_133 = vector.broadcast %broadcast_in_dim3A_127 : vector<640x1xi32> to vector<640x1280xi32>
    %eq3A_134 = arith.cmpi eq, %iota3A, %eq3A_133 : vector<640x1280xi32>
    %jit3A_135 = arith.constant 0x7F800000 : f32
    %broadcast_in_dim3A_136 = vector.broadcast %jit3A_135 : f32 to vector<640x1280xf32>
    %select_n3A_137 = arith.select %eq3A_134, %broadcast_in_dim3A_136, %get3A_116 : vector<640x1280xi1>, vector<640x1280xf32>
    %swap3A_138 = arith.constant 0 : index
    %swap3A_139 = arith.constant 0 : index
    %swap3A_140 = vector.load %arg7[%swap3A_138, %swap3A_139] : memref<640x1280xf32, #tpu.memory_space<vmem>>, vector<640x1280xf32>
    tpu.vector_store %arg7[%swap3A_138, %swap3A_139], %select_n3A_137 {strides = array<i32>} : memref<640x1280xf32, #tpu.memory_space<vmem>>, vector<640x1280xf32>,
    %get3A_141 = arith.constant 0 : index
    %get3A_142 = arith.constant 0 : index
    %get3A_143 = vector.load %arg7[%get3A_141, %get3A_142] : memref<640x1280xf32, #tpu.memory_space<vmem>>, vector<640x1280xf32>
    %reduce_min3A_144 = arith.constant dense<0x7F800000> : vector<640xf32>
    %reduce_min3A_145 = vector.multi_reduction <minimumf>, %get3A_143, %reduce_min3A_144 [1] : vector<640x1280xf32> to vector<640xf32>
    %broadcast_in_dim3A_146 = vector.shape_cast %reduce_min3A_145 : vector<640xf32> to vector<640x1xf32>
    %eq3A_147 = vector.broadcast %broadcast_in_dim3A_146 : vector<640x1xf32> to vector<640x1280xf32>
    %eq3A_148 = arith.cmpf oeq, %get3A_143, %eq3A_147 : vector<640x1280xf32>
    %jit3A_149 = arith.constant 8192 : i32
    %broadcast_in_dim3A_150 = vector.broadcast %jit3A_149 : i32 to vector<640x1280xi32>
    %select_n3A_151 = arith.select %eq3A_148, %iota3A, %broadcast_in_dim3A_150 : vector<640x1280xi1>, vector<640x1280xi32>
    %reduce_min3A_152 = arith.constant dense<2147483647> : vector<640xi32>
    %reduce_min3A_153 = vector.multi_reduction <minsi>, %select_n3A_151, %reduce_min3A_152 [1] : vector<640x1280xi32> to vector<640xi32>
    %broadcast_in_dim3A_154 = vector.shape_cast %reduce_min3A_153 : vector<640xi32> to vector<640x1xi32>
    %add3A_155 = vector.broadcast %get3A_35 : i32 to vector<640x1xi32>
    %add3A_156 = arith.addi %broadcast_in_dim3A_154, %add3A_155 : vector<640x1xi32>
    %min3A_157 = arith.constant 8191 : i32
    %min3A_158 = vector.broadcast %min3A_157 : i32 to vector<640x1xi32>
    %min3A_159 = arith.minsi %add3A_156, %min3A_158 : vector<640x1xi32>
    %eq3A_160 = vector.broadcast %broadcast_in_dim3A_154 : vector<640x1xi32> to vector<640x1280xi32>
    %eq3A_161 = arith.cmpi eq, %iota3A, %eq3A_160 : vector<640x1280xi32>
    %jit3A_162 = arith.constant 0x7F800000 : f32
    %broadcast_in_dim3A_163 = vector.broadcast %jit3A_162 : f32 to vector<640x1280xf32>
    %select_n3A_164 = arith.select %eq3A_161, %broadcast_in_dim3A_163, %get3A_143 : vector<640x1280xi1>, vector<640x1280xf32>
    %swap3A_165 = arith.constant 0 : index
    %swap3A_166 = arith.constant 0 : index
    %swap3A_167 = vector.load %arg7[%swap3A_165, %swap3A_166] : memref<640x1280xf32, #tpu.memory_space<vmem>>, vector<640x1280xf32>
    tpu.vector_store %arg7[%swap3A_165, %swap3A_166], %select_n3A_164 {strides = array<i32>} : memref<640x1280xf32, #tpu.memory_space<vmem>>, vector<640x1280xf32>,
    %get3A_168 = arith.constant 0 : index
    %get3A_169 = arith.constant 0 : index
    %get3A_170 = vector.load %arg7[%get3A_168, %get3A_169] : memref<640x1280xf32, #tpu.memory_space<vmem>>, vector<640x1280xf32>
    %reduce_min3A_171 = arith.constant dense<0x7F800000> : vector<640xf32>
    %reduce_min3A_172 = vector.multi_reduction <minimumf>, %get3A_170, %reduce_min3A_171 [1] : vector<640x1280xf32> to vector<640xf32>
    %broadcast_in_dim3A_173 = vector.shape_cast %reduce_min3A_172 : vector<640xf32> to vector<640x1xf32>
    %eq3A_174 = vector.broadcast %broadcast_in_dim3A_173 : vector<640x1xf32> to vector<640x1280xf32>
    %eq3A_175 = arith.cmpf oeq, %get3A_170, %eq3A_174 : vector<640x1280xf32>
    %jit3A_176 = arith.constant 8192 : i32
    %broadcast_in_dim3A_177 = vector.broadcast %jit3A_176 : i32 to vector<640x1280xi32>
    %select_n3A_178 = arith.select %eq3A_175, %iota3A, %broadcast_in_dim3A_177 : vector<640x1280xi1>, vector<640x1280xi32>
    %reduce_min3A_179 = arith.constant dense<2147483647> : vector<640xi32>
    %reduce_min3A_180 = vector.multi_reduction <minsi>, %select_n3A_178, %reduce_min3A_179 [1] : vector<640x1280xi32> to vector<640xi32>
    %broadcast_in_dim3A_181 = vector.shape_cast %reduce_min3A_180 : vector<640xi32> to vector<640x1xi32>
    %add3A_182 = vector.broadcast %get3A_35 : i32 to vector<640x1xi32>
    %add3A_183 = arith.addi %broadcast_in_dim3A_181, %add3A_182 : vector<640x1xi32>
    %min3A_184 = arith.constant 8191 : i32
    %min3A_185 = vector.broadcast %min3A_184 : i32 to vector<640x1xi32>
    %min3A_186 = arith.minsi %add3A_183, %min3A_185 : vector<640x1xi32>
    %eq3A_187 = vector.broadcast %broadcast_in_dim3A_181 : vector<640x1xi32> to vector<640x1280xi32>
    %eq3A_188 = arith.cmpi eq, %iota3A, %eq3A_187 : vector<640x1280xi32>
    %jit3A_189 = arith.constant 0x7F800000 : f32
    %broadcast_in_dim3A_190 = vector.broadcast %jit3A_189 : f32 to vector<640x1280xf32>
    %select_n3A_191 = arith.select %eq3A_188, %broadcast_in_dim3A_190, %get3A_170 : vector<640x1280xi1>, vector<640x1280xf32>
    %swap3A_192 = arith.constant 0 : index
    %swap3A_193 = arith.constant 0 : index
    %swap3A_194 = vector.load %arg7[%swap3A_192, %swap3A_193] : memref<640x1280xf32, #tpu.memory_space<vmem>>, vector<640x1280xf32>
    tpu.vector_store %arg7[%swap3A_192, %swap3A_193], %select_n3A_191 {strides = array<i32>} : memref<640x1280xf32, #tpu.memory_space<vmem>>, vector<640x1280xf32>,
    %get3A_195 = arith.constant 0 : index
    %get3A_196 = arith.constant 0 : index
    %get3A_197 = vector.load %arg7[%get3A_195, %get3A_196] : memref<640x1280xf32, #tpu.memory_space<vmem>>, vector<640x1280xf32>
    %reduce_min3A_198 = arith.constant dense<0x7F800000> : vector<640xf32>
    %reduce_min3A_199 = vector.multi_reduction <minimumf>, %get3A_197, %reduce_min3A_198 [1] : vector<640x1280xf32> to vector<640xf32>
    %broadcast_in_dim3A_200 = vector.shape_cast %reduce_min3A_199 : vector<640xf32> to vector<640x1xf32>
    %eq3A_201 = vector.broadcast %broadcast_in_dim3A_200 : vector<640x1xf32> to vector<640x1280xf32>
    %eq3A_202 = arith.cmpf oeq, %get3A_197, %eq3A_201 : vector<640x1280xf32>
    %jit3A_203 = arith.constant 8192 : i32
    %broadcast_in_dim3A_204 = vector.broadcast %jit3A_203 : i32 to vector<640x1280xi32>
    %select_n3A_205 = arith.select %eq3A_202, %iota3A, %broadcast_in_dim3A_204 : vector<640x1280xi1>, vector<640x1280xi32>
    %reduce_min3A_206 = arith.constant dense<2147483647> : vector<640xi32>
    %reduce_min3A_207 = vector.multi_reduction <minsi>, %select_n3A_205, %reduce_min3A_206 [1] : vector<640x1280xi32> to vector<640xi32>
    %broadcast_in_dim3A_208 = vector.shape_cast %reduce_min3A_207 : vector<640xi32> to vector<640x1xi32>
    %add3A_209 = vector.broadcast %get3A_35 : i32 to vector<640x1xi32>
    %add3A_210 = arith.addi %broadcast_in_dim3A_208, %add3A_209 : vector<640x1xi32>
    %min3A_211 = arith.constant 8191 : i32
    %min3A_212 = vector.broadcast %min3A_211 : i32 to vector<640x1xi32>
    %min3A_213 = arith.minsi %add3A_210, %min3A_212 : vector<640x1xi32>
    %eq3A_214 = vector.broadcast %broadcast_in_dim3A_208 : vector<640x1xi32> to vector<640x1280xi32>
    %eq3A_215 = arith.cmpi eq, %iota3A, %eq3A_214 : vector<640x1280xi32>
    %jit3A_216 = arith.constant 0x7F800000 : f32
    %broadcast_in_dim3A_217 = vector.broadcast %jit3A_216 : f32 to vector<640x1280xf32>
    %select_n3A_218 = arith.select %eq3A_215, %broadcast_in_dim3A_217, %get3A_197 : vector<640x1280xi1>, vector<640x1280xf32>
    %swap3A_219 = arith.constant 0 : index
    %swap3A_220 = arith.constant 0 : index
    %swap3A_221 = vector.load %arg7[%swap3A_219, %swap3A_220] : memref<640x1280xf32, #tpu.memory_space<vmem>>, vector<640x1280xf32>
    tpu.vector_store %arg7[%swap3A_219, %swap3A_220], %select_n3A_218 {strides = array<i32>} : memref<640x1280xf32, #tpu.memory_space<vmem>>, vector<640x1280xf32>,
    %get3A_222 = arith.constant 0 : index
    %get3A_223 = arith.constant 0 : index
    %get3A_224 = vector.load %arg7[%get3A_222, %get3A_223] : memref<640x1280xf32, #tpu.memory_space<vmem>>, vector<640x1280xf32>
    %reduce_min3A_225 = arith.constant dense<0x7F800000> : vector<640xf32>
    %reduce_min3A_226 = vector.multi_reduction <minimumf>, %get3A_224, %reduce_min3A_225 [1] : vector<640x1280xf32> to vector<640xf32>
    %broadcast_in_dim3A_227 = vector.shape_cast %reduce_min3A_226 : vector<640xf32> to vector<640x1xf32>
    %eq3A_228 = vector.broadcast %broadcast_in_dim3A_227 : vector<640x1xf32> to vector<640x1280xf32>
    %eq3A_229 = arith.cmpf oeq, %get3A_224, %eq3A_228 : vector<640x1280xf32>
    %jit3A_230 = arith.constant 8192 : i32
    %broadcast_in_dim3A_231 = vector.broadcast %jit3A_230 : i32 to vector<640x1280xi32>
    %select_n3A_232 = arith.select %eq3A_229, %iota3A, %broadcast_in_dim3A_231 : vector<640x1280xi1>, vector<640x1280xi32>
    %reduce_min3A_233 = arith.constant dense<2147483647> : vector<640xi32>
    %reduce_min3A_234 = vector.multi_reduction <minsi>, %select_n3A_232, %reduce_min3A_233 [1] : vector<640x1280xi32> to vector<640xi32>
    %broadcast_in_dim3A_235 = vector.shape_cast %reduce_min3A_234 : vector<640xi32> to vector<640x1xi32>
    %add3A_236 = vector.broadcast %get3A_35 : i32 to vector<640x1xi32>
    %add3A_237 = arith.addi %broadcast_in_dim3A_235, %add3A_236 : vector<640x1xi32>
    %min3A_238 = arith.constant 8191 : i32
    %min3A_239 = vector.broadcast %min3A_238 : i32 to vector<640x1xi32>
    %min3A_240 = arith.minsi %add3A_237, %min3A_239 : vector<640x1xi32>
    %eq3A_241 = vector.broadcast %broadcast_in_dim3A_235 : vector<640x1xi32> to vector<640x1280xi32>
    %eq3A_242 = arith.cmpi eq, %iota3A, %eq3A_241 : vector<640x1280xi32>
    %jit3A_243 = arith.constant 0x7F800000 : f32
    %broadcast_in_dim3A_244 = vector.broadcast %jit3A_243 : f32 to vector<640x1280xf32>
    %select_n3A_245 = arith.select %eq3A_242, %broadcast_in_dim3A_244, %get3A_224 : vector<640x1280xi1>, vector<640x1280xf32>
    %swap3A_246 = arith.constant 0 : index
    %swap3A_247 = arith.constant 0 : index
    %swap3A_248 = vector.load %arg7[%swap3A_246, %swap3A_247] : memref<640x1280xf32, #tpu.memory_space<vmem>>, vector<640x1280xf32>
    tpu.vector_store %arg7[%swap3A_246, %swap3A_247], %select_n3A_245 {strides = array<i32>} : memref<640x1280xf32, #tpu.memory_space<vmem>>, vector<640x1280xf32>,
    %get3A_249 = arith.constant 0 : index
    %get3A_250 = arith.constant 0 : index
    %get3A_251 = vector.load %arg7[%get3A_249, %get3A_250] : memref<640x1280xf32, #tpu.memory_space<vmem>>, vector<640x1280xf32>
    %reduce_min3A_252 = arith.constant dense<0x7F800000> : vector<640xf32>
    %reduce_min3A_253 = vector.multi_reduction <minimumf>, %get3A_251, %reduce_min3A_252 [1] : vector<640x1280xf32> to vector<640xf32>
    %broadcast_in_dim3A_254 = vector.shape_cast %reduce_min3A_253 : vector<640xf32> to vector<640x1xf32>
    %eq3A_255 = vector.broadcast %broadcast_in_dim3A_254 : vector<640x1xf32> to vector<640x1280xf32>
    %eq3A_256 = arith.cmpf oeq, %get3A_251, %eq3A_255 : vector<640x1280xf32>
    %jit3A_257 = arith.constant 8192 : i32
    %broadcast_in_dim3A_258 = vector.broadcast %jit3A_257 : i32 to vector<640x1280xi32>
    %select_n3A_259 = arith.select %eq3A_256, %iota3A, %broadcast_in_dim3A_258 : vector<640x1280xi1>, vector<640x1280xi32>
    %reduce_min3A_260 = arith.constant dense<2147483647> : vector<640xi32>
    %reduce_min3A_261 = vector.multi_reduction <minsi>, %select_n3A_259, %reduce_min3A_260 [1] : vector<640x1280xi32> to vector<640xi32>
    %broadcast_in_dim3A_262 = vector.shape_cast %reduce_min3A_261 : vector<640xi32> to vector<640x1xi32>
    %add3A_263 = vector.broadcast %get3A_35 : i32 to vector<640x1xi32>
    %add3A_264 = arith.addi %broadcast_in_dim3A_262, %add3A_263 : vector<640x1xi32>
    %min3A_265 = arith.constant 8191 : i32
    %min3A_266 = vector.broadcast %min3A_265 : i32 to vector<640x1xi32>
    %min3A_267 = arith.minsi %add3A_264, %min3A_266 : vector<640x1xi32>
    %eq3A_268 = vector.broadcast %broadcast_in_dim3A_262 : vector<640x1xi32> to vector<640x1280xi32>
    %eq3A_269 = arith.cmpi eq, %iota3A, %eq3A_268 : vector<640x1280xi32>
    %jit3A_270 = arith.constant 0x7F800000 : f32
    %broadcast_in_dim3A_271 = vector.broadcast %jit3A_270 : f32 to vector<640x1280xf32>
    %select_n3A_272 = arith.select %eq3A_269, %broadcast_in_dim3A_271, %get3A_251 : vector<640x1280xi1>, vector<640x1280xf32>
    %swap3A_273 = arith.constant 0 : index
    %swap3A_274 = arith.constant 0 : index
    %swap3A_275 = vector.load %arg7[%swap3A_273, %swap3A_274] : memref<640x1280xf32, #tpu.memory_space<vmem>>, vector<640x1280xf32>
    tpu.vector_store %arg7[%swap3A_273, %swap3A_274], %select_n3A_272 {strides = array<i32>} : memref<640x1280xf32, #tpu.memory_space<vmem>>, vector<640x1280xf32>,
    %get3A_276 = arith.constant 0 : index
    %get3A_277 = arith.constant 0 : index
    %get3A_278 = vector.load %arg7[%get3A_276, %get3A_277] : memref<640x1280xf32, #tpu.memory_space<vmem>>, vector<640x1280xf32>
    %reduce_min3A_279 = arith.constant dense<0x7F800000> : vector<640xf32>
    %reduce_min3A_280 = vector.multi_reduction <minimumf>, %get3A_278, %reduce_min3A_279 [1] : vector<640x1280xf32> to vector<640xf32>
    %broadcast_in_dim3A_281 = vector.shape_cast %reduce_min3A_280 : vector<640xf32> to vector<640x1xf32>
    %eq3A_282 = vector.broadcast %broadcast_in_dim3A_281 : vector<640x1xf32> to vector<640x1280xf32>
    %eq3A_283 = arith.cmpf oeq, %get3A_278, %eq3A_282 : vector<640x1280xf32>
    %jit3A_284 = arith.constant 8192 : i32
    %broadcast_in_dim3A_285 = vector.broadcast %jit3A_284 : i32 to vector<640x1280xi32>
    %select_n3A_286 = arith.select %eq3A_283, %iota3A, %broadcast_in_dim3A_285 : vector<640x1280xi1>, vector<640x1280xi32>
    %reduce_min3A_287 = arith.constant dense<2147483647> : vector<640xi32>
    %reduce_min3A_288 = vector.multi_reduction <minsi>, %select_n3A_286, %reduce_min3A_287 [1] : vector<640x1280xi32> to vector<640xi32>
    %broadcast_in_dim3A_289 = vector.shape_cast %reduce_min3A_288 : vector<640xi32> to vector<640x1xi32>
    %add3A_290 = vector.broadcast %get3A_35 : i32 to vector<640x1xi32>
    %add3A_291 = arith.addi %broadcast_in_dim3A_289, %add3A_290 : vector<640x1xi32>
    %min3A_292 = arith.constant 8191 : i32
    %min3A_293 = vector.broadcast %min3A_292 : i32 to vector<640x1xi32>
    %min3A_294 = arith.minsi %add3A_291, %min3A_293 : vector<640x1xi32>
    %eq3A_295 = vector.broadcast %broadcast_in_dim3A_289 : vector<640x1xi32> to vector<640x1280xi32>
    %eq3A_296 = arith.cmpi eq, %iota3A, %eq3A_295 : vector<640x1280xi32>
    %jit3A_297 = arith.constant 0x7F800000 : f32
    %broadcast_in_dim3A_298 = vector.broadcast %jit3A_297 : f32 to vector<640x1280xf32>
    %select_n3A_299 = arith.select %eq3A_296, %broadcast_in_dim3A_298, %get3A_278 : vector<640x1280xi1>, vector<640x1280xf32>
    %swap3A_300 = arith.constant 0 : index
    %swap3A_301 = arith.constant 0 : index
    %swap3A_302 = vector.load %arg7[%swap3A_300, %swap3A_301] : memref<640x1280xf32, #tpu.memory_space<vmem>>, vector<640x1280xf32>
    tpu.vector_store %arg7[%swap3A_300, %swap3A_301], %select_n3A_299 {strides = array<i32>} : memref<640x1280xf32, #tpu.memory_space<vmem>>, vector<640x1280xf32>,
    %get3A_303 = arith.constant 0 : index
    %get3A_304 = arith.constant 0 : index
    %get3A_305 = vector.load %arg7[%get3A_303, %get3A_304] : memref<640x1280xf32, #tpu.memory_space<vmem>>, vector<640x1280xf32>
    %reduce_min3A_306 = arith.constant dense<0x7F800000> : vector<640xf32>
    %reduce_min3A_307 = vector.multi_reduction <minimumf>, %get3A_305, %reduce_min3A_306 [1] : vector<640x1280xf32> to vector<640xf32>
    %broadcast_in_dim3A_308 = vector.shape_cast %reduce_min3A_307 : vector<640xf32> to vector<640x1xf32>
    %eq3A_309 = vector.broadcast %broadcast_in_dim3A_308 : vector<640x1xf32> to vector<640x1280xf32>
    %eq3A_310 = arith.cmpf oeq, %get3A_305, %eq3A_309 : vector<640x1280xf32>
    %jit3A_311 = arith.constant 8192 : i32
    %broadcast_in_dim3A_312 = vector.broadcast %jit3A_311 : i32 to vector<640x1280xi32>
    %select_n3A_313 = arith.select %eq3A_310, %iota3A, %broadcast_in_dim3A_312 : vector<640x1280xi1>, vector<640x1280xi32>
    %reduce_min3A_314 = arith.constant dense<2147483647> : vector<640xi32>
    %reduce_min3A_315 = vector.multi_reduction <minsi>, %select_n3A_313, %reduce_min3A_314 [1] : vector<640x1280xi32> to vector<640xi32>
    %broadcast_in_dim3A_316 = vector.shape_cast %reduce_min3A_315 : vector<640xi32> to vector<640x1xi32>
    %add3A_317 = vector.broadcast %get3A_35 : i32 to vector<640x1xi32>
    %add3A_318 = arith.addi %broadcast_in_dim3A_316, %add3A_317 : vector<640x1xi32>
    %min3A_319 = arith.constant 8191 : i32
    %min3A_320 = vector.broadcast %min3A_319 : i32 to vector<640x1xi32>
    %min3A_321 = arith.minsi %add3A_318, %min3A_320 : vector<640x1xi32>
    %eq3A_322 = vector.broadcast %broadcast_in_dim3A_316 : vector<640x1xi32> to vector<640x1280xi32>
    %eq3A_323 = arith.cmpi eq, %iota3A, %eq3A_322 : vector<640x1280xi32>
    %jit3A_324 = arith.constant 0x7F800000 : f32
    %broadcast_in_dim3A_325 = vector.broadcast %jit3A_324 : f32 to vector<640x1280xf32>
    %select_n3A_326 = arith.select %eq3A_323, %broadcast_in_dim3A_325, %get3A_305 : vector<640x1280xi1>, vector<640x1280xf32>
    %swap3A_327 = arith.constant 0 : index
    %swap3A_328 = arith.constant 0 : index
    %swap3A_329 = vector.load %arg7[%swap3A_327, %swap3A_328] : memref<640x1280xf32, #tpu.memory_space<vmem>>, vector<640x1280xf32>
    tpu.vector_store %arg7[%swap3A_327, %swap3A_328], %select_n3A_326 {strides = array<i32>} : memref<640x1280xf32, #tpu.memory_space<vmem>>, vector<640x1280xf32>,
    %get3A_330 = arith.constant 0 : index
    %get3A_331 = arith.constant 0 : index
    %get3A_332 = vector.load %arg7[%get3A_330, %get3A_331] : memref<640x1280xf32, #tpu.memory_space<vmem>>, vector<640x1280xf32>
    %reduce_min3A_333 = arith.constant dense<0x7F800000> : vector<640xf32>
    %reduce_min3A_334 = vector.multi_reduction <minimumf>, %get3A_332, %reduce_min3A_333 [1] : vector<640x1280xf32> to vector<640xf32>
    %broadcast_in_dim3A_335 = vector.shape_cast %reduce_min3A_334 : vector<640xf32> to vector<640x1xf32>
    %eq3A_336 = vector.broadcast %broadcast_in_dim3A_335 : vector<640x1xf32> to vector<640x1280xf32>
    %eq3A_337 = arith.cmpf oeq, %get3A_332, %eq3A_336 : vector<640x1280xf32>
    %jit3A_338 = arith.constant 8192 : i32
    %broadcast_in_dim3A_339 = vector.broadcast %jit3A_338 : i32 to vector<640x1280xi32>
    %select_n3A_340 = arith.select %eq3A_337, %iota3A, %broadcast_in_dim3A_339 : vector<640x1280xi1>, vector<640x1280xi32>
    %reduce_min3A_341 = arith.constant dense<2147483647> : vector<640xi32>
    %reduce_min3A_342 = vector.multi_reduction <minsi>, %select_n3A_340, %reduce_min3A_341 [1] : vector<640x1280xi32> to vector<640xi32>
    %broadcast_in_dim3A_343 = vector.shape_cast %reduce_min3A_342 : vector<640xi32> to vector<640x1xi32>
    %add3A_344 = vector.broadcast %get3A_35 : i32 to vector<640x1xi32>
    %add3A_345 = arith.addi %broadcast_in_dim3A_343, %add3A_344 : vector<640x1xi32>
    %min3A_346 = arith.constant 8191 : i32
    %min3A_347 = vector.broadcast %min3A_346 : i32 to vector<640x1xi32>
    %min3A_348 = arith.minsi %add3A_345, %min3A_347 : vector<640x1xi32>
    %eq3A_349 = vector.broadcast %broadcast_in_dim3A_343 : vector<640x1xi32> to vector<640x1280xi32>
    %eq3A_350 = arith.cmpi eq, %iota3A, %eq3A_349 : vector<640x1280xi32>
    %jit3A_351 = arith.constant 0x7F800000 : f32
    %broadcast_in_dim3A_352 = vector.broadcast %jit3A_351 : f32 to vector<640x1280xf32>
    %select_n3A_353 = arith.select %eq3A_350, %broadcast_in_dim3A_352, %get3A_332 : vector<640x1280xi1>, vector<640x1280xf32>
    %swap3A_354 = arith.constant 0 : index
    %swap3A_355 = arith.constant 0 : index
    %swap3A_356 = vector.load %arg7[%swap3A_354, %swap3A_355] : memref<640x1280xf32, #tpu.memory_space<vmem>>, vector<640x1280xf32>
    tpu.vector_store %arg7[%swap3A_354, %swap3A_355], %select_n3A_353 {strides = array<i32>} : memref<640x1280xf32, #tpu.memory_space<vmem>>, vector<640x1280xf32>,
    %get3A_357 = arith.constant 0 : index
    %get3A_358 = arith.constant 0 : index
    %get3A_359 = vector.load %arg7[%get3A_357, %get3A_358] : memref<640x1280xf32, #tpu.memory_space<vmem>>, vector<640x1280xf32>
    %reduce_min3A_360 = arith.constant dense<0x7F800000> : vector<640xf32>
    %reduce_min3A_361 = vector.multi_reduction <minimumf>, %get3A_359, %reduce_min3A_360 [1] : vector<640x1280xf32> to vector<640xf32>
    %broadcast_in_dim3A_362 = vector.shape_cast %reduce_min3A_361 : vector<640xf32> to vector<640x1xf32>
    %eq3A_363 = vector.broadcast %broadcast_in_dim3A_362 : vector<640x1xf32> to vector<640x1280xf32>
    %eq3A_364 = arith.cmpf oeq, %get3A_359, %eq3A_363 : vector<640x1280xf32>
    %jit3A_365 = arith.constant 8192 : i32
    %broadcast_in_dim3A_366 = vector.broadcast %jit3A_365 : i32 to vector<640x1280xi32>
    %select_n3A_367 = arith.select %eq3A_364, %iota3A, %broadcast_in_dim3A_366 : vector<640x1280xi1>, vector<640x1280xi32>
    %reduce_min3A_368 = arith.constant dense<2147483647> : vector<640xi32>
    %reduce_min3A_369 = vector.multi_reduction <minsi>, %select_n3A_367, %reduce_min3A_368 [1] : vector<640x1280xi32> to vector<640xi32>
    %broadcast_in_dim3A_370 = vector.shape_cast %reduce_min3A_369 : vector<640xi32> to vector<640x1xi32>
    %add3A_371 = vector.broadcast %get3A_35 : i32 to vector<640x1xi32>
    %add3A_372 = arith.addi %broadcast_in_dim3A_370, %add3A_371 : vector<640x1xi32>
    %min3A_373 = arith.constant 8191 : i32
    %min3A_374 = vector.broadcast %min3A_373 : i32 to vector<640x1xi32>
    %min3A_375 = arith.minsi %add3A_372, %min3A_374 : vector<640x1xi32>
    %eq3A_376 = vector.broadcast %broadcast_in_dim3A_370 : vector<640x1xi32> to vector<640x1280xi32>
    %eq3A_377 = arith.cmpi eq, %iota3A, %eq3A_376 : vector<640x1280xi32>
    %jit3A_378 = arith.constant 0x7F800000 : f32
    %broadcast_in_dim3A_379 = vector.broadcast %jit3A_378 : f32 to vector<640x1280xf32>
    %select_n3A_380 = arith.select %eq3A_377, %broadcast_in_dim3A_379, %get3A_359 : vector<640x1280xi1>, vector<640x1280xf32>
    %swap3A_381 = arith.constant 0 : index
    %swap3A_382 = arith.constant 0 : index
    %swap3A_383 = vector.load %arg7[%swap3A_381, %swap3A_382] : memref<640x1280xf32, #tpu.memory_space<vmem>>, vector<640x1280xf32>
    tpu.vector_store %arg7[%swap3A_381, %swap3A_382], %select_n3A_380 {strides = array<i32>} : memref<640x1280xf32, #tpu.memory_space<vmem>>, vector<640x1280xf32>,
    %get3A_384 = arith.constant 0 : index
    %get3A_385 = arith.constant 0 : index
    %get3A_386 = vector.load %arg7[%get3A_384, %get3A_385] : memref<640x1280xf32, #tpu.memory_space<vmem>>, vector<640x1280xf32>
    %reduce_min3A_387 = arith.constant dense<0x7F800000> : vector<640xf32>
    %reduce_min3A_388 = vector.multi_reduction <minimumf>, %get3A_386, %reduce_min3A_387 [1] : vector<640x1280xf32> to vector<640xf32>
    %broadcast_in_dim3A_389 = vector.shape_cast %reduce_min3A_388 : vector<640xf32> to vector<640x1xf32>
    %eq3A_390 = vector.broadcast %broadcast_in_dim3A_389 : vector<640x1xf32> to vector<640x1280xf32>
    %eq3A_391 = arith.cmpf oeq, %get3A_386, %eq3A_390 : vector<640x1280xf32>
    %jit3A_392 = arith.constant 8192 : i32
    %broadcast_in_dim3A_393 = vector.broadcast %jit3A_392 : i32 to vector<640x1280xi32>
    %select_n3A_394 = arith.select %eq3A_391, %iota3A, %broadcast_in_dim3A_393 : vector<640x1280xi1>, vector<640x1280xi32>
    %reduce_min3A_395 = arith.constant dense<2147483647> : vector<640xi32>
    %reduce_min3A_396 = vector.multi_reduction <minsi>, %select_n3A_394, %reduce_min3A_395 [1] : vector<640x1280xi32> to vector<640xi32>
    %broadcast_in_dim3A_397 = vector.shape_cast %reduce_min3A_396 : vector<640xi32> to vector<640x1xi32>
    %add3A_398 = vector.broadcast %get3A_35 : i32 to vector<640x1xi32>
    %add3A_399 = arith.addi %broadcast_in_dim3A_397, %add3A_398 : vector<640x1xi32>
    %min3A_400 = arith.constant 8191 : i32
    %min3A_401 = vector.broadcast %min3A_400 : i32 to vector<640x1xi32>
    %min3A_402 = arith.minsi %add3A_399, %min3A_401 : vector<640x1xi32>
    %eq3A_403 = vector.broadcast %broadcast_in_dim3A_397 : vector<640x1xi32> to vector<640x1280xi32>
    %eq3A_404 = arith.cmpi eq, %iota3A, %eq3A_403 : vector<640x1280xi32>
    %jit3A_405 = arith.constant 0x7F800000 : f32
    %broadcast_in_dim3A_406 = vector.broadcast %jit3A_405 : f32 to vector<640x1280xf32>
    %select_n3A_407 = arith.select %eq3A_404, %broadcast_in_dim3A_406, %get3A_386 : vector<640x1280xi1>, vector<640x1280xf32>
    %swap3A_408 = arith.constant 0 : index
    %swap3A_409 = arith.constant 0 : index
    %swap3A_410 = vector.load %arg7[%swap3A_408, %swap3A_409] : memref<640x1280xf32, #tpu.memory_space<vmem>>, vector<640x1280xf32>
    tpu.vector_store %arg7[%swap3A_408, %swap3A_409], %select_n3A_407 {strides = array<i32>} : memref<640x1280xf32, #tpu.memory_space<vmem>>, vector<640x1280xf32>,
    %get3A_411 = arith.constant 0 : index
    %get3A_412 = arith.constant 0 : index
    %get3A_413 = vector.load %arg7[%get3A_411, %get3A_412] : memref<640x1280xf32, #tpu.memory_space<vmem>>, vector<640x1280xf32>
    %reduce_min3A_414 = arith.constant dense<0x7F800000> : vector<640xf32>
    %reduce_min3A_415 = vector.multi_reduction <minimumf>, %get3A_413, %reduce_min3A_414 [1] : vector<640x1280xf32> to vector<640xf32>
    %broadcast_in_dim3A_416 = vector.shape_cast %reduce_min3A_415 : vector<640xf32> to vector<640x1xf32>
    %eq3A_417 = vector.broadcast %broadcast_in_dim3A_416 : vector<640x1xf32> to vector<640x1280xf32>
    %eq3A_418 = arith.cmpf oeq, %get3A_413, %eq3A_417 : vector<640x1280xf32>
    %jit3A_419 = arith.constant 8192 : i32
    %broadcast_in_dim3A_420 = vector.broadcast %jit3A_419 : i32 to vector<640x1280xi32>
    %select_n3A_421 = arith.select %eq3A_418, %iota3A, %broadcast_in_dim3A_420 : vector<640x1280xi1>, vector<640x1280xi32>
    %reduce_min3A_422 = arith.constant dense<2147483647> : vector<640xi32>
    %reduce_min3A_423 = vector.multi_reduction <minsi>, %select_n3A_421, %reduce_min3A_422 [1] : vector<640x1280xi32> to vector<640xi32>
    %broadcast_in_dim3A_424 = vector.shape_cast %reduce_min3A_423 : vector<640xi32> to vector<640x1xi32>
    %add3A_425 = vector.broadcast %get3A_35 : i32 to vector<640x1xi32>
    %add3A_426 = arith.addi %broadcast_in_dim3A_424, %add3A_425 : vector<640x1xi32>
    %min3A_427 = arith.constant 8191 : i32
    %min3A_428 = vector.broadcast %min3A_427 : i32 to vector<640x1xi32>
    %min3A_429 = arith.minsi %add3A_426, %min3A_428 : vector<640x1xi32>
    %eq3A_430 = vector.broadcast %broadcast_in_dim3A_424 : vector<640x1xi32> to vector<640x1280xi32>
    %eq3A_431 = arith.cmpi eq, %iota3A, %eq3A_430 : vector<640x1280xi32>
    %jit3A_432 = arith.constant 0x7F800000 : f32
    %broadcast_in_dim3A_433 = vector.broadcast %jit3A_432 : f32 to vector<640x1280xf32>
    %select_n3A_434 = arith.select %eq3A_431, %broadcast_in_dim3A_433, %get3A_413 : vector<640x1280xi1>, vector<640x1280xf32>
    %swap3A_435 = arith.constant 0 : index
    %swap3A_436 = arith.constant 0 : index
    %swap3A_437 = vector.load %arg7[%swap3A_435, %swap3A_436] : memref<640x1280xf32, #tpu.memory_space<vmem>>, vector<640x1280xf32>
    tpu.vector_store %arg7[%swap3A_435, %swap3A_436], %select_n3A_434 {strides = array<i32>} : memref<640x1280xf32, #tpu.memory_space<vmem>>, vector<640x1280xf32>,
    %get3A_438 = arith.constant 0 : index
    %get3A_439 = arith.constant 0 : index
    %get3A_440 = vector.load %arg7[%get3A_438, %get3A_439] : memref<640x1280xf32, #tpu.memory_space<vmem>>, vector<640x1280xf32>
    %reduce_min3A_441 = arith.constant dense<0x7F800000> : vector<640xf32>
    %reduce_min3A_442 = vector.multi_reduction <minimumf>, %get3A_440, %reduce_min3A_441 [1] : vector<640x1280xf32> to vector<640xf32>
    %broadcast_in_dim3A_443 = vector.shape_cast %reduce_min3A_442 : vector<640xf32> to vector<640x1xf32>
    %eq3A_444 = vector.broadcast %broadcast_in_dim3A_443 : vector<640x1xf32> to vector<640x1280xf32>
    %eq3A_445 = arith.cmpf oeq, %get3A_440, %eq3A_444 : vector<640x1280xf32>
    %jit3A_446 = arith.constant 8192 : i32
    %broadcast_in_dim3A_447 = vector.broadcast %jit3A_446 : i32 to vector<640x1280xi32>
    %select_n3A_448 = arith.select %eq3A_445, %iota3A, %broadcast_in_dim3A_447 : vector<640x1280xi1>, vector<640x1280xi32>
    %reduce_min3A_449 = arith.constant dense<2147483647> : vector<640xi32>
    %reduce_min3A_450 = vector.multi_reduction <minsi>, %select_n3A_448, %reduce_min3A_449 [1] : vector<640x1280xi32> to vector<640xi32>
    %broadcast_in_dim3A_451 = vector.shape_cast %reduce_min3A_450 : vector<640xi32> to vector<640x1xi32>
    %add3A_452 = vector.broadcast %get3A_35 : i32 to vector<640x1xi32>
    %add3A_453 = arith.addi %broadcast_in_dim3A_451, %add3A_452 : vector<640x1xi32>
    %min3A_454 = arith.constant 8191 : i32
    %min3A_455 = vector.broadcast %min3A_454 : i32 to vector<640x1xi32>
    %min3A_456 = arith.minsi %add3A_453, %min3A_455 : vector<640x1xi32>
    %eq3A_457 = vector.broadcast %broadcast_in_dim3A_451 : vector<640x1xi32> to vector<640x1280xi32>
    %eq3A_458 = arith.cmpi eq, %iota3A, %eq3A_457 : vector<640x1280xi32>
    %jit3A_459 = arith.constant 0x7F800000 : f32
    %broadcast_in_dim3A_460 = vector.broadcast %jit3A_459 : f32 to vector<640x1280xf32>
    %select_n3A_461 = arith.select %eq3A_458, %broadcast_in_dim3A_460, %get3A_440 : vector<640x1280xi1>, vector<640x1280xf32>
    %swap3A_462 = arith.constant 0 : index
    %swap3A_463 = arith.constant 0 : index
    %swap3A_464 = vector.load %arg7[%swap3A_462, %swap3A_463] : memref<640x1280xf32, #tpu.memory_space<vmem>>, vector<640x1280xf32>
    tpu.vector_store %arg7[%swap3A_462, %swap3A_463], %select_n3A_461 {strides = array<i32>} : memref<640x1280xf32, #tpu.memory_space<vmem>>, vector<640x1280xf32>,
    %get3A_465 = arith.constant 0 : index
    %get3A_466 = arith.constant 0 : index
    %get3A_467 = vector.load %arg7[%get3A_465, %get3A_466] : memref<640x1280xf32, #tpu.memory_space<vmem>>, vector<640x1280xf32>
    %reduce_min3A_468 = arith.constant dense<0x7F800000> : vector<640xf32>
    %reduce_min3A_469 = vector.multi_reduction <minimumf>, %get3A_467, %reduce_min3A_468 [1] : vector<640x1280xf32> to vector<640xf32>
    %broadcast_in_dim3A_470 = vector.shape_cast %reduce_min3A_469 : vector<640xf32> to vector<640x1xf32>
    %eq3A_471 = vector.broadcast %broadcast_in_dim3A_470 : vector<640x1xf32> to vector<640x1280xf32>
    %eq3A_472 = arith.cmpf oeq, %get3A_467, %eq3A_471 : vector<640x1280xf32>
    %jit3A_473 = arith.constant 8192 : i32
    %broadcast_in_dim3A_474 = vector.broadcast %jit3A_473 : i32 to vector<640x1280xi32>
    %select_n3A_475 = arith.select %eq3A_472, %iota3A, %broadcast_in_dim3A_474 : vector<640x1280xi1>, vector<640x1280xi32>
    %reduce_min3A_476 = arith.constant dense<2147483647> : vector<640xi32>
    %reduce_min3A_477 = vector.multi_reduction <minsi>, %select_n3A_475, %reduce_min3A_476 [1] : vector<640x1280xi32> to vector<640xi32>
    %broadcast_in_dim3A_478 = vector.shape_cast %reduce_min3A_477 : vector<640xi32> to vector<640x1xi32>
    %add3A_479 = vector.broadcast %get3A_35 : i32 to vector<640x1xi32>
    %add3A_480 = arith.addi %broadcast_in_dim3A_478, %add3A_479 : vector<640x1xi32>
    %min3A_481 = arith.constant 8191 : i32
    %min3A_482 = vector.broadcast %min3A_481 : i32 to vector<640x1xi32>
    %min3A_483 = arith.minsi %add3A_480, %min3A_482 : vector<640x1xi32>
    %eq3A_484 = vector.broadcast %broadcast_in_dim3A_478 : vector<640x1xi32> to vector<640x1280xi32>
    %eq3A_485 = arith.cmpi eq, %iota3A, %eq3A_484 : vector<640x1280xi32>
    %jit3A_486 = arith.constant 0x7F800000 : f32
    %broadcast_in_dim3A_487 = vector.broadcast %jit3A_486 : f32 to vector<640x1280xf32>
    %select_n3A_488 = arith.select %eq3A_485, %broadcast_in_dim3A_487, %get3A_467 : vector<640x1280xi1>, vector<640x1280xf32>
    %swap3A_489 = arith.constant 0 : index
    %swap3A_490 = arith.constant 0 : index
    %swap3A_491 = vector.load %arg7[%swap3A_489, %swap3A_490] : memref<640x1280xf32, #tpu.memory_space<vmem>>, vector<640x1280xf32>
    tpu.vector_store %arg7[%swap3A_489, %swap3A_490], %select_n3A_488 {strides = array<i32>} : memref<640x1280xf32, #tpu.memory_space<vmem>>, vector<640x1280xf32>,
    %get3A_492 = arith.constant 0 : index
    %get3A_493 = arith.constant 0 : index
    %get3A_494 = vector.load %arg7[%get3A_492, %get3A_493] : memref<640x1280xf32, #tpu.memory_space<vmem>>, vector<640x1280xf32>
    %reduce_min3A_495 = arith.constant dense<0x7F800000> : vector<640xf32>
    %reduce_min3A_496 = vector.multi_reduction <minimumf>, %get3A_494, %reduce_min3A_495 [1] : vector<640x1280xf32> to vector<640xf32>
    %broadcast_in_dim3A_497 = vector.shape_cast %reduce_min3A_496 : vector<640xf32> to vector<640x1xf32>
    %eq3A_498 = vector.broadcast %broadcast_in_dim3A_497 : vector<640x1xf32> to vector<640x1280xf32>
    %eq3A_499 = arith.cmpf oeq, %get3A_494, %eq3A_498 : vector<640x1280xf32>
    %jit3A_500 = arith.constant 8192 : i32
    %broadcast_in_dim3A_501 = vector.broadcast %jit3A_500 : i32 to vector<640x1280xi32>
    %select_n3A_502 = arith.select %eq3A_499, %iota3A, %broadcast_in_dim3A_501 : vector<640x1280xi1>, vector<640x1280xi32>
    %reduce_min3A_503 = arith.constant dense<2147483647> : vector<640xi32>
    %reduce_min3A_504 = vector.multi_reduction <minsi>, %select_n3A_502, %reduce_min3A_503 [1] : vector<640x1280xi32> to vector<640xi32>
    %broadcast_in_dim3A_505 = vector.shape_cast %reduce_min3A_504 : vector<640xi32> to vector<640x1xi32>
    %add3A_506 = vector.broadcast %get3A_35 : i32 to vector<640x1xi32>
    %add3A_507 = arith.addi %broadcast_in_dim3A_505, %add3A_506 : vector<640x1xi32>
    %min3A_508 = arith.constant 8191 : i32
    %min3A_509 = vector.broadcast %min3A_508 : i32 to vector<640x1xi32>
    %min3A_510 = arith.minsi %add3A_507, %min3A_509 : vector<640x1xi32>
    %eq3A_511 = vector.broadcast %broadcast_in_dim3A_505 : vector<640x1xi32> to vector<640x1280xi32>
    %eq3A_512 = arith.cmpi eq, %iota3A, %eq3A_511 : vector<640x1280xi32>
    %jit3A_513 = arith.constant 0x7F800000 : f32
    %broadcast_in_dim3A_514 = vector.broadcast %jit3A_513 : f32 to vector<640x1280xf32>
    %select_n3A_515 = arith.select %eq3A_512, %broadcast_in_dim3A_514, %get3A_494 : vector<640x1280xi1>, vector<640x1280xf32>
    %swap3A_516 = arith.constant 0 : index
    %swap3A_517 = arith.constant 0 : index
    %swap3A_518 = vector.load %arg7[%swap3A_516, %swap3A_517] : memref<640x1280xf32, #tpu.memory_space<vmem>>, vector<640x1280xf32>
    tpu.vector_store %arg7[%swap3A_516, %swap3A_517], %select_n3A_515 {strides = array<i32>} : memref<640x1280xf32, #tpu.memory_space<vmem>>, vector<640x1280xf32>,
    %get3A_519 = arith.constant 0 : index
    %get3A_520 = arith.constant 0 : index
    %get3A_521 = vector.load %arg7[%get3A_519, %get3A_520] : memref<640x1280xf32, #tpu.memory_space<vmem>>, vector<640x1280xf32>
    %reduce_min3A_522 = arith.constant dense<0x7F800000> : vector<640xf32>
    %reduce_min3A_523 = vector.multi_reduction <minimumf>, %get3A_521, %reduce_min3A_522 [1] : vector<640x1280xf32> to vector<640xf32>
    %broadcast_in_dim3A_524 = vector.shape_cast %reduce_min3A_523 : vector<640xf32> to vector<640x1xf32>
    %eq3A_525 = vector.broadcast %broadcast_in_dim3A_524 : vector<640x1xf32> to vector<640x1280xf32>
    %eq3A_526 = arith.cmpf oeq, %get3A_521, %eq3A_525 : vector<640x1280xf32>
    %jit3A_527 = arith.constant 8192 : i32
    %broadcast_in_dim3A_528 = vector.broadcast %jit3A_527 : i32 to vector<640x1280xi32>
    %select_n3A_529 = arith.select %eq3A_526, %iota3A, %broadcast_in_dim3A_528 : vector<640x1280xi1>, vector<640x1280xi32>
    %reduce_min3A_530 = arith.constant dense<2147483647> : vector<640xi32>
    %reduce_min3A_531 = vector.multi_reduction <minsi>, %select_n3A_529, %reduce_min3A_530 [1] : vector<640x1280xi32> to vector<640xi32>
    %broadcast_in_dim3A_532 = vector.shape_cast %reduce_min3A_531 : vector<640xi32> to vector<640x1xi32>
    %add3A_533 = vector.broadcast %get3A_35 : i32 to vector<640x1xi32>
    %add3A_534 = arith.addi %broadcast_in_dim3A_532, %add3A_533 : vector<640x1xi32>
    %min3A_535 = arith.constant 8191 : i32
    %min3A_536 = vector.broadcast %min3A_535 : i32 to vector<640x1xi32>
    %min3A_537 = arith.minsi %add3A_534, %min3A_536 : vector<640x1xi32>
    %eq3A_538 = vector.broadcast %broadcast_in_dim3A_532 : vector<640x1xi32> to vector<640x1280xi32>
    %eq3A_539 = arith.cmpi eq, %iota3A, %eq3A_538 : vector<640x1280xi32>
    %jit3A_540 = arith.constant 0x7F800000 : f32
    %broadcast_in_dim3A_541 = vector.broadcast %jit3A_540 : f32 to vector<640x1280xf32>
    %select_n3A_542 = arith.select %eq3A_539, %broadcast_in_dim3A_541, %get3A_521 : vector<640x1280xi1>, vector<640x1280xf32>
    %swap3A_543 = arith.constant 0 : index
    %swap3A_544 = arith.constant 0 : index
    %swap3A_545 = vector.load %arg7[%swap3A_543, %swap3A_544] : memref<640x1280xf32, #tpu.memory_space<vmem>>, vector<640x1280xf32>
    tpu.vector_store %arg7[%swap3A_543, %swap3A_544], %select_n3A_542 {strides = array<i32>} : memref<640x1280xf32, #tpu.memory_space<vmem>>, vector<640x1280xf32>,
    %get3A_546 = arith.constant 0 : index
    %get3A_547 = arith.constant 0 : index
    %get3A_548 = vector.load %arg7[%get3A_546, %get3A_547] : memref<640x1280xf32, #tpu.memory_space<vmem>>, vector<640x1280xf32>
    %reduce_min3A_549 = arith.constant dense<0x7F800000> : vector<640xf32>
    %reduce_min3A_550 = vector.multi_reduction <minimumf>, %get3A_548, %reduce_min3A_549 [1] : vector<640x1280xf32> to vector<640xf32>
    %broadcast_in_dim3A_551 = vector.shape_cast %reduce_min3A_550 : vector<640xf32> to vector<640x1xf32>
    %eq3A_552 = vector.broadcast %broadcast_in_dim3A_551 : vector<640x1xf32> to vector<640x1280xf32>
    %eq3A_553 = arith.cmpf oeq, %get3A_548, %eq3A_552 : vector<640x1280xf32>
    %jit3A_554 = arith.constant 8192 : i32
    %broadcast_in_dim3A_555 = vector.broadcast %jit3A_554 : i32 to vector<640x1280xi32>
    %select_n3A_556 = arith.select %eq3A_553, %iota3A, %broadcast_in_dim3A_555 : vector<640x1280xi1>, vector<640x1280xi32>
    %reduce_min3A_557 = arith.constant dense<2147483647> : vector<640xi32>
    %reduce_min3A_558 = vector.multi_reduction <minsi>, %select_n3A_556, %reduce_min3A_557 [1] : vector<640x1280xi32> to vector<640xi32>
    %broadcast_in_dim3A_559 = vector.shape_cast %reduce_min3A_558 : vector<640xi32> to vector<640x1xi32>
    %add3A_560 = vector.broadcast %get3A_35 : i32 to vector<640x1xi32>
    %add3A_561 = arith.addi %broadcast_in_dim3A_559, %add3A_560 : vector<640x1xi32>
    %min3A_562 = arith.constant 8191 : i32
    %min3A_563 = vector.broadcast %min3A_562 : i32 to vector<640x1xi32>
    %min3A_564 = arith.minsi %add3A_561, %min3A_563 : vector<640x1xi32>
    %eq3A_565 = vector.broadcast %broadcast_in_dim3A_559 : vector<640x1xi32> to vector<640x1280xi32>
    %eq3A_566 = arith.cmpi eq, %iota3A, %eq3A_565 : vector<640x1280xi32>
    %jit3A_567 = arith.constant 0x7F800000 : f32
    %broadcast_in_dim3A_568 = vector.broadcast %jit3A_567 : f32 to vector<640x1280xf32>
    %select_n3A_569 = arith.select %eq3A_566, %broadcast_in_dim3A_568, %get3A_548 : vector<640x1280xi1>, vector<640x1280xf32>
    %swap3A_570 = arith.constant 0 : index
    %swap3A_571 = arith.constant 0 : index
    %swap3A_572 = vector.load %arg7[%swap3A_570, %swap3A_571] : memref<640x1280xf32, #tpu.memory_space<vmem>>, vector<640x1280xf32>
    tpu.vector_store %arg7[%swap3A_570, %swap3A_571], %select_n3A_569 {strides = array<i32>} : memref<640x1280xf32, #tpu.memory_space<vmem>>, vector<640x1280xf32>,
    %concatenate3A = tpu.concatenate %min3A_51, %min3A_78, %min3A_105, %min3A_132, %min3A_159, %min3A_186, %min3A_213, %min3A_240, %min3A_267, %min3A_294, %min3A_321, %min3A_348, %min3A_375, %min3A_402, %min3A_429, %min3A_456, %min3A_483, %min3A_510, %min3A_537, %min3A_564 in 1 : vector<640x1xi32>, vector<640x1xi32>, vector<640x1xi32>, vector<640x1xi32>, vector<640x1xi32>, vector<640x1xi32>, vector<640x1xi32>, vector<640x1xi32>, vector<640x1xi32>, vector<640x1xi32>, vector<640x1xi32>, vector<640x1xi32>, vector<640x1xi32>, vector<640x1xi32>, vector<640x1xi32>, vector<640x1xi32>, vector<640x1xi32>, vector<640x1xi32>, vector<640x1xi32>, vector<640x1xi32> -> vector<640x20xi32>
    %swap3A_573 = arith.constant 0 : index
    %swap3A_574 = arith.constant 0 : index
    %swap3A_575 = vector.load %arg6[%swap3A_573, %swap3A_574] : memref<640x20xi32, #tpu.memory_space<vmem>>, vector<640x20xi32>
    tpu.vector_store %arg6[%swap3A_573, %swap3A_574], %concatenate3A {strides = array<i32>} : memref<640x20xi32, #tpu.memory_space<vmem>>, vector<640x20xi32>,
    return
  }
  func.func @transform_0(%arg0: i32) -> (i32, i32) {
    %c0_i32 = arith.constant 0 : i32
    %c0_i32_0 = arith.constant 0 : i32
    return %arg0, %c0_i32 : i32, i32
  }
  func.func @transform_1(%arg0: i32) -> (i32, i32, i32) {
    %jit3A = arith.constant 2 : i32
    %div3A = arith.divsi %arg0, %jit3A : i32
    %sign3A = arith.constant 0 : i32
    %sign3A_0 = arith.cmpi sgt, %arg0, %sign3A : i32
    %sign3A_1 = arith.extui %sign3A_0 : i1 to i32
    %sign3A_2 = arith.constant 0 : i32
    %sign3A_3 = arith.cmpi slt, %arg0, %sign3A_2 : i32
    %sign3A_4 = arith.extui %sign3A_3 : i1 to i32
    %sign3A_5 = arith.subi %sign3A_1, %sign3A_4 : i32
    %sign3A_6 = arith.constant 0 : i32
    %sign3A_7 = arith.cmpi sgt, %jit3A, %sign3A_6 : i32
    %sign3A_8 = arith.extui %sign3A_7 : i1 to i32
    %sign3A_9 = arith.constant 0 : i32
    %sign3A_10 = arith.cmpi slt, %jit3A, %sign3A_9 : i32
    %sign3A_11 = arith.extui %sign3A_10 : i1 to i32
    %sign3A_12 = arith.subi %sign3A_8, %sign3A_11 : i32
    %ne3A = arith.cmpi ne, %sign3A_5, %sign3A_12 : i32
    %rem3A = arith.remsi %arg0, %jit3A : i32
    %ne3A_13 = arith.constant 0 : i32
    %ne3A_14 = arith.cmpi ne, %rem3A, %ne3A_13 : i32
    %and3A = arith.andi %ne3A, %ne3A_14 : i1
    %sub3A = arith.constant 1 : i32
    %sub3A_15 = arith.subi %div3A, %sub3A : i32
    %select_n3A = arith.select %and3A, %sub3A_15, %div3A : i32
    %c0_i32 = arith.constant 0 : i32
    %c0_i32_16 = arith.constant 0 : i32
    %c0_i32_17 = arith.constant 0 : i32
    return %select_n3A, %c0_i32, %c0_i32_16 : i32, i32, i32
  }
  func.func @transform_2(%arg0: i32) -> (i32, i32) {
    %c0_i32 = arith.constant 0 : i32
    %c0_i32_0 = arith.constant 0 : i32
    return %arg0, %c0_i32 : i32, i32
  }
  func.func @transform_3(%arg0: i32) -> (i32, i32, i32) {
    %jit3A = arith.constant 2 : i32
    %div3A = arith.divsi %arg0, %jit3A : i32
    %sign3A = arith.constant 0 : i32
    %sign3A_0 = arith.cmpi sgt, %arg0, %sign3A : i32
    %sign3A_1 = arith.extui %sign3A_0 : i1 to i32
    %sign3A_2 = arith.constant 0 : i32
    %sign3A_3 = arith.cmpi slt, %arg0, %sign3A_2 : i32
    %sign3A_4 = arith.extui %sign3A_3 : i1 to i32
    %sign3A_5 = arith.subi %sign3A_1, %sign3A_4 : i32
    %sign3A_6 = arith.constant 0 : i32
    %sign3A_7 = arith.cmpi sgt, %jit3A, %sign3A_6 : i32
    %sign3A_8 = arith.extui %sign3A_7 : i1 to i32
    %sign3A_9 = arith.constant 0 : i32
    %sign3A_10 = arith.cmpi slt, %jit3A, %sign3A_9 : i32
    %sign3A_11 = arith.extui %sign3A_10 : i1 to i32
    %sign3A_12 = arith.subi %sign3A_8, %sign3A_11 : i32
    %ne3A = arith.cmpi ne, %sign3A_5, %sign3A_12 : i32
    %rem3A = arith.remsi %arg0, %jit3A : i32
    %ne3A_13 = arith.constant 0 : i32
    %ne3A_14 = arith.cmpi ne, %rem3A, %ne3A_13 : i32
    %and3A = arith.andi %ne3A, %ne3A_14 : i1
    %sub3A = arith.constant 1 : i32
    %sub3A_15 = arith.subi %div3A, %sub3A : i32
    %select_n3A = arith.select %and3A, %sub3A_15, %div3A : i32
    %c0_i32 = arith.constant 0 : i32
    %c0_i32_16 = arith.constant 0 : i32
    %c0_i32_17 = arith.constant 0 : i32
    return %select_n3A, %c0_i32, %c0_i32_16 : i32, i32, i32
  }
  func.func @transform_4(%arg0: i32) -> (i32, i32, i32) {
    %jit3A = arith.constant 2 : i32
    %div3A = arith.divsi %arg0, %jit3A : i32
    %sign3A = arith.constant 0 : i32
    %sign3A_0 = arith.cmpi sgt, %arg0, %sign3A : i32
    %sign3A_1 = arith.extui %sign3A_0 : i1 to i32
    %sign3A_2 = arith.constant 0 : i32
    %sign3A_3 = arith.cmpi slt, %arg0, %sign3A_2 : i32
    %sign3A_4 = arith.extui %sign3A_3 : i1 to i32
    %sign3A_5 = arith.subi %sign3A_1, %sign3A_4 : i32
    %sign3A_6 = arith.constant 0 : i32
    %sign3A_7 = arith.cmpi sgt, %jit3A, %sign3A_6 : i32
    %sign3A_8 = arith.extui %sign3A_7 : i1 to i32
    %sign3A_9 = arith.constant 0 : i32
    %sign3A_10 = arith.cmpi slt, %jit3A, %sign3A_9 : i32
    %sign3A_11 = arith.extui %sign3A_10 : i1 to i32
    %sign3A_12 = arith.subi %sign3A_8, %sign3A_11 : i32
    %ne3A = arith.cmpi ne, %sign3A_5, %sign3A_12 : i32
    %rem3A = arith.remsi %arg0, %jit3A : i32
    %ne3A_13 = arith.constant 0 : i32
    %ne3A_14 = arith.cmpi ne, %rem3A, %ne3A_13 : i32
    %and3A = arith.andi %ne3A, %ne3A_14 : i1
    %sub3A = arith.constant 1 : i32
    %sub3A_15 = arith.subi %div3A, %sub3A : i32
    %select_n3A = arith.select %and3A, %sub3A_15, %div3A : i32
    %c0_i32 = arith.constant 0 : i32
    %c0_i32_16 = arith.constant 0 : i32
    %c0_i32_17 = arith.constant 0 : i32
    return %select_n3A, %c0_i32, %c0_i32_16 : i32, i32, i32
  }
  func.func @transform_5(%arg0: i32) -> (i32, i32) {
    %c0_i32 = arith.constant 0 : i32
    %c0_i32_0 = arith.constant 0 : i32
    return %arg0, %c0_i32 : i32, i32
  }
}

module attributes {stable_mosaic.version = 14 : i64} {
  func.func @_b_body(%arg0: i32, %arg1: i32, %arg2: i32, %arg3: memref<512x128xf32, #tpu.memory_space<vmem>>, %arg4: memref<512x8xf32, #tpu.memory_space<vmem>>, %arg5: memref<8x64xf32, #tpu.memory_space<vmem>>, %arg6: memref<8x64xf32, #tpu.memory_space<vmem>>, %arg7: memref<1x64xf32, #tpu.memory_space<vmem>>, %arg8: memref<1x64xf32, #tpu.memory_space<vmem>>, %arg9: memref<1x64xf32, #tpu.memory_space<vmem>>, %arg10: memref<64x64xf32, #tpu.memory_space<vmem>>, %arg11: memref<1x64xf32, #tpu.memory_space<vmem>>, %arg12: memref<512x64xf32, #tpu.memory_space<vmem>>, %arg13: memref<2x64xf32, #tpu.memory_space<vmem>>, %arg14: memref<2x64xf32, #tpu.memory_space<vmem>>) attributes {dimension_semantics = [#tpu.dimension_semantics<arbitrary>, #tpu.dimension_semantics<arbitrary>, #tpu.dimension_semantics<arbitrary>], iteration_bounds = array<i64: 2, 20, 16>, scalar_prefetch = 0 : i64, scratch_operands = 1 : i64, tpu.core_type = #tpu.core_type<tc>, window_params = [{transform_indices = @transform_0, window_bounds = array<i64: 512, 128>}, {transform_indices = @transform_1, window_bounds = array<i64: 512, 8>}, {pipeline_mode = #tpu.pipeline_mode<synchronous>, transform_indices = @transform_2, window_bounds = array<i64: 8, 64>}, {pipeline_mode = #tpu.pipeline_mode<synchronous>, transform_indices = @transform_3, window_bounds = array<i64: 8, 64>}, {pipeline_mode = #tpu.pipeline_mode<synchronous>, transform_indices = @transform_4, window_bounds = array<i64: 1, 64>}, {pipeline_mode = #tpu.pipeline_mode<synchronous>, transform_indices = @transform_5, window_bounds = array<i64: 1, 64>}, {pipeline_mode = #tpu.pipeline_mode<synchronous>, transform_indices = @transform_6, window_bounds = array<i64: 1, 64>}, {pipeline_mode = #tpu.pipeline_mode<synchronous>, transform_indices = @transform_7, window_bounds = array<i64: 64, 64>}, {pipeline_mode = #tpu.pipeline_mode<synchronous>, transform_indices = @transform_8, window_bounds = array<i64: 1, 64>}, {transform_indices = @transform_9, window_bounds = array<i64: 512, 64>}, {pipeline_mode = #tpu.pipeline_mode<synchronous>, transform_indices = @transform_10, window_bounds = array<i64: 2, 64>}]} {
    %eq3A = arith.constant 0 : i32
    %eq3A_0 = arith.cmpi eq, %arg1, %eq3A : i32
    %eq3A_1 = arith.constant 0 : i32
    %eq3A_2 = arith.cmpi eq, %arg2, %eq3A_1 : i32
    %and3A = arith.andi %eq3A_0, %eq3A_2 : i1
    %get3A = arith.constant 0 : index
    %get3A_3 = arith.constant 0 : index
    %get3A_4 = vector.load %arg4[%get3A, %get3A_3] : memref<512x8xf32, #tpu.memory_space<vmem>>, vector<512x8xf32>
    %get3A_5 = arith.constant 0 : index
    %get3A_6 = arith.constant 0 : index
    %get3A_7 = vector.load %arg5[%get3A_5, %get3A_6] : memref<8x64xf32, #tpu.memory_space<vmem>>, vector<8x64xf32>
    %dot_general3A = arith.constant dense<0.000000e+00> : vector<512x64xf32>
    %dot_general3A_8 = tpu.matmul %get3A_4, %get3A_7, %dot_general3A {dimension_numbers = #tpu.dot_dimension_numbers<[1], [0], [0], [1], [0, 0, 1, 1], [], []>, transpose_lhs_hint = false} : vector<512x8xf32>, vector<8x64xf32>, vector<512x64xf32> -> vector<512x64xf32>
    %get3A_9 = arith.constant 0 : index
    %get3A_10 = arith.constant 0 : index
    %get3A_11 = vector.load %arg3[%get3A_9, %get3A_10] : memref<512x128xf32, #tpu.memory_space<vmem>>, vector<512x8xf32>
    %sub3A = arith.subf %get3A_11, %get3A_4 : vector<512x8xf32>
    %get3A_12 = arith.constant 0 : index
    %get3A_13 = arith.constant 0 : index
    %get3A_14 = vector.load %arg6[%get3A_12, %get3A_13] : memref<8x64xf32, #tpu.memory_space<vmem>>, vector<8x64xf32>
    %dot_general3A_15 = arith.constant dense<0.000000e+00> : vector<512x64xf32>
    %dot_general3A_16 = tpu.matmul %sub3A, %get3A_14, %dot_general3A_15 {dimension_numbers = #tpu.dot_dimension_numbers<[1], [0], [0], [1], [0, 0, 1, 1], [], []>, transpose_lhs_hint = false} : vector<512x8xf32>, vector<8x64xf32>, vector<512x64xf32> -> vector<512x64xf32>
    %add3A = arith.addf %dot_general3A_8, %dot_general3A_16 : vector<512x64xf32>
    %get3A_17 = arith.constant 0 : index
    %get3A_18 = arith.constant 0 : index
    %get3A_19 = vector.load %arg7[%get3A_17, %get3A_18] : memref<1x64xf32, #tpu.memory_space<vmem>>, vector<1x64xf32>
    %add3A_20 = vector.broadcast %get3A_19 : vector<1x64xf32> to vector<512x64xf32>
    %add3A_21 = arith.addf %add3A, %add3A_20 : vector<512x64xf32>
    %eq3A_22 = arith.constant 0 : i32
    %eq3A_23 = arith.cmpi eq, %arg0, %eq3A_22 : i32
    %and3A_24 = arith.andi %eq3A_23, %and3A : i1
    %convert_element_type3A = arith.extui %and3A_24 : i1 to i32
    %cond3A = arith.constant 0 : i32
    %cond3A_25 = arith.cmpi ne, %convert_element_type3A, %cond3A : i32
    scf.if %cond3A_25 {
      %broadcast_in_dim3A = arith.constant 0.000000e+00 : f32
      %broadcast_in_dim3A_42 = vector.broadcast %broadcast_in_dim3A : f32 to vector<2x64xf32>
      %swap3A = arith.constant 0 : index
      %swap3A_43 = arith.constant 0 : index
      %swap3A_44 = vector.load %arg14[%swap3A, %swap3A_43] : memref<2x64xf32, #tpu.memory_space<vmem>>, vector<2x64xf32>
      tpu.vector_store %arg14[%swap3A, %swap3A_43], %broadcast_in_dim3A_42 {strides = array<i32>} : memref<2x64xf32, #tpu.memory_space<vmem>>, vector<2x64xf32>,
    } else {
    }
    %eq3A_26 = arith.constant 0 : i32
    %eq3A_27 = arith.cmpi eq, %arg0, %eq3A_26 : i32
    %convert_element_type3A_28 = arith.extui %eq3A_27 : i1 to i32
    %cond3A_29 = arith.constant 0 : i32
    %cond3A_30 = arith.cmpi ne, %convert_element_type3A_28, %cond3A_29 : i32
    scf.if %cond3A_30 {
      %get3A_42 = arith.constant 0 : index
      %get3A_43 = arith.constant 0 : index
      %get3A_44 = vector.load %arg14[%get3A_42, %get3A_43] : memref<2x64xf32, #tpu.memory_space<vmem>>, vector<1x64xf32>
      %reduce_sum3A = arith.constant dense<0.000000e+00> : vector<64xf32>
      %reduce_sum3A_45 = vector.multi_reduction <add>, %add3A_21, %reduce_sum3A [0] : vector<512x64xf32> to vector<64xf32>
      %broadcast_in_dim3A = vector.shape_cast %reduce_sum3A_45 : vector<64xf32> to vector<1x64xf32>
      %add3A_46 = arith.addf %get3A_44, %broadcast_in_dim3A : vector<1x64xf32>
      %swap3A = arith.constant 0 : index
      %swap3A_47 = arith.constant 0 : index
      %swap3A_48 = vector.load %arg14[%swap3A, %swap3A_47] : memref<2x64xf32, #tpu.memory_space<vmem>>, vector<1x64xf32>
      tpu.vector_store %arg14[%swap3A, %swap3A_47], %add3A_46 {strides = array<i32>} : memref<2x64xf32, #tpu.memory_space<vmem>>, vector<1x64xf32>,
      %get3A_49 = arith.constant 1 : index
      %get3A_50 = arith.constant 0 : index
      %get3A_51 = vector.load %arg14[%get3A_49, %get3A_50] : memref<2x64xf32, #tpu.memory_space<vmem>>, vector<1x64xf32>
      %mul3A = arith.mulf %add3A_21, %add3A_21 : vector<512x64xf32>
      %reduce_sum3A_52 = arith.constant dense<0.000000e+00> : vector<64xf32>
      %reduce_sum3A_53 = vector.multi_reduction <add>, %mul3A, %reduce_sum3A_52 [0] : vector<512x64xf32> to vector<64xf32>
      %broadcast_in_dim3A_54 = vector.shape_cast %reduce_sum3A_53 : vector<64xf32> to vector<1x64xf32>
      %add3A_55 = arith.addf %get3A_51, %broadcast_in_dim3A_54 : vector<1x64xf32>
      %swap3A_56 = arith.constant 1 : index
      %swap3A_57 = arith.constant 0 : index
      %swap3A_58 = vector.load %arg14[%swap3A_56, %swap3A_57] : memref<2x64xf32, #tpu.memory_space<vmem>>, vector<1x64xf32>
      tpu.vector_store %arg14[%swap3A_56, %swap3A_57], %add3A_55 {strides = array<i32>} : memref<2x64xf32, #tpu.memory_space<vmem>>, vector<1x64xf32>,
    } else {
    }
    %eq3A_31 = arith.constant 1 : i32
    %eq3A_32 = arith.cmpi eq, %arg0, %eq3A_31 : i32
    %and3A_33 = arith.andi %eq3A_32, %and3A : i1
    %convert_element_type3A_34 = arith.extui %and3A_33 : i1 to i32
    %cond3A_35 = arith.constant 0 : i32
    %cond3A_36 = arith.cmpi ne, %convert_element_type3A_34, %cond3A_35 : i32
    scf.if %cond3A_36 {
      %broadcast_in_dim3A = arith.constant 0.000000e+00 : f32
      %broadcast_in_dim3A_42 = vector.broadcast %broadcast_in_dim3A : f32 to vector<2x64xf32>
      %swap3A = arith.constant 0 : index
      %swap3A_43 = arith.constant 0 : index
      %swap3A_44 = vector.load %arg13[%swap3A, %swap3A_43] : memref<2x64xf32, #tpu.memory_space<vmem>>, vector<2x64xf32>
      tpu.vector_store %arg13[%swap3A, %swap3A_43], %broadcast_in_dim3A_42 {strides = array<i32>} : memref<2x64xf32, #tpu.memory_space<vmem>>, vector<2x64xf32>,
    } else {
    }
    %eq3A_37 = arith.constant 1 : i32
    %eq3A_38 = arith.cmpi eq, %arg0, %eq3A_37 : i32
    %convert_element_type3A_39 = arith.extui %eq3A_38 : i1 to i32
    %cond3A_40 = arith.constant 0 : i32
    %cond3A_41 = arith.cmpi ne, %convert_element_type3A_39, %cond3A_40 : i32
    scf.if %cond3A_41 {
      %get3A_42 = arith.constant 0 : index
      %get3A_43 = arith.constant 0 : index
      %get3A_44 = vector.load %arg14[%get3A_42, %get3A_43] : memref<2x64xf32, #tpu.memory_space<vmem>>, vector<1x64xf32>
      %div3A = arith.constant 1.638400e+05 : f32
      %div3A_45 = vector.broadcast %div3A : f32 to vector<1x64xf32>
      %div3A_46 = arith.divf %get3A_44, %div3A_45 : vector<1x64xf32>
      %get3A_47 = arith.constant 1 : index
      %get3A_48 = arith.constant 0 : index
      %get3A_49 = vector.load %arg14[%get3A_47, %get3A_48] : memref<2x64xf32, #tpu.memory_space<vmem>>, vector<1x64xf32>
      %div3A_50 = arith.constant 1.638400e+05 : f32
      %div3A_51 = vector.broadcast %div3A_50 : f32 to vector<1x64xf32>
      %div3A_52 = arith.divf %get3A_49, %div3A_51 : vector<1x64xf32>
      %mul3A = arith.mulf %div3A_46, %div3A_46 : vector<1x64xf32>
      %sub3A_53 = arith.subf %div3A_52, %mul3A : vector<1x64xf32>
      %get3A_54 = arith.constant 0 : index
      %get3A_55 = arith.constant 0 : index
      %get3A_56 = vector.load %arg8[%get3A_54, %get3A_55] : memref<1x64xf32, #tpu.memory_space<vmem>>, vector<1x64xf32>
      %add3A_57 = arith.constant 9.99999974E-6 : f32
      %add3A_58 = vector.broadcast %add3A_57 : f32 to vector<1x64xf32>
      %add3A_59 = arith.addf %sub3A_53, %add3A_58 : vector<1x64xf32>
      %rsqrt3A = math.rsqrt %add3A_59 : vector<1x64xf32>
      %mul3A_60 = arith.mulf %get3A_56, %rsqrt3A : vector<1x64xf32>
      %get3A_61 = arith.constant 0 : index
      %get3A_62 = arith.constant 0 : index
      %get3A_63 = vector.load %arg9[%get3A_61, %get3A_62] : memref<1x64xf32, #tpu.memory_space<vmem>>, vector<1x64xf32>
      %mul3A_64 = arith.mulf %mul3A_60, %div3A_46 : vector<1x64xf32>
      %sub3A_65 = arith.subf %get3A_63, %mul3A_64 : vector<1x64xf32>
      %mul3A_66 = vector.broadcast %mul3A_60 : vector<1x64xf32> to vector<512x64xf32>
      %mul3A_67 = arith.mulf %mul3A_66, %add3A_21 : vector<512x64xf32>
      %add3A_68 = vector.broadcast %sub3A_65 : vector<1x64xf32> to vector<512x64xf32>
      %add3A_69 = arith.addf %mul3A_67, %add3A_68 : vector<512x64xf32>
      %max3A = arith.constant 0.000000e+00 : f32
      %max3A_70 = vector.broadcast %max3A : f32 to vector<512x64xf32>
      %max3A_71 = arith.maximumf %add3A_69, %max3A_70 : vector<512x64xf32>
      %get3A_72 = arith.constant 0 : index
      %get3A_73 = arith.constant 0 : index
      %get3A_74 = vector.load %arg10[%get3A_72, %get3A_73] : memref<64x64xf32, #tpu.memory_space<vmem>>, vector<64x64xf32>
      %dot_general3A_75 = arith.constant dense<0.000000e+00> : vector<512x64xf32>
      %dot_general3A_76 = tpu.matmul %max3A_71, %get3A_74, %dot_general3A_75 {dimension_numbers = #tpu.dot_dimension_numbers<[1], [0], [0], [1], [0, 0, 1, 1], [], []>, transpose_lhs_hint = false} : vector<512x64xf32>, vector<64x64xf32>, vector<512x64xf32> -> vector<512x64xf32>
      %get3A_77 = arith.constant 0 : index
      %get3A_78 = arith.constant 0 : index
      %get3A_79 = vector.load %arg11[%get3A_77, %get3A_78] : memref<1x64xf32, #tpu.memory_space<vmem>>, vector<1x64xf32>
      %add3A_80 = vector.broadcast %get3A_79 : vector<1x64xf32> to vector<512x64xf32>
      %add3A_81 = arith.addf %dot_general3A_76, %add3A_80 : vector<512x64xf32>
      %swap3A = arith.constant 0 : index
      %swap3A_82 = arith.constant 0 : index
      %swap3A_83 = vector.load %arg12[%swap3A, %swap3A_82] : memref<512x64xf32, #tpu.memory_space<vmem>>, vector<512x64xf32>
      tpu.vector_store %arg12[%swap3A, %swap3A_82], %add3A_81 {strides = array<i32>} : memref<512x64xf32, #tpu.memory_space<vmem>>, vector<512x64xf32>,
      %get3A_84 = arith.constant 0 : index
      %get3A_85 = arith.constant 0 : index
      %get3A_86 = vector.load %arg13[%get3A_84, %get3A_85] : memref<2x64xf32, #tpu.memory_space<vmem>>, vector<1x64xf32>
      %reduce_sum3A = arith.constant dense<0.000000e+00> : vector<64xf32>
      %reduce_sum3A_87 = vector.multi_reduction <add>, %add3A_81, %reduce_sum3A [0] : vector<512x64xf32> to vector<64xf32>
      %broadcast_in_dim3A = vector.shape_cast %reduce_sum3A_87 : vector<64xf32> to vector<1x64xf32>
      %add3A_88 = arith.addf %get3A_86, %broadcast_in_dim3A : vector<1x64xf32>
      %swap3A_89 = arith.constant 0 : index
      %swap3A_90 = arith.constant 0 : index
      %swap3A_91 = vector.load %arg13[%swap3A_89, %swap3A_90] : memref<2x64xf32, #tpu.memory_space<vmem>>, vector<1x64xf32>
      tpu.vector_store %arg13[%swap3A_89, %swap3A_90], %add3A_88 {strides = array<i32>} : memref<2x64xf32, #tpu.memory_space<vmem>>, vector<1x64xf32>,
      %get3A_92 = arith.constant 1 : index
      %get3A_93 = arith.constant 0 : index
      %get3A_94 = vector.load %arg13[%get3A_92, %get3A_93] : memref<2x64xf32, #tpu.memory_space<vmem>>, vector<1x64xf32>
      %mul3A_95 = arith.mulf %add3A_81, %add3A_81 : vector<512x64xf32>
      %reduce_sum3A_96 = arith.constant dense<0.000000e+00> : vector<64xf32>
      %reduce_sum3A_97 = vector.multi_reduction <add>, %mul3A_95, %reduce_sum3A_96 [0] : vector<512x64xf32> to vector<64xf32>
      %broadcast_in_dim3A_98 = vector.shape_cast %reduce_sum3A_97 : vector<64xf32> to vector<1x64xf32>
      %add3A_99 = arith.addf %get3A_94, %broadcast_in_dim3A_98 : vector<1x64xf32>
      %swap3A_100 = arith.constant 1 : index
      %swap3A_101 = arith.constant 0 : index
      %swap3A_102 = vector.load %arg13[%swap3A_100, %swap3A_101] : memref<2x64xf32, #tpu.memory_space<vmem>>, vector<1x64xf32>
      tpu.vector_store %arg13[%swap3A_100, %swap3A_101], %add3A_99 {strides = array<i32>} : memref<2x64xf32, #tpu.memory_space<vmem>>, vector<1x64xf32>,
    } else {
    }
    return
  }
  func.func @transform_0(%arg0: i32, %arg1: i32, %arg2: i32) -> (i32, i32) {
    %mul3A = arith.constant 16 : i32
    %mul3A_0 = arith.muli %arg1, %mul3A : i32
    %add3A = arith.addi %mul3A_0, %arg2 : i32
    %c0_i32 = arith.constant 0 : i32
    %c0_i32_1 = arith.constant 0 : i32
    return %add3A, %c0_i32 : i32, i32
  }
  func.func @transform_1(%arg0: i32, %arg1: i32, %arg2: i32) -> (i32, i32) {
    %c0_i32 = arith.constant 0 : i32
    %c0_i32_0 = arith.constant 0 : i32
    return %arg2, %c0_i32 : i32, i32
  }
  func.func @transform_2(%arg0: i32, %arg1: i32, %arg2: i32) -> (i32, i32) {
    %c0_i32 = arith.constant 0 : i32
    %c0_i32_0 = arith.constant 0 : i32
    %c0_i32_1 = arith.constant 0 : i32
    return %c0_i32, %c0_i32_0 : i32, i32
  }
  func.func @transform_3(%arg0: i32, %arg1: i32, %arg2: i32) -> (i32, i32) {
    %c0_i32 = arith.constant 0 : i32
    %c0_i32_0 = arith.constant 0 : i32
    %c0_i32_1 = arith.constant 0 : i32
    return %c0_i32, %c0_i32_0 : i32, i32
  }
  func.func @transform_4(%arg0: i32, %arg1: i32, %arg2: i32) -> (i32, i32) {
    %c0_i32 = arith.constant 0 : i32
    %c0_i32_0 = arith.constant 0 : i32
    %c0_i32_1 = arith.constant 0 : i32
    return %c0_i32, %c0_i32_0 : i32, i32
  }
  func.func @transform_5(%arg0: i32, %arg1: i32, %arg2: i32) -> (i32, i32) {
    %c0_i32 = arith.constant 0 : i32
    %c0_i32_0 = arith.constant 0 : i32
    %c0_i32_1 = arith.constant 0 : i32
    return %c0_i32, %c0_i32_0 : i32, i32
  }
  func.func @transform_6(%arg0: i32, %arg1: i32, %arg2: i32) -> (i32, i32) {
    %c0_i32 = arith.constant 0 : i32
    %c0_i32_0 = arith.constant 0 : i32
    %c0_i32_1 = arith.constant 0 : i32
    return %c0_i32, %c0_i32_0 : i32, i32
  }
  func.func @transform_7(%arg0: i32, %arg1: i32, %arg2: i32) -> (i32, i32) {
    %c0_i32 = arith.constant 0 : i32
    %c0_i32_0 = arith.constant 0 : i32
    %c0_i32_1 = arith.constant 0 : i32
    return %c0_i32, %c0_i32_0 : i32, i32
  }
  func.func @transform_8(%arg0: i32, %arg1: i32, %arg2: i32) -> (i32, i32) {
    %c0_i32 = arith.constant 0 : i32
    %c0_i32_0 = arith.constant 0 : i32
    %c0_i32_1 = arith.constant 0 : i32
    return %c0_i32, %c0_i32_0 : i32, i32
  }
  func.func @transform_9(%arg0: i32, %arg1: i32, %arg2: i32) -> (i32, i32) {
    %mul3A = arith.constant 16 : i32
    %mul3A_0 = arith.muli %arg1, %mul3A : i32
    %add3A = arith.addi %mul3A_0, %arg2 : i32
    %c0_i32 = arith.constant 0 : i32
    %c0_i32_1 = arith.constant 0 : i32
    return %add3A, %c0_i32 : i32, i32
  }
  func.func @transform_10(%arg0: i32, %arg1: i32, %arg2: i32) -> (i32, i32) {
    %c0_i32 = arith.constant 0 : i32
    %c0_i32_0 = arith.constant 0 : i32
    %c0_i32_1 = arith.constant 0 : i32
    return %c0_i32, %c0_i32_0 : i32, i32
  }
}

module attributes {stable_mosaic.version = 14 : i64} {
  func.func @_c_body(%arg0: i32, %arg1: i32, %arg2: memref<512x64xf32, #tpu.memory_space<vmem>>, %arg3: memref<2x64xf32, #tpu.memory_space<vmem>>, %arg4: memref<1x64xf32, #tpu.memory_space<vmem>>, %arg5: memref<1x64xf32, #tpu.memory_space<vmem>>, %arg6: memref<64x64xf32, #tpu.memory_space<vmem>>, %arg7: memref<1x64xf32, #tpu.memory_space<vmem>>, %arg8: memref<64x128xf32, #tpu.memory_space<vmem>>, %arg9: memref<64x128xf32, #tpu.memory_space<vmem>>, %arg10: memref<1x128xf32, #tpu.memory_space<vmem>>, %arg11: memref<512x64xf32, #tpu.memory_space<vmem>>, %arg12: memref<512x128xf32, #tpu.memory_space<vmem>>, %arg13: memref<512x128xf32, #tpu.memory_space<vmem>>, %arg14: memref<512x64xf32, #tpu.memory_space<vmem>>) attributes {dimension_semantics = [#tpu.dimension_semantics<arbitrary>, #tpu.dimension_semantics<arbitrary>], iteration_bounds = array<i64: 16, 20>, scalar_prefetch = 0 : i64, scratch_operands = 1 : i64, tpu.core_type = #tpu.core_type<tc>, window_params = [{transform_indices = @transform_0, window_bounds = array<i64: 512, 64>}, {pipeline_mode = #tpu.pipeline_mode<synchronous>, transform_indices = @transform_1, window_bounds = array<i64: 2, 64>}, {pipeline_mode = #tpu.pipeline_mode<synchronous>, transform_indices = @transform_2, window_bounds = array<i64: 1, 64>}, {pipeline_mode = #tpu.pipeline_mode<synchronous>, transform_indices = @transform_3, window_bounds = array<i64: 1, 64>}, {pipeline_mode = #tpu.pipeline_mode<synchronous>, transform_indices = @transform_4, window_bounds = array<i64: 64, 64>}, {pipeline_mode = #tpu.pipeline_mode<synchronous>, transform_indices = @transform_5, window_bounds = array<i64: 1, 64>}, {pipeline_mode = #tpu.pipeline_mode<synchronous>, transform_indices = @transform_6, window_bounds = array<i64: 64, 128>}, {pipeline_mode = #tpu.pipeline_mode<synchronous>, transform_indices = @transform_7, window_bounds = array<i64: 64, 128>}, {pipeline_mode = #tpu.pipeline_mode<synchronous>, transform_indices = @transform_8, window_bounds = array<i64: 1, 128>}, {transform_indices = @transform_9, window_bounds = array<i64: 512, 64>}, {transform_indices = @transform_10, window_bounds = array<i64: 512, 128>}, {transform_indices = @transform_11, window_bounds = array<i64: 512, 128>}]} {
    %get3A = arith.constant 0 : index
    %get3A_0 = arith.constant 0 : index
    %get3A_1 = vector.load %arg3[%get3A, %get3A_0] : memref<2x64xf32, #tpu.memory_space<vmem>>, vector<1x64xf32>
    %div3A = arith.constant 1.638400e+05 : f32
    %div3A_2 = vector.broadcast %div3A : f32 to vector<1x64xf32>
    %div3A_3 = arith.divf %get3A_1, %div3A_2 : vector<1x64xf32>
    %get3A_4 = arith.constant 1 : index
    %get3A_5 = arith.constant 0 : index
    %get3A_6 = vector.load %arg3[%get3A_4, %get3A_5] : memref<2x64xf32, #tpu.memory_space<vmem>>, vector<1x64xf32>
    %div3A_7 = arith.constant 1.638400e+05 : f32
    %div3A_8 = vector.broadcast %div3A_7 : f32 to vector<1x64xf32>
    %div3A_9 = arith.divf %get3A_6, %div3A_8 : vector<1x64xf32>
    %mul3A = arith.mulf %div3A_3, %div3A_3 : vector<1x64xf32>
    %sub3A = arith.subf %div3A_9, %mul3A : vector<1x64xf32>
    %get3A_10 = arith.constant 0 : index
    %get3A_11 = arith.constant 0 : index
    %get3A_12 = vector.load %arg4[%get3A_10, %get3A_11] : memref<1x64xf32, #tpu.memory_space<vmem>>, vector<1x64xf32>
    %add3A = arith.constant 9.99999974E-6 : f32
    %add3A_13 = vector.broadcast %add3A : f32 to vector<1x64xf32>
    %add3A_14 = arith.addf %sub3A, %add3A_13 : vector<1x64xf32>
    %rsqrt3A = math.rsqrt %add3A_14 : vector<1x64xf32>
    %mul3A_15 = arith.mulf %get3A_12, %rsqrt3A : vector<1x64xf32>
    %get3A_16 = arith.constant 0 : index
    %get3A_17 = arith.constant 0 : index
    %get3A_18 = vector.load %arg5[%get3A_16, %get3A_17] : memref<1x64xf32, #tpu.memory_space<vmem>>, vector<1x64xf32>
    %mul3A_19 = arith.mulf %mul3A_15, %div3A_3 : vector<1x64xf32>
    %sub3A_20 = arith.subf %get3A_18, %mul3A_19 : vector<1x64xf32>
    %get3A_21 = arith.constant 0 : index
    %get3A_22 = arith.constant 0 : index
    %get3A_23 = vector.load %arg2[%get3A_21, %get3A_22] : memref<512x64xf32, #tpu.memory_space<vmem>>, vector<512x64xf32>
    %mul3A_24 = vector.broadcast %mul3A_15 : vector<1x64xf32> to vector<512x64xf32>
    %mul3A_25 = arith.mulf %mul3A_24, %get3A_23 : vector<512x64xf32>
    %add3A_26 = vector.broadcast %sub3A_20 : vector<1x64xf32> to vector<512x64xf32>
    %add3A_27 = arith.addf %mul3A_25, %add3A_26 : vector<512x64xf32>
    %max3A = arith.constant 0.000000e+00 : f32
    %max3A_28 = vector.broadcast %max3A : f32 to vector<512x64xf32>
    %max3A_29 = arith.maximumf %add3A_27, %max3A_28 : vector<512x64xf32>
    %get3A_30 = arith.constant 0 : index
    %get3A_31 = arith.constant 0 : index
    %get3A_32 = vector.load %arg6[%get3A_30, %get3A_31] : memref<64x64xf32, #tpu.memory_space<vmem>>, vector<64x64xf32>
    %dot_general3A = arith.constant dense<0.000000e+00> : vector<512x64xf32>
    %dot_general3A_33 = tpu.matmul %max3A_29, %get3A_32, %dot_general3A {dimension_numbers = #tpu.dot_dimension_numbers<[1], [0], [0], [1], [0, 0, 1, 1], [], []>, transpose_lhs_hint = false} : vector<512x64xf32>, vector<64x64xf32>, vector<512x64xf32> -> vector<512x64xf32>
    %get3A_34 = arith.constant 0 : index
    %get3A_35 = arith.constant 0 : index
    %get3A_36 = vector.load %arg7[%get3A_34, %get3A_35] : memref<1x64xf32, #tpu.memory_space<vmem>>, vector<1x64xf32>
    %add3A_37 = vector.broadcast %get3A_36 : vector<1x64xf32> to vector<512x64xf32>
    %add3A_38 = arith.addf %dot_general3A_33, %add3A_37 : vector<512x64xf32>
    %eq3A = arith.constant 0 : i32
    %eq3A_39 = arith.cmpi eq, %arg1, %eq3A : i32
    %convert_element_type3A = arith.extui %eq3A_39 : i1 to i32
    %cond3A = arith.constant 0 : i32
    %cond3A_40 = arith.cmpi ne, %convert_element_type3A, %cond3A : i32
    scf.if %cond3A_40 {
      %swap3A = arith.constant 0 : index
      %swap3A_50 = arith.constant 0 : index
      %swap3A_51 = vector.load %arg14[%swap3A, %swap3A_50] : memref<512x64xf32, #tpu.memory_space<vmem>>, vector<512x64xf32>
      tpu.vector_store %arg14[%swap3A, %swap3A_50], %add3A_38 {strides = array<i32>} : memref<512x64xf32, #tpu.memory_space<vmem>>, vector<512x64xf32>,
    } else {
    }
    %gt3A = arith.constant 0 : i32
    %gt3A_41 = arith.cmpi sgt, %arg1, %gt3A : i32
    %convert_element_type3A_42 = arith.extui %gt3A_41 : i1 to i32
    %cond3A_43 = arith.constant 0 : i32
    %cond3A_44 = arith.cmpi ne, %convert_element_type3A_42, %cond3A_43 : i32
    scf.if %cond3A_44 {
      %get3A_50 = arith.constant 0 : index
      %get3A_51 = arith.constant 0 : index
      %get3A_52 = vector.load %arg14[%get3A_50, %get3A_51] : memref<512x64xf32, #tpu.memory_space<vmem>>, vector<512x64xf32>
      %max3A_53 = arith.maximumf %get3A_52, %add3A_38 : vector<512x64xf32>
      %swap3A = arith.constant 0 : index
      %swap3A_54 = arith.constant 0 : index
      %swap3A_55 = vector.load %arg14[%swap3A, %swap3A_54] : memref<512x64xf32, #tpu.memory_space<vmem>>, vector<512x64xf32>
      tpu.vector_store %arg14[%swap3A, %swap3A_54], %max3A_53 {strides = array<i32>} : memref<512x64xf32, #tpu.memory_space<vmem>>, vector<512x64xf32>,
    } else {
    }
    %eq3A_45 = arith.constant 19 : i32
    %eq3A_46 = arith.cmpi eq, %arg1, %eq3A_45 : i32
    %convert_element_type3A_47 = arith.extui %eq3A_46 : i1 to i32
    %cond3A_48 = arith.constant 0 : i32
    %cond3A_49 = arith.cmpi ne, %convert_element_type3A_47, %cond3A_48 : i32
    scf.if %cond3A_49 {
      %get3A_50 = arith.constant 0 : index
      %get3A_51 = arith.constant 0 : index
      %get3A_52 = vector.load %arg14[%get3A_50, %get3A_51] : memref<512x64xf32, #tpu.memory_space<vmem>>, vector<512x64xf32>
      %swap3A = arith.constant 0 : index
      %swap3A_53 = arith.constant 0 : index
      %swap3A_54 = vector.load %arg11[%swap3A, %swap3A_53] : memref<512x64xf32, #tpu.memory_space<vmem>>, vector<512x64xf32>
      tpu.vector_store %arg11[%swap3A, %swap3A_53], %get3A_52 {strides = array<i32>} : memref<512x64xf32, #tpu.memory_space<vmem>>, vector<512x64xf32>,
      %get3A_55 = arith.constant 0 : index
      %get3A_56 = arith.constant 0 : index
      %get3A_57 = vector.load %arg8[%get3A_55, %get3A_56] : memref<64x128xf32, #tpu.memory_space<vmem>>, vector<64x128xf32>
      %dot_general3A_58 = arith.constant dense<0.000000e+00> : vector<512x128xf32>
      %dot_general3A_59 = tpu.matmul %get3A_52, %get3A_57, %dot_general3A_58 {dimension_numbers = #tpu.dot_dimension_numbers<[1], [0], [0], [1], [0, 0, 1, 1], [], []>, transpose_lhs_hint = false} : vector<512x64xf32>, vector<64x128xf32>, vector<512x128xf32> -> vector<512x128xf32>
      %get3A_60 = arith.constant 0 : index
      %get3A_61 = arith.constant 0 : index
      %get3A_62 = vector.load %arg10[%get3A_60, %get3A_61] : memref<1x128xf32, #tpu.memory_space<vmem>>, vector<1x128xf32>
      %add3A_63 = vector.broadcast %get3A_62 : vector<1x128xf32> to vector<512x128xf32>
      %add3A_64 = arith.addf %dot_general3A_59, %add3A_63 : vector<512x128xf32>
      %swap3A_65 = arith.constant 0 : index
      %swap3A_66 = arith.constant 0 : index
      %swap3A_67 = vector.load %arg12[%swap3A_65, %swap3A_66] : memref<512x128xf32, #tpu.memory_space<vmem>>, vector<512x128xf32>
      tpu.vector_store %arg12[%swap3A_65, %swap3A_66], %add3A_64 {strides = array<i32>} : memref<512x128xf32, #tpu.memory_space<vmem>>, vector<512x128xf32>,
      %get3A_68 = arith.constant 0 : index
      %get3A_69 = arith.constant 0 : index
      %get3A_70 = vector.load %arg9[%get3A_68, %get3A_69] : memref<64x128xf32, #tpu.memory_space<vmem>>, vector<64x128xf32>
      %dot_general3A_71 = arith.constant dense<0.000000e+00> : vector<512x128xf32>
      %dot_general3A_72 = tpu.matmul %get3A_52, %get3A_70, %dot_general3A_71 {dimension_numbers = #tpu.dot_dimension_numbers<[1], [0], [0], [1], [0, 0, 1, 1], [], []>, transpose_lhs_hint = false} : vector<512x64xf32>, vector<64x128xf32>, vector<512x128xf32> -> vector<512x128xf32>
      %swap3A_73 = arith.constant 0 : index
      %swap3A_74 = arith.constant 0 : index
      %swap3A_75 = vector.load %arg13[%swap3A_73, %swap3A_74] : memref<512x128xf32, #tpu.memory_space<vmem>>, vector<512x128xf32>
      tpu.vector_store %arg13[%swap3A_73, %swap3A_74], %dot_general3A_72 {strides = array<i32>} : memref<512x128xf32, #tpu.memory_space<vmem>>, vector<512x128xf32>,
    } else {
    }
    return
  }
  func.func @transform_0(%arg0: i32, %arg1: i32) -> (i32, i32) {
    %mul3A = arith.constant 16 : i32
    %mul3A_0 = arith.muli %arg1, %mul3A : i32
    %add3A = arith.addi %mul3A_0, %arg0 : i32
    %c0_i32 = arith.constant 0 : i32
    %c0_i32_1 = arith.constant 0 : i32
    return %add3A, %c0_i32 : i32, i32
  }
  func.func @transform_1(%arg0: i32, %arg1: i32) -> (i32, i32) {
    %c0_i32 = arith.constant 0 : i32
    %c0_i32_0 = arith.constant 0 : i32
    %c0_i32_1 = arith.constant 0 : i32
    return %c0_i32, %c0_i32_0 : i32, i32
  }
  func.func @transform_2(%arg0: i32, %arg1: i32) -> (i32, i32) {
    %c0_i32 = arith.constant 0 : i32
    %c0_i32_0 = arith.constant 0 : i32
    %c0_i32_1 = arith.constant 0 : i32
    return %c0_i32, %c0_i32_0 : i32, i32
  }
  func.func @transform_3(%arg0: i32, %arg1: i32) -> (i32, i32) {
    %c0_i32 = arith.constant 0 : i32
    %c0_i32_0 = arith.constant 0 : i32
    %c0_i32_1 = arith.constant 0 : i32
    return %c0_i32, %c0_i32_0 : i32, i32
  }
  func.func @transform_4(%arg0: i32, %arg1: i32) -> (i32, i32) {
    %c0_i32 = arith.constant 0 : i32
    %c0_i32_0 = arith.constant 0 : i32
    %c0_i32_1 = arith.constant 0 : i32
    return %c0_i32, %c0_i32_0 : i32, i32
  }
  func.func @transform_5(%arg0: i32, %arg1: i32) -> (i32, i32) {
    %c0_i32 = arith.constant 0 : i32
    %c0_i32_0 = arith.constant 0 : i32
    %c0_i32_1 = arith.constant 0 : i32
    return %c0_i32, %c0_i32_0 : i32, i32
  }
  func.func @transform_6(%arg0: i32, %arg1: i32) -> (i32, i32) {
    %c0_i32 = arith.constant 0 : i32
    %c0_i32_0 = arith.constant 0 : i32
    %c0_i32_1 = arith.constant 0 : i32
    return %c0_i32, %c0_i32_0 : i32, i32
  }
  func.func @transform_7(%arg0: i32, %arg1: i32) -> (i32, i32) {
    %c0_i32 = arith.constant 0 : i32
    %c0_i32_0 = arith.constant 0 : i32
    %c0_i32_1 = arith.constant 0 : i32
    return %c0_i32, %c0_i32_0 : i32, i32
  }
  func.func @transform_8(%arg0: i32, %arg1: i32) -> (i32, i32) {
    %c0_i32 = arith.constant 0 : i32
    %c0_i32_0 = arith.constant 0 : i32
    %c0_i32_1 = arith.constant 0 : i32
    return %c0_i32, %c0_i32_0 : i32, i32
  }
  func.func @transform_9(%arg0: i32, %arg1: i32) -> (i32, i32) {
    %c0_i32 = arith.constant 0 : i32
    %c0_i32_0 = arith.constant 0 : i32
    return %arg0, %c0_i32 : i32, i32
  }
  func.func @transform_10(%arg0: i32, %arg1: i32) -> (i32, i32) {
    %c0_i32 = arith.constant 0 : i32
    %c0_i32_0 = arith.constant 0 : i32
    return %arg0, %c0_i32 : i32, i32
  }
  func.func @transform_11(%arg0: i32, %arg1: i32) -> (i32, i32) {
    %c0_i32 = arith.constant 0 : i32
    %c0_i32_0 = arith.constant 0 : i32
    return %arg0, %c0_i32 : i32, i32
  }
}

module attributes {stable_mosaic.version = 14 : i64} {
  func.func @_knn_full_body(%arg0: i32, %arg1: memref<64x64xf32, #tpu.memory_space<vmem>>, %arg2: memref<64x8192xf32, #tpu.memory_space<vmem>>, %arg3: memref<64x1xi32, #tpu.memory_space<vmem>>, %arg4: memref<1x8192xi32, #tpu.memory_space<vmem>>, %arg5: memref<64x20xi32, #tpu.memory_space<vmem>>, %arg6: memref<64x8192xf32, #tpu.memory_space<vmem>>) attributes {dimension_semantics = [#tpu.dimension_semantics<arbitrary>], iteration_bounds = array<i64: 128>, scalar_prefetch = 0 : i64, scratch_operands = 1 : i64, tpu.core_type = #tpu.core_type<tc>, window_params = [{transform_indices = @transform_0, window_bounds = array<i64: 64, 64>}, {pipeline_mode = #tpu.pipeline_mode<synchronous>, transform_indices = @transform_1, window_bounds = array<i64: 64, 8192>}, {transform_indices = @transform_2, window_bounds = array<i64: 64, 1>}, {pipeline_mode = #tpu.pipeline_mode<synchronous>, transform_indices = @transform_3, window_bounds = array<i64: 1, 8192>}, {transform_indices = @transform_4, window_bounds = array<i64: 64, 20>}]} {
    %get3A = arith.constant 0 : index
    %get3A_0 = arith.constant 0 : index
    %get3A_1 = vector.load %arg1[%get3A, %get3A_0] : memref<64x64xf32, #tpu.memory_space<vmem>>, vector<64x64xf32>
    %mul3A = arith.mulf %get3A_1, %get3A_1 : vector<64x64xf32>
    %reduce_sum3A = arith.constant dense<0.000000e+00> : vector<64xf32>
    %reduce_sum3A_2 = vector.multi_reduction <add>, %mul3A, %reduce_sum3A [1] : vector<64x64xf32> to vector<64xf32>
    %broadcast_in_dim3A = vector.shape_cast %reduce_sum3A_2 : vector<64xf32> to vector<64x1xf32>
    %get3A_3 = arith.constant 0 : index
    %get3A_4 = arith.constant 0 : index
    %get3A_5 = vector.load %arg2[%get3A_3, %get3A_4] : memref<64x8192xf32, #tpu.memory_space<vmem>>, vector<64x8192xf32>
    %mul3A_6 = arith.mulf %get3A_5, %get3A_5 : vector<64x8192xf32>
    %reduce_sum3A_7 = arith.constant dense<0.000000e+00> : vector<8192xf32>
    %reduce_sum3A_8 = vector.multi_reduction <add>, %mul3A_6, %reduce_sum3A_7 [0] : vector<64x8192xf32> to vector<8192xf32>
    %broadcast_in_dim3A_9 = vector.shape_cast %reduce_sum3A_8 : vector<8192xf32> to vector<1x8192xf32>
    %add3A = vector.broadcast %broadcast_in_dim3A : vector<64x1xf32> to vector<64x8192xf32>
    %add3A_10 = vector.broadcast %broadcast_in_dim3A_9 : vector<1x8192xf32> to vector<64x8192xf32>
    %add3A_11 = arith.addf %add3A, %add3A_10 : vector<64x8192xf32>
    %dot_general3A = arith.constant dense<0.000000e+00> : vector<64x8192xf32>
    %dot_general3A_12 = tpu.matmul %get3A_1, %get3A_5, %dot_general3A {dimension_numbers = #tpu.dot_dimension_numbers<[1], [0], [0], [1], [0, 0, 1, 1], [], []>, transpose_lhs_hint = false} : vector<64x64xf32>, vector<64x8192xf32>, vector<64x8192xf32> -> vector<64x8192xf32>
    %mul3A_13 = arith.constant 2.000000e+00 : f32
    %mul3A_14 = vector.broadcast %mul3A_13 : f32 to vector<64x8192xf32>
    %mul3A_15 = arith.mulf %mul3A_14, %dot_general3A_12 : vector<64x8192xf32>
    %sub3A = arith.subf %add3A_11, %mul3A_15 : vector<64x8192xf32>
    %get3A_16 = arith.constant 0 : index
    %get3A_17 = arith.constant 0 : index
    %get3A_18 = vector.load %arg3[%get3A_16, %get3A_17] : memref<64x1xi32, #tpu.memory_space<vmem>>, vector<64x1xi32>
    %get3A_19 = arith.constant 0 : index
    %get3A_20 = arith.constant 0 : index
    %get3A_21 = vector.load %arg4[%get3A_19, %get3A_20] : memref<1x8192xi32, #tpu.memory_space<vmem>>, vector<1x8192xi32>
    %ne3A = vector.broadcast %get3A_18 : vector<64x1xi32> to vector<64x8192xi32>
    %ne3A_22 = vector.broadcast %get3A_21 : vector<1x8192xi32> to vector<64x8192xi32>
    %ne3A_23 = arith.cmpi ne, %ne3A, %ne3A_22 : vector<64x8192xi32>
    %jit3A = arith.constant 9.99999993E+36 : f32
    %broadcast_in_dim3A_24 = vector.broadcast %jit3A : f32 to vector<64x8192xf32>
    %select_n3A = arith.select %ne3A_23, %broadcast_in_dim3A_24, %sub3A : vector<64x8192xi1>, vector<64x8192xf32>
    %swap3A = arith.constant 0 : index
    %swap3A_25 = arith.constant 0 : index
    %swap3A_26 = vector.load %arg6[%swap3A, %swap3A_25] : memref<64x8192xf32, #tpu.memory_space<vmem>>, vector<64x8192xf32>
    tpu.vector_store %arg6[%swap3A, %swap3A_25], %select_n3A {strides = array<i32>} : memref<64x8192xf32, #tpu.memory_space<vmem>>, vector<64x8192xf32>,
    %iota3A = tpu.iota {dimensions = array<i32: 1>} : vector<64x8192xi32>
    %get3A_27 = arith.constant 0 : index
    %get3A_28 = arith.constant 0 : index
    %get3A_29 = vector.load %arg6[%get3A_27, %get3A_28] : memref<64x8192xf32, #tpu.memory_space<vmem>>, vector<64x8192xf32>
    %reduce_min3A = arith.constant dense<0x7F800000> : vector<64xf32>
    %reduce_min3A_30 = vector.multi_reduction <minimumf>, %get3A_29, %reduce_min3A [1] : vector<64x8192xf32> to vector<64xf32>
    %broadcast_in_dim3A_31 = vector.shape_cast %reduce_min3A_30 : vector<64xf32> to vector<64x1xf32>
    %eq3A = vector.broadcast %broadcast_in_dim3A_31 : vector<64x1xf32> to vector<64x8192xf32>
    %eq3A_32 = arith.cmpf oeq, %get3A_29, %eq3A : vector<64x8192xf32>
    %jit3A_33 = arith.constant 8192 : i32
    %broadcast_in_dim3A_34 = vector.broadcast %jit3A_33 : i32 to vector<64x8192xi32>
    %select_n3A_35 = arith.select %eq3A_32, %iota3A, %broadcast_in_dim3A_34 : vector<64x8192xi1>, vector<64x8192xi32>
    %reduce_min3A_36 = arith.constant dense<2147483647> : vector<64xi32>
    %reduce_min3A_37 = vector.multi_reduction <minsi>, %select_n3A_35, %reduce_min3A_36 [1] : vector<64x8192xi32> to vector<64xi32>
    %broadcast_in_dim3A_38 = vector.shape_cast %reduce_min3A_37 : vector<64xi32> to vector<64x1xi32>
    %add3A_39 = arith.constant 0 : i32
    %add3A_40 = vector.broadcast %add3A_39 : i32 to vector<64x1xi32>
    %add3A_41 = arith.addi %broadcast_in_dim3A_38, %add3A_40 : vector<64x1xi32>
    %min3A = arith.constant 8191 : i32
    %min3A_42 = vector.broadcast %min3A : i32 to vector<64x1xi32>
    %min3A_43 = arith.minsi %add3A_41, %min3A_42 : vector<64x1xi32>
    %eq3A_44 = vector.broadcast %broadcast_in_dim3A_38 : vector<64x1xi32> to vector<64x8192xi32>
    %eq3A_45 = arith.cmpi eq, %iota3A, %eq3A_44 : vector<64x8192xi32>
    %jit3A_46 = arith.constant 0x7F800000 : f32
    %broadcast_in_dim3A_47 = vector.broadcast %jit3A_46 : f32 to vector<64x8192xf32>
    %select_n3A_48 = arith.select %eq3A_45, %broadcast_in_dim3A_47, %get3A_29 : vector<64x8192xi1>, vector<64x8192xf32>
    %swap3A_49 = arith.constant 0 : index
    %swap3A_50 = arith.constant 0 : index
    %swap3A_51 = vector.load %arg6[%swap3A_49, %swap3A_50] : memref<64x8192xf32, #tpu.memory_space<vmem>>, vector<64x8192xf32>
    tpu.vector_store %arg6[%swap3A_49, %swap3A_50], %select_n3A_48 {strides = array<i32>} : memref<64x8192xf32, #tpu.memory_space<vmem>>, vector<64x8192xf32>,
    %get3A_52 = arith.constant 0 : index
    %get3A_53 = arith.constant 0 : index
    %get3A_54 = vector.load %arg6[%get3A_52, %get3A_53] : memref<64x8192xf32, #tpu.memory_space<vmem>>, vector<64x8192xf32>
    %reduce_min3A_55 = arith.constant dense<0x7F800000> : vector<64xf32>
    %reduce_min3A_56 = vector.multi_reduction <minimumf>, %get3A_54, %reduce_min3A_55 [1] : vector<64x8192xf32> to vector<64xf32>
    %broadcast_in_dim3A_57 = vector.shape_cast %reduce_min3A_56 : vector<64xf32> to vector<64x1xf32>
    %eq3A_58 = vector.broadcast %broadcast_in_dim3A_57 : vector<64x1xf32> to vector<64x8192xf32>
    %eq3A_59 = arith.cmpf oeq, %get3A_54, %eq3A_58 : vector<64x8192xf32>
    %jit3A_60 = arith.constant 8192 : i32
    %broadcast_in_dim3A_61 = vector.broadcast %jit3A_60 : i32 to vector<64x8192xi32>
    %select_n3A_62 = arith.select %eq3A_59, %iota3A, %broadcast_in_dim3A_61 : vector<64x8192xi1>, vector<64x8192xi32>
    %reduce_min3A_63 = arith.constant dense<2147483647> : vector<64xi32>
    %reduce_min3A_64 = vector.multi_reduction <minsi>, %select_n3A_62, %reduce_min3A_63 [1] : vector<64x8192xi32> to vector<64xi32>
    %broadcast_in_dim3A_65 = vector.shape_cast %reduce_min3A_64 : vector<64xi32> to vector<64x1xi32>
    %add3A_66 = arith.constant 0 : i32
    %add3A_67 = vector.broadcast %add3A_66 : i32 to vector<64x1xi32>
    %add3A_68 = arith.addi %broadcast_in_dim3A_65, %add3A_67 : vector<64x1xi32>
    %min3A_69 = arith.constant 8191 : i32
    %min3A_70 = vector.broadcast %min3A_69 : i32 to vector<64x1xi32>
    %min3A_71 = arith.minsi %add3A_68, %min3A_70 : vector<64x1xi32>
    %eq3A_72 = vector.broadcast %broadcast_in_dim3A_65 : vector<64x1xi32> to vector<64x8192xi32>
    %eq3A_73 = arith.cmpi eq, %iota3A, %eq3A_72 : vector<64x8192xi32>
    %jit3A_74 = arith.constant 0x7F800000 : f32
    %broadcast_in_dim3A_75 = vector.broadcast %jit3A_74 : f32 to vector<64x8192xf32>
    %select_n3A_76 = arith.select %eq3A_73, %broadcast_in_dim3A_75, %get3A_54 : vector<64x8192xi1>, vector<64x8192xf32>
    %swap3A_77 = arith.constant 0 : index
    %swap3A_78 = arith.constant 0 : index
    %swap3A_79 = vector.load %arg6[%swap3A_77, %swap3A_78] : memref<64x8192xf32, #tpu.memory_space<vmem>>, vector<64x8192xf32>
    tpu.vector_store %arg6[%swap3A_77, %swap3A_78], %select_n3A_76 {strides = array<i32>} : memref<64x8192xf32, #tpu.memory_space<vmem>>, vector<64x8192xf32>,
    %get3A_80 = arith.constant 0 : index
    %get3A_81 = arith.constant 0 : index
    %get3A_82 = vector.load %arg6[%get3A_80, %get3A_81] : memref<64x8192xf32, #tpu.memory_space<vmem>>, vector<64x8192xf32>
    %reduce_min3A_83 = arith.constant dense<0x7F800000> : vector<64xf32>
    %reduce_min3A_84 = vector.multi_reduction <minimumf>, %get3A_82, %reduce_min3A_83 [1] : vector<64x8192xf32> to vector<64xf32>
    %broadcast_in_dim3A_85 = vector.shape_cast %reduce_min3A_84 : vector<64xf32> to vector<64x1xf32>
    %eq3A_86 = vector.broadcast %broadcast_in_dim3A_85 : vector<64x1xf32> to vector<64x8192xf32>
    %eq3A_87 = arith.cmpf oeq, %get3A_82, %eq3A_86 : vector<64x8192xf32>
    %jit3A_88 = arith.constant 8192 : i32
    %broadcast_in_dim3A_89 = vector.broadcast %jit3A_88 : i32 to vector<64x8192xi32>
    %select_n3A_90 = arith.select %eq3A_87, %iota3A, %broadcast_in_dim3A_89 : vector<64x8192xi1>, vector<64x8192xi32>
    %reduce_min3A_91 = arith.constant dense<2147483647> : vector<64xi32>
    %reduce_min3A_92 = vector.multi_reduction <minsi>, %select_n3A_90, %reduce_min3A_91 [1] : vector<64x8192xi32> to vector<64xi32>
    %broadcast_in_dim3A_93 = vector.shape_cast %reduce_min3A_92 : vector<64xi32> to vector<64x1xi32>
    %add3A_94 = arith.constant 0 : i32
    %add3A_95 = vector.broadcast %add3A_94 : i32 to vector<64x1xi32>
    %add3A_96 = arith.addi %broadcast_in_dim3A_93, %add3A_95 : vector<64x1xi32>
    %min3A_97 = arith.constant 8191 : i32
    %min3A_98 = vector.broadcast %min3A_97 : i32 to vector<64x1xi32>
    %min3A_99 = arith.minsi %add3A_96, %min3A_98 : vector<64x1xi32>
    %eq3A_100 = vector.broadcast %broadcast_in_dim3A_93 : vector<64x1xi32> to vector<64x8192xi32>
    %eq3A_101 = arith.cmpi eq, %iota3A, %eq3A_100 : vector<64x8192xi32>
    %jit3A_102 = arith.constant 0x7F800000 : f32
    %broadcast_in_dim3A_103 = vector.broadcast %jit3A_102 : f32 to vector<64x8192xf32>
    %select_n3A_104 = arith.select %eq3A_101, %broadcast_in_dim3A_103, %get3A_82 : vector<64x8192xi1>, vector<64x8192xf32>
    %swap3A_105 = arith.constant 0 : index
    %swap3A_106 = arith.constant 0 : index
    %swap3A_107 = vector.load %arg6[%swap3A_105, %swap3A_106] : memref<64x8192xf32, #tpu.memory_space<vmem>>, vector<64x8192xf32>
    tpu.vector_store %arg6[%swap3A_105, %swap3A_106], %select_n3A_104 {strides = array<i32>} : memref<64x8192xf32, #tpu.memory_space<vmem>>, vector<64x8192xf32>,
    %get3A_108 = arith.constant 0 : index
    %get3A_109 = arith.constant 0 : index
    %get3A_110 = vector.load %arg6[%get3A_108, %get3A_109] : memref<64x8192xf32, #tpu.memory_space<vmem>>, vector<64x8192xf32>
    %reduce_min3A_111 = arith.constant dense<0x7F800000> : vector<64xf32>
    %reduce_min3A_112 = vector.multi_reduction <minimumf>, %get3A_110, %reduce_min3A_111 [1] : vector<64x8192xf32> to vector<64xf32>
    %broadcast_in_dim3A_113 = vector.shape_cast %reduce_min3A_112 : vector<64xf32> to vector<64x1xf32>
    %eq3A_114 = vector.broadcast %broadcast_in_dim3A_113 : vector<64x1xf32> to vector<64x8192xf32>
    %eq3A_115 = arith.cmpf oeq, %get3A_110, %eq3A_114 : vector<64x8192xf32>
    %jit3A_116 = arith.constant 8192 : i32
    %broadcast_in_dim3A_117 = vector.broadcast %jit3A_116 : i32 to vector<64x8192xi32>
    %select_n3A_118 = arith.select %eq3A_115, %iota3A, %broadcast_in_dim3A_117 : vector<64x8192xi1>, vector<64x8192xi32>
    %reduce_min3A_119 = arith.constant dense<2147483647> : vector<64xi32>
    %reduce_min3A_120 = vector.multi_reduction <minsi>, %select_n3A_118, %reduce_min3A_119 [1] : vector<64x8192xi32> to vector<64xi32>
    %broadcast_in_dim3A_121 = vector.shape_cast %reduce_min3A_120 : vector<64xi32> to vector<64x1xi32>
    %add3A_122 = arith.constant 0 : i32
    %add3A_123 = vector.broadcast %add3A_122 : i32 to vector<64x1xi32>
    %add3A_124 = arith.addi %broadcast_in_dim3A_121, %add3A_123 : vector<64x1xi32>
    %min3A_125 = arith.constant 8191 : i32
    %min3A_126 = vector.broadcast %min3A_125 : i32 to vector<64x1xi32>
    %min3A_127 = arith.minsi %add3A_124, %min3A_126 : vector<64x1xi32>
    %eq3A_128 = vector.broadcast %broadcast_in_dim3A_121 : vector<64x1xi32> to vector<64x8192xi32>
    %eq3A_129 = arith.cmpi eq, %iota3A, %eq3A_128 : vector<64x8192xi32>
    %jit3A_130 = arith.constant 0x7F800000 : f32
    %broadcast_in_dim3A_131 = vector.broadcast %jit3A_130 : f32 to vector<64x8192xf32>
    %select_n3A_132 = arith.select %eq3A_129, %broadcast_in_dim3A_131, %get3A_110 : vector<64x8192xi1>, vector<64x8192xf32>
    %swap3A_133 = arith.constant 0 : index
    %swap3A_134 = arith.constant 0 : index
    %swap3A_135 = vector.load %arg6[%swap3A_133, %swap3A_134] : memref<64x8192xf32, #tpu.memory_space<vmem>>, vector<64x8192xf32>
    tpu.vector_store %arg6[%swap3A_133, %swap3A_134], %select_n3A_132 {strides = array<i32>} : memref<64x8192xf32, #tpu.memory_space<vmem>>, vector<64x8192xf32>,
    %get3A_136 = arith.constant 0 : index
    %get3A_137 = arith.constant 0 : index
    %get3A_138 = vector.load %arg6[%get3A_136, %get3A_137] : memref<64x8192xf32, #tpu.memory_space<vmem>>, vector<64x8192xf32>
    %reduce_min3A_139 = arith.constant dense<0x7F800000> : vector<64xf32>
    %reduce_min3A_140 = vector.multi_reduction <minimumf>, %get3A_138, %reduce_min3A_139 [1] : vector<64x8192xf32> to vector<64xf32>
    %broadcast_in_dim3A_141 = vector.shape_cast %reduce_min3A_140 : vector<64xf32> to vector<64x1xf32>
    %eq3A_142 = vector.broadcast %broadcast_in_dim3A_141 : vector<64x1xf32> to vector<64x8192xf32>
    %eq3A_143 = arith.cmpf oeq, %get3A_138, %eq3A_142 : vector<64x8192xf32>
    %jit3A_144 = arith.constant 8192 : i32
    %broadcast_in_dim3A_145 = vector.broadcast %jit3A_144 : i32 to vector<64x8192xi32>
    %select_n3A_146 = arith.select %eq3A_143, %iota3A, %broadcast_in_dim3A_145 : vector<64x8192xi1>, vector<64x8192xi32>
    %reduce_min3A_147 = arith.constant dense<2147483647> : vector<64xi32>
    %reduce_min3A_148 = vector.multi_reduction <minsi>, %select_n3A_146, %reduce_min3A_147 [1] : vector<64x8192xi32> to vector<64xi32>
    %broadcast_in_dim3A_149 = vector.shape_cast %reduce_min3A_148 : vector<64xi32> to vector<64x1xi32>
    %add3A_150 = arith.constant 0 : i32
    %add3A_151 = vector.broadcast %add3A_150 : i32 to vector<64x1xi32>
    %add3A_152 = arith.addi %broadcast_in_dim3A_149, %add3A_151 : vector<64x1xi32>
    %min3A_153 = arith.constant 8191 : i32
    %min3A_154 = vector.broadcast %min3A_153 : i32 to vector<64x1xi32>
    %min3A_155 = arith.minsi %add3A_152, %min3A_154 : vector<64x1xi32>
    %eq3A_156 = vector.broadcast %broadcast_in_dim3A_149 : vector<64x1xi32> to vector<64x8192xi32>
    %eq3A_157 = arith.cmpi eq, %iota3A, %eq3A_156 : vector<64x8192xi32>
    %jit3A_158 = arith.constant 0x7F800000 : f32
    %broadcast_in_dim3A_159 = vector.broadcast %jit3A_158 : f32 to vector<64x8192xf32>
    %select_n3A_160 = arith.select %eq3A_157, %broadcast_in_dim3A_159, %get3A_138 : vector<64x8192xi1>, vector<64x8192xf32>
    %swap3A_161 = arith.constant 0 : index
    %swap3A_162 = arith.constant 0 : index
    %swap3A_163 = vector.load %arg6[%swap3A_161, %swap3A_162] : memref<64x8192xf32, #tpu.memory_space<vmem>>, vector<64x8192xf32>
    tpu.vector_store %arg6[%swap3A_161, %swap3A_162], %select_n3A_160 {strides = array<i32>} : memref<64x8192xf32, #tpu.memory_space<vmem>>, vector<64x8192xf32>,
    %get3A_164 = arith.constant 0 : index
    %get3A_165 = arith.constant 0 : index
    %get3A_166 = vector.load %arg6[%get3A_164, %get3A_165] : memref<64x8192xf32, #tpu.memory_space<vmem>>, vector<64x8192xf32>
    %reduce_min3A_167 = arith.constant dense<0x7F800000> : vector<64xf32>
    %reduce_min3A_168 = vector.multi_reduction <minimumf>, %get3A_166, %reduce_min3A_167 [1] : vector<64x8192xf32> to vector<64xf32>
    %broadcast_in_dim3A_169 = vector.shape_cast %reduce_min3A_168 : vector<64xf32> to vector<64x1xf32>
    %eq3A_170 = vector.broadcast %broadcast_in_dim3A_169 : vector<64x1xf32> to vector<64x8192xf32>
    %eq3A_171 = arith.cmpf oeq, %get3A_166, %eq3A_170 : vector<64x8192xf32>
    %jit3A_172 = arith.constant 8192 : i32
    %broadcast_in_dim3A_173 = vector.broadcast %jit3A_172 : i32 to vector<64x8192xi32>
    %select_n3A_174 = arith.select %eq3A_171, %iota3A, %broadcast_in_dim3A_173 : vector<64x8192xi1>, vector<64x8192xi32>
    %reduce_min3A_175 = arith.constant dense<2147483647> : vector<64xi32>
    %reduce_min3A_176 = vector.multi_reduction <minsi>, %select_n3A_174, %reduce_min3A_175 [1] : vector<64x8192xi32> to vector<64xi32>
    %broadcast_in_dim3A_177 = vector.shape_cast %reduce_min3A_176 : vector<64xi32> to vector<64x1xi32>
    %add3A_178 = arith.constant 0 : i32
    %add3A_179 = vector.broadcast %add3A_178 : i32 to vector<64x1xi32>
    %add3A_180 = arith.addi %broadcast_in_dim3A_177, %add3A_179 : vector<64x1xi32>
    %min3A_181 = arith.constant 8191 : i32
    %min3A_182 = vector.broadcast %min3A_181 : i32 to vector<64x1xi32>
    %min3A_183 = arith.minsi %add3A_180, %min3A_182 : vector<64x1xi32>
    %eq3A_184 = vector.broadcast %broadcast_in_dim3A_177 : vector<64x1xi32> to vector<64x8192xi32>
    %eq3A_185 = arith.cmpi eq, %iota3A, %eq3A_184 : vector<64x8192xi32>
    %jit3A_186 = arith.constant 0x7F800000 : f32
    %broadcast_in_dim3A_187 = vector.broadcast %jit3A_186 : f32 to vector<64x8192xf32>
    %select_n3A_188 = arith.select %eq3A_185, %broadcast_in_dim3A_187, %get3A_166 : vector<64x8192xi1>, vector<64x8192xf32>
    %swap3A_189 = arith.constant 0 : index
    %swap3A_190 = arith.constant 0 : index
    %swap3A_191 = vector.load %arg6[%swap3A_189, %swap3A_190] : memref<64x8192xf32, #tpu.memory_space<vmem>>, vector<64x8192xf32>
    tpu.vector_store %arg6[%swap3A_189, %swap3A_190], %select_n3A_188 {strides = array<i32>} : memref<64x8192xf32, #tpu.memory_space<vmem>>, vector<64x8192xf32>,
    %get3A_192 = arith.constant 0 : index
    %get3A_193 = arith.constant 0 : index
    %get3A_194 = vector.load %arg6[%get3A_192, %get3A_193] : memref<64x8192xf32, #tpu.memory_space<vmem>>, vector<64x8192xf32>
    %reduce_min3A_195 = arith.constant dense<0x7F800000> : vector<64xf32>
    %reduce_min3A_196 = vector.multi_reduction <minimumf>, %get3A_194, %reduce_min3A_195 [1] : vector<64x8192xf32> to vector<64xf32>
    %broadcast_in_dim3A_197 = vector.shape_cast %reduce_min3A_196 : vector<64xf32> to vector<64x1xf32>
    %eq3A_198 = vector.broadcast %broadcast_in_dim3A_197 : vector<64x1xf32> to vector<64x8192xf32>
    %eq3A_199 = arith.cmpf oeq, %get3A_194, %eq3A_198 : vector<64x8192xf32>
    %jit3A_200 = arith.constant 8192 : i32
    %broadcast_in_dim3A_201 = vector.broadcast %jit3A_200 : i32 to vector<64x8192xi32>
    %select_n3A_202 = arith.select %eq3A_199, %iota3A, %broadcast_in_dim3A_201 : vector<64x8192xi1>, vector<64x8192xi32>
    %reduce_min3A_203 = arith.constant dense<2147483647> : vector<64xi32>
    %reduce_min3A_204 = vector.multi_reduction <minsi>, %select_n3A_202, %reduce_min3A_203 [1] : vector<64x8192xi32> to vector<64xi32>
    %broadcast_in_dim3A_205 = vector.shape_cast %reduce_min3A_204 : vector<64xi32> to vector<64x1xi32>
    %add3A_206 = arith.constant 0 : i32
    %add3A_207 = vector.broadcast %add3A_206 : i32 to vector<64x1xi32>
    %add3A_208 = arith.addi %broadcast_in_dim3A_205, %add3A_207 : vector<64x1xi32>
    %min3A_209 = arith.constant 8191 : i32
    %min3A_210 = vector.broadcast %min3A_209 : i32 to vector<64x1xi32>
    %min3A_211 = arith.minsi %add3A_208, %min3A_210 : vector<64x1xi32>
    %eq3A_212 = vector.broadcast %broadcast_in_dim3A_205 : vector<64x1xi32> to vector<64x8192xi32>
    %eq3A_213 = arith.cmpi eq, %iota3A, %eq3A_212 : vector<64x8192xi32>
    %jit3A_214 = arith.constant 0x7F800000 : f32
    %broadcast_in_dim3A_215 = vector.broadcast %jit3A_214 : f32 to vector<64x8192xf32>
    %select_n3A_216 = arith.select %eq3A_213, %broadcast_in_dim3A_215, %get3A_194 : vector<64x8192xi1>, vector<64x8192xf32>
    %swap3A_217 = arith.constant 0 : index
    %swap3A_218 = arith.constant 0 : index
    %swap3A_219 = vector.load %arg6[%swap3A_217, %swap3A_218] : memref<64x8192xf32, #tpu.memory_space<vmem>>, vector<64x8192xf32>
    tpu.vector_store %arg6[%swap3A_217, %swap3A_218], %select_n3A_216 {strides = array<i32>} : memref<64x8192xf32, #tpu.memory_space<vmem>>, vector<64x8192xf32>,
    %get3A_220 = arith.constant 0 : index
    %get3A_221 = arith.constant 0 : index
    %get3A_222 = vector.load %arg6[%get3A_220, %get3A_221] : memref<64x8192xf32, #tpu.memory_space<vmem>>, vector<64x8192xf32>
    %reduce_min3A_223 = arith.constant dense<0x7F800000> : vector<64xf32>
    %reduce_min3A_224 = vector.multi_reduction <minimumf>, %get3A_222, %reduce_min3A_223 [1] : vector<64x8192xf32> to vector<64xf32>
    %broadcast_in_dim3A_225 = vector.shape_cast %reduce_min3A_224 : vector<64xf32> to vector<64x1xf32>
    %eq3A_226 = vector.broadcast %broadcast_in_dim3A_225 : vector<64x1xf32> to vector<64x8192xf32>
    %eq3A_227 = arith.cmpf oeq, %get3A_222, %eq3A_226 : vector<64x8192xf32>
    %jit3A_228 = arith.constant 8192 : i32
    %broadcast_in_dim3A_229 = vector.broadcast %jit3A_228 : i32 to vector<64x8192xi32>
    %select_n3A_230 = arith.select %eq3A_227, %iota3A, %broadcast_in_dim3A_229 : vector<64x8192xi1>, vector<64x8192xi32>
    %reduce_min3A_231 = arith.constant dense<2147483647> : vector<64xi32>
    %reduce_min3A_232 = vector.multi_reduction <minsi>, %select_n3A_230, %reduce_min3A_231 [1] : vector<64x8192xi32> to vector<64xi32>
    %broadcast_in_dim3A_233 = vector.shape_cast %reduce_min3A_232 : vector<64xi32> to vector<64x1xi32>
    %add3A_234 = arith.constant 0 : i32
    %add3A_235 = vector.broadcast %add3A_234 : i32 to vector<64x1xi32>
    %add3A_236 = arith.addi %broadcast_in_dim3A_233, %add3A_235 : vector<64x1xi32>
    %min3A_237 = arith.constant 8191 : i32
    %min3A_238 = vector.broadcast %min3A_237 : i32 to vector<64x1xi32>
    %min3A_239 = arith.minsi %add3A_236, %min3A_238 : vector<64x1xi32>
    %eq3A_240 = vector.broadcast %broadcast_in_dim3A_233 : vector<64x1xi32> to vector<64x8192xi32>
    %eq3A_241 = arith.cmpi eq, %iota3A, %eq3A_240 : vector<64x8192xi32>
    %jit3A_242 = arith.constant 0x7F800000 : f32
    %broadcast_in_dim3A_243 = vector.broadcast %jit3A_242 : f32 to vector<64x8192xf32>
    %select_n3A_244 = arith.select %eq3A_241, %broadcast_in_dim3A_243, %get3A_222 : vector<64x8192xi1>, vector<64x8192xf32>
    %swap3A_245 = arith.constant 0 : index
    %swap3A_246 = arith.constant 0 : index
    %swap3A_247 = vector.load %arg6[%swap3A_245, %swap3A_246] : memref<64x8192xf32, #tpu.memory_space<vmem>>, vector<64x8192xf32>
    tpu.vector_store %arg6[%swap3A_245, %swap3A_246], %select_n3A_244 {strides = array<i32>} : memref<64x8192xf32, #tpu.memory_space<vmem>>, vector<64x8192xf32>,
    %get3A_248 = arith.constant 0 : index
    %get3A_249 = arith.constant 0 : index
    %get3A_250 = vector.load %arg6[%get3A_248, %get3A_249] : memref<64x8192xf32, #tpu.memory_space<vmem>>, vector<64x8192xf32>
    %reduce_min3A_251 = arith.constant dense<0x7F800000> : vector<64xf32>
    %reduce_min3A_252 = vector.multi_reduction <minimumf>, %get3A_250, %reduce_min3A_251 [1] : vector<64x8192xf32> to vector<64xf32>
    %broadcast_in_dim3A_253 = vector.shape_cast %reduce_min3A_252 : vector<64xf32> to vector<64x1xf32>
    %eq3A_254 = vector.broadcast %broadcast_in_dim3A_253 : vector<64x1xf32> to vector<64x8192xf32>
    %eq3A_255 = arith.cmpf oeq, %get3A_250, %eq3A_254 : vector<64x8192xf32>
    %jit3A_256 = arith.constant 8192 : i32
    %broadcast_in_dim3A_257 = vector.broadcast %jit3A_256 : i32 to vector<64x8192xi32>
    %select_n3A_258 = arith.select %eq3A_255, %iota3A, %broadcast_in_dim3A_257 : vector<64x8192xi1>, vector<64x8192xi32>
    %reduce_min3A_259 = arith.constant dense<2147483647> : vector<64xi32>
    %reduce_min3A_260 = vector.multi_reduction <minsi>, %select_n3A_258, %reduce_min3A_259 [1] : vector<64x8192xi32> to vector<64xi32>
    %broadcast_in_dim3A_261 = vector.shape_cast %reduce_min3A_260 : vector<64xi32> to vector<64x1xi32>
    %add3A_262 = arith.constant 0 : i32
    %add3A_263 = vector.broadcast %add3A_262 : i32 to vector<64x1xi32>
    %add3A_264 = arith.addi %broadcast_in_dim3A_261, %add3A_263 : vector<64x1xi32>
    %min3A_265 = arith.constant 8191 : i32
    %min3A_266 = vector.broadcast %min3A_265 : i32 to vector<64x1xi32>
    %min3A_267 = arith.minsi %add3A_264, %min3A_266 : vector<64x1xi32>
    %eq3A_268 = vector.broadcast %broadcast_in_dim3A_261 : vector<64x1xi32> to vector<64x8192xi32>
    %eq3A_269 = arith.cmpi eq, %iota3A, %eq3A_268 : vector<64x8192xi32>
    %jit3A_270 = arith.constant 0x7F800000 : f32
    %broadcast_in_dim3A_271 = vector.broadcast %jit3A_270 : f32 to vector<64x8192xf32>
    %select_n3A_272 = arith.select %eq3A_269, %broadcast_in_dim3A_271, %get3A_250 : vector<64x8192xi1>, vector<64x8192xf32>
    %swap3A_273 = arith.constant 0 : index
    %swap3A_274 = arith.constant 0 : index
    %swap3A_275 = vector.load %arg6[%swap3A_273, %swap3A_274] : memref<64x8192xf32, #tpu.memory_space<vmem>>, vector<64x8192xf32>
    tpu.vector_store %arg6[%swap3A_273, %swap3A_274], %select_n3A_272 {strides = array<i32>} : memref<64x8192xf32, #tpu.memory_space<vmem>>, vector<64x8192xf32>,
    %get3A_276 = arith.constant 0 : index
    %get3A_277 = arith.constant 0 : index
    %get3A_278 = vector.load %arg6[%get3A_276, %get3A_277] : memref<64x8192xf32, #tpu.memory_space<vmem>>, vector<64x8192xf32>
    %reduce_min3A_279 = arith.constant dense<0x7F800000> : vector<64xf32>
    %reduce_min3A_280 = vector.multi_reduction <minimumf>, %get3A_278, %reduce_min3A_279 [1] : vector<64x8192xf32> to vector<64xf32>
    %broadcast_in_dim3A_281 = vector.shape_cast %reduce_min3A_280 : vector<64xf32> to vector<64x1xf32>
    %eq3A_282 = vector.broadcast %broadcast_in_dim3A_281 : vector<64x1xf32> to vector<64x8192xf32>
    %eq3A_283 = arith.cmpf oeq, %get3A_278, %eq3A_282 : vector<64x8192xf32>
    %jit3A_284 = arith.constant 8192 : i32
    %broadcast_in_dim3A_285 = vector.broadcast %jit3A_284 : i32 to vector<64x8192xi32>
    %select_n3A_286 = arith.select %eq3A_283, %iota3A, %broadcast_in_dim3A_285 : vector<64x8192xi1>, vector<64x8192xi32>
    %reduce_min3A_287 = arith.constant dense<2147483647> : vector<64xi32>
    %reduce_min3A_288 = vector.multi_reduction <minsi>, %select_n3A_286, %reduce_min3A_287 [1] : vector<64x8192xi32> to vector<64xi32>
    %broadcast_in_dim3A_289 = vector.shape_cast %reduce_min3A_288 : vector<64xi32> to vector<64x1xi32>
    %add3A_290 = arith.constant 0 : i32
    %add3A_291 = vector.broadcast %add3A_290 : i32 to vector<64x1xi32>
    %add3A_292 = arith.addi %broadcast_in_dim3A_289, %add3A_291 : vector<64x1xi32>
    %min3A_293 = arith.constant 8191 : i32
    %min3A_294 = vector.broadcast %min3A_293 : i32 to vector<64x1xi32>
    %min3A_295 = arith.minsi %add3A_292, %min3A_294 : vector<64x1xi32>
    %eq3A_296 = vector.broadcast %broadcast_in_dim3A_289 : vector<64x1xi32> to vector<64x8192xi32>
    %eq3A_297 = arith.cmpi eq, %iota3A, %eq3A_296 : vector<64x8192xi32>
    %jit3A_298 = arith.constant 0x7F800000 : f32
    %broadcast_in_dim3A_299 = vector.broadcast %jit3A_298 : f32 to vector<64x8192xf32>
    %select_n3A_300 = arith.select %eq3A_297, %broadcast_in_dim3A_299, %get3A_278 : vector<64x8192xi1>, vector<64x8192xf32>
    %swap3A_301 = arith.constant 0 : index
    %swap3A_302 = arith.constant 0 : index
    %swap3A_303 = vector.load %arg6[%swap3A_301, %swap3A_302] : memref<64x8192xf32, #tpu.memory_space<vmem>>, vector<64x8192xf32>
    tpu.vector_store %arg6[%swap3A_301, %swap3A_302], %select_n3A_300 {strides = array<i32>} : memref<64x8192xf32, #tpu.memory_space<vmem>>, vector<64x8192xf32>,
    %get3A_304 = arith.constant 0 : index
    %get3A_305 = arith.constant 0 : index
    %get3A_306 = vector.load %arg6[%get3A_304, %get3A_305] : memref<64x8192xf32, #tpu.memory_space<vmem>>, vector<64x8192xf32>
    %reduce_min3A_307 = arith.constant dense<0x7F800000> : vector<64xf32>
    %reduce_min3A_308 = vector.multi_reduction <minimumf>, %get3A_306, %reduce_min3A_307 [1] : vector<64x8192xf32> to vector<64xf32>
    %broadcast_in_dim3A_309 = vector.shape_cast %reduce_min3A_308 : vector<64xf32> to vector<64x1xf32>
    %eq3A_310 = vector.broadcast %broadcast_in_dim3A_309 : vector<64x1xf32> to vector<64x8192xf32>
    %eq3A_311 = arith.cmpf oeq, %get3A_306, %eq3A_310 : vector<64x8192xf32>
    %jit3A_312 = arith.constant 8192 : i32
    %broadcast_in_dim3A_313 = vector.broadcast %jit3A_312 : i32 to vector<64x8192xi32>
    %select_n3A_314 = arith.select %eq3A_311, %iota3A, %broadcast_in_dim3A_313 : vector<64x8192xi1>, vector<64x8192xi32>
    %reduce_min3A_315 = arith.constant dense<2147483647> : vector<64xi32>
    %reduce_min3A_316 = vector.multi_reduction <minsi>, %select_n3A_314, %reduce_min3A_315 [1] : vector<64x8192xi32> to vector<64xi32>
    %broadcast_in_dim3A_317 = vector.shape_cast %reduce_min3A_316 : vector<64xi32> to vector<64x1xi32>
    %add3A_318 = arith.constant 0 : i32
    %add3A_319 = vector.broadcast %add3A_318 : i32 to vector<64x1xi32>
    %add3A_320 = arith.addi %broadcast_in_dim3A_317, %add3A_319 : vector<64x1xi32>
    %min3A_321 = arith.constant 8191 : i32
    %min3A_322 = vector.broadcast %min3A_321 : i32 to vector<64x1xi32>
    %min3A_323 = arith.minsi %add3A_320, %min3A_322 : vector<64x1xi32>
    %eq3A_324 = vector.broadcast %broadcast_in_dim3A_317 : vector<64x1xi32> to vector<64x8192xi32>
    %eq3A_325 = arith.cmpi eq, %iota3A, %eq3A_324 : vector<64x8192xi32>
    %jit3A_326 = arith.constant 0x7F800000 : f32
    %broadcast_in_dim3A_327 = vector.broadcast %jit3A_326 : f32 to vector<64x8192xf32>
    %select_n3A_328 = arith.select %eq3A_325, %broadcast_in_dim3A_327, %get3A_306 : vector<64x8192xi1>, vector<64x8192xf32>
    %swap3A_329 = arith.constant 0 : index
    %swap3A_330 = arith.constant 0 : index
    %swap3A_331 = vector.load %arg6[%swap3A_329, %swap3A_330] : memref<64x8192xf32, #tpu.memory_space<vmem>>, vector<64x8192xf32>
    tpu.vector_store %arg6[%swap3A_329, %swap3A_330], %select_n3A_328 {strides = array<i32>} : memref<64x8192xf32, #tpu.memory_space<vmem>>, vector<64x8192xf32>,
    %get3A_332 = arith.constant 0 : index
    %get3A_333 = arith.constant 0 : index
    %get3A_334 = vector.load %arg6[%get3A_332, %get3A_333] : memref<64x8192xf32, #tpu.memory_space<vmem>>, vector<64x8192xf32>
    %reduce_min3A_335 = arith.constant dense<0x7F800000> : vector<64xf32>
    %reduce_min3A_336 = vector.multi_reduction <minimumf>, %get3A_334, %reduce_min3A_335 [1] : vector<64x8192xf32> to vector<64xf32>
    %broadcast_in_dim3A_337 = vector.shape_cast %reduce_min3A_336 : vector<64xf32> to vector<64x1xf32>
    %eq3A_338 = vector.broadcast %broadcast_in_dim3A_337 : vector<64x1xf32> to vector<64x8192xf32>
    %eq3A_339 = arith.cmpf oeq, %get3A_334, %eq3A_338 : vector<64x8192xf32>
    %jit3A_340 = arith.constant 8192 : i32
    %broadcast_in_dim3A_341 = vector.broadcast %jit3A_340 : i32 to vector<64x8192xi32>
    %select_n3A_342 = arith.select %eq3A_339, %iota3A, %broadcast_in_dim3A_341 : vector<64x8192xi1>, vector<64x8192xi32>
    %reduce_min3A_343 = arith.constant dense<2147483647> : vector<64xi32>
    %reduce_min3A_344 = vector.multi_reduction <minsi>, %select_n3A_342, %reduce_min3A_343 [1] : vector<64x8192xi32> to vector<64xi32>
    %broadcast_in_dim3A_345 = vector.shape_cast %reduce_min3A_344 : vector<64xi32> to vector<64x1xi32>
    %add3A_346 = arith.constant 0 : i32
    %add3A_347 = vector.broadcast %add3A_346 : i32 to vector<64x1xi32>
    %add3A_348 = arith.addi %broadcast_in_dim3A_345, %add3A_347 : vector<64x1xi32>
    %min3A_349 = arith.constant 8191 : i32
    %min3A_350 = vector.broadcast %min3A_349 : i32 to vector<64x1xi32>
    %min3A_351 = arith.minsi %add3A_348, %min3A_350 : vector<64x1xi32>
    %eq3A_352 = vector.broadcast %broadcast_in_dim3A_345 : vector<64x1xi32> to vector<64x8192xi32>
    %eq3A_353 = arith.cmpi eq, %iota3A, %eq3A_352 : vector<64x8192xi32>
    %jit3A_354 = arith.constant 0x7F800000 : f32
    %broadcast_in_dim3A_355 = vector.broadcast %jit3A_354 : f32 to vector<64x8192xf32>
    %select_n3A_356 = arith.select %eq3A_353, %broadcast_in_dim3A_355, %get3A_334 : vector<64x8192xi1>, vector<64x8192xf32>
    %swap3A_357 = arith.constant 0 : index
    %swap3A_358 = arith.constant 0 : index
    %swap3A_359 = vector.load %arg6[%swap3A_357, %swap3A_358] : memref<64x8192xf32, #tpu.memory_space<vmem>>, vector<64x8192xf32>
    tpu.vector_store %arg6[%swap3A_357, %swap3A_358], %select_n3A_356 {strides = array<i32>} : memref<64x8192xf32, #tpu.memory_space<vmem>>, vector<64x8192xf32>,
    %get3A_360 = arith.constant 0 : index
    %get3A_361 = arith.constant 0 : index
    %get3A_362 = vector.load %arg6[%get3A_360, %get3A_361] : memref<64x8192xf32, #tpu.memory_space<vmem>>, vector<64x8192xf32>
    %reduce_min3A_363 = arith.constant dense<0x7F800000> : vector<64xf32>
    %reduce_min3A_364 = vector.multi_reduction <minimumf>, %get3A_362, %reduce_min3A_363 [1] : vector<64x8192xf32> to vector<64xf32>
    %broadcast_in_dim3A_365 = vector.shape_cast %reduce_min3A_364 : vector<64xf32> to vector<64x1xf32>
    %eq3A_366 = vector.broadcast %broadcast_in_dim3A_365 : vector<64x1xf32> to vector<64x8192xf32>
    %eq3A_367 = arith.cmpf oeq, %get3A_362, %eq3A_366 : vector<64x8192xf32>
    %jit3A_368 = arith.constant 8192 : i32
    %broadcast_in_dim3A_369 = vector.broadcast %jit3A_368 : i32 to vector<64x8192xi32>
    %select_n3A_370 = arith.select %eq3A_367, %iota3A, %broadcast_in_dim3A_369 : vector<64x8192xi1>, vector<64x8192xi32>
    %reduce_min3A_371 = arith.constant dense<2147483647> : vector<64xi32>
    %reduce_min3A_372 = vector.multi_reduction <minsi>, %select_n3A_370, %reduce_min3A_371 [1] : vector<64x8192xi32> to vector<64xi32>
    %broadcast_in_dim3A_373 = vector.shape_cast %reduce_min3A_372 : vector<64xi32> to vector<64x1xi32>
    %add3A_374 = arith.constant 0 : i32
    %add3A_375 = vector.broadcast %add3A_374 : i32 to vector<64x1xi32>
    %add3A_376 = arith.addi %broadcast_in_dim3A_373, %add3A_375 : vector<64x1xi32>
    %min3A_377 = arith.constant 8191 : i32
    %min3A_378 = vector.broadcast %min3A_377 : i32 to vector<64x1xi32>
    %min3A_379 = arith.minsi %add3A_376, %min3A_378 : vector<64x1xi32>
    %eq3A_380 = vector.broadcast %broadcast_in_dim3A_373 : vector<64x1xi32> to vector<64x8192xi32>
    %eq3A_381 = arith.cmpi eq, %iota3A, %eq3A_380 : vector<64x8192xi32>
    %jit3A_382 = arith.constant 0x7F800000 : f32
    %broadcast_in_dim3A_383 = vector.broadcast %jit3A_382 : f32 to vector<64x8192xf32>
    %select_n3A_384 = arith.select %eq3A_381, %broadcast_in_dim3A_383, %get3A_362 : vector<64x8192xi1>, vector<64x8192xf32>
    %swap3A_385 = arith.constant 0 : index
    %swap3A_386 = arith.constant 0 : index
    %swap3A_387 = vector.load %arg6[%swap3A_385, %swap3A_386] : memref<64x8192xf32, #tpu.memory_space<vmem>>, vector<64x8192xf32>
    tpu.vector_store %arg6[%swap3A_385, %swap3A_386], %select_n3A_384 {strides = array<i32>} : memref<64x8192xf32, #tpu.memory_space<vmem>>, vector<64x8192xf32>,
    %get3A_388 = arith.constant 0 : index
    %get3A_389 = arith.constant 0 : index
    %get3A_390 = vector.load %arg6[%get3A_388, %get3A_389] : memref<64x8192xf32, #tpu.memory_space<vmem>>, vector<64x8192xf32>
    %reduce_min3A_391 = arith.constant dense<0x7F800000> : vector<64xf32>
    %reduce_min3A_392 = vector.multi_reduction <minimumf>, %get3A_390, %reduce_min3A_391 [1] : vector<64x8192xf32> to vector<64xf32>
    %broadcast_in_dim3A_393 = vector.shape_cast %reduce_min3A_392 : vector<64xf32> to vector<64x1xf32>
    %eq3A_394 = vector.broadcast %broadcast_in_dim3A_393 : vector<64x1xf32> to vector<64x8192xf32>
    %eq3A_395 = arith.cmpf oeq, %get3A_390, %eq3A_394 : vector<64x8192xf32>
    %jit3A_396 = arith.constant 8192 : i32
    %broadcast_in_dim3A_397 = vector.broadcast %jit3A_396 : i32 to vector<64x8192xi32>
    %select_n3A_398 = arith.select %eq3A_395, %iota3A, %broadcast_in_dim3A_397 : vector<64x8192xi1>, vector<64x8192xi32>
    %reduce_min3A_399 = arith.constant dense<2147483647> : vector<64xi32>
    %reduce_min3A_400 = vector.multi_reduction <minsi>, %select_n3A_398, %reduce_min3A_399 [1] : vector<64x8192xi32> to vector<64xi32>
    %broadcast_in_dim3A_401 = vector.shape_cast %reduce_min3A_400 : vector<64xi32> to vector<64x1xi32>
    %add3A_402 = arith.constant 0 : i32
    %add3A_403 = vector.broadcast %add3A_402 : i32 to vector<64x1xi32>
    %add3A_404 = arith.addi %broadcast_in_dim3A_401, %add3A_403 : vector<64x1xi32>
    %min3A_405 = arith.constant 8191 : i32
    %min3A_406 = vector.broadcast %min3A_405 : i32 to vector<64x1xi32>
    %min3A_407 = arith.minsi %add3A_404, %min3A_406 : vector<64x1xi32>
    %eq3A_408 = vector.broadcast %broadcast_in_dim3A_401 : vector<64x1xi32> to vector<64x8192xi32>
    %eq3A_409 = arith.cmpi eq, %iota3A, %eq3A_408 : vector<64x8192xi32>
    %jit3A_410 = arith.constant 0x7F800000 : f32
    %broadcast_in_dim3A_411 = vector.broadcast %jit3A_410 : f32 to vector<64x8192xf32>
    %select_n3A_412 = arith.select %eq3A_409, %broadcast_in_dim3A_411, %get3A_390 : vector<64x8192xi1>, vector<64x8192xf32>
    %swap3A_413 = arith.constant 0 : index
    %swap3A_414 = arith.constant 0 : index
    %swap3A_415 = vector.load %arg6[%swap3A_413, %swap3A_414] : memref<64x8192xf32, #tpu.memory_space<vmem>>, vector<64x8192xf32>
    tpu.vector_store %arg6[%swap3A_413, %swap3A_414], %select_n3A_412 {strides = array<i32>} : memref<64x8192xf32, #tpu.memory_space<vmem>>, vector<64x8192xf32>,
    %get3A_416 = arith.constant 0 : index
    %get3A_417 = arith.constant 0 : index
    %get3A_418 = vector.load %arg6[%get3A_416, %get3A_417] : memref<64x8192xf32, #tpu.memory_space<vmem>>, vector<64x8192xf32>
    %reduce_min3A_419 = arith.constant dense<0x7F800000> : vector<64xf32>
    %reduce_min3A_420 = vector.multi_reduction <minimumf>, %get3A_418, %reduce_min3A_419 [1] : vector<64x8192xf32> to vector<64xf32>
    %broadcast_in_dim3A_421 = vector.shape_cast %reduce_min3A_420 : vector<64xf32> to vector<64x1xf32>
    %eq3A_422 = vector.broadcast %broadcast_in_dim3A_421 : vector<64x1xf32> to vector<64x8192xf32>
    %eq3A_423 = arith.cmpf oeq, %get3A_418, %eq3A_422 : vector<64x8192xf32>
    %jit3A_424 = arith.constant 8192 : i32
    %broadcast_in_dim3A_425 = vector.broadcast %jit3A_424 : i32 to vector<64x8192xi32>
    %select_n3A_426 = arith.select %eq3A_423, %iota3A, %broadcast_in_dim3A_425 : vector<64x8192xi1>, vector<64x8192xi32>
    %reduce_min3A_427 = arith.constant dense<2147483647> : vector<64xi32>
    %reduce_min3A_428 = vector.multi_reduction <minsi>, %select_n3A_426, %reduce_min3A_427 [1] : vector<64x8192xi32> to vector<64xi32>
    %broadcast_in_dim3A_429 = vector.shape_cast %reduce_min3A_428 : vector<64xi32> to vector<64x1xi32>
    %add3A_430 = arith.constant 0 : i32
    %add3A_431 = vector.broadcast %add3A_430 : i32 to vector<64x1xi32>
    %add3A_432 = arith.addi %broadcast_in_dim3A_429, %add3A_431 : vector<64x1xi32>
    %min3A_433 = arith.constant 8191 : i32
    %min3A_434 = vector.broadcast %min3A_433 : i32 to vector<64x1xi32>
    %min3A_435 = arith.minsi %add3A_432, %min3A_434 : vector<64x1xi32>
    %eq3A_436 = vector.broadcast %broadcast_in_dim3A_429 : vector<64x1xi32> to vector<64x8192xi32>
    %eq3A_437 = arith.cmpi eq, %iota3A, %eq3A_436 : vector<64x8192xi32>
    %jit3A_438 = arith.constant 0x7F800000 : f32
    %broadcast_in_dim3A_439 = vector.broadcast %jit3A_438 : f32 to vector<64x8192xf32>
    %select_n3A_440 = arith.select %eq3A_437, %broadcast_in_dim3A_439, %get3A_418 : vector<64x8192xi1>, vector<64x8192xf32>
    %swap3A_441 = arith.constant 0 : index
    %swap3A_442 = arith.constant 0 : index
    %swap3A_443 = vector.load %arg6[%swap3A_441, %swap3A_442] : memref<64x8192xf32, #tpu.memory_space<vmem>>, vector<64x8192xf32>
    tpu.vector_store %arg6[%swap3A_441, %swap3A_442], %select_n3A_440 {strides = array<i32>} : memref<64x8192xf32, #tpu.memory_space<vmem>>, vector<64x8192xf32>,
    %get3A_444 = arith.constant 0 : index
    %get3A_445 = arith.constant 0 : index
    %get3A_446 = vector.load %arg6[%get3A_444, %get3A_445] : memref<64x8192xf32, #tpu.memory_space<vmem>>, vector<64x8192xf32>
    %reduce_min3A_447 = arith.constant dense<0x7F800000> : vector<64xf32>
    %reduce_min3A_448 = vector.multi_reduction <minimumf>, %get3A_446, %reduce_min3A_447 [1] : vector<64x8192xf32> to vector<64xf32>
    %broadcast_in_dim3A_449 = vector.shape_cast %reduce_min3A_448 : vector<64xf32> to vector<64x1xf32>
    %eq3A_450 = vector.broadcast %broadcast_in_dim3A_449 : vector<64x1xf32> to vector<64x8192xf32>
    %eq3A_451 = arith.cmpf oeq, %get3A_446, %eq3A_450 : vector<64x8192xf32>
    %jit3A_452 = arith.constant 8192 : i32
    %broadcast_in_dim3A_453 = vector.broadcast %jit3A_452 : i32 to vector<64x8192xi32>
    %select_n3A_454 = arith.select %eq3A_451, %iota3A, %broadcast_in_dim3A_453 : vector<64x8192xi1>, vector<64x8192xi32>
    %reduce_min3A_455 = arith.constant dense<2147483647> : vector<64xi32>
    %reduce_min3A_456 = vector.multi_reduction <minsi>, %select_n3A_454, %reduce_min3A_455 [1] : vector<64x8192xi32> to vector<64xi32>
    %broadcast_in_dim3A_457 = vector.shape_cast %reduce_min3A_456 : vector<64xi32> to vector<64x1xi32>
    %add3A_458 = arith.constant 0 : i32
    %add3A_459 = vector.broadcast %add3A_458 : i32 to vector<64x1xi32>
    %add3A_460 = arith.addi %broadcast_in_dim3A_457, %add3A_459 : vector<64x1xi32>
    %min3A_461 = arith.constant 8191 : i32
    %min3A_462 = vector.broadcast %min3A_461 : i32 to vector<64x1xi32>
    %min3A_463 = arith.minsi %add3A_460, %min3A_462 : vector<64x1xi32>
    %eq3A_464 = vector.broadcast %broadcast_in_dim3A_457 : vector<64x1xi32> to vector<64x8192xi32>
    %eq3A_465 = arith.cmpi eq, %iota3A, %eq3A_464 : vector<64x8192xi32>
    %jit3A_466 = arith.constant 0x7F800000 : f32
    %broadcast_in_dim3A_467 = vector.broadcast %jit3A_466 : f32 to vector<64x8192xf32>
    %select_n3A_468 = arith.select %eq3A_465, %broadcast_in_dim3A_467, %get3A_446 : vector<64x8192xi1>, vector<64x8192xf32>
    %swap3A_469 = arith.constant 0 : index
    %swap3A_470 = arith.constant 0 : index
    %swap3A_471 = vector.load %arg6[%swap3A_469, %swap3A_470] : memref<64x8192xf32, #tpu.memory_space<vmem>>, vector<64x8192xf32>
    tpu.vector_store %arg6[%swap3A_469, %swap3A_470], %select_n3A_468 {strides = array<i32>} : memref<64x8192xf32, #tpu.memory_space<vmem>>, vector<64x8192xf32>,
    %get3A_472 = arith.constant 0 : index
    %get3A_473 = arith.constant 0 : index
    %get3A_474 = vector.load %arg6[%get3A_472, %get3A_473] : memref<64x8192xf32, #tpu.memory_space<vmem>>, vector<64x8192xf32>
    %reduce_min3A_475 = arith.constant dense<0x7F800000> : vector<64xf32>
    %reduce_min3A_476 = vector.multi_reduction <minimumf>, %get3A_474, %reduce_min3A_475 [1] : vector<64x8192xf32> to vector<64xf32>
    %broadcast_in_dim3A_477 = vector.shape_cast %reduce_min3A_476 : vector<64xf32> to vector<64x1xf32>
    %eq3A_478 = vector.broadcast %broadcast_in_dim3A_477 : vector<64x1xf32> to vector<64x8192xf32>
    %eq3A_479 = arith.cmpf oeq, %get3A_474, %eq3A_478 : vector<64x8192xf32>
    %jit3A_480 = arith.constant 8192 : i32
    %broadcast_in_dim3A_481 = vector.broadcast %jit3A_480 : i32 to vector<64x8192xi32>
    %select_n3A_482 = arith.select %eq3A_479, %iota3A, %broadcast_in_dim3A_481 : vector<64x8192xi1>, vector<64x8192xi32>
    %reduce_min3A_483 = arith.constant dense<2147483647> : vector<64xi32>
    %reduce_min3A_484 = vector.multi_reduction <minsi>, %select_n3A_482, %reduce_min3A_483 [1] : vector<64x8192xi32> to vector<64xi32>
    %broadcast_in_dim3A_485 = vector.shape_cast %reduce_min3A_484 : vector<64xi32> to vector<64x1xi32>
    %add3A_486 = arith.constant 0 : i32
    %add3A_487 = vector.broadcast %add3A_486 : i32 to vector<64x1xi32>
    %add3A_488 = arith.addi %broadcast_in_dim3A_485, %add3A_487 : vector<64x1xi32>
    %min3A_489 = arith.constant 8191 : i32
    %min3A_490 = vector.broadcast %min3A_489 : i32 to vector<64x1xi32>
    %min3A_491 = arith.minsi %add3A_488, %min3A_490 : vector<64x1xi32>
    %eq3A_492 = vector.broadcast %broadcast_in_dim3A_485 : vector<64x1xi32> to vector<64x8192xi32>
    %eq3A_493 = arith.cmpi eq, %iota3A, %eq3A_492 : vector<64x8192xi32>
    %jit3A_494 = arith.constant 0x7F800000 : f32
    %broadcast_in_dim3A_495 = vector.broadcast %jit3A_494 : f32 to vector<64x8192xf32>
    %select_n3A_496 = arith.select %eq3A_493, %broadcast_in_dim3A_495, %get3A_474 : vector<64x8192xi1>, vector<64x8192xf32>
    %swap3A_497 = arith.constant 0 : index
    %swap3A_498 = arith.constant 0 : index
    %swap3A_499 = vector.load %arg6[%swap3A_497, %swap3A_498] : memref<64x8192xf32, #tpu.memory_space<vmem>>, vector<64x8192xf32>
    tpu.vector_store %arg6[%swap3A_497, %swap3A_498], %select_n3A_496 {strides = array<i32>} : memref<64x8192xf32, #tpu.memory_space<vmem>>, vector<64x8192xf32>,
    %get3A_500 = arith.constant 0 : index
    %get3A_501 = arith.constant 0 : index
    %get3A_502 = vector.load %arg6[%get3A_500, %get3A_501] : memref<64x8192xf32, #tpu.memory_space<vmem>>, vector<64x8192xf32>
    %reduce_min3A_503 = arith.constant dense<0x7F800000> : vector<64xf32>
    %reduce_min3A_504 = vector.multi_reduction <minimumf>, %get3A_502, %reduce_min3A_503 [1] : vector<64x8192xf32> to vector<64xf32>
    %broadcast_in_dim3A_505 = vector.shape_cast %reduce_min3A_504 : vector<64xf32> to vector<64x1xf32>
    %eq3A_506 = vector.broadcast %broadcast_in_dim3A_505 : vector<64x1xf32> to vector<64x8192xf32>
    %eq3A_507 = arith.cmpf oeq, %get3A_502, %eq3A_506 : vector<64x8192xf32>
    %jit3A_508 = arith.constant 8192 : i32
    %broadcast_in_dim3A_509 = vector.broadcast %jit3A_508 : i32 to vector<64x8192xi32>
    %select_n3A_510 = arith.select %eq3A_507, %iota3A, %broadcast_in_dim3A_509 : vector<64x8192xi1>, vector<64x8192xi32>
    %reduce_min3A_511 = arith.constant dense<2147483647> : vector<64xi32>
    %reduce_min3A_512 = vector.multi_reduction <minsi>, %select_n3A_510, %reduce_min3A_511 [1] : vector<64x8192xi32> to vector<64xi32>
    %broadcast_in_dim3A_513 = vector.shape_cast %reduce_min3A_512 : vector<64xi32> to vector<64x1xi32>
    %add3A_514 = arith.constant 0 : i32
    %add3A_515 = vector.broadcast %add3A_514 : i32 to vector<64x1xi32>
    %add3A_516 = arith.addi %broadcast_in_dim3A_513, %add3A_515 : vector<64x1xi32>
    %min3A_517 = arith.constant 8191 : i32
    %min3A_518 = vector.broadcast %min3A_517 : i32 to vector<64x1xi32>
    %min3A_519 = arith.minsi %add3A_516, %min3A_518 : vector<64x1xi32>
    %eq3A_520 = vector.broadcast %broadcast_in_dim3A_513 : vector<64x1xi32> to vector<64x8192xi32>
    %eq3A_521 = arith.cmpi eq, %iota3A, %eq3A_520 : vector<64x8192xi32>
    %jit3A_522 = arith.constant 0x7F800000 : f32
    %broadcast_in_dim3A_523 = vector.broadcast %jit3A_522 : f32 to vector<64x8192xf32>
    %select_n3A_524 = arith.select %eq3A_521, %broadcast_in_dim3A_523, %get3A_502 : vector<64x8192xi1>, vector<64x8192xf32>
    %swap3A_525 = arith.constant 0 : index
    %swap3A_526 = arith.constant 0 : index
    %swap3A_527 = vector.load %arg6[%swap3A_525, %swap3A_526] : memref<64x8192xf32, #tpu.memory_space<vmem>>, vector<64x8192xf32>
    tpu.vector_store %arg6[%swap3A_525, %swap3A_526], %select_n3A_524 {strides = array<i32>} : memref<64x8192xf32, #tpu.memory_space<vmem>>, vector<64x8192xf32>,
    %get3A_528 = arith.constant 0 : index
    %get3A_529 = arith.constant 0 : index
    %get3A_530 = vector.load %arg6[%get3A_528, %get3A_529] : memref<64x8192xf32, #tpu.memory_space<vmem>>, vector<64x8192xf32>
    %reduce_min3A_531 = arith.constant dense<0x7F800000> : vector<64xf32>
    %reduce_min3A_532 = vector.multi_reduction <minimumf>, %get3A_530, %reduce_min3A_531 [1] : vector<64x8192xf32> to vector<64xf32>
    %broadcast_in_dim3A_533 = vector.shape_cast %reduce_min3A_532 : vector<64xf32> to vector<64x1xf32>
    %eq3A_534 = vector.broadcast %broadcast_in_dim3A_533 : vector<64x1xf32> to vector<64x8192xf32>
    %eq3A_535 = arith.cmpf oeq, %get3A_530, %eq3A_534 : vector<64x8192xf32>
    %jit3A_536 = arith.constant 8192 : i32
    %broadcast_in_dim3A_537 = vector.broadcast %jit3A_536 : i32 to vector<64x8192xi32>
    %select_n3A_538 = arith.select %eq3A_535, %iota3A, %broadcast_in_dim3A_537 : vector<64x8192xi1>, vector<64x8192xi32>
    %reduce_min3A_539 = arith.constant dense<2147483647> : vector<64xi32>
    %reduce_min3A_540 = vector.multi_reduction <minsi>, %select_n3A_538, %reduce_min3A_539 [1] : vector<64x8192xi32> to vector<64xi32>
    %broadcast_in_dim3A_541 = vector.shape_cast %reduce_min3A_540 : vector<64xi32> to vector<64x1xi32>
    %add3A_542 = arith.constant 0 : i32
    %add3A_543 = vector.broadcast %add3A_542 : i32 to vector<64x1xi32>
    %add3A_544 = arith.addi %broadcast_in_dim3A_541, %add3A_543 : vector<64x1xi32>
    %min3A_545 = arith.constant 8191 : i32
    %min3A_546 = vector.broadcast %min3A_545 : i32 to vector<64x1xi32>
    %min3A_547 = arith.minsi %add3A_544, %min3A_546 : vector<64x1xi32>
    %eq3A_548 = vector.broadcast %broadcast_in_dim3A_541 : vector<64x1xi32> to vector<64x8192xi32>
    %eq3A_549 = arith.cmpi eq, %iota3A, %eq3A_548 : vector<64x8192xi32>
    %jit3A_550 = arith.constant 0x7F800000 : f32
    %broadcast_in_dim3A_551 = vector.broadcast %jit3A_550 : f32 to vector<64x8192xf32>
    %select_n3A_552 = arith.select %eq3A_549, %broadcast_in_dim3A_551, %get3A_530 : vector<64x8192xi1>, vector<64x8192xf32>
    %swap3A_553 = arith.constant 0 : index
    %swap3A_554 = arith.constant 0 : index
    %swap3A_555 = vector.load %arg6[%swap3A_553, %swap3A_554] : memref<64x8192xf32, #tpu.memory_space<vmem>>, vector<64x8192xf32>
    tpu.vector_store %arg6[%swap3A_553, %swap3A_554], %select_n3A_552 {strides = array<i32>} : memref<64x8192xf32, #tpu.memory_space<vmem>>, vector<64x8192xf32>,
    %get3A_556 = arith.constant 0 : index
    %get3A_557 = arith.constant 0 : index
    %get3A_558 = vector.load %arg6[%get3A_556, %get3A_557] : memref<64x8192xf32, #tpu.memory_space<vmem>>, vector<64x8192xf32>
    %reduce_min3A_559 = arith.constant dense<0x7F800000> : vector<64xf32>
    %reduce_min3A_560 = vector.multi_reduction <minimumf>, %get3A_558, %reduce_min3A_559 [1] : vector<64x8192xf32> to vector<64xf32>
    %broadcast_in_dim3A_561 = vector.shape_cast %reduce_min3A_560 : vector<64xf32> to vector<64x1xf32>
    %eq3A_562 = vector.broadcast %broadcast_in_dim3A_561 : vector<64x1xf32> to vector<64x8192xf32>
    %eq3A_563 = arith.cmpf oeq, %get3A_558, %eq3A_562 : vector<64x8192xf32>
    %jit3A_564 = arith.constant 8192 : i32
    %broadcast_in_dim3A_565 = vector.broadcast %jit3A_564 : i32 to vector<64x8192xi32>
    %select_n3A_566 = arith.select %eq3A_563, %iota3A, %broadcast_in_dim3A_565 : vector<64x8192xi1>, vector<64x8192xi32>
    %reduce_min3A_567 = arith.constant dense<2147483647> : vector<64xi32>
    %reduce_min3A_568 = vector.multi_reduction <minsi>, %select_n3A_566, %reduce_min3A_567 [1] : vector<64x8192xi32> to vector<64xi32>
    %broadcast_in_dim3A_569 = vector.shape_cast %reduce_min3A_568 : vector<64xi32> to vector<64x1xi32>
    %add3A_570 = arith.constant 0 : i32
    %add3A_571 = vector.broadcast %add3A_570 : i32 to vector<64x1xi32>
    %add3A_572 = arith.addi %broadcast_in_dim3A_569, %add3A_571 : vector<64x1xi32>
    %min3A_573 = arith.constant 8191 : i32
    %min3A_574 = vector.broadcast %min3A_573 : i32 to vector<64x1xi32>
    %min3A_575 = arith.minsi %add3A_572, %min3A_574 : vector<64x1xi32>
    %eq3A_576 = vector.broadcast %broadcast_in_dim3A_569 : vector<64x1xi32> to vector<64x8192xi32>
    %eq3A_577 = arith.cmpi eq, %iota3A, %eq3A_576 : vector<64x8192xi32>
    %jit3A_578 = arith.constant 0x7F800000 : f32
    %broadcast_in_dim3A_579 = vector.broadcast %jit3A_578 : f32 to vector<64x8192xf32>
    %select_n3A_580 = arith.select %eq3A_577, %broadcast_in_dim3A_579, %get3A_558 : vector<64x8192xi1>, vector<64x8192xf32>
    %swap3A_581 = arith.constant 0 : index
    %swap3A_582 = arith.constant 0 : index
    %swap3A_583 = vector.load %arg6[%swap3A_581, %swap3A_582] : memref<64x8192xf32, #tpu.memory_space<vmem>>, vector<64x8192xf32>
    tpu.vector_store %arg6[%swap3A_581, %swap3A_582], %select_n3A_580 {strides = array<i32>} : memref<64x8192xf32, #tpu.memory_space<vmem>>, vector<64x8192xf32>,
    %concatenate3A = tpu.concatenate %min3A_43, %min3A_71, %min3A_99, %min3A_127, %min3A_155, %min3A_183, %min3A_211, %min3A_239, %min3A_267, %min3A_295, %min3A_323, %min3A_351, %min3A_379, %min3A_407, %min3A_435, %min3A_463, %min3A_491, %min3A_519, %min3A_547, %min3A_575 in 1 : vector<64x1xi32>, vector<64x1xi32>, vector<64x1xi32>, vector<64x1xi32>, vector<64x1xi32>, vector<64x1xi32>, vector<64x1xi32>, vector<64x1xi32>, vector<64x1xi32>, vector<64x1xi32>, vector<64x1xi32>, vector<64x1xi32>, vector<64x1xi32>, vector<64x1xi32>, vector<64x1xi32>, vector<64x1xi32>, vector<64x1xi32>, vector<64x1xi32>, vector<64x1xi32>, vector<64x1xi32> -> vector<64x20xi32>
    %swap3A_584 = arith.constant 0 : index
    %swap3A_585 = arith.constant 0 : index
    %swap3A_586 = vector.load %arg5[%swap3A_584, %swap3A_585] : memref<64x20xi32, #tpu.memory_space<vmem>>, vector<64x20xi32>
    tpu.vector_store %arg5[%swap3A_584, %swap3A_585], %concatenate3A {strides = array<i32>} : memref<64x20xi32, #tpu.memory_space<vmem>>, vector<64x20xi32>,
    return
  }
  func.func @transform_0(%arg0: i32) -> (i32, i32) {
    %c0_i32 = arith.constant 0 : i32
    %c0_i32_0 = arith.constant 0 : i32
    return %arg0, %c0_i32 : i32, i32
  }
  func.func @transform_1(%arg0: i32) -> (i32, i32) {
    %c0_i32 = arith.constant 0 : i32
    %c0_i32_0 = arith.constant 0 : i32
    %c0_i32_1 = arith.constant 0 : i32
    return %c0_i32, %c0_i32_0 : i32, i32
  }
  func.func @transform_2(%arg0: i32) -> (i32, i32) {
    %c0_i32 = arith.constant 0 : i32
    %c0_i32_0 = arith.constant 0 : i32
    return %arg0, %c0_i32 : i32, i32
  }
  func.func @transform_3(%arg0: i32) -> (i32, i32) {
    %c0_i32 = arith.constant 0 : i32
    %c0_i32_0 = arith.constant 0 : i32
    %c0_i32_1 = arith.constant 0 : i32
    return %c0_i32, %c0_i32_0 : i32, i32
  }
  func.func @transform_4(%arg0: i32) -> (i32, i32) {
    %c0_i32 = arith.constant 0 : i32
    %c0_i32_0 = arith.constant 0 : i32
    return %arg0, %c0_i32 : i32, i32
  }
}

module attributes {stable_mosaic.version = 14 : i64} {
  func.func @_knn_pad_body(%arg0: i32, %arg1: memref<640x64xf32, #tpu.memory_space<vmem>>, %arg2: memref<1x64x1280xf32, #tpu.memory_space<vmem>>, %arg3: memref<640x1xi32, #tpu.memory_space<vmem>>, %arg4: memref<1x1x1280xi32, #tpu.memory_space<vmem>>, %arg5: memref<1x1x1xi32, #tpu.memory_space<vmem>>, %arg6: memref<640x20xi32, #tpu.memory_space<vmem>>, %arg7: memref<640x1280xf32, #tpu.memory_space<vmem>>) attributes {dimension_semantics = [#tpu.dimension_semantics<arbitrary>], iteration_bounds = array<i64: 16>, scalar_prefetch = 0 : i64, scratch_operands = 1 : i64, tpu.core_type = #tpu.core_type<tc>, window_params = [{transform_indices = @transform_0, window_bounds = array<i64: 640, 64>}, {transform_indices = @transform_1, window_bounds = array<i64: 1, 64, 1280>}, {transform_indices = @transform_2, window_bounds = array<i64: 640, 1>}, {transform_indices = @transform_3, window_bounds = array<i64: 1, 1, 1280>}, {transform_indices = @transform_4, window_bounds = array<i64: 1, 1, 1>}, {transform_indices = @transform_5, window_bounds = array<i64: 640, 20>}]} {
    %get3A = arith.constant 0 : index
    %get3A_0 = arith.constant 0 : index
    %get3A_1 = vector.load %arg1[%get3A, %get3A_0] : memref<640x64xf32, #tpu.memory_space<vmem>>, vector<640x64xf32>
    %mul3A = arith.mulf %get3A_1, %get3A_1 : vector<640x64xf32>
    %reduce_sum3A = arith.constant dense<0.000000e+00> : vector<640xf32>
    %reduce_sum3A_2 = vector.multi_reduction <add>, %mul3A, %reduce_sum3A [1] : vector<640x64xf32> to vector<640xf32>
    %broadcast_in_dim3A = vector.shape_cast %reduce_sum3A_2 : vector<640xf32> to vector<640x1xf32>
    %get3A_3 = arith.constant 0 : index
    %get3A_4 = arith.constant 0 : index
    %get3A_5 = arith.constant 0 : index
    %get3A_6 = vector.load %arg2[%get3A_3, %get3A_4, %get3A_5] : memref<1x64x1280xf32, #tpu.memory_space<vmem>>, vector<1x64x1280xf32>
    %get3A_7 = vector.shape_cast %get3A_6 : vector<1x64x1280xf32> to vector<64x1280xf32>
    %mul3A_8 = arith.mulf %get3A_7, %get3A_7 : vector<64x1280xf32>
    %reduce_sum3A_9 = arith.constant dense<0.000000e+00> : vector<1280xf32>
    %reduce_sum3A_10 = vector.multi_reduction <add>, %mul3A_8, %reduce_sum3A_9 [0] : vector<64x1280xf32> to vector<1280xf32>
    %broadcast_in_dim3A_11 = vector.shape_cast %reduce_sum3A_10 : vector<1280xf32> to vector<1x1280xf32>
    %add3A = vector.broadcast %broadcast_in_dim3A : vector<640x1xf32> to vector<640x1280xf32>
    %add3A_12 = vector.broadcast %broadcast_in_dim3A_11 : vector<1x1280xf32> to vector<640x1280xf32>
    %add3A_13 = arith.addf %add3A, %add3A_12 : vector<640x1280xf32>
    %dot_general3A = arith.constant dense<0.000000e+00> : vector<640x1280xf32>
    %dot_general3A_14 = tpu.matmul %get3A_1, %get3A_7, %dot_general3A {dimension_numbers = #tpu.dot_dimension_numbers<[1], [0], [0], [1], [0, 0, 1, 1], [], []>, transpose_lhs_hint = false} : vector<640x64xf32>, vector<64x1280xf32>, vector<640x1280xf32> -> vector<640x1280xf32>
    %mul3A_15 = arith.constant 2.000000e+00 : f32
    %mul3A_16 = vector.broadcast %mul3A_15 : f32 to vector<640x1280xf32>
    %mul3A_17 = arith.mulf %mul3A_16, %dot_general3A_14 : vector<640x1280xf32>
    %sub3A = arith.subf %add3A_13, %mul3A_17 : vector<640x1280xf32>
    %get3A_18 = arith.constant 0 : index
    %get3A_19 = arith.constant 0 : index
    %get3A_20 = vector.load %arg3[%get3A_18, %get3A_19] : memref<640x1xi32, #tpu.memory_space<vmem>>, vector<640x1xi32>
    %get3A_21 = arith.constant 0 : index
    %get3A_22 = arith.constant 0 : index
    %get3A_23 = arith.constant 0 : index
    %get3A_24 = vector.load %arg4[%get3A_21, %get3A_22, %get3A_23] : memref<1x1x1280xi32, #tpu.memory_space<vmem>>, vector<1x1x1280xi32>
    %get3A_25 = vector.shape_cast %get3A_24 : vector<1x1x1280xi32> to vector<1x1280xi32>
    %ne3A = vector.broadcast %get3A_20 : vector<640x1xi32> to vector<640x1280xi32>
    %ne3A_26 = vector.broadcast %get3A_25 : vector<1x1280xi32> to vector<640x1280xi32>
    %ne3A_27 = arith.cmpi ne, %ne3A, %ne3A_26 : vector<640x1280xi32>
    %jit3A = arith.constant 9.99999993E+36 : f32
    %broadcast_in_dim3A_28 = vector.broadcast %jit3A : f32 to vector<640x1280xf32>
    %select_n3A = arith.select %ne3A_27, %broadcast_in_dim3A_28, %sub3A : vector<640x1280xi1>, vector<640x1280xf32>
    %swap3A = arith.constant 0 : index
    %swap3A_29 = arith.constant 0 : index
    %swap3A_30 = vector.load %arg7[%swap3A, %swap3A_29] : memref<640x1280xf32, #tpu.memory_space<vmem>>, vector<640x1280xf32>
    tpu.vector_store %arg7[%swap3A, %swap3A_29], %select_n3A {strides = array<i32>} : memref<640x1280xf32, #tpu.memory_space<vmem>>, vector<640x1280xf32>,
    %get3A_31 = arith.constant 0 : index
    %get3A_32 = arith.constant 0 : index
    %get3A_33 = arith.constant 0 : index
    %get3A_34 = vector.load %arg5[%get3A_31, %get3A_32, %get3A_33] : memref<1x1x1xi32, #tpu.memory_space<vmem>>, vector<1x1x1xi32>
    %get3A_35 = vector.extract %get3A_34[0, 0, 0] : i32 from vector<1x1x1xi32>
    %iota3A = tpu.iota {dimensions = array<i32: 1>} : vector<640x1280xi32>
    %get3A_36 = arith.constant 0 : index
    %get3A_37 = arith.constant 0 : index
    %get3A_38 = vector.load %arg7[%get3A_36, %get3A_37] : memref<640x1280xf32, #tpu.memory_space<vmem>>, vector<640x1280xf32>
    %reduce_min3A = arith.constant dense<0x7F800000> : vector<640xf32>
    %reduce_min3A_39 = vector.multi_reduction <minimumf>, %get3A_38, %reduce_min3A [1] : vector<640x1280xf32> to vector<640xf32>
    %broadcast_in_dim3A_40 = vector.shape_cast %reduce_min3A_39 : vector<640xf32> to vector<640x1xf32>
    %eq3A = vector.broadcast %broadcast_in_dim3A_40 : vector<640x1xf32> to vector<640x1280xf32>
    %eq3A_41 = arith.cmpf oeq, %get3A_38, %eq3A : vector<640x1280xf32>
    %jit3A_42 = arith.constant 8192 : i32
    %broadcast_in_dim3A_43 = vector.broadcast %jit3A_42 : i32 to vector<640x1280xi32>
    %select_n3A_44 = arith.select %eq3A_41, %iota3A, %broadcast_in_dim3A_43 : vector<640x1280xi1>, vector<640x1280xi32>
    %reduce_min3A_45 = arith.constant dense<2147483647> : vector<640xi32>
    %reduce_min3A_46 = vector.multi_reduction <minsi>, %select_n3A_44, %reduce_min3A_45 [1] : vector<640x1280xi32> to vector<640xi32>
    %broadcast_in_dim3A_47 = vector.shape_cast %reduce_min3A_46 : vector<640xi32> to vector<640x1xi32>
    %add3A_48 = vector.broadcast %get3A_35 : i32 to vector<640x1xi32>
    %add3A_49 = arith.addi %broadcast_in_dim3A_47, %add3A_48 : vector<640x1xi32>
    %min3A = arith.constant 8191 : i32
    %min3A_50 = vector.broadcast %min3A : i32 to vector<640x1xi32>
    %min3A_51 = arith.minsi %add3A_49, %min3A_50 : vector<640x1xi32>
    %eq3A_52 = vector.broadcast %broadcast_in_dim3A_47 : vector<640x1xi32> to vector<640x1280xi32>
    %eq3A_53 = arith.cmpi eq, %iota3A, %eq3A_52 : vector<640x1280xi32>
    %jit3A_54 = arith.constant 0x7F800000 : f32
    %broadcast_in_dim3A_55 = vector.broadcast %jit3A_54 : f32 to vector<640x1280xf32>
    %select_n3A_56 = arith.select %eq3A_53, %broadcast_in_dim3A_55, %get3A_38 : vector<640x1280xi1>, vector<640x1280xf32>
    %swap3A_57 = arith.constant 0 : index
    %swap3A_58 = arith.constant 0 : index
    %swap3A_59 = vector.load %arg7[%swap3A_57, %swap3A_58] : memref<640x1280xf32, #tpu.memory_space<vmem>>, vector<640x1280xf32>
    tpu.vector_store %arg7[%swap3A_57, %swap3A_58], %select_n3A_56 {strides = array<i32>} : memref<640x1280xf32, #tpu.memory_space<vmem>>, vector<640x1280xf32>,
    %get3A_60 = arith.constant 0 : index
    %get3A_61 = arith.constant 0 : index
    %get3A_62 = vector.load %arg7[%get3A_60, %get3A_61] : memref<640x1280xf32, #tpu.memory_space<vmem>>, vector<640x1280xf32>
    %reduce_min3A_63 = arith.constant dense<0x7F800000> : vector<640xf32>
    %reduce_min3A_64 = vector.multi_reduction <minimumf>, %get3A_62, %reduce_min3A_63 [1] : vector<640x1280xf32> to vector<640xf32>
    %broadcast_in_dim3A_65 = vector.shape_cast %reduce_min3A_64 : vector<640xf32> to vector<640x1xf32>
    %eq3A_66 = vector.broadcast %broadcast_in_dim3A_65 : vector<640x1xf32> to vector<640x1280xf32>
    %eq3A_67 = arith.cmpf oeq, %get3A_62, %eq3A_66 : vector<640x1280xf32>
    %jit3A_68 = arith.constant 8192 : i32
    %broadcast_in_dim3A_69 = vector.broadcast %jit3A_68 : i32 to vector<640x1280xi32>
    %select_n3A_70 = arith.select %eq3A_67, %iota3A, %broadcast_in_dim3A_69 : vector<640x1280xi1>, vector<640x1280xi32>
    %reduce_min3A_71 = arith.constant dense<2147483647> : vector<640xi32>
    %reduce_min3A_72 = vector.multi_reduction <minsi>, %select_n3A_70, %reduce_min3A_71 [1] : vector<640x1280xi32> to vector<640xi32>
    %broadcast_in_dim3A_73 = vector.shape_cast %reduce_min3A_72 : vector<640xi32> to vector<640x1xi32>
    %add3A_74 = vector.broadcast %get3A_35 : i32 to vector<640x1xi32>
    %add3A_75 = arith.addi %broadcast_in_dim3A_73, %add3A_74 : vector<640x1xi32>
    %min3A_76 = arith.constant 8191 : i32
    %min3A_77 = vector.broadcast %min3A_76 : i32 to vector<640x1xi32>
    %min3A_78 = arith.minsi %add3A_75, %min3A_77 : vector<640x1xi32>
    %eq3A_79 = vector.broadcast %broadcast_in_dim3A_73 : vector<640x1xi32> to vector<640x1280xi32>
    %eq3A_80 = arith.cmpi eq, %iota3A, %eq3A_79 : vector<640x1280xi32>
    %jit3A_81 = arith.constant 0x7F800000 : f32
    %broadcast_in_dim3A_82 = vector.broadcast %jit3A_81 : f32 to vector<640x1280xf32>
    %select_n3A_83 = arith.select %eq3A_80, %broadcast_in_dim3A_82, %get3A_62 : vector<640x1280xi1>, vector<640x1280xf32>
    %swap3A_84 = arith.constant 0 : index
    %swap3A_85 = arith.constant 0 : index
    %swap3A_86 = vector.load %arg7[%swap3A_84, %swap3A_85] : memref<640x1280xf32, #tpu.memory_space<vmem>>, vector<640x1280xf32>
    tpu.vector_store %arg7[%swap3A_84, %swap3A_85], %select_n3A_83 {strides = array<i32>} : memref<640x1280xf32, #tpu.memory_space<vmem>>, vector<640x1280xf32>,
    %get3A_87 = arith.constant 0 : index
    %get3A_88 = arith.constant 0 : index
    %get3A_89 = vector.load %arg7[%get3A_87, %get3A_88] : memref<640x1280xf32, #tpu.memory_space<vmem>>, vector<640x1280xf32>
    %reduce_min3A_90 = arith.constant dense<0x7F800000> : vector<640xf32>
    %reduce_min3A_91 = vector.multi_reduction <minimumf>, %get3A_89, %reduce_min3A_90 [1] : vector<640x1280xf32> to vector<640xf32>
    %broadcast_in_dim3A_92 = vector.shape_cast %reduce_min3A_91 : vector<640xf32> to vector<640x1xf32>
    %eq3A_93 = vector.broadcast %broadcast_in_dim3A_92 : vector<640x1xf32> to vector<640x1280xf32>
    %eq3A_94 = arith.cmpf oeq, %get3A_89, %eq3A_93 : vector<640x1280xf32>
    %jit3A_95 = arith.constant 8192 : i32
    %broadcast_in_dim3A_96 = vector.broadcast %jit3A_95 : i32 to vector<640x1280xi32>
    %select_n3A_97 = arith.select %eq3A_94, %iota3A, %broadcast_in_dim3A_96 : vector<640x1280xi1>, vector<640x1280xi32>
    %reduce_min3A_98 = arith.constant dense<2147483647> : vector<640xi32>
    %reduce_min3A_99 = vector.multi_reduction <minsi>, %select_n3A_97, %reduce_min3A_98 [1] : vector<640x1280xi32> to vector<640xi32>
    %broadcast_in_dim3A_100 = vector.shape_cast %reduce_min3A_99 : vector<640xi32> to vector<640x1xi32>
    %add3A_101 = vector.broadcast %get3A_35 : i32 to vector<640x1xi32>
    %add3A_102 = arith.addi %broadcast_in_dim3A_100, %add3A_101 : vector<640x1xi32>
    %min3A_103 = arith.constant 8191 : i32
    %min3A_104 = vector.broadcast %min3A_103 : i32 to vector<640x1xi32>
    %min3A_105 = arith.minsi %add3A_102, %min3A_104 : vector<640x1xi32>
    %eq3A_106 = vector.broadcast %broadcast_in_dim3A_100 : vector<640x1xi32> to vector<640x1280xi32>
    %eq3A_107 = arith.cmpi eq, %iota3A, %eq3A_106 : vector<640x1280xi32>
    %jit3A_108 = arith.constant 0x7F800000 : f32
    %broadcast_in_dim3A_109 = vector.broadcast %jit3A_108 : f32 to vector<640x1280xf32>
    %select_n3A_110 = arith.select %eq3A_107, %broadcast_in_dim3A_109, %get3A_89 : vector<640x1280xi1>, vector<640x1280xf32>
    %swap3A_111 = arith.constant 0 : index
    %swap3A_112 = arith.constant 0 : index
    %swap3A_113 = vector.load %arg7[%swap3A_111, %swap3A_112] : memref<640x1280xf32, #tpu.memory_space<vmem>>, vector<640x1280xf32>
    tpu.vector_store %arg7[%swap3A_111, %swap3A_112], %select_n3A_110 {strides = array<i32>} : memref<640x1280xf32, #tpu.memory_space<vmem>>, vector<640x1280xf32>,
    %get3A_114 = arith.constant 0 : index
    %get3A_115 = arith.constant 0 : index
    %get3A_116 = vector.load %arg7[%get3A_114, %get3A_115] : memref<640x1280xf32, #tpu.memory_space<vmem>>, vector<640x1280xf32>
    %reduce_min3A_117 = arith.constant dense<0x7F800000> : vector<640xf32>
    %reduce_min3A_118 = vector.multi_reduction <minimumf>, %get3A_116, %reduce_min3A_117 [1] : vector<640x1280xf32> to vector<640xf32>
    %broadcast_in_dim3A_119 = vector.shape_cast %reduce_min3A_118 : vector<640xf32> to vector<640x1xf32>
    %eq3A_120 = vector.broadcast %broadcast_in_dim3A_119 : vector<640x1xf32> to vector<640x1280xf32>
    %eq3A_121 = arith.cmpf oeq, %get3A_116, %eq3A_120 : vector<640x1280xf32>
    %jit3A_122 = arith.constant 8192 : i32
    %broadcast_in_dim3A_123 = vector.broadcast %jit3A_122 : i32 to vector<640x1280xi32>
    %select_n3A_124 = arith.select %eq3A_121, %iota3A, %broadcast_in_dim3A_123 : vector<640x1280xi1>, vector<640x1280xi32>
    %reduce_min3A_125 = arith.constant dense<2147483647> : vector<640xi32>
    %reduce_min3A_126 = vector.multi_reduction <minsi>, %select_n3A_124, %reduce_min3A_125 [1] : vector<640x1280xi32> to vector<640xi32>
    %broadcast_in_dim3A_127 = vector.shape_cast %reduce_min3A_126 : vector<640xi32> to vector<640x1xi32>
    %add3A_128 = vector.broadcast %get3A_35 : i32 to vector<640x1xi32>
    %add3A_129 = arith.addi %broadcast_in_dim3A_127, %add3A_128 : vector<640x1xi32>
    %min3A_130 = arith.constant 8191 : i32
    %min3A_131 = vector.broadcast %min3A_130 : i32 to vector<640x1xi32>
    %min3A_132 = arith.minsi %add3A_129, %min3A_131 : vector<640x1xi32>
    %eq3A_133 = vector.broadcast %broadcast_in_dim3A_127 : vector<640x1xi32> to vector<640x1280xi32>
    %eq3A_134 = arith.cmpi eq, %iota3A, %eq3A_133 : vector<640x1280xi32>
    %jit3A_135 = arith.constant 0x7F800000 : f32
    %broadcast_in_dim3A_136 = vector.broadcast %jit3A_135 : f32 to vector<640x1280xf32>
    %select_n3A_137 = arith.select %eq3A_134, %broadcast_in_dim3A_136, %get3A_116 : vector<640x1280xi1>, vector<640x1280xf32>
    %swap3A_138 = arith.constant 0 : index
    %swap3A_139 = arith.constant 0 : index
    %swap3A_140 = vector.load %arg7[%swap3A_138, %swap3A_139] : memref<640x1280xf32, #tpu.memory_space<vmem>>, vector<640x1280xf32>
    tpu.vector_store %arg7[%swap3A_138, %swap3A_139], %select_n3A_137 {strides = array<i32>} : memref<640x1280xf32, #tpu.memory_space<vmem>>, vector<640x1280xf32>,
    %get3A_141 = arith.constant 0 : index
    %get3A_142 = arith.constant 0 : index
    %get3A_143 = vector.load %arg7[%get3A_141, %get3A_142] : memref<640x1280xf32, #tpu.memory_space<vmem>>, vector<640x1280xf32>
    %reduce_min3A_144 = arith.constant dense<0x7F800000> : vector<640xf32>
    %reduce_min3A_145 = vector.multi_reduction <minimumf>, %get3A_143, %reduce_min3A_144 [1] : vector<640x1280xf32> to vector<640xf32>
    %broadcast_in_dim3A_146 = vector.shape_cast %reduce_min3A_145 : vector<640xf32> to vector<640x1xf32>
    %eq3A_147 = vector.broadcast %broadcast_in_dim3A_146 : vector<640x1xf32> to vector<640x1280xf32>
    %eq3A_148 = arith.cmpf oeq, %get3A_143, %eq3A_147 : vector<640x1280xf32>
    %jit3A_149 = arith.constant 8192 : i32
    %broadcast_in_dim3A_150 = vector.broadcast %jit3A_149 : i32 to vector<640x1280xi32>
    %select_n3A_151 = arith.select %eq3A_148, %iota3A, %broadcast_in_dim3A_150 : vector<640x1280xi1>, vector<640x1280xi32>
    %reduce_min3A_152 = arith.constant dense<2147483647> : vector<640xi32>
    %reduce_min3A_153 = vector.multi_reduction <minsi>, %select_n3A_151, %reduce_min3A_152 [1] : vector<640x1280xi32> to vector<640xi32>
    %broadcast_in_dim3A_154 = vector.shape_cast %reduce_min3A_153 : vector<640xi32> to vector<640x1xi32>
    %add3A_155 = vector.broadcast %get3A_35 : i32 to vector<640x1xi32>
    %add3A_156 = arith.addi %broadcast_in_dim3A_154, %add3A_155 : vector<640x1xi32>
    %min3A_157 = arith.constant 8191 : i32
    %min3A_158 = vector.broadcast %min3A_157 : i32 to vector<640x1xi32>
    %min3A_159 = arith.minsi %add3A_156, %min3A_158 : vector<640x1xi32>
    %eq3A_160 = vector.broadcast %broadcast_in_dim3A_154 : vector<640x1xi32> to vector<640x1280xi32>
    %eq3A_161 = arith.cmpi eq, %iota3A, %eq3A_160 : vector<640x1280xi32>
    %jit3A_162 = arith.constant 0x7F800000 : f32
    %broadcast_in_dim3A_163 = vector.broadcast %jit3A_162 : f32 to vector<640x1280xf32>
    %select_n3A_164 = arith.select %eq3A_161, %broadcast_in_dim3A_163, %get3A_143 : vector<640x1280xi1>, vector<640x1280xf32>
    %swap3A_165 = arith.constant 0 : index
    %swap3A_166 = arith.constant 0 : index
    %swap3A_167 = vector.load %arg7[%swap3A_165, %swap3A_166] : memref<640x1280xf32, #tpu.memory_space<vmem>>, vector<640x1280xf32>
    tpu.vector_store %arg7[%swap3A_165, %swap3A_166], %select_n3A_164 {strides = array<i32>} : memref<640x1280xf32, #tpu.memory_space<vmem>>, vector<640x1280xf32>,
    %get3A_168 = arith.constant 0 : index
    %get3A_169 = arith.constant 0 : index
    %get3A_170 = vector.load %arg7[%get3A_168, %get3A_169] : memref<640x1280xf32, #tpu.memory_space<vmem>>, vector<640x1280xf32>
    %reduce_min3A_171 = arith.constant dense<0x7F800000> : vector<640xf32>
    %reduce_min3A_172 = vector.multi_reduction <minimumf>, %get3A_170, %reduce_min3A_171 [1] : vector<640x1280xf32> to vector<640xf32>
    %broadcast_in_dim3A_173 = vector.shape_cast %reduce_min3A_172 : vector<640xf32> to vector<640x1xf32>
    %eq3A_174 = vector.broadcast %broadcast_in_dim3A_173 : vector<640x1xf32> to vector<640x1280xf32>
    %eq3A_175 = arith.cmpf oeq, %get3A_170, %eq3A_174 : vector<640x1280xf32>
    %jit3A_176 = arith.constant 8192 : i32
    %broadcast_in_dim3A_177 = vector.broadcast %jit3A_176 : i32 to vector<640x1280xi32>
    %select_n3A_178 = arith.select %eq3A_175, %iota3A, %broadcast_in_dim3A_177 : vector<640x1280xi1>, vector<640x1280xi32>
    %reduce_min3A_179 = arith.constant dense<2147483647> : vector<640xi32>
    %reduce_min3A_180 = vector.multi_reduction <minsi>, %select_n3A_178, %reduce_min3A_179 [1] : vector<640x1280xi32> to vector<640xi32>
    %broadcast_in_dim3A_181 = vector.shape_cast %reduce_min3A_180 : vector<640xi32> to vector<640x1xi32>
    %add3A_182 = vector.broadcast %get3A_35 : i32 to vector<640x1xi32>
    %add3A_183 = arith.addi %broadcast_in_dim3A_181, %add3A_182 : vector<640x1xi32>
    %min3A_184 = arith.constant 8191 : i32
    %min3A_185 = vector.broadcast %min3A_184 : i32 to vector<640x1xi32>
    %min3A_186 = arith.minsi %add3A_183, %min3A_185 : vector<640x1xi32>
    %eq3A_187 = vector.broadcast %broadcast_in_dim3A_181 : vector<640x1xi32> to vector<640x1280xi32>
    %eq3A_188 = arith.cmpi eq, %iota3A, %eq3A_187 : vector<640x1280xi32>
    %jit3A_189 = arith.constant 0x7F800000 : f32
    %broadcast_in_dim3A_190 = vector.broadcast %jit3A_189 : f32 to vector<640x1280xf32>
    %select_n3A_191 = arith.select %eq3A_188, %broadcast_in_dim3A_190, %get3A_170 : vector<640x1280xi1>, vector<640x1280xf32>
    %swap3A_192 = arith.constant 0 : index
    %swap3A_193 = arith.constant 0 : index
    %swap3A_194 = vector.load %arg7[%swap3A_192, %swap3A_193] : memref<640x1280xf32, #tpu.memory_space<vmem>>, vector<640x1280xf32>
    tpu.vector_store %arg7[%swap3A_192, %swap3A_193], %select_n3A_191 {strides = array<i32>} : memref<640x1280xf32, #tpu.memory_space<vmem>>, vector<640x1280xf32>,
    %get3A_195 = arith.constant 0 : index
    %get3A_196 = arith.constant 0 : index
    %get3A_197 = vector.load %arg7[%get3A_195, %get3A_196] : memref<640x1280xf32, #tpu.memory_space<vmem>>, vector<640x1280xf32>
    %reduce_min3A_198 = arith.constant dense<0x7F800000> : vector<640xf32>
    %reduce_min3A_199 = vector.multi_reduction <minimumf>, %get3A_197, %reduce_min3A_198 [1] : vector<640x1280xf32> to vector<640xf32>
    %broadcast_in_dim3A_200 = vector.shape_cast %reduce_min3A_199 : vector<640xf32> to vector<640x1xf32>
    %eq3A_201 = vector.broadcast %broadcast_in_dim3A_200 : vector<640x1xf32> to vector<640x1280xf32>
    %eq3A_202 = arith.cmpf oeq, %get3A_197, %eq3A_201 : vector<640x1280xf32>
    %jit3A_203 = arith.constant 8192 : i32
    %broadcast_in_dim3A_204 = vector.broadcast %jit3A_203 : i32 to vector<640x1280xi32>
    %select_n3A_205 = arith.select %eq3A_202, %iota3A, %broadcast_in_dim3A_204 : vector<640x1280xi1>, vector<640x1280xi32>
    %reduce_min3A_206 = arith.constant dense<2147483647> : vector<640xi32>
    %reduce_min3A_207 = vector.multi_reduction <minsi>, %select_n3A_205, %reduce_min3A_206 [1] : vector<640x1280xi32> to vector<640xi32>
    %broadcast_in_dim3A_208 = vector.shape_cast %reduce_min3A_207 : vector<640xi32> to vector<640x1xi32>
    %add3A_209 = vector.broadcast %get3A_35 : i32 to vector<640x1xi32>
    %add3A_210 = arith.addi %broadcast_in_dim3A_208, %add3A_209 : vector<640x1xi32>
    %min3A_211 = arith.constant 8191 : i32
    %min3A_212 = vector.broadcast %min3A_211 : i32 to vector<640x1xi32>
    %min3A_213 = arith.minsi %add3A_210, %min3A_212 : vector<640x1xi32>
    %eq3A_214 = vector.broadcast %broadcast_in_dim3A_208 : vector<640x1xi32> to vector<640x1280xi32>
    %eq3A_215 = arith.cmpi eq, %iota3A, %eq3A_214 : vector<640x1280xi32>
    %jit3A_216 = arith.constant 0x7F800000 : f32
    %broadcast_in_dim3A_217 = vector.broadcast %jit3A_216 : f32 to vector<640x1280xf32>
    %select_n3A_218 = arith.select %eq3A_215, %broadcast_in_dim3A_217, %get3A_197 : vector<640x1280xi1>, vector<640x1280xf32>
    %swap3A_219 = arith.constant 0 : index
    %swap3A_220 = arith.constant 0 : index
    %swap3A_221 = vector.load %arg7[%swap3A_219, %swap3A_220] : memref<640x1280xf32, #tpu.memory_space<vmem>>, vector<640x1280xf32>
    tpu.vector_store %arg7[%swap3A_219, %swap3A_220], %select_n3A_218 {strides = array<i32>} : memref<640x1280xf32, #tpu.memory_space<vmem>>, vector<640x1280xf32>,
    %get3A_222 = arith.constant 0 : index
    %get3A_223 = arith.constant 0 : index
    %get3A_224 = vector.load %arg7[%get3A_222, %get3A_223] : memref<640x1280xf32, #tpu.memory_space<vmem>>, vector<640x1280xf32>
    %reduce_min3A_225 = arith.constant dense<0x7F800000> : vector<640xf32>
    %reduce_min3A_226 = vector.multi_reduction <minimumf>, %get3A_224, %reduce_min3A_225 [1] : vector<640x1280xf32> to vector<640xf32>
    %broadcast_in_dim3A_227 = vector.shape_cast %reduce_min3A_226 : vector<640xf32> to vector<640x1xf32>
    %eq3A_228 = vector.broadcast %broadcast_in_dim3A_227 : vector<640x1xf32> to vector<640x1280xf32>
    %eq3A_229 = arith.cmpf oeq, %get3A_224, %eq3A_228 : vector<640x1280xf32>
    %jit3A_230 = arith.constant 8192 : i32
    %broadcast_in_dim3A_231 = vector.broadcast %jit3A_230 : i32 to vector<640x1280xi32>
    %select_n3A_232 = arith.select %eq3A_229, %iota3A, %broadcast_in_dim3A_231 : vector<640x1280xi1>, vector<640x1280xi32>
    %reduce_min3A_233 = arith.constant dense<2147483647> : vector<640xi32>
    %reduce_min3A_234 = vector.multi_reduction <minsi>, %select_n3A_232, %reduce_min3A_233 [1] : vector<640x1280xi32> to vector<640xi32>
    %broadcast_in_dim3A_235 = vector.shape_cast %reduce_min3A_234 : vector<640xi32> to vector<640x1xi32>
    %add3A_236 = vector.broadcast %get3A_35 : i32 to vector<640x1xi32>
    %add3A_237 = arith.addi %broadcast_in_dim3A_235, %add3A_236 : vector<640x1xi32>
    %min3A_238 = arith.constant 8191 : i32
    %min3A_239 = vector.broadcast %min3A_238 : i32 to vector<640x1xi32>
    %min3A_240 = arith.minsi %add3A_237, %min3A_239 : vector<640x1xi32>
    %eq3A_241 = vector.broadcast %broadcast_in_dim3A_235 : vector<640x1xi32> to vector<640x1280xi32>
    %eq3A_242 = arith.cmpi eq, %iota3A, %eq3A_241 : vector<640x1280xi32>
    %jit3A_243 = arith.constant 0x7F800000 : f32
    %broadcast_in_dim3A_244 = vector.broadcast %jit3A_243 : f32 to vector<640x1280xf32>
    %select_n3A_245 = arith.select %eq3A_242, %broadcast_in_dim3A_244, %get3A_224 : vector<640x1280xi1>, vector<640x1280xf32>
    %swap3A_246 = arith.constant 0 : index
    %swap3A_247 = arith.constant 0 : index
    %swap3A_248 = vector.load %arg7[%swap3A_246, %swap3A_247] : memref<640x1280xf32, #tpu.memory_space<vmem>>, vector<640x1280xf32>
    tpu.vector_store %arg7[%swap3A_246, %swap3A_247], %select_n3A_245 {strides = array<i32>} : memref<640x1280xf32, #tpu.memory_space<vmem>>, vector<640x1280xf32>,
    %get3A_249 = arith.constant 0 : index
    %get3A_250 = arith.constant 0 : index
    %get3A_251 = vector.load %arg7[%get3A_249, %get3A_250] : memref<640x1280xf32, #tpu.memory_space<vmem>>, vector<640x1280xf32>
    %reduce_min3A_252 = arith.constant dense<0x7F800000> : vector<640xf32>
    %reduce_min3A_253 = vector.multi_reduction <minimumf>, %get3A_251, %reduce_min3A_252 [1] : vector<640x1280xf32> to vector<640xf32>
    %broadcast_in_dim3A_254 = vector.shape_cast %reduce_min3A_253 : vector<640xf32> to vector<640x1xf32>
    %eq3A_255 = vector.broadcast %broadcast_in_dim3A_254 : vector<640x1xf32> to vector<640x1280xf32>
    %eq3A_256 = arith.cmpf oeq, %get3A_251, %eq3A_255 : vector<640x1280xf32>
    %jit3A_257 = arith.constant 8192 : i32
    %broadcast_in_dim3A_258 = vector.broadcast %jit3A_257 : i32 to vector<640x1280xi32>
    %select_n3A_259 = arith.select %eq3A_256, %iota3A, %broadcast_in_dim3A_258 : vector<640x1280xi1>, vector<640x1280xi32>
    %reduce_min3A_260 = arith.constant dense<2147483647> : vector<640xi32>
    %reduce_min3A_261 = vector.multi_reduction <minsi>, %select_n3A_259, %reduce_min3A_260 [1] : vector<640x1280xi32> to vector<640xi32>
    %broadcast_in_dim3A_262 = vector.shape_cast %reduce_min3A_261 : vector<640xi32> to vector<640x1xi32>
    %add3A_263 = vector.broadcast %get3A_35 : i32 to vector<640x1xi32>
    %add3A_264 = arith.addi %broadcast_in_dim3A_262, %add3A_263 : vector<640x1xi32>
    %min3A_265 = arith.constant 8191 : i32
    %min3A_266 = vector.broadcast %min3A_265 : i32 to vector<640x1xi32>
    %min3A_267 = arith.minsi %add3A_264, %min3A_266 : vector<640x1xi32>
    %eq3A_268 = vector.broadcast %broadcast_in_dim3A_262 : vector<640x1xi32> to vector<640x1280xi32>
    %eq3A_269 = arith.cmpi eq, %iota3A, %eq3A_268 : vector<640x1280xi32>
    %jit3A_270 = arith.constant 0x7F800000 : f32
    %broadcast_in_dim3A_271 = vector.broadcast %jit3A_270 : f32 to vector<640x1280xf32>
    %select_n3A_272 = arith.select %eq3A_269, %broadcast_in_dim3A_271, %get3A_251 : vector<640x1280xi1>, vector<640x1280xf32>
    %swap3A_273 = arith.constant 0 : index
    %swap3A_274 = arith.constant 0 : index
    %swap3A_275 = vector.load %arg7[%swap3A_273, %swap3A_274] : memref<640x1280xf32, #tpu.memory_space<vmem>>, vector<640x1280xf32>
    tpu.vector_store %arg7[%swap3A_273, %swap3A_274], %select_n3A_272 {strides = array<i32>} : memref<640x1280xf32, #tpu.memory_space<vmem>>, vector<640x1280xf32>,
    %get3A_276 = arith.constant 0 : index
    %get3A_277 = arith.constant 0 : index
    %get3A_278 = vector.load %arg7[%get3A_276, %get3A_277] : memref<640x1280xf32, #tpu.memory_space<vmem>>, vector<640x1280xf32>
    %reduce_min3A_279 = arith.constant dense<0x7F800000> : vector<640xf32>
    %reduce_min3A_280 = vector.multi_reduction <minimumf>, %get3A_278, %reduce_min3A_279 [1] : vector<640x1280xf32> to vector<640xf32>
    %broadcast_in_dim3A_281 = vector.shape_cast %reduce_min3A_280 : vector<640xf32> to vector<640x1xf32>
    %eq3A_282 = vector.broadcast %broadcast_in_dim3A_281 : vector<640x1xf32> to vector<640x1280xf32>
    %eq3A_283 = arith.cmpf oeq, %get3A_278, %eq3A_282 : vector<640x1280xf32>
    %jit3A_284 = arith.constant 8192 : i32
    %broadcast_in_dim3A_285 = vector.broadcast %jit3A_284 : i32 to vector<640x1280xi32>
    %select_n3A_286 = arith.select %eq3A_283, %iota3A, %broadcast_in_dim3A_285 : vector<640x1280xi1>, vector<640x1280xi32>
    %reduce_min3A_287 = arith.constant dense<2147483647> : vector<640xi32>
    %reduce_min3A_288 = vector.multi_reduction <minsi>, %select_n3A_286, %reduce_min3A_287 [1] : vector<640x1280xi32> to vector<640xi32>
    %broadcast_in_dim3A_289 = vector.shape_cast %reduce_min3A_288 : vector<640xi32> to vector<640x1xi32>
    %add3A_290 = vector.broadcast %get3A_35 : i32 to vector<640x1xi32>
    %add3A_291 = arith.addi %broadcast_in_dim3A_289, %add3A_290 : vector<640x1xi32>
    %min3A_292 = arith.constant 8191 : i32
    %min3A_293 = vector.broadcast %min3A_292 : i32 to vector<640x1xi32>
    %min3A_294 = arith.minsi %add3A_291, %min3A_293 : vector<640x1xi32>
    %eq3A_295 = vector.broadcast %broadcast_in_dim3A_289 : vector<640x1xi32> to vector<640x1280xi32>
    %eq3A_296 = arith.cmpi eq, %iota3A, %eq3A_295 : vector<640x1280xi32>
    %jit3A_297 = arith.constant 0x7F800000 : f32
    %broadcast_in_dim3A_298 = vector.broadcast %jit3A_297 : f32 to vector<640x1280xf32>
    %select_n3A_299 = arith.select %eq3A_296, %broadcast_in_dim3A_298, %get3A_278 : vector<640x1280xi1>, vector<640x1280xf32>
    %swap3A_300 = arith.constant 0 : index
    %swap3A_301 = arith.constant 0 : index
    %swap3A_302 = vector.load %arg7[%swap3A_300, %swap3A_301] : memref<640x1280xf32, #tpu.memory_space<vmem>>, vector<640x1280xf32>
    tpu.vector_store %arg7[%swap3A_300, %swap3A_301], %select_n3A_299 {strides = array<i32>} : memref<640x1280xf32, #tpu.memory_space<vmem>>, vector<640x1280xf32>,
    %get3A_303 = arith.constant 0 : index
    %get3A_304 = arith.constant 0 : index
    %get3A_305 = vector.load %arg7[%get3A_303, %get3A_304] : memref<640x1280xf32, #tpu.memory_space<vmem>>, vector<640x1280xf32>
    %reduce_min3A_306 = arith.constant dense<0x7F800000> : vector<640xf32>
    %reduce_min3A_307 = vector.multi_reduction <minimumf>, %get3A_305, %reduce_min3A_306 [1] : vector<640x1280xf32> to vector<640xf32>
    %broadcast_in_dim3A_308 = vector.shape_cast %reduce_min3A_307 : vector<640xf32> to vector<640x1xf32>
    %eq3A_309 = vector.broadcast %broadcast_in_dim3A_308 : vector<640x1xf32> to vector<640x1280xf32>
    %eq3A_310 = arith.cmpf oeq, %get3A_305, %eq3A_309 : vector<640x1280xf32>
    %jit3A_311 = arith.constant 8192 : i32
    %broadcast_in_dim3A_312 = vector.broadcast %jit3A_311 : i32 to vector<640x1280xi32>
    %select_n3A_313 = arith.select %eq3A_310, %iota3A, %broadcast_in_dim3A_312 : vector<640x1280xi1>, vector<640x1280xi32>
    %reduce_min3A_314 = arith.constant dense<2147483647> : vector<640xi32>
    %reduce_min3A_315 = vector.multi_reduction <minsi>, %select_n3A_313, %reduce_min3A_314 [1] : vector<640x1280xi32> to vector<640xi32>
    %broadcast_in_dim3A_316 = vector.shape_cast %reduce_min3A_315 : vector<640xi32> to vector<640x1xi32>
    %add3A_317 = vector.broadcast %get3A_35 : i32 to vector<640x1xi32>
    %add3A_318 = arith.addi %broadcast_in_dim3A_316, %add3A_317 : vector<640x1xi32>
    %min3A_319 = arith.constant 8191 : i32
    %min3A_320 = vector.broadcast %min3A_319 : i32 to vector<640x1xi32>
    %min3A_321 = arith.minsi %add3A_318, %min3A_320 : vector<640x1xi32>
    %eq3A_322 = vector.broadcast %broadcast_in_dim3A_316 : vector<640x1xi32> to vector<640x1280xi32>
    %eq3A_323 = arith.cmpi eq, %iota3A, %eq3A_322 : vector<640x1280xi32>
    %jit3A_324 = arith.constant 0x7F800000 : f32
    %broadcast_in_dim3A_325 = vector.broadcast %jit3A_324 : f32 to vector<640x1280xf32>
    %select_n3A_326 = arith.select %eq3A_323, %broadcast_in_dim3A_325, %get3A_305 : vector<640x1280xi1>, vector<640x1280xf32>
    %swap3A_327 = arith.constant 0 : index
    %swap3A_328 = arith.constant 0 : index
    %swap3A_329 = vector.load %arg7[%swap3A_327, %swap3A_328] : memref<640x1280xf32, #tpu.memory_space<vmem>>, vector<640x1280xf32>
    tpu.vector_store %arg7[%swap3A_327, %swap3A_328], %select_n3A_326 {strides = array<i32>} : memref<640x1280xf32, #tpu.memory_space<vmem>>, vector<640x1280xf32>,
    %get3A_330 = arith.constant 0 : index
    %get3A_331 = arith.constant 0 : index
    %get3A_332 = vector.load %arg7[%get3A_330, %get3A_331] : memref<640x1280xf32, #tpu.memory_space<vmem>>, vector<640x1280xf32>
    %reduce_min3A_333 = arith.constant dense<0x7F800000> : vector<640xf32>
    %reduce_min3A_334 = vector.multi_reduction <minimumf>, %get3A_332, %reduce_min3A_333 [1] : vector<640x1280xf32> to vector<640xf32>
    %broadcast_in_dim3A_335 = vector.shape_cast %reduce_min3A_334 : vector<640xf32> to vector<640x1xf32>
    %eq3A_336 = vector.broadcast %broadcast_in_dim3A_335 : vector<640x1xf32> to vector<640x1280xf32>
    %eq3A_337 = arith.cmpf oeq, %get3A_332, %eq3A_336 : vector<640x1280xf32>
    %jit3A_338 = arith.constant 8192 : i32
    %broadcast_in_dim3A_339 = vector.broadcast %jit3A_338 : i32 to vector<640x1280xi32>
    %select_n3A_340 = arith.select %eq3A_337, %iota3A, %broadcast_in_dim3A_339 : vector<640x1280xi1>, vector<640x1280xi32>
    %reduce_min3A_341 = arith.constant dense<2147483647> : vector<640xi32>
    %reduce_min3A_342 = vector.multi_reduction <minsi>, %select_n3A_340, %reduce_min3A_341 [1] : vector<640x1280xi32> to vector<640xi32>
    %broadcast_in_dim3A_343 = vector.shape_cast %reduce_min3A_342 : vector<640xi32> to vector<640x1xi32>
    %add3A_344 = vector.broadcast %get3A_35 : i32 to vector<640x1xi32>
    %add3A_345 = arith.addi %broadcast_in_dim3A_343, %add3A_344 : vector<640x1xi32>
    %min3A_346 = arith.constant 8191 : i32
    %min3A_347 = vector.broadcast %min3A_346 : i32 to vector<640x1xi32>
    %min3A_348 = arith.minsi %add3A_345, %min3A_347 : vector<640x1xi32>
    %eq3A_349 = vector.broadcast %broadcast_in_dim3A_343 : vector<640x1xi32> to vector<640x1280xi32>
    %eq3A_350 = arith.cmpi eq, %iota3A, %eq3A_349 : vector<640x1280xi32>
    %jit3A_351 = arith.constant 0x7F800000 : f32
    %broadcast_in_dim3A_352 = vector.broadcast %jit3A_351 : f32 to vector<640x1280xf32>
    %select_n3A_353 = arith.select %eq3A_350, %broadcast_in_dim3A_352, %get3A_332 : vector<640x1280xi1>, vector<640x1280xf32>
    %swap3A_354 = arith.constant 0 : index
    %swap3A_355 = arith.constant 0 : index
    %swap3A_356 = vector.load %arg7[%swap3A_354, %swap3A_355] : memref<640x1280xf32, #tpu.memory_space<vmem>>, vector<640x1280xf32>
    tpu.vector_store %arg7[%swap3A_354, %swap3A_355], %select_n3A_353 {strides = array<i32>} : memref<640x1280xf32, #tpu.memory_space<vmem>>, vector<640x1280xf32>,
    %get3A_357 = arith.constant 0 : index
    %get3A_358 = arith.constant 0 : index
    %get3A_359 = vector.load %arg7[%get3A_357, %get3A_358] : memref<640x1280xf32, #tpu.memory_space<vmem>>, vector<640x1280xf32>
    %reduce_min3A_360 = arith.constant dense<0x7F800000> : vector<640xf32>
    %reduce_min3A_361 = vector.multi_reduction <minimumf>, %get3A_359, %reduce_min3A_360 [1] : vector<640x1280xf32> to vector<640xf32>
    %broadcast_in_dim3A_362 = vector.shape_cast %reduce_min3A_361 : vector<640xf32> to vector<640x1xf32>
    %eq3A_363 = vector.broadcast %broadcast_in_dim3A_362 : vector<640x1xf32> to vector<640x1280xf32>
    %eq3A_364 = arith.cmpf oeq, %get3A_359, %eq3A_363 : vector<640x1280xf32>
    %jit3A_365 = arith.constant 8192 : i32
    %broadcast_in_dim3A_366 = vector.broadcast %jit3A_365 : i32 to vector<640x1280xi32>
    %select_n3A_367 = arith.select %eq3A_364, %iota3A, %broadcast_in_dim3A_366 : vector<640x1280xi1>, vector<640x1280xi32>
    %reduce_min3A_368 = arith.constant dense<2147483647> : vector<640xi32>
    %reduce_min3A_369 = vector.multi_reduction <minsi>, %select_n3A_367, %reduce_min3A_368 [1] : vector<640x1280xi32> to vector<640xi32>
    %broadcast_in_dim3A_370 = vector.shape_cast %reduce_min3A_369 : vector<640xi32> to vector<640x1xi32>
    %add3A_371 = vector.broadcast %get3A_35 : i32 to vector<640x1xi32>
    %add3A_372 = arith.addi %broadcast_in_dim3A_370, %add3A_371 : vector<640x1xi32>
    %min3A_373 = arith.constant 8191 : i32
    %min3A_374 = vector.broadcast %min3A_373 : i32 to vector<640x1xi32>
    %min3A_375 = arith.minsi %add3A_372, %min3A_374 : vector<640x1xi32>
    %eq3A_376 = vector.broadcast %broadcast_in_dim3A_370 : vector<640x1xi32> to vector<640x1280xi32>
    %eq3A_377 = arith.cmpi eq, %iota3A, %eq3A_376 : vector<640x1280xi32>
    %jit3A_378 = arith.constant 0x7F800000 : f32
    %broadcast_in_dim3A_379 = vector.broadcast %jit3A_378 : f32 to vector<640x1280xf32>
    %select_n3A_380 = arith.select %eq3A_377, %broadcast_in_dim3A_379, %get3A_359 : vector<640x1280xi1>, vector<640x1280xf32>
    %swap3A_381 = arith.constant 0 : index
    %swap3A_382 = arith.constant 0 : index
    %swap3A_383 = vector.load %arg7[%swap3A_381, %swap3A_382] : memref<640x1280xf32, #tpu.memory_space<vmem>>, vector<640x1280xf32>
    tpu.vector_store %arg7[%swap3A_381, %swap3A_382], %select_n3A_380 {strides = array<i32>} : memref<640x1280xf32, #tpu.memory_space<vmem>>, vector<640x1280xf32>,
    %get3A_384 = arith.constant 0 : index
    %get3A_385 = arith.constant 0 : index
    %get3A_386 = vector.load %arg7[%get3A_384, %get3A_385] : memref<640x1280xf32, #tpu.memory_space<vmem>>, vector<640x1280xf32>
    %reduce_min3A_387 = arith.constant dense<0x7F800000> : vector<640xf32>
    %reduce_min3A_388 = vector.multi_reduction <minimumf>, %get3A_386, %reduce_min3A_387 [1] : vector<640x1280xf32> to vector<640xf32>
    %broadcast_in_dim3A_389 = vector.shape_cast %reduce_min3A_388 : vector<640xf32> to vector<640x1xf32>
    %eq3A_390 = vector.broadcast %broadcast_in_dim3A_389 : vector<640x1xf32> to vector<640x1280xf32>
    %eq3A_391 = arith.cmpf oeq, %get3A_386, %eq3A_390 : vector<640x1280xf32>
    %jit3A_392 = arith.constant 8192 : i32
    %broadcast_in_dim3A_393 = vector.broadcast %jit3A_392 : i32 to vector<640x1280xi32>
    %select_n3A_394 = arith.select %eq3A_391, %iota3A, %broadcast_in_dim3A_393 : vector<640x1280xi1>, vector<640x1280xi32>
    %reduce_min3A_395 = arith.constant dense<2147483647> : vector<640xi32>
    %reduce_min3A_396 = vector.multi_reduction <minsi>, %select_n3A_394, %reduce_min3A_395 [1] : vector<640x1280xi32> to vector<640xi32>
    %broadcast_in_dim3A_397 = vector.shape_cast %reduce_min3A_396 : vector<640xi32> to vector<640x1xi32>
    %add3A_398 = vector.broadcast %get3A_35 : i32 to vector<640x1xi32>
    %add3A_399 = arith.addi %broadcast_in_dim3A_397, %add3A_398 : vector<640x1xi32>
    %min3A_400 = arith.constant 8191 : i32
    %min3A_401 = vector.broadcast %min3A_400 : i32 to vector<640x1xi32>
    %min3A_402 = arith.minsi %add3A_399, %min3A_401 : vector<640x1xi32>
    %eq3A_403 = vector.broadcast %broadcast_in_dim3A_397 : vector<640x1xi32> to vector<640x1280xi32>
    %eq3A_404 = arith.cmpi eq, %iota3A, %eq3A_403 : vector<640x1280xi32>
    %jit3A_405 = arith.constant 0x7F800000 : f32
    %broadcast_in_dim3A_406 = vector.broadcast %jit3A_405 : f32 to vector<640x1280xf32>
    %select_n3A_407 = arith.select %eq3A_404, %broadcast_in_dim3A_406, %get3A_386 : vector<640x1280xi1>, vector<640x1280xf32>
    %swap3A_408 = arith.constant 0 : index
    %swap3A_409 = arith.constant 0 : index
    %swap3A_410 = vector.load %arg7[%swap3A_408, %swap3A_409] : memref<640x1280xf32, #tpu.memory_space<vmem>>, vector<640x1280xf32>
    tpu.vector_store %arg7[%swap3A_408, %swap3A_409], %select_n3A_407 {strides = array<i32>} : memref<640x1280xf32, #tpu.memory_space<vmem>>, vector<640x1280xf32>,
    %get3A_411 = arith.constant 0 : index
    %get3A_412 = arith.constant 0 : index
    %get3A_413 = vector.load %arg7[%get3A_411, %get3A_412] : memref<640x1280xf32, #tpu.memory_space<vmem>>, vector<640x1280xf32>
    %reduce_min3A_414 = arith.constant dense<0x7F800000> : vector<640xf32>
    %reduce_min3A_415 = vector.multi_reduction <minimumf>, %get3A_413, %reduce_min3A_414 [1] : vector<640x1280xf32> to vector<640xf32>
    %broadcast_in_dim3A_416 = vector.shape_cast %reduce_min3A_415 : vector<640xf32> to vector<640x1xf32>
    %eq3A_417 = vector.broadcast %broadcast_in_dim3A_416 : vector<640x1xf32> to vector<640x1280xf32>
    %eq3A_418 = arith.cmpf oeq, %get3A_413, %eq3A_417 : vector<640x1280xf32>
    %jit3A_419 = arith.constant 8192 : i32
    %broadcast_in_dim3A_420 = vector.broadcast %jit3A_419 : i32 to vector<640x1280xi32>
    %select_n3A_421 = arith.select %eq3A_418, %iota3A, %broadcast_in_dim3A_420 : vector<640x1280xi1>, vector<640x1280xi32>
    %reduce_min3A_422 = arith.constant dense<2147483647> : vector<640xi32>
    %reduce_min3A_423 = vector.multi_reduction <minsi>, %select_n3A_421, %reduce_min3A_422 [1] : vector<640x1280xi32> to vector<640xi32>
    %broadcast_in_dim3A_424 = vector.shape_cast %reduce_min3A_423 : vector<640xi32> to vector<640x1xi32>
    %add3A_425 = vector.broadcast %get3A_35 : i32 to vector<640x1xi32>
    %add3A_426 = arith.addi %broadcast_in_dim3A_424, %add3A_425 : vector<640x1xi32>
    %min3A_427 = arith.constant 8191 : i32
    %min3A_428 = vector.broadcast %min3A_427 : i32 to vector<640x1xi32>
    %min3A_429 = arith.minsi %add3A_426, %min3A_428 : vector<640x1xi32>
    %eq3A_430 = vector.broadcast %broadcast_in_dim3A_424 : vector<640x1xi32> to vector<640x1280xi32>
    %eq3A_431 = arith.cmpi eq, %iota3A, %eq3A_430 : vector<640x1280xi32>
    %jit3A_432 = arith.constant 0x7F800000 : f32
    %broadcast_in_dim3A_433 = vector.broadcast %jit3A_432 : f32 to vector<640x1280xf32>
    %select_n3A_434 = arith.select %eq3A_431, %broadcast_in_dim3A_433, %get3A_413 : vector<640x1280xi1>, vector<640x1280xf32>
    %swap3A_435 = arith.constant 0 : index
    %swap3A_436 = arith.constant 0 : index
    %swap3A_437 = vector.load %arg7[%swap3A_435, %swap3A_436] : memref<640x1280xf32, #tpu.memory_space<vmem>>, vector<640x1280xf32>
    tpu.vector_store %arg7[%swap3A_435, %swap3A_436], %select_n3A_434 {strides = array<i32>} : memref<640x1280xf32, #tpu.memory_space<vmem>>, vector<640x1280xf32>,
    %get3A_438 = arith.constant 0 : index
    %get3A_439 = arith.constant 0 : index
    %get3A_440 = vector.load %arg7[%get3A_438, %get3A_439] : memref<640x1280xf32, #tpu.memory_space<vmem>>, vector<640x1280xf32>
    %reduce_min3A_441 = arith.constant dense<0x7F800000> : vector<640xf32>
    %reduce_min3A_442 = vector.multi_reduction <minimumf>, %get3A_440, %reduce_min3A_441 [1] : vector<640x1280xf32> to vector<640xf32>
    %broadcast_in_dim3A_443 = vector.shape_cast %reduce_min3A_442 : vector<640xf32> to vector<640x1xf32>
    %eq3A_444 = vector.broadcast %broadcast_in_dim3A_443 : vector<640x1xf32> to vector<640x1280xf32>
    %eq3A_445 = arith.cmpf oeq, %get3A_440, %eq3A_444 : vector<640x1280xf32>
    %jit3A_446 = arith.constant 8192 : i32
    %broadcast_in_dim3A_447 = vector.broadcast %jit3A_446 : i32 to vector<640x1280xi32>
    %select_n3A_448 = arith.select %eq3A_445, %iota3A, %broadcast_in_dim3A_447 : vector<640x1280xi1>, vector<640x1280xi32>
    %reduce_min3A_449 = arith.constant dense<2147483647> : vector<640xi32>
    %reduce_min3A_450 = vector.multi_reduction <minsi>, %select_n3A_448, %reduce_min3A_449 [1] : vector<640x1280xi32> to vector<640xi32>
    %broadcast_in_dim3A_451 = vector.shape_cast %reduce_min3A_450 : vector<640xi32> to vector<640x1xi32>
    %add3A_452 = vector.broadcast %get3A_35 : i32 to vector<640x1xi32>
    %add3A_453 = arith.addi %broadcast_in_dim3A_451, %add3A_452 : vector<640x1xi32>
    %min3A_454 = arith.constant 8191 : i32
    %min3A_455 = vector.broadcast %min3A_454 : i32 to vector<640x1xi32>
    %min3A_456 = arith.minsi %add3A_453, %min3A_455 : vector<640x1xi32>
    %eq3A_457 = vector.broadcast %broadcast_in_dim3A_451 : vector<640x1xi32> to vector<640x1280xi32>
    %eq3A_458 = arith.cmpi eq, %iota3A, %eq3A_457 : vector<640x1280xi32>
    %jit3A_459 = arith.constant 0x7F800000 : f32
    %broadcast_in_dim3A_460 = vector.broadcast %jit3A_459 : f32 to vector<640x1280xf32>
    %select_n3A_461 = arith.select %eq3A_458, %broadcast_in_dim3A_460, %get3A_440 : vector<640x1280xi1>, vector<640x1280xf32>
    %swap3A_462 = arith.constant 0 : index
    %swap3A_463 = arith.constant 0 : index
    %swap3A_464 = vector.load %arg7[%swap3A_462, %swap3A_463] : memref<640x1280xf32, #tpu.memory_space<vmem>>, vector<640x1280xf32>
    tpu.vector_store %arg7[%swap3A_462, %swap3A_463], %select_n3A_461 {strides = array<i32>} : memref<640x1280xf32, #tpu.memory_space<vmem>>, vector<640x1280xf32>,
    %get3A_465 = arith.constant 0 : index
    %get3A_466 = arith.constant 0 : index
    %get3A_467 = vector.load %arg7[%get3A_465, %get3A_466] : memref<640x1280xf32, #tpu.memory_space<vmem>>, vector<640x1280xf32>
    %reduce_min3A_468 = arith.constant dense<0x7F800000> : vector<640xf32>
    %reduce_min3A_469 = vector.multi_reduction <minimumf>, %get3A_467, %reduce_min3A_468 [1] : vector<640x1280xf32> to vector<640xf32>
    %broadcast_in_dim3A_470 = vector.shape_cast %reduce_min3A_469 : vector<640xf32> to vector<640x1xf32>
    %eq3A_471 = vector.broadcast %broadcast_in_dim3A_470 : vector<640x1xf32> to vector<640x1280xf32>
    %eq3A_472 = arith.cmpf oeq, %get3A_467, %eq3A_471 : vector<640x1280xf32>
    %jit3A_473 = arith.constant 8192 : i32
    %broadcast_in_dim3A_474 = vector.broadcast %jit3A_473 : i32 to vector<640x1280xi32>
    %select_n3A_475 = arith.select %eq3A_472, %iota3A, %broadcast_in_dim3A_474 : vector<640x1280xi1>, vector<640x1280xi32>
    %reduce_min3A_476 = arith.constant dense<2147483647> : vector<640xi32>
    %reduce_min3A_477 = vector.multi_reduction <minsi>, %select_n3A_475, %reduce_min3A_476 [1] : vector<640x1280xi32> to vector<640xi32>
    %broadcast_in_dim3A_478 = vector.shape_cast %reduce_min3A_477 : vector<640xi32> to vector<640x1xi32>
    %add3A_479 = vector.broadcast %get3A_35 : i32 to vector<640x1xi32>
    %add3A_480 = arith.addi %broadcast_in_dim3A_478, %add3A_479 : vector<640x1xi32>
    %min3A_481 = arith.constant 8191 : i32
    %min3A_482 = vector.broadcast %min3A_481 : i32 to vector<640x1xi32>
    %min3A_483 = arith.minsi %add3A_480, %min3A_482 : vector<640x1xi32>
    %eq3A_484 = vector.broadcast %broadcast_in_dim3A_478 : vector<640x1xi32> to vector<640x1280xi32>
    %eq3A_485 = arith.cmpi eq, %iota3A, %eq3A_484 : vector<640x1280xi32>
    %jit3A_486 = arith.constant 0x7F800000 : f32
    %broadcast_in_dim3A_487 = vector.broadcast %jit3A_486 : f32 to vector<640x1280xf32>
    %select_n3A_488 = arith.select %eq3A_485, %broadcast_in_dim3A_487, %get3A_467 : vector<640x1280xi1>, vector<640x1280xf32>
    %swap3A_489 = arith.constant 0 : index
    %swap3A_490 = arith.constant 0 : index
    %swap3A_491 = vector.load %arg7[%swap3A_489, %swap3A_490] : memref<640x1280xf32, #tpu.memory_space<vmem>>, vector<640x1280xf32>
    tpu.vector_store %arg7[%swap3A_489, %swap3A_490], %select_n3A_488 {strides = array<i32>} : memref<640x1280xf32, #tpu.memory_space<vmem>>, vector<640x1280xf32>,
    %get3A_492 = arith.constant 0 : index
    %get3A_493 = arith.constant 0 : index
    %get3A_494 = vector.load %arg7[%get3A_492, %get3A_493] : memref<640x1280xf32, #tpu.memory_space<vmem>>, vector<640x1280xf32>
    %reduce_min3A_495 = arith.constant dense<0x7F800000> : vector<640xf32>
    %reduce_min3A_496 = vector.multi_reduction <minimumf>, %get3A_494, %reduce_min3A_495 [1] : vector<640x1280xf32> to vector<640xf32>
    %broadcast_in_dim3A_497 = vector.shape_cast %reduce_min3A_496 : vector<640xf32> to vector<640x1xf32>
    %eq3A_498 = vector.broadcast %broadcast_in_dim3A_497 : vector<640x1xf32> to vector<640x1280xf32>
    %eq3A_499 = arith.cmpf oeq, %get3A_494, %eq3A_498 : vector<640x1280xf32>
    %jit3A_500 = arith.constant 8192 : i32
    %broadcast_in_dim3A_501 = vector.broadcast %jit3A_500 : i32 to vector<640x1280xi32>
    %select_n3A_502 = arith.select %eq3A_499, %iota3A, %broadcast_in_dim3A_501 : vector<640x1280xi1>, vector<640x1280xi32>
    %reduce_min3A_503 = arith.constant dense<2147483647> : vector<640xi32>
    %reduce_min3A_504 = vector.multi_reduction <minsi>, %select_n3A_502, %reduce_min3A_503 [1] : vector<640x1280xi32> to vector<640xi32>
    %broadcast_in_dim3A_505 = vector.shape_cast %reduce_min3A_504 : vector<640xi32> to vector<640x1xi32>
    %add3A_506 = vector.broadcast %get3A_35 : i32 to vector<640x1xi32>
    %add3A_507 = arith.addi %broadcast_in_dim3A_505, %add3A_506 : vector<640x1xi32>
    %min3A_508 = arith.constant 8191 : i32
    %min3A_509 = vector.broadcast %min3A_508 : i32 to vector<640x1xi32>
    %min3A_510 = arith.minsi %add3A_507, %min3A_509 : vector<640x1xi32>
    %eq3A_511 = vector.broadcast %broadcast_in_dim3A_505 : vector<640x1xi32> to vector<640x1280xi32>
    %eq3A_512 = arith.cmpi eq, %iota3A, %eq3A_511 : vector<640x1280xi32>
    %jit3A_513 = arith.constant 0x7F800000 : f32
    %broadcast_in_dim3A_514 = vector.broadcast %jit3A_513 : f32 to vector<640x1280xf32>
    %select_n3A_515 = arith.select %eq3A_512, %broadcast_in_dim3A_514, %get3A_494 : vector<640x1280xi1>, vector<640x1280xf32>
    %swap3A_516 = arith.constant 0 : index
    %swap3A_517 = arith.constant 0 : index
    %swap3A_518 = vector.load %arg7[%swap3A_516, %swap3A_517] : memref<640x1280xf32, #tpu.memory_space<vmem>>, vector<640x1280xf32>
    tpu.vector_store %arg7[%swap3A_516, %swap3A_517], %select_n3A_515 {strides = array<i32>} : memref<640x1280xf32, #tpu.memory_space<vmem>>, vector<640x1280xf32>,
    %get3A_519 = arith.constant 0 : index
    %get3A_520 = arith.constant 0 : index
    %get3A_521 = vector.load %arg7[%get3A_519, %get3A_520] : memref<640x1280xf32, #tpu.memory_space<vmem>>, vector<640x1280xf32>
    %reduce_min3A_522 = arith.constant dense<0x7F800000> : vector<640xf32>
    %reduce_min3A_523 = vector.multi_reduction <minimumf>, %get3A_521, %reduce_min3A_522 [1] : vector<640x1280xf32> to vector<640xf32>
    %broadcast_in_dim3A_524 = vector.shape_cast %reduce_min3A_523 : vector<640xf32> to vector<640x1xf32>
    %eq3A_525 = vector.broadcast %broadcast_in_dim3A_524 : vector<640x1xf32> to vector<640x1280xf32>
    %eq3A_526 = arith.cmpf oeq, %get3A_521, %eq3A_525 : vector<640x1280xf32>
    %jit3A_527 = arith.constant 8192 : i32
    %broadcast_in_dim3A_528 = vector.broadcast %jit3A_527 : i32 to vector<640x1280xi32>
    %select_n3A_529 = arith.select %eq3A_526, %iota3A, %broadcast_in_dim3A_528 : vector<640x1280xi1>, vector<640x1280xi32>
    %reduce_min3A_530 = arith.constant dense<2147483647> : vector<640xi32>
    %reduce_min3A_531 = vector.multi_reduction <minsi>, %select_n3A_529, %reduce_min3A_530 [1] : vector<640x1280xi32> to vector<640xi32>
    %broadcast_in_dim3A_532 = vector.shape_cast %reduce_min3A_531 : vector<640xi32> to vector<640x1xi32>
    %add3A_533 = vector.broadcast %get3A_35 : i32 to vector<640x1xi32>
    %add3A_534 = arith.addi %broadcast_in_dim3A_532, %add3A_533 : vector<640x1xi32>
    %min3A_535 = arith.constant 8191 : i32
    %min3A_536 = vector.broadcast %min3A_535 : i32 to vector<640x1xi32>
    %min3A_537 = arith.minsi %add3A_534, %min3A_536 : vector<640x1xi32>
    %eq3A_538 = vector.broadcast %broadcast_in_dim3A_532 : vector<640x1xi32> to vector<640x1280xi32>
    %eq3A_539 = arith.cmpi eq, %iota3A, %eq3A_538 : vector<640x1280xi32>
    %jit3A_540 = arith.constant 0x7F800000 : f32
    %broadcast_in_dim3A_541 = vector.broadcast %jit3A_540 : f32 to vector<640x1280xf32>
    %select_n3A_542 = arith.select %eq3A_539, %broadcast_in_dim3A_541, %get3A_521 : vector<640x1280xi1>, vector<640x1280xf32>
    %swap3A_543 = arith.constant 0 : index
    %swap3A_544 = arith.constant 0 : index
    %swap3A_545 = vector.load %arg7[%swap3A_543, %swap3A_544] : memref<640x1280xf32, #tpu.memory_space<vmem>>, vector<640x1280xf32>
    tpu.vector_store %arg7[%swap3A_543, %swap3A_544], %select_n3A_542 {strides = array<i32>} : memref<640x1280xf32, #tpu.memory_space<vmem>>, vector<640x1280xf32>,
    %get3A_546 = arith.constant 0 : index
    %get3A_547 = arith.constant 0 : index
    %get3A_548 = vector.load %arg7[%get3A_546, %get3A_547] : memref<640x1280xf32, #tpu.memory_space<vmem>>, vector<640x1280xf32>
    %reduce_min3A_549 = arith.constant dense<0x7F800000> : vector<640xf32>
    %reduce_min3A_550 = vector.multi_reduction <minimumf>, %get3A_548, %reduce_min3A_549 [1] : vector<640x1280xf32> to vector<640xf32>
    %broadcast_in_dim3A_551 = vector.shape_cast %reduce_min3A_550 : vector<640xf32> to vector<640x1xf32>
    %eq3A_552 = vector.broadcast %broadcast_in_dim3A_551 : vector<640x1xf32> to vector<640x1280xf32>
    %eq3A_553 = arith.cmpf oeq, %get3A_548, %eq3A_552 : vector<640x1280xf32>
    %jit3A_554 = arith.constant 8192 : i32
    %broadcast_in_dim3A_555 = vector.broadcast %jit3A_554 : i32 to vector<640x1280xi32>
    %select_n3A_556 = arith.select %eq3A_553, %iota3A, %broadcast_in_dim3A_555 : vector<640x1280xi1>, vector<640x1280xi32>
    %reduce_min3A_557 = arith.constant dense<2147483647> : vector<640xi32>
    %reduce_min3A_558 = vector.multi_reduction <minsi>, %select_n3A_556, %reduce_min3A_557 [1] : vector<640x1280xi32> to vector<640xi32>
    %broadcast_in_dim3A_559 = vector.shape_cast %reduce_min3A_558 : vector<640xi32> to vector<640x1xi32>
    %add3A_560 = vector.broadcast %get3A_35 : i32 to vector<640x1xi32>
    %add3A_561 = arith.addi %broadcast_in_dim3A_559, %add3A_560 : vector<640x1xi32>
    %min3A_562 = arith.constant 8191 : i32
    %min3A_563 = vector.broadcast %min3A_562 : i32 to vector<640x1xi32>
    %min3A_564 = arith.minsi %add3A_561, %min3A_563 : vector<640x1xi32>
    %eq3A_565 = vector.broadcast %broadcast_in_dim3A_559 : vector<640x1xi32> to vector<640x1280xi32>
    %eq3A_566 = arith.cmpi eq, %iota3A, %eq3A_565 : vector<640x1280xi32>
    %jit3A_567 = arith.constant 0x7F800000 : f32
    %broadcast_in_dim3A_568 = vector.broadcast %jit3A_567 : f32 to vector<640x1280xf32>
    %select_n3A_569 = arith.select %eq3A_566, %broadcast_in_dim3A_568, %get3A_548 : vector<640x1280xi1>, vector<640x1280xf32>
    %swap3A_570 = arith.constant 0 : index
    %swap3A_571 = arith.constant 0 : index
    %swap3A_572 = vector.load %arg7[%swap3A_570, %swap3A_571] : memref<640x1280xf32, #tpu.memory_space<vmem>>, vector<640x1280xf32>
    tpu.vector_store %arg7[%swap3A_570, %swap3A_571], %select_n3A_569 {strides = array<i32>} : memref<640x1280xf32, #tpu.memory_space<vmem>>, vector<640x1280xf32>,
    %concatenate3A = tpu.concatenate %min3A_51, %min3A_78, %min3A_105, %min3A_132, %min3A_159, %min3A_186, %min3A_213, %min3A_240, %min3A_267, %min3A_294, %min3A_321, %min3A_348, %min3A_375, %min3A_402, %min3A_429, %min3A_456, %min3A_483, %min3A_510, %min3A_537, %min3A_564 in 1 : vector<640x1xi32>, vector<640x1xi32>, vector<640x1xi32>, vector<640x1xi32>, vector<640x1xi32>, vector<640x1xi32>, vector<640x1xi32>, vector<640x1xi32>, vector<640x1xi32>, vector<640x1xi32>, vector<640x1xi32>, vector<640x1xi32>, vector<640x1xi32>, vector<640x1xi32>, vector<640x1xi32>, vector<640x1xi32>, vector<640x1xi32>, vector<640x1xi32>, vector<640x1xi32>, vector<640x1xi32> -> vector<640x20xi32>
    %swap3A_573 = arith.constant 0 : index
    %swap3A_574 = arith.constant 0 : index
    %swap3A_575 = vector.load %arg6[%swap3A_573, %swap3A_574] : memref<640x20xi32, #tpu.memory_space<vmem>>, vector<640x20xi32>
    tpu.vector_store %arg6[%swap3A_573, %swap3A_574], %concatenate3A {strides = array<i32>} : memref<640x20xi32, #tpu.memory_space<vmem>>, vector<640x20xi32>,
    return
  }
  func.func @transform_0(%arg0: i32) -> (i32, i32) {
    %c0_i32 = arith.constant 0 : i32
    %c0_i32_0 = arith.constant 0 : i32
    return %arg0, %c0_i32 : i32, i32
  }
  func.func @transform_1(%arg0: i32) -> (i32, i32, i32) {
    %jit3A = arith.constant 2 : i32
    %div3A = arith.divsi %arg0, %jit3A : i32
    %sign3A = arith.constant 0 : i32
    %sign3A_0 = arith.cmpi sgt, %arg0, %sign3A : i32
    %sign3A_1 = arith.extui %sign3A_0 : i1 to i32
    %sign3A_2 = arith.constant 0 : i32
    %sign3A_3 = arith.cmpi slt, %arg0, %sign3A_2 : i32
    %sign3A_4 = arith.extui %sign3A_3 : i1 to i32
    %sign3A_5 = arith.subi %sign3A_1, %sign3A_4 : i32
    %sign3A_6 = arith.constant 0 : i32
    %sign3A_7 = arith.cmpi sgt, %jit3A, %sign3A_6 : i32
    %sign3A_8 = arith.extui %sign3A_7 : i1 to i32
    %sign3A_9 = arith.constant 0 : i32
    %sign3A_10 = arith.cmpi slt, %jit3A, %sign3A_9 : i32
    %sign3A_11 = arith.extui %sign3A_10 : i1 to i32
    %sign3A_12 = arith.subi %sign3A_8, %sign3A_11 : i32
    %ne3A = arith.cmpi ne, %sign3A_5, %sign3A_12 : i32
    %rem3A = arith.remsi %arg0, %jit3A : i32
    %ne3A_13 = arith.constant 0 : i32
    %ne3A_14 = arith.cmpi ne, %rem3A, %ne3A_13 : i32
    %and3A = arith.andi %ne3A, %ne3A_14 : i1
    %sub3A = arith.constant 1 : i32
    %sub3A_15 = arith.subi %div3A, %sub3A : i32
    %select_n3A = arith.select %and3A, %sub3A_15, %div3A : i32
    %c0_i32 = arith.constant 0 : i32
    %c0_i32_16 = arith.constant 0 : i32
    %c0_i32_17 = arith.constant 0 : i32
    return %select_n3A, %c0_i32, %c0_i32_16 : i32, i32, i32
  }
  func.func @transform_2(%arg0: i32) -> (i32, i32) {
    %c0_i32 = arith.constant 0 : i32
    %c0_i32_0 = arith.constant 0 : i32
    return %arg0, %c0_i32 : i32, i32
  }
  func.func @transform_3(%arg0: i32) -> (i32, i32, i32) {
    %jit3A = arith.constant 2 : i32
    %div3A = arith.divsi %arg0, %jit3A : i32
    %sign3A = arith.constant 0 : i32
    %sign3A_0 = arith.cmpi sgt, %arg0, %sign3A : i32
    %sign3A_1 = arith.extui %sign3A_0 : i1 to i32
    %sign3A_2 = arith.constant 0 : i32
    %sign3A_3 = arith.cmpi slt, %arg0, %sign3A_2 : i32
    %sign3A_4 = arith.extui %sign3A_3 : i1 to i32
    %sign3A_5 = arith.subi %sign3A_1, %sign3A_4 : i32
    %sign3A_6 = arith.constant 0 : i32
    %sign3A_7 = arith.cmpi sgt, %jit3A, %sign3A_6 : i32
    %sign3A_8 = arith.extui %sign3A_7 : i1 to i32
    %sign3A_9 = arith.constant 0 : i32
    %sign3A_10 = arith.cmpi slt, %jit3A, %sign3A_9 : i32
    %sign3A_11 = arith.extui %sign3A_10 : i1 to i32
    %sign3A_12 = arith.subi %sign3A_8, %sign3A_11 : i32
    %ne3A = arith.cmpi ne, %sign3A_5, %sign3A_12 : i32
    %rem3A = arith.remsi %arg0, %jit3A : i32
    %ne3A_13 = arith.constant 0 : i32
    %ne3A_14 = arith.cmpi ne, %rem3A, %ne3A_13 : i32
    %and3A = arith.andi %ne3A, %ne3A_14 : i1
    %sub3A = arith.constant 1 : i32
    %sub3A_15 = arith.subi %div3A, %sub3A : i32
    %select_n3A = arith.select %and3A, %sub3A_15, %div3A : i32
    %c0_i32 = arith.constant 0 : i32
    %c0_i32_16 = arith.constant 0 : i32
    %c0_i32_17 = arith.constant 0 : i32
    return %select_n3A, %c0_i32, %c0_i32_16 : i32, i32, i32
  }
  func.func @transform_4(%arg0: i32) -> (i32, i32, i32) {
    %jit3A = arith.constant 2 : i32
    %div3A = arith.divsi %arg0, %jit3A : i32
    %sign3A = arith.constant 0 : i32
    %sign3A_0 = arith.cmpi sgt, %arg0, %sign3A : i32
    %sign3A_1 = arith.extui %sign3A_0 : i1 to i32
    %sign3A_2 = arith.constant 0 : i32
    %sign3A_3 = arith.cmpi slt, %arg0, %sign3A_2 : i32
    %sign3A_4 = arith.extui %sign3A_3 : i1 to i32
    %sign3A_5 = arith.subi %sign3A_1, %sign3A_4 : i32
    %sign3A_6 = arith.constant 0 : i32
    %sign3A_7 = arith.cmpi sgt, %jit3A, %sign3A_6 : i32
    %sign3A_8 = arith.extui %sign3A_7 : i1 to i32
    %sign3A_9 = arith.constant 0 : i32
    %sign3A_10 = arith.cmpi slt, %jit3A, %sign3A_9 : i32
    %sign3A_11 = arith.extui %sign3A_10 : i1 to i32
    %sign3A_12 = arith.subi %sign3A_8, %sign3A_11 : i32
    %ne3A = arith.cmpi ne, %sign3A_5, %sign3A_12 : i32
    %rem3A = arith.remsi %arg0, %jit3A : i32
    %ne3A_13 = arith.constant 0 : i32
    %ne3A_14 = arith.cmpi ne, %rem3A, %ne3A_13 : i32
    %and3A = arith.andi %ne3A, %ne3A_14 : i1
    %sub3A = arith.constant 1 : i32
    %sub3A_15 = arith.subi %div3A, %sub3A : i32
    %select_n3A = arith.select %and3A, %sub3A_15, %div3A : i32
    %c0_i32 = arith.constant 0 : i32
    %c0_i32_16 = arith.constant 0 : i32
    %c0_i32_17 = arith.constant 0 : i32
    return %select_n3A, %c0_i32, %c0_i32_16 : i32, i32, i32
  }
  func.func @transform_5(%arg0: i32) -> (i32, i32) {
    %c0_i32 = arith.constant 0 : i32
    %c0_i32_0 = arith.constant 0 : i32
    return %arg0, %c0_i32 : i32, i32
  }
}

module attributes {stable_mosaic.version = 14 : i64} {
  func.func @_e_body(%arg0: i32, %arg1: memref<512x64xf32, #tpu.memory_space<vmem>>, %arg2: memref<512x128xf32, #tpu.memory_space<vmem>>, %arg3: memref<512x128xf32, #tpu.memory_space<vmem>>, %arg4: memref<512x1xi32, #tpu.memory_space<vmem>>, %arg5: memref<64x1024xf32, #tpu.memory_space<vmem>>, %arg6: memref<128x1024xf32, #tpu.memory_space<vmem>>, %arg7: memref<1x1024xf32, #tpu.memory_space<vmem>>, %arg8: memref<1024x512xf32, #tpu.memory_space<vmem>>, %arg9: memref<1x512xf32, #tpu.memory_space<vmem>>, %arg10: memref<512x256xf32, #tpu.memory_space<vmem>>, %arg11: memref<1x256xf32, #tpu.memory_space<vmem>>, %arg12: memref<256x40xf32, #tpu.memory_space<vmem>>, %arg13: memref<1x40xf32, #tpu.memory_space<vmem>>, %arg14: memref<8x40xf32, #tpu.memory_space<vmem>>, %arg15: memref<8x1024xf32, #tpu.memory_space<vmem>>) attributes {dimension_semantics = [#tpu.dimension_semantics<arbitrary>], iteration_bounds = array<i64: 16>, scalar_prefetch = 0 : i64, scratch_operands = 1 : i64, tpu.core_type = #tpu.core_type<tc>, window_params = [{transform_indices = @transform_0, window_bounds = array<i64: 512, 64>}, {transform_indices = @transform_1, window_bounds = array<i64: 512, 128>}, {transform_indices = @transform_2, window_bounds = array<i64: 512, 128>}, {transform_indices = @transform_3, window_bounds = array<i64: 512, 1>}, {pipeline_mode = #tpu.pipeline_mode<synchronous>, transform_indices = @transform_4, window_bounds = array<i64: 64, 1024>}, {pipeline_mode = #tpu.pipeline_mode<synchronous>, transform_indices = @transform_5, window_bounds = array<i64: 128, 1024>}, {pipeline_mode = #tpu.pipeline_mode<synchronous>, transform_indices = @transform_6, window_bounds = array<i64: 1, 1024>}, {pipeline_mode = #tpu.pipeline_mode<synchronous>, transform_indices = @transform_7, window_bounds = array<i64: 1024, 512>}, {pipeline_mode = #tpu.pipeline_mode<synchronous>, transform_indices = @transform_8, window_bounds = array<i64: 1, 512>}, {pipeline_mode = #tpu.pipeline_mode<synchronous>, transform_indices = @transform_9, window_bounds = array<i64: 512, 256>}, {pipeline_mode = #tpu.pipeline_mode<synchronous>, transform_indices = @transform_10, window_bounds = array<i64: 1, 256>}, {pipeline_mode = #tpu.pipeline_mode<synchronous>, transform_indices = @transform_11, window_bounds = array<i64: 256, 40>}, {pipeline_mode = #tpu.pipeline_mode<synchronous>, transform_indices = @transform_12, window_bounds = array<i64: 1, 40>}, {pipeline_mode = #tpu.pipeline_mode<synchronous>, transform_indices = @transform_13, window_bounds = array<i64: 8, 40>}]} {
    %eq3A = arith.constant 0 : i32
    %eq3A_0 = arith.cmpi eq, %arg0, %eq3A : i32
    %convert_element_type3A = arith.extui %eq3A_0 : i1 to i32
    %cond3A = arith.constant 0 : i32
    %cond3A_1 = arith.cmpi ne, %convert_element_type3A, %cond3A : i32
    scf.if %cond3A_1 {
      %broadcast_in_dim3A = arith.constant 0xFF800000 : f32
      %broadcast_in_dim3A_96 = vector.broadcast %broadcast_in_dim3A : f32 to vector<8x1024xf32>
      %swap3A = arith.constant 0 : index
      %swap3A_97 = arith.constant 0 : index
      %swap3A_98 = vector.load %arg15[%swap3A, %swap3A_97] : memref<8x1024xf32, #tpu.memory_space<vmem>>, vector<8x1024xf32>
      tpu.vector_store %arg15[%swap3A, %swap3A_97], %broadcast_in_dim3A_96 {strides = array<i32>} : memref<8x1024xf32, #tpu.memory_space<vmem>>, vector<8x1024xf32>,
    } else {
    }
    %get3A = arith.constant 0 : index
    %get3A_2 = arith.constant 0 : index
    %get3A_3 = vector.load %arg2[%get3A, %get3A_2] : memref<512x128xf32, #tpu.memory_space<vmem>>, vector<512x128xf32>
    %get3A_4 = arith.constant 0 : index
    %get3A_5 = arith.constant 0 : index
    %get3A_6 = vector.load %arg3[%get3A_4, %get3A_5] : memref<512x128xf32, #tpu.memory_space<vmem>>, vector<512x128xf32>
    %add3A = arith.addf %get3A_3, %get3A_6 : vector<512x128xf32>
    %get3A_7 = arith.constant 0 : index
    %get3A_8 = arith.constant 0 : index
    %get3A_9 = vector.load %arg1[%get3A_7, %get3A_8] : memref<512x64xf32, #tpu.memory_space<vmem>>, vector<512x64xf32>
    %get3A_10 = arith.constant 0 : index
    %get3A_11 = arith.constant 0 : index
    %get3A_12 = vector.load %arg5[%get3A_10, %get3A_11] : memref<64x1024xf32, #tpu.memory_space<vmem>>, vector<64x1024xf32>
    %dot_general3A = arith.constant dense<0.000000e+00> : vector<512x1024xf32>
    %dot_general3A_13 = tpu.matmul %get3A_9, %get3A_12, %dot_general3A {dimension_numbers = #tpu.dot_dimension_numbers<[1], [0], [0], [1], [0, 0, 1, 1], [], []>, transpose_lhs_hint = false} : vector<512x64xf32>, vector<64x1024xf32>, vector<512x1024xf32> -> vector<512x1024xf32>
    %get3A_14 = arith.constant 0 : index
    %get3A_15 = arith.constant 0 : index
    %get3A_16 = vector.load %arg6[%get3A_14, %get3A_15] : memref<128x1024xf32, #tpu.memory_space<vmem>>, vector<128x1024xf32>
    %dot_general3A_17 = arith.constant dense<0.000000e+00> : vector<512x1024xf32>
    %dot_general3A_18 = tpu.matmul %add3A, %get3A_16, %dot_general3A_17 {dimension_numbers = #tpu.dot_dimension_numbers<[1], [0], [0], [1], [0, 0, 1, 1], [], []>, transpose_lhs_hint = false} : vector<512x128xf32>, vector<128x1024xf32>, vector<512x1024xf32> -> vector<512x1024xf32>
    %add3A_19 = arith.addf %dot_general3A_13, %dot_general3A_18 : vector<512x1024xf32>
    %get3A_20 = arith.constant 0 : index
    %get3A_21 = arith.constant 0 : index
    %get3A_22 = vector.load %arg7[%get3A_20, %get3A_21] : memref<1x1024xf32, #tpu.memory_space<vmem>>, vector<1x1024xf32>
    %add3A_23 = vector.broadcast %get3A_22 : vector<1x1024xf32> to vector<512x1024xf32>
    %add3A_24 = arith.addf %add3A_19, %add3A_23 : vector<512x1024xf32>
    %get3A_25 = arith.constant 0 : index
    %get3A_26 = arith.constant 0 : index
    %get3A_27 = vector.load %arg4[%get3A_25, %get3A_26] : memref<512x1xi32, #tpu.memory_space<vmem>>, vector<512x1xi32>
    %slice3A = vector.extract_strided_slice %get3A_27 {offsets = [0, 0], sizes = [1, 1], strides = [1, 1]} : vector<512x1xi32> to vector<1x1xi32>
    %squeeze3A = vector.extract %slice3A[0, 0] : i32 from vector<1x1xi32>
    %slice3A_28 = vector.extract_strided_slice %get3A_27 {offsets = [511, 0], sizes = [1, 1], strides = [1, 1]} : vector<512x1xi32> to vector<1x1xi32>
    %squeeze3A_29 = vector.extract %slice3A_28[0, 0] : i32 from vector<1x1xi32>
    %le3A = arith.constant 0 : i32
    %le3A_30 = arith.cmpi sle, %squeeze3A, %le3A : i32
    %ge3A = arith.constant 0 : i32
    %ge3A_31 = arith.cmpi sge, %squeeze3A_29, %ge3A : i32
    %and3A = arith.andi %le3A_30, %ge3A_31 : i1
    %convert_element_type3A_32 = arith.extui %and3A : i1 to i32
    %cond3A_33 = arith.constant 0 : i32
    %cond3A_34 = arith.cmpi ne, %convert_element_type3A_32, %cond3A_33 : i32
    scf.if %cond3A_34 {
      %eq3A_96 = arith.constant 0 : i32
      %eq3A_97 = vector.broadcast %eq3A_96 : i32 to vector<512x1xi32>
      %eq3A_98 = arith.cmpi eq, %get3A_27, %eq3A_97 : vector<512x1xi32>
      %jit3A = arith.constant 0xFF800000 : f32
      %broadcast_in_dim3A = vector.shape_cast %eq3A_98 : vector<512x1xi1> to vector<512x1xi1>
      %broadcast_in_dim3A_99 = vector.broadcast %broadcast_in_dim3A : vector<512x1xi1> to vector<512x1024xi1>
      %broadcast_in_dim3A_100 = vector.broadcast %jit3A : f32 to vector<512x1024xf32>
      %select_n3A = arith.select %broadcast_in_dim3A_99, %add3A_24, %broadcast_in_dim3A_100 : vector<512x1024xi1>, vector<512x1024xf32>
      %get3A_101 = arith.constant 0 : index
      %get3A_102 = arith.constant 0 : index
      %get3A_103 = vector.load %arg15[%get3A_101, %get3A_102] : memref<8x1024xf32, #tpu.memory_space<vmem>>, vector<1x1024xf32>
      %reduce_max3A = arith.constant dense<0xFF800000> : vector<1024xf32>
      %reduce_max3A_104 = vector.multi_reduction <maximumf>, %select_n3A, %reduce_max3A [0] : vector<512x1024xf32> to vector<1024xf32>
      %broadcast_in_dim3A_105 = vector.shape_cast %reduce_max3A_104 : vector<1024xf32> to vector<1x1024xf32>
      %max3A = arith.maximumf %get3A_103, %broadcast_in_dim3A_105 : vector<1x1024xf32>
      %swap3A = arith.constant 0 : index
      %swap3A_106 = arith.constant 0 : index
      %swap3A_107 = vector.load %arg15[%swap3A, %swap3A_106] : memref<8x1024xf32, #tpu.memory_space<vmem>>, vector<1x1024xf32>
      tpu.vector_store %arg15[%swap3A, %swap3A_106], %max3A {strides = array<i32>} : memref<8x1024xf32, #tpu.memory_space<vmem>>, vector<1x1024xf32>,
    } else {
    }
    %le3A_35 = arith.constant 1 : i32
    %le3A_36 = arith.cmpi sle, %squeeze3A, %le3A_35 : i32
    %ge3A_37 = arith.constant 1 : i32
    %ge3A_38 = arith.cmpi sge, %squeeze3A_29, %ge3A_37 : i32
    %and3A_39 = arith.andi %le3A_36, %ge3A_38 : i1
    %convert_element_type3A_40 = arith.extui %and3A_39 : i1 to i32
    %cond3A_41 = arith.constant 0 : i32
    %cond3A_42 = arith.cmpi ne, %convert_element_type3A_40, %cond3A_41 : i32
    scf.if %cond3A_42 {
      %eq3A_96 = arith.constant 1 : i32
      %eq3A_97 = vector.broadcast %eq3A_96 : i32 to vector<512x1xi32>
      %eq3A_98 = arith.cmpi eq, %get3A_27, %eq3A_97 : vector<512x1xi32>
      %jit3A = arith.constant 0xFF800000 : f32
      %broadcast_in_dim3A = vector.shape_cast %eq3A_98 : vector<512x1xi1> to vector<512x1xi1>
      %broadcast_in_dim3A_99 = vector.broadcast %broadcast_in_dim3A : vector<512x1xi1> to vector<512x1024xi1>
      %broadcast_in_dim3A_100 = vector.broadcast %jit3A : f32 to vector<512x1024xf32>
      %select_n3A = arith.select %broadcast_in_dim3A_99, %add3A_24, %broadcast_in_dim3A_100 : vector<512x1024xi1>, vector<512x1024xf32>
      %get3A_101 = arith.constant 1 : index
      %get3A_102 = arith.constant 0 : index
      %get3A_103 = vector.load %arg15[%get3A_101, %get3A_102] : memref<8x1024xf32, #tpu.memory_space<vmem>>, vector<1x1024xf32>
      %reduce_max3A = arith.constant dense<0xFF800000> : vector<1024xf32>
      %reduce_max3A_104 = vector.multi_reduction <maximumf>, %select_n3A, %reduce_max3A [0] : vector<512x1024xf32> to vector<1024xf32>
      %broadcast_in_dim3A_105 = vector.shape_cast %reduce_max3A_104 : vector<1024xf32> to vector<1x1024xf32>
      %max3A = arith.maximumf %get3A_103, %broadcast_in_dim3A_105 : vector<1x1024xf32>
      %swap3A = arith.constant 1 : index
      %swap3A_106 = arith.constant 0 : index
      %swap3A_107 = vector.load %arg15[%swap3A, %swap3A_106] : memref<8x1024xf32, #tpu.memory_space<vmem>>, vector<1x1024xf32>
      tpu.vector_store %arg15[%swap3A, %swap3A_106], %max3A {strides = array<i32>} : memref<8x1024xf32, #tpu.memory_space<vmem>>, vector<1x1024xf32>,
    } else {
    }
    %le3A_43 = arith.constant 2 : i32
    %le3A_44 = arith.cmpi sle, %squeeze3A, %le3A_43 : i32
    %ge3A_45 = arith.constant 2 : i32
    %ge3A_46 = arith.cmpi sge, %squeeze3A_29, %ge3A_45 : i32
    %and3A_47 = arith.andi %le3A_44, %ge3A_46 : i1
    %convert_element_type3A_48 = arith.extui %and3A_47 : i1 to i32
    %cond3A_49 = arith.constant 0 : i32
    %cond3A_50 = arith.cmpi ne, %convert_element_type3A_48, %cond3A_49 : i32
    scf.if %cond3A_50 {
      %eq3A_96 = arith.constant 2 : i32
      %eq3A_97 = vector.broadcast %eq3A_96 : i32 to vector<512x1xi32>
      %eq3A_98 = arith.cmpi eq, %get3A_27, %eq3A_97 : vector<512x1xi32>
      %jit3A = arith.constant 0xFF800000 : f32
      %broadcast_in_dim3A = vector.shape_cast %eq3A_98 : vector<512x1xi1> to vector<512x1xi1>
      %broadcast_in_dim3A_99 = vector.broadcast %broadcast_in_dim3A : vector<512x1xi1> to vector<512x1024xi1>
      %broadcast_in_dim3A_100 = vector.broadcast %jit3A : f32 to vector<512x1024xf32>
      %select_n3A = arith.select %broadcast_in_dim3A_99, %add3A_24, %broadcast_in_dim3A_100 : vector<512x1024xi1>, vector<512x1024xf32>
      %get3A_101 = arith.constant 2 : index
      %get3A_102 = arith.constant 0 : index
      %get3A_103 = vector.load %arg15[%get3A_101, %get3A_102] : memref<8x1024xf32, #tpu.memory_space<vmem>>, vector<1x1024xf32>
      %reduce_max3A = arith.constant dense<0xFF800000> : vector<1024xf32>
      %reduce_max3A_104 = vector.multi_reduction <maximumf>, %select_n3A, %reduce_max3A [0] : vector<512x1024xf32> to vector<1024xf32>
      %broadcast_in_dim3A_105 = vector.shape_cast %reduce_max3A_104 : vector<1024xf32> to vector<1x1024xf32>
      %max3A = arith.maximumf %get3A_103, %broadcast_in_dim3A_105 : vector<1x1024xf32>
      %swap3A = arith.constant 2 : index
      %swap3A_106 = arith.constant 0 : index
      %swap3A_107 = vector.load %arg15[%swap3A, %swap3A_106] : memref<8x1024xf32, #tpu.memory_space<vmem>>, vector<1x1024xf32>
      tpu.vector_store %arg15[%swap3A, %swap3A_106], %max3A {strides = array<i32>} : memref<8x1024xf32, #tpu.memory_space<vmem>>, vector<1x1024xf32>,
    } else {
    }
    %le3A_51 = arith.constant 3 : i32
    %le3A_52 = arith.cmpi sle, %squeeze3A, %le3A_51 : i32
    %ge3A_53 = arith.constant 3 : i32
    %ge3A_54 = arith.cmpi sge, %squeeze3A_29, %ge3A_53 : i32
    %and3A_55 = arith.andi %le3A_52, %ge3A_54 : i1
    %convert_element_type3A_56 = arith.extui %and3A_55 : i1 to i32
    %cond3A_57 = arith.constant 0 : i32
    %cond3A_58 = arith.cmpi ne, %convert_element_type3A_56, %cond3A_57 : i32
    scf.if %cond3A_58 {
      %eq3A_96 = arith.constant 3 : i32
      %eq3A_97 = vector.broadcast %eq3A_96 : i32 to vector<512x1xi32>
      %eq3A_98 = arith.cmpi eq, %get3A_27, %eq3A_97 : vector<512x1xi32>
      %jit3A = arith.constant 0xFF800000 : f32
      %broadcast_in_dim3A = vector.shape_cast %eq3A_98 : vector<512x1xi1> to vector<512x1xi1>
      %broadcast_in_dim3A_99 = vector.broadcast %broadcast_in_dim3A : vector<512x1xi1> to vector<512x1024xi1>
      %broadcast_in_dim3A_100 = vector.broadcast %jit3A : f32 to vector<512x1024xf32>
      %select_n3A = arith.select %broadcast_in_dim3A_99, %add3A_24, %broadcast_in_dim3A_100 : vector<512x1024xi1>, vector<512x1024xf32>
      %get3A_101 = arith.constant 3 : index
      %get3A_102 = arith.constant 0 : index
      %get3A_103 = vector.load %arg15[%get3A_101, %get3A_102] : memref<8x1024xf32, #tpu.memory_space<vmem>>, vector<1x1024xf32>
      %reduce_max3A = arith.constant dense<0xFF800000> : vector<1024xf32>
      %reduce_max3A_104 = vector.multi_reduction <maximumf>, %select_n3A, %reduce_max3A [0] : vector<512x1024xf32> to vector<1024xf32>
      %broadcast_in_dim3A_105 = vector.shape_cast %reduce_max3A_104 : vector<1024xf32> to vector<1x1024xf32>
      %max3A = arith.maximumf %get3A_103, %broadcast_in_dim3A_105 : vector<1x1024xf32>
      %swap3A = arith.constant 3 : index
      %swap3A_106 = arith.constant 0 : index
      %swap3A_107 = vector.load %arg15[%swap3A, %swap3A_106] : memref<8x1024xf32, #tpu.memory_space<vmem>>, vector<1x1024xf32>
      tpu.vector_store %arg15[%swap3A, %swap3A_106], %max3A {strides = array<i32>} : memref<8x1024xf32, #tpu.memory_space<vmem>>, vector<1x1024xf32>,
    } else {
    }
    %le3A_59 = arith.constant 4 : i32
    %le3A_60 = arith.cmpi sle, %squeeze3A, %le3A_59 : i32
    %ge3A_61 = arith.constant 4 : i32
    %ge3A_62 = arith.cmpi sge, %squeeze3A_29, %ge3A_61 : i32
    %and3A_63 = arith.andi %le3A_60, %ge3A_62 : i1
    %convert_element_type3A_64 = arith.extui %and3A_63 : i1 to i32
    %cond3A_65 = arith.constant 0 : i32
    %cond3A_66 = arith.cmpi ne, %convert_element_type3A_64, %cond3A_65 : i32
    scf.if %cond3A_66 {
      %eq3A_96 = arith.constant 4 : i32
      %eq3A_97 = vector.broadcast %eq3A_96 : i32 to vector<512x1xi32>
      %eq3A_98 = arith.cmpi eq, %get3A_27, %eq3A_97 : vector<512x1xi32>
      %jit3A = arith.constant 0xFF800000 : f32
      %broadcast_in_dim3A = vector.shape_cast %eq3A_98 : vector<512x1xi1> to vector<512x1xi1>
      %broadcast_in_dim3A_99 = vector.broadcast %broadcast_in_dim3A : vector<512x1xi1> to vector<512x1024xi1>
      %broadcast_in_dim3A_100 = vector.broadcast %jit3A : f32 to vector<512x1024xf32>
      %select_n3A = arith.select %broadcast_in_dim3A_99, %add3A_24, %broadcast_in_dim3A_100 : vector<512x1024xi1>, vector<512x1024xf32>
      %get3A_101 = arith.constant 4 : index
      %get3A_102 = arith.constant 0 : index
      %get3A_103 = vector.load %arg15[%get3A_101, %get3A_102] : memref<8x1024xf32, #tpu.memory_space<vmem>>, vector<1x1024xf32>
      %reduce_max3A = arith.constant dense<0xFF800000> : vector<1024xf32>
      %reduce_max3A_104 = vector.multi_reduction <maximumf>, %select_n3A, %reduce_max3A [0] : vector<512x1024xf32> to vector<1024xf32>
      %broadcast_in_dim3A_105 = vector.shape_cast %reduce_max3A_104 : vector<1024xf32> to vector<1x1024xf32>
      %max3A = arith.maximumf %get3A_103, %broadcast_in_dim3A_105 : vector<1x1024xf32>
      %swap3A = arith.constant 4 : index
      %swap3A_106 = arith.constant 0 : index
      %swap3A_107 = vector.load %arg15[%swap3A, %swap3A_106] : memref<8x1024xf32, #tpu.memory_space<vmem>>, vector<1x1024xf32>
      tpu.vector_store %arg15[%swap3A, %swap3A_106], %max3A {strides = array<i32>} : memref<8x1024xf32, #tpu.memory_space<vmem>>, vector<1x1024xf32>,
    } else {
    }
    %le3A_67 = arith.constant 5 : i32
    %le3A_68 = arith.cmpi sle, %squeeze3A, %le3A_67 : i32
    %ge3A_69 = arith.constant 5 : i32
    %ge3A_70 = arith.cmpi sge, %squeeze3A_29, %ge3A_69 : i32
    %and3A_71 = arith.andi %le3A_68, %ge3A_70 : i1
    %convert_element_type3A_72 = arith.extui %and3A_71 : i1 to i32
    %cond3A_73 = arith.constant 0 : i32
    %cond3A_74 = arith.cmpi ne, %convert_element_type3A_72, %cond3A_73 : i32
    scf.if %cond3A_74 {
      %eq3A_96 = arith.constant 5 : i32
      %eq3A_97 = vector.broadcast %eq3A_96 : i32 to vector<512x1xi32>
      %eq3A_98 = arith.cmpi eq, %get3A_27, %eq3A_97 : vector<512x1xi32>
      %jit3A = arith.constant 0xFF800000 : f32
      %broadcast_in_dim3A = vector.shape_cast %eq3A_98 : vector<512x1xi1> to vector<512x1xi1>
      %broadcast_in_dim3A_99 = vector.broadcast %broadcast_in_dim3A : vector<512x1xi1> to vector<512x1024xi1>
      %broadcast_in_dim3A_100 = vector.broadcast %jit3A : f32 to vector<512x1024xf32>
      %select_n3A = arith.select %broadcast_in_dim3A_99, %add3A_24, %broadcast_in_dim3A_100 : vector<512x1024xi1>, vector<512x1024xf32>
      %get3A_101 = arith.constant 5 : index
      %get3A_102 = arith.constant 0 : index
      %get3A_103 = vector.load %arg15[%get3A_101, %get3A_102] : memref<8x1024xf32, #tpu.memory_space<vmem>>, vector<1x1024xf32>
      %reduce_max3A = arith.constant dense<0xFF800000> : vector<1024xf32>
      %reduce_max3A_104 = vector.multi_reduction <maximumf>, %select_n3A, %reduce_max3A [0] : vector<512x1024xf32> to vector<1024xf32>
      %broadcast_in_dim3A_105 = vector.shape_cast %reduce_max3A_104 : vector<1024xf32> to vector<1x1024xf32>
      %max3A = arith.maximumf %get3A_103, %broadcast_in_dim3A_105 : vector<1x1024xf32>
      %swap3A = arith.constant 5 : index
      %swap3A_106 = arith.constant 0 : index
      %swap3A_107 = vector.load %arg15[%swap3A, %swap3A_106] : memref<8x1024xf32, #tpu.memory_space<vmem>>, vector<1x1024xf32>
      tpu.vector_store %arg15[%swap3A, %swap3A_106], %max3A {strides = array<i32>} : memref<8x1024xf32, #tpu.memory_space<vmem>>, vector<1x1024xf32>,
    } else {
    }
    %le3A_75 = arith.constant 6 : i32
    %le3A_76 = arith.cmpi sle, %squeeze3A, %le3A_75 : i32
    %ge3A_77 = arith.constant 6 : i32
    %ge3A_78 = arith.cmpi sge, %squeeze3A_29, %ge3A_77 : i32
    %and3A_79 = arith.andi %le3A_76, %ge3A_78 : i1
    %convert_element_type3A_80 = arith.extui %and3A_79 : i1 to i32
    %cond3A_81 = arith.constant 0 : i32
    %cond3A_82 = arith.cmpi ne, %convert_element_type3A_80, %cond3A_81 : i32
    scf.if %cond3A_82 {
      %eq3A_96 = arith.constant 6 : i32
      %eq3A_97 = vector.broadcast %eq3A_96 : i32 to vector<512x1xi32>
      %eq3A_98 = arith.cmpi eq, %get3A_27, %eq3A_97 : vector<512x1xi32>
      %jit3A = arith.constant 0xFF800000 : f32
      %broadcast_in_dim3A = vector.shape_cast %eq3A_98 : vector<512x1xi1> to vector<512x1xi1>
      %broadcast_in_dim3A_99 = vector.broadcast %broadcast_in_dim3A : vector<512x1xi1> to vector<512x1024xi1>
      %broadcast_in_dim3A_100 = vector.broadcast %jit3A : f32 to vector<512x1024xf32>
      %select_n3A = arith.select %broadcast_in_dim3A_99, %add3A_24, %broadcast_in_dim3A_100 : vector<512x1024xi1>, vector<512x1024xf32>
      %get3A_101 = arith.constant 6 : index
      %get3A_102 = arith.constant 0 : index
      %get3A_103 = vector.load %arg15[%get3A_101, %get3A_102] : memref<8x1024xf32, #tpu.memory_space<vmem>>, vector<1x1024xf32>
      %reduce_max3A = arith.constant dense<0xFF800000> : vector<1024xf32>
      %reduce_max3A_104 = vector.multi_reduction <maximumf>, %select_n3A, %reduce_max3A [0] : vector<512x1024xf32> to vector<1024xf32>
      %broadcast_in_dim3A_105 = vector.shape_cast %reduce_max3A_104 : vector<1024xf32> to vector<1x1024xf32>
      %max3A = arith.maximumf %get3A_103, %broadcast_in_dim3A_105 : vector<1x1024xf32>
      %swap3A = arith.constant 6 : index
      %swap3A_106 = arith.constant 0 : index
      %swap3A_107 = vector.load %arg15[%swap3A, %swap3A_106] : memref<8x1024xf32, #tpu.memory_space<vmem>>, vector<1x1024xf32>
      tpu.vector_store %arg15[%swap3A, %swap3A_106], %max3A {strides = array<i32>} : memref<8x1024xf32, #tpu.memory_space<vmem>>, vector<1x1024xf32>,
    } else {
    }
    %le3A_83 = arith.constant 7 : i32
    %le3A_84 = arith.cmpi sle, %squeeze3A, %le3A_83 : i32
    %ge3A_85 = arith.constant 7 : i32
    %ge3A_86 = arith.cmpi sge, %squeeze3A_29, %ge3A_85 : i32
    %and3A_87 = arith.andi %le3A_84, %ge3A_86 : i1
    %convert_element_type3A_88 = arith.extui %and3A_87 : i1 to i32
    %cond3A_89 = arith.constant 0 : i32
    %cond3A_90 = arith.cmpi ne, %convert_element_type3A_88, %cond3A_89 : i32
    scf.if %cond3A_90 {
      %eq3A_96 = arith.constant 7 : i32
      %eq3A_97 = vector.broadcast %eq3A_96 : i32 to vector<512x1xi32>
      %eq3A_98 = arith.cmpi eq, %get3A_27, %eq3A_97 : vector<512x1xi32>
      %jit3A = arith.constant 0xFF800000 : f32
      %broadcast_in_dim3A = vector.shape_cast %eq3A_98 : vector<512x1xi1> to vector<512x1xi1>
      %broadcast_in_dim3A_99 = vector.broadcast %broadcast_in_dim3A : vector<512x1xi1> to vector<512x1024xi1>
      %broadcast_in_dim3A_100 = vector.broadcast %jit3A : f32 to vector<512x1024xf32>
      %select_n3A = arith.select %broadcast_in_dim3A_99, %add3A_24, %broadcast_in_dim3A_100 : vector<512x1024xi1>, vector<512x1024xf32>
      %get3A_101 = arith.constant 7 : index
      %get3A_102 = arith.constant 0 : index
      %get3A_103 = vector.load %arg15[%get3A_101, %get3A_102] : memref<8x1024xf32, #tpu.memory_space<vmem>>, vector<1x1024xf32>
      %reduce_max3A = arith.constant dense<0xFF800000> : vector<1024xf32>
      %reduce_max3A_104 = vector.multi_reduction <maximumf>, %select_n3A, %reduce_max3A [0] : vector<512x1024xf32> to vector<1024xf32>
      %broadcast_in_dim3A_105 = vector.shape_cast %reduce_max3A_104 : vector<1024xf32> to vector<1x1024xf32>
      %max3A = arith.maximumf %get3A_103, %broadcast_in_dim3A_105 : vector<1x1024xf32>
      %swap3A = arith.constant 7 : index
      %swap3A_106 = arith.constant 0 : index
      %swap3A_107 = vector.load %arg15[%swap3A, %swap3A_106] : memref<8x1024xf32, #tpu.memory_space<vmem>>, vector<1x1024xf32>
      tpu.vector_store %arg15[%swap3A, %swap3A_106], %max3A {strides = array<i32>} : memref<8x1024xf32, #tpu.memory_space<vmem>>, vector<1x1024xf32>,
    } else {
    }
    %eq3A_91 = arith.constant 15 : i32
    %eq3A_92 = arith.cmpi eq, %arg0, %eq3A_91 : i32
    %convert_element_type3A_93 = arith.extui %eq3A_92 : i1 to i32
    %cond3A_94 = arith.constant 0 : i32
    %cond3A_95 = arith.cmpi ne, %convert_element_type3A_93, %cond3A_94 : i32
    scf.if %cond3A_95 {
      %get3A_96 = arith.constant 0 : index
      %get3A_97 = arith.constant 0 : index
      %get3A_98 = vector.load %arg15[%get3A_96, %get3A_97] : memref<8x1024xf32, #tpu.memory_space<vmem>>, vector<8x1024xf32>
      %get3A_99 = arith.constant 0 : index
      %get3A_100 = arith.constant 0 : index
      %get3A_101 = vector.load %arg8[%get3A_99, %get3A_100] : memref<1024x512xf32, #tpu.memory_space<vmem>>, vector<1024x512xf32>
      %dot_general3A_102 = arith.constant dense<0.000000e+00> : vector<8x512xf32>
      %dot_general3A_103 = tpu.matmul %get3A_98, %get3A_101, %dot_general3A_102 {dimension_numbers = #tpu.dot_dimension_numbers<[1], [0], [0], [1], [0, 0, 1, 1], [], []>, transpose_lhs_hint = false} : vector<8x1024xf32>, vector<1024x512xf32>, vector<8x512xf32> -> vector<8x512xf32>
      %get3A_104 = arith.constant 0 : index
      %get3A_105 = arith.constant 0 : index
      %get3A_106 = vector.load %arg9[%get3A_104, %get3A_105] : memref<1x512xf32, #tpu.memory_space<vmem>>, vector<1x512xf32>
      %add3A_107 = vector.broadcast %get3A_106 : vector<1x512xf32> to vector<8x512xf32>
      %add3A_108 = arith.addf %dot_general3A_103, %add3A_107 : vector<8x512xf32>
      %max3A = arith.constant 0.000000e+00 : f32
      %max3A_109 = vector.broadcast %max3A : f32 to vector<8x512xf32>
      %max3A_110 = arith.maximumf %add3A_108, %max3A_109 : vector<8x512xf32>
      %get3A_111 = arith.constant 0 : index
      %get3A_112 = arith.constant 0 : index
      %get3A_113 = vector.load %arg10[%get3A_111, %get3A_112] : memref<512x256xf32, #tpu.memory_space<vmem>>, vector<512x256xf32>
      %dot_general3A_114 = arith.constant dense<0.000000e+00> : vector<8x256xf32>
      %dot_general3A_115 = tpu.matmul %max3A_110, %get3A_113, %dot_general3A_114 {dimension_numbers = #tpu.dot_dimension_numbers<[1], [0], [0], [1], [0, 0, 1, 1], [], []>, transpose_lhs_hint = false} : vector<8x512xf32>, vector<512x256xf32>, vector<8x256xf32> -> vector<8x256xf32>
      %get3A_116 = arith.constant 0 : index
      %get3A_117 = arith.constant 0 : index
      %get3A_118 = vector.load %arg11[%get3A_116, %get3A_117] : memref<1x256xf32, #tpu.memory_space<vmem>>, vector<1x256xf32>
      %add3A_119 = vector.broadcast %get3A_118 : vector<1x256xf32> to vector<8x256xf32>
      %add3A_120 = arith.addf %dot_general3A_115, %add3A_119 : vector<8x256xf32>
      %max3A_121 = arith.constant 0.000000e+00 : f32
      %max3A_122 = vector.broadcast %max3A_121 : f32 to vector<8x256xf32>
      %max3A_123 = arith.maximumf %add3A_120, %max3A_122 : vector<8x256xf32>
      %get3A_124 = arith.constant 0 : index
      %get3A_125 = arith.constant 0 : index
      %get3A_126 = vector.load %arg12[%get3A_124, %get3A_125] : memref<256x40xf32, #tpu.memory_space<vmem>>, vector<256x40xf32>
      %dot_general3A_127 = arith.constant dense<0.000000e+00> : vector<8x40xf32>
      %dot_general3A_128 = tpu.matmul %max3A_123, %get3A_126, %dot_general3A_127 {dimension_numbers = #tpu.dot_dimension_numbers<[1], [0], [0], [1], [0, 0, 1, 1], [], []>, transpose_lhs_hint = false} : vector<8x256xf32>, vector<256x40xf32>, vector<8x40xf32> -> vector<8x40xf32>
      %get3A_129 = arith.constant 0 : index
      %get3A_130 = arith.constant 0 : index
      %get3A_131 = vector.load %arg13[%get3A_129, %get3A_130] : memref<1x40xf32, #tpu.memory_space<vmem>>, vector<1x40xf32>
      %add3A_132 = vector.broadcast %get3A_131 : vector<1x40xf32> to vector<8x40xf32>
      %add3A_133 = arith.addf %dot_general3A_128, %add3A_132 : vector<8x40xf32>
      %swap3A = arith.constant 0 : index
      %swap3A_134 = arith.constant 0 : index
      %swap3A_135 = vector.load %arg14[%swap3A, %swap3A_134] : memref<8x40xf32, #tpu.memory_space<vmem>>, vector<8x40xf32>
      tpu.vector_store %arg14[%swap3A, %swap3A_134], %add3A_133 {strides = array<i32>} : memref<8x40xf32, #tpu.memory_space<vmem>>, vector<8x40xf32>,
    } else {
    }
    return
  }
  func.func @transform_0(%arg0: i32) -> (i32, i32) {
    %c0_i32 = arith.constant 0 : i32
    %c0_i32_0 = arith.constant 0 : i32
    return %arg0, %c0_i32 : i32, i32
  }
  func.func @transform_1(%arg0: i32) -> (i32, i32) {
    %c0_i32 = arith.constant 0 : i32
    %c0_i32_0 = arith.constant 0 : i32
    return %arg0, %c0_i32 : i32, i32
  }
  func.func @transform_2(%arg0: i32) -> (i32, i32) {
    %c0_i32 = arith.constant 0 : i32
    %c0_i32_0 = arith.constant 0 : i32
    return %arg0, %c0_i32 : i32, i32
  }
  func.func @transform_3(%arg0: i32) -> (i32, i32) {
    %c0_i32 = arith.constant 0 : i32
    %c0_i32_0 = arith.constant 0 : i32
    return %arg0, %c0_i32 : i32, i32
  }
  func.func @transform_4(%arg0: i32) -> (i32, i32) {
    %c0_i32 = arith.constant 0 : i32
    %c0_i32_0 = arith.constant 0 : i32
    %c0_i32_1 = arith.constant 0 : i32
    return %c0_i32, %c0_i32_0 : i32, i32
  }
  func.func @transform_5(%arg0: i32) -> (i32, i32) {
    %c0_i32 = arith.constant 0 : i32
    %c0_i32_0 = arith.constant 0 : i32
    %c0_i32_1 = arith.constant 0 : i32
    return %c0_i32, %c0_i32_0 : i32, i32
  }
  func.func @transform_6(%arg0: i32) -> (i32, i32) {
    %c0_i32 = arith.constant 0 : i32
    %c0_i32_0 = arith.constant 0 : i32
    %c0_i32_1 = arith.constant 0 : i32
    return %c0_i32, %c0_i32_0 : i32, i32
  }
  func.func @transform_7(%arg0: i32) -> (i32, i32) {
    %c0_i32 = arith.constant 0 : i32
    %c0_i32_0 = arith.constant 0 : i32
    %c0_i32_1 = arith.constant 0 : i32
    return %c0_i32, %c0_i32_0 : i32, i32
  }
  func.func @transform_8(%arg0: i32) -> (i32, i32) {
    %c0_i32 = arith.constant 0 : i32
    %c0_i32_0 = arith.constant 0 : i32
    %c0_i32_1 = arith.constant 0 : i32
    return %c0_i32, %c0_i32_0 : i32, i32
  }
  func.func @transform_9(%arg0: i32) -> (i32, i32) {
    %c0_i32 = arith.constant 0 : i32
    %c0_i32_0 = arith.constant 0 : i32
    %c0_i32_1 = arith.constant 0 : i32
    return %c0_i32, %c0_i32_0 : i32, i32
  }
  func.func @transform_10(%arg0: i32) -> (i32, i32) {
    %c0_i32 = arith.constant 0 : i32
    %c0_i32_0 = arith.constant 0 : i32
    %c0_i32_1 = arith.constant 0 : i32
    return %c0_i32, %c0_i32_0 : i32, i32
  }
  func.func @transform_11(%arg0: i32) -> (i32, i32) {
    %c0_i32 = arith.constant 0 : i32
    %c0_i32_0 = arith.constant 0 : i32
    %c0_i32_1 = arith.constant 0 : i32
    return %c0_i32, %c0_i32_0 : i32, i32
  }
  func.func @transform_12(%arg0: i32) -> (i32, i32) {
    %c0_i32 = arith.constant 0 : i32
    %c0_i32_0 = arith.constant 0 : i32
    %c0_i32_1 = arith.constant 0 : i32
    return %c0_i32, %c0_i32_0 : i32, i32
  }
  func.func @transform_13(%arg0: i32) -> (i32, i32) {
    %c0_i32 = arith.constant 0 : i32
    %c0_i32_0 = arith.constant 0 : i32
    %c0_i32_1 = arith.constant 0 : i32
    return %c0_i32, %c0_i32_0 : i32, i32
  }
}

</mosaic_0001>

<sc_bundles>
// kernel: branch_1_fun.11.cloned.1.call-start
scs
__scs_entry_jumppad:
0x0: {  	(pc) =	sbr.rel $0x88, $3  }
0x1: {  	(tag) =	ssettag $0x0;
	lr =	simm.s32 $0x1  }
0x2: {  	[smem:$0x3F8B] =	sst lr;
	_ =	strace $0xD0000000  }
0x3: {  	_ = 	snop  }
0x4: {  	_ = 	snop  }
0x5: {  	_ = 	snop  }
0x6: {  	_ = 	snop  }
0x7: {  	_ = 	snop  }
__scs_overlays_trampoline_lowered:
0x8: {  	[smem:$0x3F9A] =	sst s0  }
0x9: {  	[smem:$0x3F9B] =	sst s1  }
0xa: {  	[smem:$0x3F9C] =	sst s2  }
0xb: {  	[smem:$0x3F9D] =	sst s3  }
0xc: {  	[smem:$0x3F9E] =	sst s4  }
0xd: {  	[smem:$0x3F9F] =	sst s5  }
0xe: {  	[smem:$0x3FA0] =	sst s6  }
0xf: {  	[smem:$0x3FA1] =	sst s7  }
0x10: {  	[smem:$0x3FA2] =	sst s8  }
0x11: {  	[smem:$0x3FA3] =	sst s9;
	s0 =	simm.s32 @!p0 $0x0  }
0x12: {  	s1 =	sld [smem:$0x3F89];
	s0 =	simm.s32 @p0 $0x1  }
0x13: {  	[smem:$0x3FA4] =	sst s0;
	s0 =	simm.s32 @!p1 $0x0  }
0x14: {  	s2 =	sld [smem:$0x3F88];
	s0 =	simm.s32 @p1 $0x1  }
0x15: {  	[smem:$0x3FA5] =	sst s0;
	s0 =	simm.s32 @!p2 $0x0  }
0x16: {  	s3 =	sld [smem:$0x3FDB];
	s0 =	simm.s32 @p2 $0x1  }
0x17: {  	s4 =	simm.s32 $0x1BF5;
	[smem:$0x3FA7] =	sst s0  }
0x18: {  	s0 =	sld [smem:$0x3F8A];
	_ =	swait.ge [sflag:s4], $0x0  }
0x19: {  	s7 =	sld [smem:$0x3F8B]  }
0x1a: {  	s8 =	sadd.s32 $0xFFFFE003, lr  }
0x1b: {  	s9 =	sadd.s32 $0xFFFFFEF7, lr;
	s5 =	simm.s32 $0xFFFFFFFF;
	p2 =	slt.u32 s8, $0xFFFFF086  }
0x1c: {  	p1 =	slt.u32 s9, $0xF7A;
	s5 =	simm.s32 @!p2 $0x0  }
0x1d: {  	s5 =	simm.s32 @p1 $0x1;
	p0 =	seq.s32 s7, s2  }
0x1e: {  	s7 =	smul.u32 @!p0 $0xF7A, s2;
	p2 =	seq.s32 @!p0 s5, $0x0  }
0x1f: {  	s9 =	smul.u32 $0xF7A, s1;
	s8 =	simm.s32 @!p0 $0x1BF5;
	p2 =	por !p2, p0  }
0x20: {  	[sflag:s8] =	ssyncset.s32 @!p0 $0xFFFFF086;
	s6 =	sadd.s32 @!p0 s3, s7;
	s7 =	simm.s32 @!p0 $0x108  }
0x21: {  	s3 =	sadd.s32 s3, s9;
	s6 =	sadd.s32 @!p0 $0x88, s6;
	s7 =	simm.s32 @p2 $0x1082  }
0x22: {  	[simem:s7], [sflag:s8] =	dma.local @!p0 [hbm:s6], $0xF7A  }
0x23: {  	s9 =	sor.u32 $0xD0000000, s2;
	s6 =	simm.s32 $0x108;
	_ =	swait.ge @!p0 [sflag:s8], $0x0  }
0x24: {  	s3 =	sadd.s32 $0x88, s3;
	s6 =	simm.s32 @!p1 $0x1082;
	[sflag:s4] =	ssyncset.s32 $0xFFFFF086  }
0x25: {  	[simem:s6], [sflag:s4] =	dma.local [hbm:s3], $0xF7A  }
0x26: {  	[smem:$0x3F8B] =	sst s1;
	(tag) =	ssettag s2;
	_ =	strace s9  }
0x27: {  	s1 =	sld [smem:$0x3F9B]  }
0x28: {  	s2 =	sld [smem:$0x3F9C]  }
0x29: {  	s4 =	sld [smem:$0x3F9E]  }
0x2a: {  	p0 =	seq.s32 s5, $0x0;
	s5 =	sld [smem:$0x3F9F]  }
0x2b: {  	s6 =	sld [smem:$0x3FA0]  }
0x2c: {  	s7 =	sld [smem:$0x3FA1]  }
0x2d: {  	s3 =	simm.s32 $0x108;
	s8 =	sld [smem:$0x3FA2]  }
0x2e: {  	s3 =	simm.s32 @!p0 $0x1082;
	s9 =	sld [smem:$0x3FA3]  }
0x2f: {  	lr =	sadd.s32 s0, s3;
	s0 =	sld [smem:$0x3F9A]  }
0x30: {  	s3 =	sld [smem:$0x3F9D]  }
0x31: {  	[smem:$0x3FA6] =	sst s10  }
0x32: {  	s10 =	sld [smem:$0x3FA4];
	_ =	sdelay $0x3  }
0x33: {  	p0 =	seq.s32 s10, $0x1;
	s10 =	sld [smem:$0x3FA6];
	_ =	sdelay $0x3  }
0x34: {  	[smem:$0x3FA6] =	sst s10  }
0x35: {  	s10 =	sld [smem:$0x3FA5];
	_ =	sdelay $0x3  }
0x36: {  	p1 =	seq.s32 s10, $0x1;
	s10 =	sld [smem:$0x3FA6];
	_ =	sdelay $0x3  }
0x37: {  	[smem:$0x3FA6] =	sst s10  }
0x38: {  	s10 =	sld [smem:$0x3FA7]  }
0x39: {  	_ = 	snop;
	(pc) =	sbr.ind lr, $3  }
0x3a: {  	_ = 	snop  }
0x3b: {  	_ = 	snop  }
0x3c: {  	p2 =	seq.s32 s10, $0x1;
	s10 =	sld [smem:$0x3FA6]  }
0x3d: {  	_ =	shalt  }
0x3e: {  	_ =	shalt  }
0x3f: {  	_ =	shalt  }
0x40: {  	_ =	shalt  }
0x41: {  	_ =	shalt  }
0x42: {  	_ =	shalt  }
0x43: {  	_ =	shalt  }
0x44: {  	_ =	shalt  }
0x45: {  	_ =	shalt  }
0x46: {  	_ =	shalt  }
0x47: {  	_ =	shalt  }
0x48: {  	_ =	shalt  }
0x49: {  	_ =	shalt  }
0x4a: {  	_ =	shalt  }
0x4b: {  	_ =	shalt  }
0x4c: {  	_ =	shalt  }
0x4d: {  	_ =	shalt  }
0x4e: {  	_ =	shalt  }
0x4f: {  	_ =	shalt  }
0x50: {  	_ =	shalt  }
0x51: {  	_ =	shalt  }
0x52: {  	_ =	shalt  }
0x53: {  	_ =	shalt  }
0x54: {  	_ =	shalt  }
0x55: {  	_ =	shalt  }
0x56: {  	_ =	shalt  }
0x57: {  	_ =	shalt  }
0x58: {  	_ =	shalt  }
0x59: {  	_ =	shalt  }
0x5a: {  	_ =	shalt  }
0x5b: {  	_ =	shalt  }
0x5c: {  	_ =	shalt  }
0x5d: {  	_ =	shalt  }
0x5e: {  	_ =	shalt  }
0x5f: {  	_ =	shalt  }
0x60: {  	_ =	shalt  }
0x61: {  	_ =	shalt  }
0x62: {  	_ =	shalt  }
0x63: {  	_ =	shalt  }
0x64: {  	_ =	shalt  }
0x65: {  	_ =	shalt  }
0x66: {  	_ =	shalt  }
0x67: {  	_ =	shalt  }
0x68: {  	_ =	shalt  }
0x69: {  	_ =	shalt  }
0x6a: {  	_ =	shalt  }
0x6b: {  	_ =	shalt  }
0x6c: {  	_ =	shalt  }
0x6d: {  	_ =	shalt  }
0x6e: {  	_ =	shalt  }
0x6f: {  	_ =	shalt  }
0x70: {  	_ =	shalt  }
0x71: {  	_ =	shalt  }
0x72: {  	_ =	shalt  }
0x73: {  	_ =	shalt  }
0x74: {  	_ =	shalt  }
0x75: {  	_ =	shalt  }
0x76: {  	_ =	shalt  }
0x77: {  	_ =	shalt  }
0x78: {  	_ =	shalt  }
0x79: {  	_ =	shalt  }
0x7a: {  	_ =	shalt  }
0x7b: {  	_ =	shalt  }
0x7c: {  	_ =	shalt  }
0x7d: {  	_ =	shalt  }
0x7e: {  	_ =	shalt  }
0x7f: {  	_ =	shalt  }
0x80: {  	_ =	shalt  }
0x81: {  	_ =	shalt  }
0x82: {  	_ =	shalt  }
0x83: {  	_ =	shalt  }
0x84: {  	_ =	shalt  }
0x85: {  	_ =	shalt  }
0x86: {  	_ =	shalt  }
0x87: {  	_ =	shalt  }
.Lfunc_end0:
.L_simem_size_0:
called_computation.1_lowered:
.L_overlay_start_0:
0x88: {  	s2 =	sld [smem:$0x3FD9]  }
0x89: {  	s3 =	sld [smem:$0x3FFE];
	_ =	sdelay $0x1  }
0x8a: {  	s1 =	srdreg.scid  }
0x8b: {  	s0 =	sand.u32 $0x1, s1  }
0x8c: {  	s16 =	sshll.u32 s0, $0xA;
	s2 =	sadd.s32 s3, s2  }
0x8d: {  	s2 =	sadd.s32 s2, s16  }
0x8e: {  	[smem:$0x3FB2] =	sst s2  }
0x8f: {  	_ = 	snop  }
0x90: {  	(tm) =	ssettm $0x1  }
0x91: {  	s17 =	sld [smem:$0x3FFB];
	_ =	sdelay $0x3  }
0x92: {  	_ =	strace s17  }
0x93: {  	s2 =	sld [smem:$0x3FFC];
	_ =	sdelay $0x3  }
0x94: {  	_ =	strace s2  }
0x95: {  	s2 =	sld [smem:$0x3FFD];
	_ =	sdelay $0x3  }
0x96: {  	_ =	strace s2  }
0x97: {  	_ =	strace $0x8FFFFFFF  }
0x98: {  	s18 =	sld [smem:$0x3FDB];
	_ =	sdelay $0x1  }
0x99: {  	s19 =	simm.s32 $_scs_section_size  }
0x9a: {  	s4 =	simm.s32 $_size__tile_overlayer_lowered;
	s5 =	simm.s32 $_tile_overlayer_lowered  }
0x9b: {  	s22 =	simm.s32 $0x1BFF;
	s21 =	sshll.u32 s5, $0x1;
	s2 =	sadd.s32 s19, s18  }
0x9c: {  	s6 =	simm.s32 $0x0;
	s20 =	sshll.u32 s4, $0x1;
	s4 =	sadd.s32 s21, s2  }
0x9d: {  	[timem:s6], [sflag:s22] =	dma.local [hbm:s4], s20  }
0x9e: {  	_ =	swait.ge [sflag:s22], s20  }
0x9f: {  	s3 =	ssub.s32 $0x0, s20;
	[sflag:s22] =	ssyncset.done $0x0  }
0xa0: {  	[sflag:s22] =	ssyncadd.s32 s3;
	_ =	sdelay $0x1  }
0xa1: {  	s23 =	simm.s32 $0x1B8B  }
0xa2: {  	_ =	swait.ge [sflag:s23], $0x1  }
0xa3: {  	[sflag:s23] =	ssyncset.done $0x0  }
0xa4: {  	s25 =	simm.s32 $0x1B8E;
	s24 =	sld [smem:$0x3FFE];
	[sflag:s23] =	ssyncadd.s32 $0xFFFFFFFF  }
0xa5: {  	s26 =	simm.s32 $execute0_lowered;
	[smem:$0x3FD2] =	sst s25  }
0xa6: {  	s4 =	sshll.u32 s26, $0x1;
	_ =	strace $0x80000049;
	[dreg:$0x1] =	wrdreg $0xFFFFFFFF  }
0xa7: {  	s28 =	simm.s32 $_size_execute0_lowered;
	s2 =	sadd.s32 s2, s4;
	[dreg:$0x0] =	wrdreg $0x0  }
0xa8: {  	s4 =	sshll.u32 s28, $0x1;
	[dreg:$0x2] =	wrdreg s2  }
0xa9: {  	[dreg:$0x3] =	wrdreg s4  }
0xaa: {  	[dreg:$0x4] =	wrdreg $0xC0  }
0xab: {  	_ =	task [dreg:s6], $0x5FFFF  }
0xac: {  	[dreg:$0x1] =	wrdreg $0xFFFFFFFF  }
0xad: {  	[dreg:$0x0] =	wrdreg $0x60  }
0xae: {  	[dreg:$0x2] =	wrdreg s24  }
0xaf: {  	[dreg:$0x3] =	wrdreg $0x9  }
0xb0: {  	_ =	task.clear_ibuf [dreg:s6], $0x4FFFF;
	_ =	strace $0x90000049  }
0xb1: {  	s29 =	simm.s32 $0x9;
	_ =	strace $0x8000004B  }
0xb2: {  	_ =	swait.ge [sflag:s29], $0x1  }
0xb3: {  	[sflag:s29] =	ssyncadd.s32 $0xFFFFFFFF  }
0xb4: {  	_ =	strace $0x9000004B  }
0xb5: {  	_ =	sfence  }
0xb6: {  	s30 =	sld [smem:$0x0];
	_ =	sdelay $0x2  }
0xb7: {  	s31 =	sshll.u32 s1, $0xD;
	s1 =	sshrl.u32 s1, $0x2  }
0xb8: {  	s3 =	sand.u32 $0x4000, s31;
	s1 =	sadd.s32 s1, s30  }
0xb9: {  	s0 =	sor.u32 s3, s0;
	s1 =	sshll.u32 s1, $0x11  }
0xba: {  	s0 =	sor.u32 s1, s0  }
0xbb: {  	s0 =	sadd.s32 $0x8F2B, s0  }
0xbc: {  	[sflag:s0] =	ssyncadd.remote.s32 $0x1  }
0xbd: {  	_ =	sfence.sel $0xFFFF  }
0xbe: {  	[dreg:$0x0] =	wrdreg $0xFFFFFFFF;
	(pc) =	sbr.abs _section_cstart, $3  }
0xbf: {  	[dreg:$0x1] =	wrdreg $0xFFFFFFFF  }
0xc0: {  	_ =	task.clear_ibuf [dreg:s6], $0x2FFFF;
	_ =	strace $0x9FFFFFFF  }
0xc1: {  	(tm) =	ssettm $0x7FFFFFFF  }
tec
execute0_lowered:
.L_overlay_start_1:
0x0: {  	(tag) =	ssettag $0x1  }
0x1: {  	s1 =	srdreg.scid  }
0x2: {  	s0 =	stileid.u32;
	s10 =	sand.u32 $0x1, s1  }
0x3: {  	s8 =	rddreg [dreg:$0x0];
	s3 =	sshll.u32 s0, $0x9;
	s4 =	sshll.u32 s10, $0x8  }
0x4: {  	s2 =	simm.s32 $0x0;
	s1 =	rddreg [dreg:$0x1];
	s9 =	sor.u32 s4, s3  }
0x5: {  	[smem:$0x7FF] =	sst s2;
	s11 =	sadd.s32 $0x89200, s8;
	s3 =	sshrl.u32 s9, $0x3  }
0x6: {  	_ =	strace $0x8000004A;
	s4 =	sadd.s32 s11, s3;
	s3 =	simm.s32 $0x2  }
0x7: {  	[tilespmem:s2], [sflag:$0x2] =	stream.linear.gather [hbm4b:s4+s2], $0x80, $0x38;
	[tilespmem:$0x4080] =	vst v63  }
0x8: {  	_ =	swait.ge [sflag:s3], $0x80  }
0x9: {  	s6 =	simm.s32 $0x80;
	[sflag:s3] =	ssyncset.done $0x0  }
0xa: {  	s7 =	simm.s32 $0x1;
	s5 =	sadd.s32 $0x89600, s8;
	[sflag:s3] =	ssyncadd.s32 $0xFFFFFF80  }
0xb: {  	[tilespmem:s6], [sflag:$0x1] =	stream.indirect.gather [hbm4b:s5+s6], $0x80, s2, s6, $0xb8;
	[tilespmem:$0x4080] =	vst v63  }
0xc: {  	_ =	swait.ge [sflag:s7], $0x4000  }
0xd: {  	s12 =	sadd.s32 $0x49200, s8;
	s29 =	sshll.u32 s9, $0x4;
	[sflag:s7] =	ssyncset.done $0x0  }
0xe: {  	s8 =	sadd.s32 s12, s29;
	[sflag:s7] =	ssyncadd.s32 $0xFFFFC000  }
0xf: {  	[hbm4b:s8+s2] =	stream.linear.scatter [tilespmem:s6], [sflag:$0x2], $0x4000, $0x38;
	[tilespmem:$0x4080] =	vst v63  }
0x10: {  	s13 =	sor.u32 $0x80, s9;
	_ =	swait.ge [sflag:s3], $0x4000  }
0x11: {  	s9 =	sshrl.u32 s13, $0x3;
	[sflag:s3] =	ssyncset.done $0x0  }
0x12: {  	s10 =	ssub.s32 $0x2, s10;
	s9 =	sadd.s32 s11, s9;
	[sflag:s3] =	ssyncadd.s32 $0xFFFFC000  }
0x13: {  	[tilespmem:s2], [sflag:$0x2] =	stream.linear.gather [hbm4b:s9+s2], $0x80, $0x38;
	[tilespmem:$0x4080] =	vst v63  }
0x14: {  	s30 =	sshrl.u32 s10, $0x1;
	_ =	swait.ge [sflag:s3], $0x80  }
0x15: {  	s11 =	ssub.s32 s10, s30;
	[sflag:s3] =	ssyncset.done $0x0  }
0x16: {  	s11 =	smax.u32 s11, $0x1;
	[sflag:s3] =	ssyncadd.s32 $0xFFFFFF80  }
0x17: {  	[tilespmem:s6], [sflag:$0x1] =	stream.indirect.gather [hbm4b:s5+s6], $0x80, s2, s6, $0xb8;
	[tilespmem:$0x4080] =	vst v63  }
0x18: {  	p0 =	sne.s32 s11, $0x1;
	_ =	swait.ge [sflag:s7], $0x4000  }
.Ltmp0:
0x19: {  	s31 =	sshll.u32 s13, $0x4;
	[sflag:s7] =	ssyncset.done $0x0;
	(pc) =	sbr.rel @!p0 .LBB2_2-.Ltmp0, $4  }
0x1a: {  	s10 =	sadd.s32 s12, s31;
	[sflag:s7] =	ssyncadd.s32 $0xFFFFC000  }
0x1b: {  	[hbm4b:s10+s2] =	stream.linear.scatter [tilespmem:s6], [sflag:$0x2], $0x4000, $0x38;
	[tilespmem:$0x4080] =	vst v63  }
0x1c: {  	_ =	swait.ge [sflag:s3], $0x4000  }
0x1d: {  	s11 =	sadd.s32 $0xFFFFFFFF, s11;
	[sflag:s3] =	ssyncset.done $0x0  }
.LBB2_1:
0x1e: {  	p0 =	sne.s32 s11, $0x1;
	s11 =	sadd.s32 $0xFFFFFFFF, s11;
	[sflag:s3] =	ssyncadd.s32 $0xFFFFC000  }
0x1f: {  	[tilespmem:s2], [sflag:$0x2] =	stream.linear.gather [hbm4b:s4+s2], $0x80, $0x38;
	[tilespmem:$0x4080] =	vst v63  }
0x20: {  	_ =	swait.ge [sflag:s3], $0x80  }
0x21: {  	[sflag:s3] =	ssyncset.done $0x0  }
0x22: {  	[sflag:s3] =	ssyncadd.s32 $0xFFFFFF80  }
0x23: {  	[tilespmem:s6], [sflag:$0x1] =	stream.indirect.gather [hbm4b:s5+s6], $0x80, s2, s6, $0xb8;
	[tilespmem:$0x4080] =	vst v63  }
0x24: {  	_ =	swait.ge [sflag:s7], $0x4000  }
0x25: {  	[sflag:s7] =	ssyncset.done $0x0  }
0x26: {  	[sflag:s7] =	ssyncadd.s32 $0xFFFFC000  }
0x27: {  	[hbm4b:s8+s2] =	stream.linear.scatter [tilespmem:s6], [sflag:$0x2], $0x4000, $0x38;
	[tilespmem:$0x4080] =	vst v63  }
0x28: {  	_ =	swait.ge [sflag:s3], $0x4000  }
0x29: {  	[sflag:s3] =	ssyncset.done $0x0  }
0x2a: {  	[sflag:s3] =	ssyncadd.s32 $0xFFFFC000  }
0x2b: {  	[tilespmem:s2], [sflag:$0x2] =	stream.linear.gather [hbm4b:s9+s2], $0x80, $0x38;
	[tilespmem:$0x4080] =	vst v63  }
0x2c: {  	_ =	swait.ge [sflag:s3], $0x80  }
0x2d: {  	[sflag:s3] =	ssyncset.done $0x0  }
0x2e: {  	[sflag:s3] =	ssyncadd.s32 $0xFFFFFF80  }
0x2f: {  	[tilespmem:s6], [sflag:$0x1] =	stream.indirect.gather [hbm4b:s5+s6], $0x80, s2, s6, $0xb8;
	[tilespmem:$0x4080] =	vst v63  }
0x30: {  	_ =	swait.ge [sflag:s7], $0x4000  }
.Ltmp1:
0x31: {  	[sflag:s7] =	ssyncset.done $0x0;
	(pc) =	sbr.rel @p0 .LBB2_1-.Ltmp1, $4  }
0x32: {  	[sflag:s7] =	ssyncadd.s32 $0xFFFFC000  }
0x33: {  	[hbm4b:s10+s2] =	stream.linear.scatter [tilespmem:s6], [sflag:$0x2], $0x4000, $0x38;
	[tilespmem:$0x4080] =	vst v63  }
0x34: {  	_ =	swait.ge [sflag:s3], $0x4000  }
0x35: {  	[sflag:s3] =	ssyncset.done $0x0  }
.LBB2_2:
0x36: {  	[sflag:s3] =	ssyncadd.s32 $0xFFFFC000  }
0x37: {  	_ =	sfence.sel $0x180000  }
0x38: {  	[bflag:$0x0] =	sbarrier.arrive $0xFFFF  }
0x39: {  	p0 =	sne.s32 s0, $0x0;
	_ =	strace $0x9000004A  }
0x3a: {  	s0 =	sadd.s32 @!p0 $0x100000, s1;
	[bflag:$0x2] =	sbarrier.arrive $0xFFFF  }
0x3b: {  	[sflag:s0] =	ssyncadd.tile.s32 @!p0 $0x1;
	_ =	shalt  }
.Lfunc_end2:
_tile_overlayer_lowered:
.L_overlay_start_2:
0x3c: {  	(tag) =	ssettag $0x2  }
0x3d: {  	s0 =	rddreg [dreg:$0x0];
	s2 =	stileid.u32  }
0x3e: {  	s1 =	rddreg [dreg:$0x1];
	p0 =	sne.s32 s2, $0x0  }
0x3f: {  	s3 =	rddreg [dreg:$0x2];
	[bflag:$0x3] =	sbarrier.arrive $0xFFFF;
	s2 =	simm.s32 @!p0 $0x1C02  }
0x40: {  	[timem:s3], [sflag:s2] =	dma.local @!p0 [hbm:s0], s1  }
0x41: {  	s0 =	simm.s32 @!p0 $0x2  }
0x42: {  	_ =	swait.ge @!p0 [sflag:s0], s1  }
0x43: {  	s1 =	ssub.s32 @!p0 $0x0, s1;
	[sflag:s0] =	ssyncset.done @!p0 $0x0  }
0x44: {  	[sflag:s0] =	ssyncadd.s32 @!p0 s1  }
0x45: {  	[bflag:$0x3] =	sbarrier.arrive $0xFFFF  }
0x46: {  	_ =	shalt  }

// kernel: branch_1_fun.14.cloned.1.call-start
scs
__scs_entry_jumppad:
0x0: {  	(pc) =	sbr.rel $0x88, $3  }
0x1: {  	(tag) =	ssettag $0x0;
	lr =	simm.s32 $0x1  }
0x2: {  	[smem:$0x3F8B] =	sst lr;
	_ =	strace $0xD0000000  }
0x3: {  	_ = 	snop  }
0x4: {  	_ = 	snop  }
0x5: {  	_ = 	snop  }
0x6: {  	_ = 	snop  }
0x7: {  	_ = 	snop  }
__scs_overlays_trampoline_lowered:
0x8: {  	[smem:$0x3F9A] =	sst s0  }
0x9: {  	[smem:$0x3F9B] =	sst s1  }
0xa: {  	[smem:$0x3F9C] =	sst s2  }
0xb: {  	[smem:$0x3F9D] =	sst s3  }
0xc: {  	[smem:$0x3F9E] =	sst s4  }
0xd: {  	[smem:$0x3F9F] =	sst s5  }
0xe: {  	[smem:$0x3FA0] =	sst s6  }
0xf: {  	[smem:$0x3FA1] =	sst s7  }
0x10: {  	[smem:$0x3FA2] =	sst s8  }
0x11: {  	[smem:$0x3FA3] =	sst s9;
	s0 =	simm.s32 @!p0 $0x0  }
0x12: {  	s1 =	sld [smem:$0x3F89];
	s0 =	simm.s32 @p0 $0x1  }
0x13: {  	[smem:$0x3FA4] =	sst s0;
	s0 =	simm.s32 @!p1 $0x0  }
0x14: {  	s2 =	sld [smem:$0x3F88];
	s0 =	simm.s32 @p1 $0x1  }
0x15: {  	[smem:$0x3FA5] =	sst s0;
	s0 =	simm.s32 @!p2 $0x0  }
0x16: {  	s3 =	sld [smem:$0x3FDB];
	s0 =	simm.s32 @p2 $0x1  }
0x17: {  	s4 =	simm.s32 $0x1BF5;
	[smem:$0x3FA7] =	sst s0  }
0x18: {  	s0 =	sld [smem:$0x3F8A];
	_ =	swait.ge [sflag:s4], $0x0  }
0x19: {  	s7 =	sld [smem:$0x3F8B]  }
0x1a: {  	s8 =	sadd.s32 $0xFFFFE003, lr  }
0x1b: {  	s9 =	sadd.s32 $0xFFFFFEF7, lr;
	s5 =	simm.s32 $0xFFFFFFFF;
	p2 =	slt.u32 s8, $0xFFFFF086  }
0x1c: {  	p1 =	slt.u32 s9, $0xF7A;
	s5 =	simm.s32 @!p2 $0x0  }
0x1d: {  	s5 =	simm.s32 @p1 $0x1;
	p0 =	seq.s32 s7, s2  }
0x1e: {  	s7 =	smul.u32 @!p0 $0xF7A, s2;
	p2 =	seq.s32 @!p0 s5, $0x0  }
0x1f: {  	s9 =	smul.u32 $0xF7A, s1;
	s8 =	simm.s32 @!p0 $0x1BF5;
	p2 =	por !p2, p0  }
0x20: {  	[sflag:s8] =	ssyncset.s32 @!p0 $0xFFFFF086;
	s6 =	sadd.s32 @!p0 s3, s7;
	s7 =	simm.s32 @!p0 $0x108  }
0x21: {  	s3 =	sadd.s32 s3, s9;
	s6 =	sadd.s32 @!p0 $0x88, s6;
	s7 =	simm.s32 @p2 $0x1082  }
0x22: {  	[simem:s7], [sflag:s8] =	dma.local @!p0 [hbm:s6], $0xF7A  }
0x23: {  	s9 =	sor.u32 $0xD0000000, s2;
	s6 =	simm.s32 $0x108;
	_ =	swait.ge @!p0 [sflag:s8], $0x0  }
0x24: {  	s3 =	sadd.s32 $0x88, s3;
	s6 =	simm.s32 @!p1 $0x1082;
	[sflag:s4] =	ssyncset.s32 $0xFFFFF086  }
0x25: {  	[simem:s6], [sflag:s4] =	dma.local [hbm:s3], $0xF7A  }
0x26: {  	[smem:$0x3F8B] =	sst s1;
	(tag) =	ssettag s2;
	_ =	strace s9  }
0x27: {  	s1 =	sld [smem:$0x3F9B]  }
0x28: {  	s2 =	sld [smem:$0x3F9C]  }
0x29: {  	s4 =	sld [smem:$0x3F9E]  }
0x2a: {  	p0 =	seq.s32 s5, $0x0;
	s5 =	sld [smem:$0x3F9F]  }
0x2b: {  	s6 =	sld [smem:$0x3FA0]  }
0x2c: {  	s7 =	sld [smem:$0x3FA1]  }
0x2d: {  	s3 =	simm.s32 $0x108;
	s8 =	sld [smem:$0x3FA2]  }
0x2e: {  	s3 =	simm.s32 @!p0 $0x1082;
	s9 =	sld [smem:$0x3FA3]  }
0x2f: {  	lr =	sadd.s32 s0, s3;
	s0 =	sld [smem:$0x3F9A]  }
0x30: {  	s3 =	sld [smem:$0x3F9D]  }
0x31: {  	[smem:$0x3FA6] =	sst s10  }
0x32: {  	s10 =	sld [smem:$0x3FA4];
	_ =	sdelay $0x3  }
0x33: {  	p0 =	seq.s32 s10, $0x1;
	s10 =	sld [smem:$0x3FA6];
	_ =	sdelay $0x3  }
0x34: {  	[smem:$0x3FA6] =	sst s10  }
0x35: {  	s10 =	sld [smem:$0x3FA5];
	_ =	sdelay $0x3  }
0x36: {  	p1 =	seq.s32 s10, $0x1;
	s10 =	sld [smem:$0x3FA6];
	_ =	sdelay $0x3  }
0x37: {  	[smem:$0x3FA6] =	sst s10  }
0x38: {  	s10 =	sld [smem:$0x3FA7]  }
0x39: {  	_ = 	snop;
	(pc) =	sbr.ind lr, $3  }
0x3a: {  	_ = 	snop  }
0x3b: {  	_ = 	snop  }
0x3c: {  	p2 =	seq.s32 s10, $0x1;
	s10 =	sld [smem:$0x3FA6]  }
0x3d: {  	_ =	shalt  }
0x3e: {  	_ =	shalt  }
0x3f: {  	_ =	shalt  }
0x40: {  	_ =	shalt  }
0x41: {  	_ =	shalt  }
0x42: {  	_ =	shalt  }
0x43: {  	_ =	shalt  }
0x44: {  	_ =	shalt  }
0x45: {  	_ =	shalt  }
0x46: {  	_ =	shalt  }
0x47: {  	_ =	shalt  }
0x48: {  	_ =	shalt  }
0x49: {  	_ =	shalt  }
0x4a: {  	_ =	shalt  }
0x4b: {  	_ =	shalt  }
0x4c: {  	_ =	shalt  }
0x4d: {  	_ =	shalt  }
0x4e: {  	_ =	shalt  }
0x4f: {  	_ =	shalt  }
0x50: {  	_ =	shalt  }
0x51: {  	_ =	shalt  }
0x52: {  	_ =	shalt  }
0x53: {  	_ =	shalt  }
0x54: {  	_ =	shalt  }
0x55: {  	_ =	shalt  }
0x56: {  	_ =	shalt  }
0x57: {  	_ =	shalt  }
0x58: {  	_ =	shalt  }
0x59: {  	_ =	shalt  }
0x5a: {  	_ =	shalt  }
0x5b: {  	_ =	shalt  }
0x5c: {  	_ =	shalt  }
0x5d: {  	_ =	shalt  }
0x5e: {  	_ =	shalt  }
0x5f: {  	_ =	shalt  }
0x60: {  	_ =	shalt  }
0x61: {  	_ =	shalt  }
0x62: {  	_ =	shalt  }
0x63: {  	_ =	shalt  }
0x64: {  	_ =	shalt  }
0x65: {  	_ =	shalt  }
0x66: {  	_ =	shalt  }
0x67: {  	_ =	shalt  }
0x68: {  	_ =	shalt  }
0x69: {  	_ =	shalt  }
0x6a: {  	_ =	shalt  }
0x6b: {  	_ =	shalt  }
0x6c: {  	_ =	shalt  }
0x6d: {  	_ =	shalt  }
0x6e: {  	_ =	shalt  }
0x6f: {  	_ =	shalt  }
0x70: {  	_ =	shalt  }
0x71: {  	_ =	shalt  }
0x72: {  	_ =	shalt  }
0x73: {  	_ =	shalt  }
0x74: {  	_ =	shalt  }
0x75: {  	_ =	shalt  }
0x76: {  	_ =	shalt  }
0x77: {  	_ =	shalt  }
0x78: {  	_ =	shalt  }
0x79: {  	_ =	shalt  }
0x7a: {  	_ =	shalt  }
0x7b: {  	_ =	shalt  }
0x7c: {  	_ =	shalt  }
0x7d: {  	_ =	shalt  }
0x7e: {  	_ =	shalt  }
0x7f: {  	_ =	shalt  }
0x80: {  	_ =	shalt  }
0x81: {  	_ =	shalt  }
0x82: {  	_ =	shalt  }
0x83: {  	_ =	shalt  }
0x84: {  	_ =	shalt  }
0x85: {  	_ =	shalt  }
0x86: {  	_ =	shalt  }
0x87: {  	_ =	shalt  }
.Lfunc_end0:
.L_simem_size_0:
called_computation.2_lowered:
.L_overlay_start_0:
0x88: {  	s2 =	sld [smem:$0x3FD9]  }
0x89: {  	s3 =	sld [smem:$0x3FFE];
	_ =	sdelay $0x1  }
0x8a: {  	s1 =	srdreg.scid  }
0x8b: {  	s0 =	sand.u32 $0x1, s1  }
0x8c: {  	s16 =	sshll.u32 s0, $0xA;
	s2 =	sadd.s32 s3, s2  }
0x8d: {  	s2 =	sadd.s32 s2, s16  }
0x8e: {  	[smem:$0x3FB2] =	sst s2  }
0x8f: {  	_ = 	snop  }
0x90: {  	(tm) =	ssettm $0x1  }
0x91: {  	s17 =	sld [smem:$0x3FFB];
	_ =	sdelay $0x3  }
0x92: {  	_ =	strace s17  }
0x93: {  	s2 =	sld [smem:$0x3FFC];
	_ =	sdelay $0x3  }
0x94: {  	_ =	strace s2  }
0x95: {  	s2 =	sld [smem:$0x3FFD];
	_ =	sdelay $0x3  }
0x96: {  	_ =	strace s2  }
0x97: {  	_ =	strace $0x8FFFFFFF  }
0x98: {  	s18 =	sld [smem:$0x3FDB];
	_ =	sdelay $0x1  }
0x99: {  	s19 =	simm.s32 $_scs_section_size  }
0x9a: {  	s4 =	simm.s32 $_size__tile_overlayer_lowered;
	s5 =	simm.s32 $_tile_overlayer_lowered  }
0x9b: {  	s22 =	simm.s32 $0x1BFF;
	s21 =	sshll.u32 s5, $0x1;
	s2 =	sadd.s32 s19, s18  }
0x9c: {  	s6 =	simm.s32 $0x0;
	s20 =	sshll.u32 s4, $0x1;
	s4 =	sadd.s32 s21, s2  }
0x9d: {  	[timem:s6], [sflag:s22] =	dma.local [hbm:s4], s20  }
0x9e: {  	_ =	swait.ge [sflag:s22], s20  }
0x9f: {  	s3 =	ssub.s32 $0x0, s20;
	[sflag:s22] =	ssyncset.done $0x0  }
0xa0: {  	[sflag:s22] =	ssyncadd.s32 s3;
	_ =	sdelay $0x1  }
0xa1: {  	s23 =	simm.s32 $0x1B8B  }
0xa2: {  	_ =	swait.ge [sflag:s23], $0x1  }
0xa3: {  	[sflag:s23] =	ssyncset.done $0x0  }
0xa4: {  	s25 =	simm.s32 $0x1B8E;
	s24 =	sld [smem:$0x3FFE];
	[sflag:s23] =	ssyncadd.s32 $0xFFFFFFFF  }
0xa5: {  	s26 =	simm.s32 $execute0_lowered;
	[smem:$0x3FD2] =	sst s25  }
0xa6: {  	s4 =	sshll.u32 s26, $0x1;
	_ =	strace $0x8000004C;
	[dreg:$0x1] =	wrdreg $0xFFFFFFFF  }
0xa7: {  	s28 =	simm.s32 $_size_execute0_lowered;
	s2 =	sadd.s32 s2, s4;
	[dreg:$0x0] =	wrdreg $0x0  }
0xa8: {  	s4 =	sshll.u32 s28, $0x1;
	[dreg:$0x2] =	wrdreg s2  }
0xa9: {  	[dreg:$0x3] =	wrdreg s4  }
0xaa: {  	[dreg:$0x4] =	wrdreg $0xC0  }
0xab: {  	_ =	task [dreg:s6], $0x5FFFF  }
0xac: {  	[dreg:$0x1] =	wrdreg $0xFFFFFFFF  }
0xad: {  	[dreg:$0x0] =	wrdreg $0x60  }
0xae: {  	[dreg:$0x2] =	wrdreg s24  }
0xaf: {  	[dreg:$0x3] =	wrdreg $0x9  }
0xb0: {  	_ =	task.clear_ibuf [dreg:s6], $0x4FFFF;
	_ =	strace $0x9000004C  }
0xb1: {  	s29 =	simm.s32 $0x9;
	_ =	strace $0x8000004E  }
0xb2: {  	_ =	swait.ge [sflag:s29], $0x1  }
0xb3: {  	[sflag:s29] =	ssyncadd.s32 $0xFFFFFFFF  }
0xb4: {  	_ =	strace $0x9000004E  }
0xb5: {  	_ =	sfence  }
0xb6: {  	s30 =	sld [smem:$0x0];
	_ =	sdelay $0x2  }
0xb7: {  	s31 =	sshll.u32 s1, $0xD;
	s1 =	sshrl.u32 s1, $0x2  }
0xb8: {  	s3 =	sand.u32 $0x4000, s31;
	s1 =	sadd.s32 s1, s30  }
0xb9: {  	s0 =	sor.u32 s3, s0;
	s1 =	sshll.u32 s1, $0x11  }
0xba: {  	s0 =	sor.u32 s1, s0  }
0xbb: {  	s0 =	sadd.s32 $0x8F2B, s0  }
0xbc: {  	[sflag:s0] =	ssyncadd.remote.s32 $0x1  }
0xbd: {  	_ =	sfence.sel $0xFFFF  }
0xbe: {  	[dreg:$0x0] =	wrdreg $0xFFFFFFFF;
	(pc) =	sbr.abs _section_cstart, $3  }
0xbf: {  	[dreg:$0x1] =	wrdreg $0xFFFFFFFF  }
0xc0: {  	_ =	task.clear_ibuf [dreg:s6], $0x2FFFF;
	_ =	strace $0x9FFFFFFF  }
0xc1: {  	(tm) =	ssettm $0x7FFFFFFF  }
tec
execute0_lowered:
.L_overlay_start_1:
0x0: {  	(tag) =	ssettag $0x1  }
0x1: {  	s1 =	srdreg.scid;
	s0 =	stileid.u32  }
0x2: {  	s17 =	sand.u32 $0x1, s1;
	s26 =	sshll.u32 s0, $0x1  }
0x3: {  	s9 =	sor.u32 s17, s26  }
0x4: {  	s10 =	rddreg [dreg:$0x0];
	s18 =	smul.u32 $0x140, s9  }
0x5: {  	s2 =	simm.s32 $0x0;
	s1 =	rddreg [dreg:$0x1]  }
0x6: {  	[smem:$0x7FF] =	sst s2;
	s16 =	sadd.s32 $0x48000, s10;
	s3 =	sshrl.u32 s18, $0x3  }
0x7: {  	_ =	strace $0x8000004D;
	s4 =	sadd.s32 s16, s3;
	s3 =	simm.s32 $0x2  }
0x8: {  	[tilespmem:s2], [sflag:$0x2] =	stream.linear.gather [hbm4b:s4+s2], $0x40, $0x38;
	[tilespmem:$0x2080] =	vst v63  }
0x9: {  	_ =	swait.ge [sflag:s3], $0x40  }
0xa: {  	s6 =	simm.s32 $0x40;
	s7 =	simm.s32 $0x80;
	[sflag:s3] =	ssyncset.done $0x0  }
0xb: {  	s8 =	simm.s32 $0x1;
	s5 =	sadd.s32 $0x68600, s10;
	[sflag:s3] =	ssyncadd.s32 $0xFFFFFFC0  }
0xc: {  	[tilespmem:s7], [sflag:$0x1] =	stream.indirect.gather [hbm4b:s5+s6], $0x80, s2, s6, $0xb8;
	[tilespmem:$0x2080] =	vst v63  }
0xd: {  	s9 =	smul.u32 $0x1400, s9;
	_ =	swait.ge [sflag:s8], $0x2000  }
0xe: {  	s19 =	sadd.s32 $0x88600, s10;
	[sflag:s8] =	ssyncset.done $0x0  }
0xf: {  	s9 =	sadd.s32 s19, s9;
	[sflag:s8] =	ssyncadd.s32 $0xFFFFE000  }
0x10: {  	[hbm4b:s9+s2] =	stream.linear.scatter [tilespmem:s7], [sflag:$0x2], $0x2000, $0x38;
	[tilespmem:$0x2080] =	vst v63  }
0x11: {  	s11 =	sadd.s32 $0x40, s18;
	_ =	swait.ge [sflag:s3], $0x2000  }
0x12: {  	s28 =	sshrl.u32 s11, $0x3;
	[sflag:s3] =	ssyncset.done $0x0  }
0x13: {  	s10 =	sadd.s32 s16, s28;
	[sflag:s3] =	ssyncadd.s32 $0xFFFFE000  }
0x14: {  	[tilespmem:s2], [sflag:$0x2] =	stream.linear.gather [hbm4b:s10+s2], $0x40, $0x38;
	[tilespmem:$0x2080] =	vst v63  }
0x15: {  	_ =	swait.ge [sflag:s3], $0x40  }
0x16: {  	[sflag:s3] =	ssyncset.done $0x0  }
0x17: {  	[sflag:s3] =	ssyncadd.s32 $0xFFFFFFC0  }
0x18: {  	[tilespmem:s7], [sflag:$0x1] =	stream.indirect.gather [hbm4b:s5+s6], $0x80, s2, s6, $0xb8;
	[tilespmem:$0x2080] =	vst v63  }
0x19: {  	_ =	swait.ge [sflag:s8], $0x2000  }
0x1a: {  	s11 =	sshll.u32 s11, $0x4;
	[sflag:s8] =	ssyncset.done $0x0  }
0x1b: {  	s11 =	sadd.s32 s19, s11;
	[sflag:s8] =	ssyncadd.s32 $0xFFFFE000  }
0x1c: {  	[hbm4b:s11+s2] =	stream.linear.scatter [tilespmem:s7], [sflag:$0x2], $0x2000, $0x38;
	[tilespmem:$0x2080] =	vst v63  }
0x1d: {  	s13 =	sadd.s32 $0x80, s18;
	_ =	swait.ge [sflag:s3], $0x2000  }
0x1e: {  	s12 =	sshrl.u32 s13, $0x3;
	[sflag:s3] =	ssyncset.done $0x0  }
0x1f: {  	s12 =	sadd.s32 s16, s12;
	[sflag:s3] =	ssyncadd.s32 $0xFFFFE000  }
0x20: {  	[tilespmem:s2], [sflag:$0x2] =	stream.linear.gather [hbm4b:s12+s2], $0x40, $0x38;
	[tilespmem:$0x2080] =	vst v63  }
0x21: {  	_ =	swait.ge [sflag:s3], $0x40  }
0x22: {  	[sflag:s3] =	ssyncset.done $0x0  }
0x23: {  	[sflag:s3] =	ssyncadd.s32 $0xFFFFFFC0  }
0x24: {  	[tilespmem:s7], [sflag:$0x1] =	stream.indirect.gather [hbm4b:s5+s6], $0x80, s2, s6, $0xb8;
	[tilespmem:$0x2080] =	vst v63  }
0x25: {  	_ =	swait.ge [sflag:s8], $0x2000  }
0x26: {  	s13 =	sshll.u32 s13, $0x4;
	[sflag:s8] =	ssyncset.done $0x0  }
0x27: {  	s13 =	sadd.s32 s19, s13;
	[sflag:s8] =	ssyncadd.s32 $0xFFFFE000  }
0x28: {  	[hbm4b:s13+s2] =	stream.linear.scatter [tilespmem:s7], [sflag:$0x2], $0x2000, $0x38;
	[tilespmem:$0x2080] =	vst v63  }
0x29: {  	s15 =	sadd.s32 $0xC0, s18;
	_ =	swait.ge [sflag:s3], $0x2000  }
0x2a: {  	s14 =	sshrl.u32 s15, $0x3;
	[sflag:s3] =	ssyncset.done $0x0  }
0x2b: {  	s14 =	sadd.s32 s16, s14;
	[sflag:s3] =	ssyncadd.s32 $0xFFFFE000  }
0x2c: {  	[tilespmem:s2], [sflag:$0x2] =	stream.linear.gather [hbm4b:s14+s2], $0x40, $0x38;
	[tilespmem:$0x2080] =	vst v63  }
0x2d: {  	_ =	swait.ge [sflag:s3], $0x40  }
0x2e: {  	[sflag:s3] =	ssyncset.done $0x0  }
0x2f: {  	[sflag:s3] =	ssyncadd.s32 $0xFFFFFFC0  }
0x30: {  	[tilespmem:s7], [sflag:$0x1] =	stream.indirect.gather [hbm4b:s5+s6], $0x80, s2, s6, $0xb8;
	[tilespmem:$0x2080] =	vst v63  }
0x31: {  	_ =	swait.ge [sflag:s8], $0x2000  }
0x32: {  	s15 =	sshll.u32 s15, $0x4;
	[sflag:s8] =	ssyncset.done $0x0  }
0x33: {  	s15 =	sadd.s32 s19, s15;
	[sflag:s8] =	ssyncadd.s32 $0xFFFFE000  }
0x34: {  	[hbm4b:s15+s2] =	stream.linear.scatter [tilespmem:s7], [sflag:$0x2], $0x2000, $0x38;
	[tilespmem:$0x2080] =	vst v63  }
0x35: {  	s18 =	sadd.s32 $0x100, s18;
	_ =	swait.ge [sflag:s3], $0x2000  }
0x36: {  	s20 =	sshrl.u32 s18, $0x3;
	[sflag:s3] =	ssyncset.done $0x0  }
0x37: {  	s17 =	ssub.s32 $0x2, s17;
	s16 =	sadd.s32 s16, s20;
	[sflag:s3] =	ssyncadd.s32 $0xFFFFE000  }
0x38: {  	[tilespmem:s2], [sflag:$0x2] =	stream.linear.gather [hbm4b:s16+s2], $0x40, $0x38;
	[tilespmem:$0x2080] =	vst v63  }
0x39: {  	s29 =	sshrl.u32 s17, $0x1;
	_ =	swait.ge [sflag:s3], $0x40  }
0x3a: {  	s20 =	ssub.s32 s17, s29;
	[sflag:s3] =	ssyncset.done $0x0  }
0x3b: {  	s31 =	smax.u32 s20, $0x1;
	[sflag:s3] =	ssyncadd.s32 $0xFFFFFFC0  }
0x3c: {  	[tilespmem:s7], [sflag:$0x1] =	stream.indirect.gather [hbm4b:s5+s6], $0x80, s2, s6, $0xb8;
	[tilespmem:$0x2080] =	vst v63  }
0x3d: {  	p0 =	sne.s32 s31, $0x1;
	_ =	swait.ge [sflag:s8], $0x2000  }
.Ltmp0:
0x3e: {  	s30 =	sshll.u32 s18, $0x4;
	[sflag:s8] =	ssyncset.done $0x0;
	(pc) =	sbr.rel @!p0 .LBB2_2-.Ltmp0, $4  }
0x3f: {  	s17 =	sadd.s32 s19, s30;
	[sflag:s8] =	ssyncadd.s32 $0xFFFFE000  }
0x40: {  	[hbm4b:s17+s2] =	stream.linear.scatter [tilespmem:s7], [sflag:$0x2], $0x2000, $0x38;
	[tilespmem:$0x2080] =	vst v63  }
0x41: {  	_ =	swait.ge [sflag:s3], $0x2000  }
0x42: {  	s18 =	sadd.s32 $0xFFFFFFFF, s31;
	[sflag:s3] =	ssyncset.done $0x0  }
.LBB2_1:
0x43: {  	p0 =	sne.s32 s18, $0x1;
	s18 =	sadd.s32 $0xFFFFFFFF, s18;
	[sflag:s3] =	ssyncadd.s32 $0xFFFFE000  }
0x44: {  	[tilespmem:s2], [sflag:$0x2] =	stream.linear.gather [hbm4b:s4+s2], $0x40, $0x38;
	[tilespmem:$0x2080] =	vst v63  }
0x45: {  	_ =	swait.ge [sflag:s3], $0x40  }
0x46: {  	[sflag:s3] =	ssyncset.done $0x0  }
0x47: {  	[sflag:s3] =	ssyncadd.s32 $0xFFFFFFC0  }
0x48: {  	[tilespmem:s7], [sflag:$0x1] =	stream.indirect.gather [hbm4b:s5+s6], $0x80, s2, s6, $0xb8;
	[tilespmem:$0x2080] =	vst v63  }
0x49: {  	_ =	swait.ge [sflag:s8], $0x2000  }
0x4a: {  	[sflag:s8] =	ssyncset.done $0x0  }
0x4b: {  	[sflag:s8] =	ssyncadd.s32 $0xFFFFE000  }
0x4c: {  	[hbm4b:s9+s2] =	stream.linear.scatter [tilespmem:s7], [sflag:$0x2], $0x2000, $0x38;
	[tilespmem:$0x2080] =	vst v63  }
0x4d: {  	_ =	swait.ge [sflag:s3], $0x2000  }
0x4e: {  	[sflag:s3] =	ssyncset.done $0x0  }
0x4f: {  	[sflag:s3] =	ssyncadd.s32 $0xFFFFE000  }
0x50: {  	[tilespmem:s2], [sflag:$0x2] =	stream.linear.gather [hbm4b:s10+s2], $0x40, $0x38;
	[tilespmem:$0x2080] =	vst v63  }
0x51: {  	_ =	swait.ge [sflag:s3], $0x40  }
0x52: {  	[sflag:s3] =	ssyncset.done $0x0  }
0x53: {  	[sflag:s3] =	ssyncadd.s32 $0xFFFFFFC0  }
0x54: {  	[tilespmem:s7], [sflag:$0x1] =	stream.indirect.gather [hbm4b:s5+s6], $0x80, s2, s6, $0xb8;
	[tilespmem:$0x2080] =	vst v63  }
0x55: {  	_ =	swait.ge [sflag:s8], $0x2000  }
0x56: {  	[sflag:s8] =	ssyncset.done $0x0  }
0x57: {  	[sflag:s8] =	ssyncadd.s32 $0xFFFFE000  }
0x58: {  	[hbm4b:s11+s2] =	stream.linear.scatter [tilespmem:s7], [sflag:$0x2], $0x2000, $0x38;
	[tilespmem:$0x2080] =	vst v63  }
0x59: {  	_ =	swait.ge [sflag:s3], $0x2000  }
0x5a: {  	[sflag:s3] =	ssyncset.done $0x0  }
0x5b: {  	[sflag:s3] =	ssyncadd.s32 $0xFFFFE000  }
0x5c: {  	[tilespmem:s2], [sflag:$0x2] =	stream.linear.gather [hbm4b:s12+s2], $0x40, $0x38;
	[tilespmem:$0x2080] =	vst v63  }
0x5d: {  	_ =	swait.ge [sflag:s3], $0x40  }
0x5e: {  	[sflag:s3] =	ssyncset.done $0x0  }
0x5f: {  	[sflag:s3] =	ssyncadd.s32 $0xFFFFFFC0  }
0x60: {  	[tilespmem:s7], [sflag:$0x1] =	stream.indirect.gather [hbm4b:s5+s6], $0x80, s2, s6, $0xb8;
	[tilespmem:$0x2080] =	vst v63  }
0x61: {  	_ =	swait.ge [sflag:s8], $0x2000  }
0x62: {  	[sflag:s8] =	ssyncset.done $0x0  }
0x63: {  	[sflag:s8] =	ssyncadd.s32 $0xFFFFE000  }
0x64: {  	[hbm4b:s13+s2] =	stream.linear.scatter [tilespmem:s7], [sflag:$0x2], $0x2000, $0x38;
	[tilespmem:$0x2080] =	vst v63  }
0x65: {  	_ =	swait.ge [sflag:s3], $0x2000  }
0x66: {  	[sflag:s3] =	ssyncset.done $0x0  }
0x67: {  	[sflag:s3] =	ssyncadd.s32 $0xFFFFE000  }
0x68: {  	[tilespmem:s2], [sflag:$0x2] =	stream.linear.gather [hbm4b:s14+s2], $0x40, $0x38;
	[tilespmem:$0x2080] =	vst v63  }
0x69: {  	_ =	swait.ge [sflag:s3], $0x40  }
0x6a: {  	[sflag:s3] =	ssyncset.done $0x0  }
0x6b: {  	[sflag:s3] =	ssyncadd.s32 $0xFFFFFFC0  }
0x6c: {  	[tilespmem:s7], [sflag:$0x1] =	stream.indirect.gather [hbm4b:s5+s6], $0x80, s2, s6, $0xb8;
	[tilespmem:$0x2080] =	vst v63  }
0x6d: {  	_ =	swait.ge [sflag:s8], $0x2000  }
0x6e: {  	[sflag:s8] =	ssyncset.done $0x0  }
0x6f: {  	[sflag:s8] =	ssyncadd.s32 $0xFFFFE000  }
0x70: {  	[hbm4b:s15+s2] =	stream.linear.scatter [tilespmem:s7], [sflag:$0x2], $0x2000, $0x38;
	[tilespmem:$0x2080] =	vst v63  }
0x71: {  	_ =	swait.ge [sflag:s3], $0x2000  }
0x72: {  	[sflag:s3] =	ssyncset.done $0x0  }
0x73: {  	[sflag:s3] =	ssyncadd.s32 $0xFFFFE000  }
0x74: {  	[tilespmem:s2], [sflag:$0x2] =	stream.linear.gather [hbm4b:s16+s2], $0x40, $0x38;
	[tilespmem:$0x2080] =	vst v63  }
0x75: {  	_ =	swait.ge [sflag:s3], $0x40  }
0x76: {  	[sflag:s3] =	ssyncset.done $0x0  }
0x77: {  	[sflag:s3] =	ssyncadd.s32 $0xFFFFFFC0  }
0x78: {  	[tilespmem:s7], [sflag:$0x1] =	stream.indirect.gather [hbm4b:s5+s6], $0x80, s2, s6, $0xb8;
	[tilespmem:$0x2080] =	vst v63  }
0x79: {  	_ =	swait.ge [sflag:s8], $0x2000  }
.Ltmp1:
0x7a: {  	[sflag:s8] =	ssyncset.done $0x0;
	(pc) =	sbr.rel @p0 .LBB2_1-.Ltmp1, $4  }
0x7b: {  	[sflag:s8] =	ssyncadd.s32 $0xFFFFE000  }
0x7c: {  	[hbm4b:s17+s2] =	stream.linear.scatter [tilespmem:s7], [sflag:$0x2], $0x2000, $0x38;
	[tilespmem:$0x2080] =	vst v63  }
0x7d: {  	_ =	swait.ge [sflag:s3], $0x2000  }
0x7e: {  	[sflag:s3] =	ssyncset.done $0x0  }
.LBB2_2:
0x7f: {  	[sflag:s3] =	ssyncadd.s32 $0xFFFFE000  }
0x80: {  	_ =	sfence.sel $0x180000  }
0x81: {  	[bflag:$0x0] =	sbarrier.arrive $0xFFFF  }
0x82: {  	p0 =	sne.s32 s0, $0x0;
	_ =	strace $0x9000004D  }
0x83: {  	s0 =	sadd.s32 @!p0 $0x100000, s1;
	[bflag:$0x2] =	sbarrier.arrive $0xFFFF  }
0x84: {  	[sflag:s0] =	ssyncadd.tile.s32 @!p0 $0x1;
	_ =	shalt  }
.Lfunc_end2:
_tile_overlayer_lowered:
.L_overlay_start_2:
0x85: {  	(tag) =	ssettag $0x2  }
0x86: {  	s0 =	rddreg [dreg:$0x0];
	s2 =	stileid.u32  }
0x87: {  	s1 =	rddreg [dreg:$0x1];
	p0 =	sne.s32 s2, $0x0  }
0x88: {  	s3 =	rddreg [dreg:$0x2];
	[bflag:$0x3] =	sbarrier.arrive $0xFFFF;
	s2 =	simm.s32 @!p0 $0x1C02  }
0x89: {  	[timem:s3], [sflag:s2] =	dma.local @!p0 [hbm:s0], s1  }
0x8a: {  	s0 =	simm.s32 @!p0 $0x2  }
0x8b: {  	_ =	swait.ge @!p0 [sflag:s0], s1  }
0x8c: {  	s1 =	ssub.s32 @!p0 $0x0, s1;
	[sflag:s0] =	ssyncset.done @!p0 $0x0  }
0x8d: {  	[sflag:s0] =	ssyncadd.s32 @!p0 s1  }
0x8e: {  	[bflag:$0x3] =	sbarrier.arrive $0xFFFF  }
0x8f: {  	_ =	shalt  }

// kernel: branch_1_fun.17.cloned.1.call-start
scs
__scs_entry_jumppad:
0x0: {  	(pc) =	sbr.rel $0x88, $3  }
0x1: {  	(tag) =	ssettag $0x0;
	lr =	simm.s32 $0x1  }
0x2: {  	[smem:$0x3F8B] =	sst lr;
	_ =	strace $0xD0000000  }
0x3: {  	_ = 	snop  }
0x4: {  	_ = 	snop  }
0x5: {  	_ = 	snop  }
0x6: {  	_ = 	snop  }
0x7: {  	_ = 	snop  }
__scs_overlays_trampoline_lowered:
0x8: {  	[smem:$0x3F9A] =	sst s0  }
0x9: {  	[smem:$0x3F9B] =	sst s1  }
0xa: {  	[smem:$0x3F9C] =	sst s2  }
0xb: {  	[smem:$0x3F9D] =	sst s3  }
0xc: {  	[smem:$0x3F9E] =	sst s4  }
0xd: {  	[smem:$0x3F9F] =	sst s5  }
0xe: {  	[smem:$0x3FA0] =	sst s6  }
0xf: {  	[smem:$0x3FA1] =	sst s7  }
0x10: {  	[smem:$0x3FA2] =	sst s8  }
0x11: {  	[smem:$0x3FA3] =	sst s9;
	s0 =	simm.s32 @!p0 $0x0  }
0x12: {  	s1 =	sld [smem:$0x3F89];
	s0 =	simm.s32 @p0 $0x1  }
0x13: {  	[smem:$0x3FA4] =	sst s0;
	s0 =	simm.s32 @!p1 $0x0  }
0x14: {  	s2 =	sld [smem:$0x3F88];
	s0 =	simm.s32 @p1 $0x1  }
0x15: {  	[smem:$0x3FA5] =	sst s0;
	s0 =	simm.s32 @!p2 $0x0  }
0x16: {  	s3 =	sld [smem:$0x3FDB];
	s0 =	simm.s32 @p2 $0x1  }
0x17: {  	s4 =	simm.s32 $0x1BF5;
	[smem:$0x3FA7] =	sst s0  }
0x18: {  	s0 =	sld [smem:$0x3F8A];
	_ =	swait.ge [sflag:s4], $0x0  }
0x19: {  	s7 =	sld [smem:$0x3F8B]  }
0x1a: {  	s8 =	sadd.s32 $0xFFFFE003, lr  }
0x1b: {  	s9 =	sadd.s32 $0xFFFFFEF7, lr;
	s5 =	simm.s32 $0xFFFFFFFF;
	p2 =	slt.u32 s8, $0xFFFFF086  }
0x1c: {  	p1 =	slt.u32 s9, $0xF7A;
	s5 =	simm.s32 @!p2 $0x0  }
0x1d: {  	s5 =	simm.s32 @p1 $0x1;
	p0 =	seq.s32 s7, s2  }
0x1e: {  	s7 =	smul.u32 @!p0 $0xF7A, s2;
	p2 =	seq.s32 @!p0 s5, $0x0  }
0x1f: {  	s9 =	smul.u32 $0xF7A, s1;
	s8 =	simm.s32 @!p0 $0x1BF5;
	p2 =	por !p2, p0  }
0x20: {  	[sflag:s8] =	ssyncset.s32 @!p0 $0xFFFFF086;
	s6 =	sadd.s32 @!p0 s3, s7;
	s7 =	simm.s32 @!p0 $0x108  }
0x21: {  	s3 =	sadd.s32 s3, s9;
	s6 =	sadd.s32 @!p0 $0x88, s6;
	s7 =	simm.s32 @p2 $0x1082  }
0x22: {  	[simem:s7], [sflag:s8] =	dma.local @!p0 [hbm:s6], $0xF7A  }
0x23: {  	s9 =	sor.u32 $0xD0000000, s2;
	s6 =	simm.s32 $0x108;
	_ =	swait.ge @!p0 [sflag:s8], $0x0  }
0x24: {  	s3 =	sadd.s32 $0x88, s3;
	s6 =	simm.s32 @!p1 $0x1082;
	[sflag:s4] =	ssyncset.s32 $0xFFFFF086  }
0x25: {  	[simem:s6], [sflag:s4] =	dma.local [hbm:s3], $0xF7A  }
0x26: {  	[smem:$0x3F8B] =	sst s1;
	(tag) =	ssettag s2;
	_ =	strace s9  }
0x27: {  	s1 =	sld [smem:$0x3F9B]  }
0x28: {  	s2 =	sld [smem:$0x3F9C]  }
0x29: {  	s4 =	sld [smem:$0x3F9E]  }
0x2a: {  	p0 =	seq.s32 s5, $0x0;
	s5 =	sld [smem:$0x3F9F]  }
0x2b: {  	s6 =	sld [smem:$0x3FA0]  }
0x2c: {  	s7 =	sld [smem:$0x3FA1]  }
0x2d: {  	s3 =	simm.s32 $0x108;
	s8 =	sld [smem:$0x3FA2]  }
0x2e: {  	s3 =	simm.s32 @!p0 $0x1082;
	s9 =	sld [smem:$0x3FA3]  }
0x2f: {  	lr =	sadd.s32 s0, s3;
	s0 =	sld [smem:$0x3F9A]  }
0x30: {  	s3 =	sld [smem:$0x3F9D]  }
0x31: {  	[smem:$0x3FA6] =	sst s10  }
0x32: {  	s10 =	sld [smem:$0x3FA4];
	_ =	sdelay $0x3  }
0x33: {  	p0 =	seq.s32 s10, $0x1;
	s10 =	sld [smem:$0x3FA6];
	_ =	sdelay $0x3  }
0x34: {  	[smem:$0x3FA6] =	sst s10  }
0x35: {  	s10 =	sld [smem:$0x3FA5];
	_ =	sdelay $0x3  }
0x36: {  	p1 =	seq.s32 s10, $0x1;
	s10 =	sld [smem:$0x3FA6];
	_ =	sdelay $0x3  }
0x37: {  	[smem:$0x3FA6] =	sst s10  }
0x38: {  	s10 =	sld [smem:$0x3FA7]  }
0x39: {  	_ = 	snop;
	(pc) =	sbr.ind lr, $3  }
0x3a: {  	_ = 	snop  }
0x3b: {  	_ = 	snop  }
0x3c: {  	p2 =	seq.s32 s10, $0x1;
	s10 =	sld [smem:$0x3FA6]  }
0x3d: {  	_ =	shalt  }
0x3e: {  	_ =	shalt  }
0x3f: {  	_ =	shalt  }
0x40: {  	_ =	shalt  }
0x41: {  	_ =	shalt  }
0x42: {  	_ =	shalt  }
0x43: {  	_ =	shalt  }
0x44: {  	_ =	shalt  }
0x45: {  	_ =	shalt  }
0x46: {  	_ =	shalt  }
0x47: {  	_ =	shalt  }
0x48: {  	_ =	shalt  }
0x49: {  	_ =	shalt  }
0x4a: {  	_ =	shalt  }
0x4b: {  	_ =	shalt  }
0x4c: {  	_ =	shalt  }
0x4d: {  	_ =	shalt  }
0x4e: {  	_ =	shalt  }
0x4f: {  	_ =	shalt  }
0x50: {  	_ =	shalt  }
0x51: {  	_ =	shalt  }
0x52: {  	_ =	shalt  }
0x53: {  	_ =	shalt  }
0x54: {  	_ =	shalt  }
0x55: {  	_ =	shalt  }
0x56: {  	_ =	shalt  }
0x57: {  	_ =	shalt  }
0x58: {  	_ =	shalt  }
0x59: {  	_ =	shalt  }
0x5a: {  	_ =	shalt  }
0x5b: {  	_ =	shalt  }
0x5c: {  	_ =	shalt  }
0x5d: {  	_ =	shalt  }
0x5e: {  	_ =	shalt  }
0x5f: {  	_ =	shalt  }
0x60: {  	_ =	shalt  }
0x61: {  	_ =	shalt  }
0x62: {  	_ =	shalt  }
0x63: {  	_ =	shalt  }
0x64: {  	_ =	shalt  }
0x65: {  	_ =	shalt  }
0x66: {  	_ =	shalt  }
0x67: {  	_ =	shalt  }
0x68: {  	_ =	shalt  }
0x69: {  	_ =	shalt  }
0x6a: {  	_ =	shalt  }
0x6b: {  	_ =	shalt  }
0x6c: {  	_ =	shalt  }
0x6d: {  	_ =	shalt  }
0x6e: {  	_ =	shalt  }
0x6f: {  	_ =	shalt  }
0x70: {  	_ =	shalt  }
0x71: {  	_ =	shalt  }
0x72: {  	_ =	shalt  }
0x73: {  	_ =	shalt  }
0x74: {  	_ =	shalt  }
0x75: {  	_ =	shalt  }
0x76: {  	_ =	shalt  }
0x77: {  	_ =	shalt  }
0x78: {  	_ =	shalt  }
0x79: {  	_ =	shalt  }
0x7a: {  	_ =	shalt  }
0x7b: {  	_ =	shalt  }
0x7c: {  	_ =	shalt  }
0x7d: {  	_ =	shalt  }
0x7e: {  	_ =	shalt  }
0x7f: {  	_ =	shalt  }
0x80: {  	_ =	shalt  }
0x81: {  	_ =	shalt  }
0x82: {  	_ =	shalt  }
0x83: {  	_ =	shalt  }
0x84: {  	_ =	shalt  }
0x85: {  	_ =	shalt  }
0x86: {  	_ =	shalt  }
0x87: {  	_ =	shalt  }
.Lfunc_end0:
.L_simem_size_0:
called_computation.3_lowered:
.L_overlay_start_0:
0x88: {  	s2 =	sld [smem:$0x3FD9]  }
0x89: {  	s3 =	sld [smem:$0x3FFE];
	_ =	sdelay $0x1  }
0x8a: {  	s1 =	srdreg.scid  }
0x8b: {  	s0 =	sand.u32 $0x1, s1  }
0x8c: {  	s16 =	sshll.u32 s0, $0xA;
	s2 =	sadd.s32 s3, s2  }
0x8d: {  	s2 =	sadd.s32 s2, s16  }
0x8e: {  	[smem:$0x3FB2] =	sst s2  }
0x8f: {  	_ = 	snop  }
0x90: {  	(tm) =	ssettm $0x1  }
0x91: {  	s17 =	sld [smem:$0x3FFB];
	_ =	sdelay $0x3  }
0x92: {  	_ =	strace s17  }
0x93: {  	s2 =	sld [smem:$0x3FFC];
	_ =	sdelay $0x3  }
0x94: {  	_ =	strace s2  }
0x95: {  	s2 =	sld [smem:$0x3FFD];
	_ =	sdelay $0x3  }
0x96: {  	_ =	strace s2  }
0x97: {  	_ =	strace $0x8FFFFFFF  }
0x98: {  	s18 =	sld [smem:$0x3FDB];
	_ =	sdelay $0x1  }
0x99: {  	s19 =	simm.s32 $_scs_section_size  }
0x9a: {  	s4 =	simm.s32 $_size__tile_overlayer_lowered;
	s5 =	simm.s32 $_tile_overlayer_lowered  }
0x9b: {  	s22 =	simm.s32 $0x1BFF;
	s21 =	sshll.u32 s5, $0x1;
	s2 =	sadd.s32 s19, s18  }
0x9c: {  	s6 =	simm.s32 $0x0;
	s20 =	sshll.u32 s4, $0x1;
	s4 =	sadd.s32 s21, s2  }
0x9d: {  	[timem:s6], [sflag:s22] =	dma.local [hbm:s4], s20  }
0x9e: {  	_ =	swait.ge [sflag:s22], s20  }
0x9f: {  	s3 =	ssub.s32 $0x0, s20;
	[sflag:s22] =	ssyncset.done $0x0  }
0xa0: {  	[sflag:s22] =	ssyncadd.s32 s3;
	_ =	sdelay $0x1  }
0xa1: {  	s23 =	simm.s32 $0x1B8B  }
0xa2: {  	_ =	swait.ge [sflag:s23], $0x1  }
0xa3: {  	[sflag:s23] =	ssyncset.done $0x0  }
0xa4: {  	s25 =	simm.s32 $0x1B8E;
	s24 =	sld [smem:$0x3FFE];
	[sflag:s23] =	ssyncadd.s32 $0xFFFFFFFF  }
0xa5: {  	s26 =	simm.s32 $execute0_lowered;
	[smem:$0x3FD2] =	sst s25  }
0xa6: {  	s4 =	sshll.u32 s26, $0x1;
	_ =	strace $0x8000004F;
	[dreg:$0x1] =	wrdreg $0xFFFFFFFF  }
0xa7: {  	s28 =	simm.s32 $_size_execute0_lowered;
	s2 =	sadd.s32 s2, s4;
	[dreg:$0x0] =	wrdreg $0x0  }
0xa8: {  	s4 =	sshll.u32 s28, $0x1;
	[dreg:$0x2] =	wrdreg s2  }
0xa9: {  	[dreg:$0x3] =	wrdreg s4  }
0xaa: {  	[dreg:$0x4] =	wrdreg $0xC0  }
0xab: {  	_ =	task [dreg:s6], $0x5FFFF  }
0xac: {  	[dreg:$0x1] =	wrdreg $0xFFFFFFFF  }
0xad: {  	[dreg:$0x0] =	wrdreg $0x60  }
0xae: {  	[dreg:$0x2] =	wrdreg s24  }
0xaf: {  	[dreg:$0x3] =	wrdreg $0x9  }
0xb0: {  	_ =	task.clear_ibuf [dreg:s6], $0x4FFFF;
	_ =	strace $0x9000004F  }
0xb1: {  	s29 =	simm.s32 $0x9;
	_ =	strace $0x80000051  }
0xb2: {  	_ =	swait.ge [sflag:s29], $0x1  }
0xb3: {  	[sflag:s29] =	ssyncadd.s32 $0xFFFFFFFF  }
0xb4: {  	_ =	strace $0x90000051  }
0xb5: {  	_ =	sfence  }
0xb6: {  	s30 =	sld [smem:$0x0];
	_ =	sdelay $0x2  }
0xb7: {  	s31 =	sshll.u32 s1, $0xD;
	s1 =	sshrl.u32 s1, $0x2  }
0xb8: {  	s3 =	sand.u32 $0x4000, s31;
	s1 =	sadd.s32 s1, s30  }
0xb9: {  	s0 =	sor.u32 s3, s0;
	s1 =	sshll.u32 s1, $0x11  }
0xba: {  	s0 =	sor.u32 s1, s0  }
0xbb: {  	s0 =	sadd.s32 $0x8F2B, s0  }
0xbc: {  	[sflag:s0] =	ssyncadd.remote.s32 $0x1  }
0xbd: {  	_ =	sfence.sel $0xFFFF  }
0xbe: {  	[dreg:$0x0] =	wrdreg $0xFFFFFFFF;
	(pc) =	sbr.abs _section_cstart, $3  }
0xbf: {  	[dreg:$0x1] =	wrdreg $0xFFFFFFFF  }
0xc0: {  	_ =	task.clear_ibuf [dreg:s6], $0x2FFFF;
	_ =	strace $0x9FFFFFFF  }
0xc1: {  	(tm) =	ssettm $0x7FFFFFFF  }
tec
execute0_lowered:
.L_overlay_start_1:
0x0: {  	(tag) =	ssettag $0x1  }
0x1: {  	s1 =	srdreg.scid  }
0x2: {  	s0 =	stileid.u32;
	s10 =	sand.u32 $0x1, s1  }
0x3: {  	s8 =	rddreg [dreg:$0x0];
	s3 =	sshll.u32 s0, $0x9;
	s4 =	sshll.u32 s10, $0x8  }
0x4: {  	s2 =	simm.s32 $0x0;
	s1 =	rddreg [dreg:$0x1];
	s9 =	sor.u32 s4, s3  }
0x5: {  	[smem:$0x7FF] =	sst s2;
	s11 =	sadd.s32 $0x47C00, s8;
	s3 =	sshrl.u32 s9, $0x3  }
0x6: {  	_ =	strace $0x80000050;
	s4 =	sadd.s32 s11, s3;
	s3 =	simm.s32 $0x2  }
0x7: {  	[tilespmem:s2], [sflag:$0x2] =	stream.linear.gather [hbm4b:s4+s2], $0x80, $0x38;
	[tilespmem:$0x4080] =	vst v63  }
0x8: {  	_ =	swait.ge [sflag:s3], $0x80  }
0x9: {  	s6 =	simm.s32 $0x80;
	[sflag:s3] =	ssyncset.done $0x0  }
0xa: {  	s7 =	simm.s32 $0x1;
	s5 =	sadd.s32 $0x68600, s8;
	[sflag:s3] =	ssyncadd.s32 $0xFFFFFF80  }
0xb: {  	[tilespmem:s6], [sflag:$0x1] =	stream.indirect.gather [hbm4b:s5+s6], $0x80, s2, s6, $0xb8;
	[tilespmem:$0x4080] =	vst v63  }
0xc: {  	_ =	swait.ge [sflag:s7], $0x4000  }
0xd: {  	s12 =	sadd.s32 $0x48600, s8;
	s29 =	sshll.u32 s9, $0x4;
	[sflag:s7] =	ssyncset.done $0x0  }
0xe: {  	s8 =	sadd.s32 s12, s29;
	[sflag:s7] =	ssyncadd.s32 $0xFFFFC000  }
0xf: {  	[hbm4b:s8+s2] =	stream.linear.scatter [tilespmem:s6], [sflag:$0x2], $0x4000, $0x38;
	[tilespmem:$0x4080] =	vst v63  }
0x10: {  	s13 =	sor.u32 $0x80, s9;
	_ =	swait.ge [sflag:s3], $0x4000  }
0x11: {  	s9 =	sshrl.u32 s13, $0x3;
	[sflag:s3] =	ssyncset.done $0x0  }
0x12: {  	s10 =	ssub.s32 $0x2, s10;
	s9 =	sadd.s32 s11, s9;
	[sflag:s3] =	ssyncadd.s32 $0xFFFFC000  }
0x13: {  	[tilespmem:s2], [sflag:$0x2] =	stream.linear.gather [hbm4b:s9+s2], $0x80, $0x38;
	[tilespmem:$0x4080] =	vst v63  }
0x14: {  	s30 =	sshrl.u32 s10, $0x1;
	_ =	swait.ge [sflag:s3], $0x80  }
0x15: {  	s11 =	ssub.s32 s10, s30;
	[sflag:s3] =	ssyncset.done $0x0  }
0x16: {  	s11 =	smax.u32 s11, $0x1;
	[sflag:s3] =	ssyncadd.s32 $0xFFFFFF80  }
0x17: {  	[tilespmem:s6], [sflag:$0x1] =	stream.indirect.gather [hbm4b:s5+s6], $0x80, s2, s6, $0xb8;
	[tilespmem:$0x4080] =	vst v63  }
0x18: {  	p0 =	sne.s32 s11, $0x1;
	_ =	swait.ge [sflag:s7], $0x4000  }
.Ltmp0:
0x19: {  	s31 =	sshll.u32 s13, $0x4;
	[sflag:s7] =	ssyncset.done $0x0;
	(pc) =	sbr.rel @!p0 .LBB2_2-.Ltmp0, $4  }
0x1a: {  	s10 =	sadd.s32 s12, s31;
	[sflag:s7] =	ssyncadd.s32 $0xFFFFC000  }
0x1b: {  	[hbm4b:s10+s2] =	stream.linear.scatter [tilespmem:s6], [sflag:$0x2], $0x4000, $0x38;
	[tilespmem:$0x4080] =	vst v63  }
0x1c: {  	_ =	swait.ge [sflag:s3], $0x4000  }
0x1d: {  	s11 =	sadd.s32 $0xFFFFFFFF, s11;
	[sflag:s3] =	ssyncset.done $0x0  }
.LBB2_1:
0x1e: {  	p0 =	sne.s32 s11, $0x1;
	s11 =	sadd.s32 $0xFFFFFFFF, s11;
	[sflag:s3] =	ssyncadd.s32 $0xFFFFC000  }
0x1f: {  	[tilespmem:s2], [sflag:$0x2] =	stream.linear.gather [hbm4b:s4+s2], $0x80, $0x38;
	[tilespmem:$0x4080] =	vst v63  }
0x20: {  	_ =	swait.ge [sflag:s3], $0x80  }
0x21: {  	[sflag:s3] =	ssyncset.done $0x0  }
0x22: {  	[sflag:s3] =	ssyncadd.s32 $0xFFFFFF80  }
0x23: {  	[tilespmem:s6], [sflag:$0x1] =	stream.indirect.gather [hbm4b:s5+s6], $0x80, s2, s6, $0xb8;
	[tilespmem:$0x4080] =	vst v63  }
0x24: {  	_ =	swait.ge [sflag:s7], $0x4000  }
0x25: {  	[sflag:s7] =	ssyncset.done $0x0  }
0x26: {  	[sflag:s7] =	ssyncadd.s32 $0xFFFFC000  }
0x27: {  	[hbm4b:s8+s2] =	stream.linear.scatter [tilespmem:s6], [sflag:$0x2], $0x4000, $0x38;
	[tilespmem:$0x4080] =	vst v63  }
0x28: {  	_ =	swait.ge [sflag:s3], $0x4000  }
0x29: {  	[sflag:s3] =	ssyncset.done $0x0  }
0x2a: {  	[sflag:s3] =	ssyncadd.s32 $0xFFFFC000  }
0x2b: {  	[tilespmem:s2], [sflag:$0x2] =	stream.linear.gather [hbm4b:s9+s2], $0x80, $0x38;
	[tilespmem:$0x4080] =	vst v63  }
0x2c: {  	_ =	swait.ge [sflag:s3], $0x80  }
0x2d: {  	[sflag:s3] =	ssyncset.done $0x0  }
0x2e: {  	[sflag:s3] =	ssyncadd.s32 $0xFFFFFF80  }
0x2f: {  	[tilespmem:s6], [sflag:$0x1] =	stream.indirect.gather [hbm4b:s5+s6], $0x80, s2, s6, $0xb8;
	[tilespmem:$0x4080] =	vst v63  }
0x30: {  	_ =	swait.ge [sflag:s7], $0x4000  }
.Ltmp1:
0x31: {  	[sflag:s7] =	ssyncset.done $0x0;
	(pc) =	sbr.rel @p0 .LBB2_1-.Ltmp1, $4  }
0x32: {  	[sflag:s7] =	ssyncadd.s32 $0xFFFFC000  }
0x33: {  	[hbm4b:s10+s2] =	stream.linear.scatter [tilespmem:s6], [sflag:$0x2], $0x4000, $0x38;
	[tilespmem:$0x4080] =	vst v63  }
0x34: {  	_ =	swait.ge [sflag:s3], $0x4000  }
0x35: {  	[sflag:s3] =	ssyncset.done $0x0  }
.LBB2_2:
0x36: {  	[sflag:s3] =	ssyncadd.s32 $0xFFFFC000  }
0x37: {  	_ =	sfence.sel $0x180000  }
0x38: {  	[bflag:$0x0] =	sbarrier.arrive $0xFFFF  }
0x39: {  	p0 =	sne.s32 s0, $0x0;
	_ =	strace $0x90000050  }
0x3a: {  	s0 =	sadd.s32 @!p0 $0x100000, s1;
	[bflag:$0x2] =	sbarrier.arrive $0xFFFF  }
0x3b: {  	[sflag:s0] =	ssyncadd.tile.s32 @!p0 $0x1;
	_ =	shalt  }
.Lfunc_end2:
_tile_overlayer_lowered:
.L_overlay_start_2:
0x3c: {  	(tag) =	ssettag $0x2  }
0x3d: {  	s0 =	rddreg [dreg:$0x0];
	s2 =	stileid.u32  }
0x3e: {  	s1 =	rddreg [dreg:$0x1];
	p0 =	sne.s32 s2, $0x0  }
0x3f: {  	s3 =	rddreg [dreg:$0x2];
	[bflag:$0x3] =	sbarrier.arrive $0xFFFF;
	s2 =	simm.s32 @!p0 $0x1C02  }
0x40: {  	[timem:s3], [sflag:s2] =	dma.local @!p0 [hbm:s0], s1  }
0x41: {  	s0 =	simm.s32 @!p0 $0x2  }
0x42: {  	_ =	swait.ge @!p0 [sflag:s0], s1  }
0x43: {  	s1 =	ssub.s32 @!p0 $0x0, s1;
	[sflag:s0] =	ssyncset.done @!p0 $0x0  }
0x44: {  	[sflag:s0] =	ssyncadd.s32 @!p0 s1  }
0x45: {  	[bflag:$0x3] =	sbarrier.arrive $0xFFFF  }
0x46: {  	_ =	shalt  }

// kernel: branch_1_fun.8.cloned.1.call-start
scs
__scs_entry_jumppad:
0x0: {  	(pc) =	sbr.rel $0x88, $3  }
0x1: {  	(tag) =	ssettag $0x0;
	lr =	simm.s32 $0x1  }
0x2: {  	[smem:$0x3F8B] =	sst lr;
	_ =	strace $0xD0000000  }
0x3: {  	_ = 	snop  }
0x4: {  	_ = 	snop  }
0x5: {  	_ = 	snop  }
0x6: {  	_ = 	snop  }
0x7: {  	_ = 	snop  }
__scs_overlays_trampoline_lowered:
0x8: {  	[smem:$0x3F9A] =	sst s0  }
0x9: {  	[smem:$0x3F9B] =	sst s1  }
0xa: {  	[smem:$0x3F9C] =	sst s2  }
0xb: {  	[smem:$0x3F9D] =	sst s3  }
0xc: {  	[smem:$0x3F9E] =	sst s4  }
0xd: {  	[smem:$0x3F9F] =	sst s5  }
0xe: {  	[smem:$0x3FA0] =	sst s6  }
0xf: {  	[smem:$0x3FA1] =	sst s7  }
0x10: {  	[smem:$0x3FA2] =	sst s8  }
0x11: {  	[smem:$0x3FA3] =	sst s9;
	s0 =	simm.s32 @!p0 $0x0  }
0x12: {  	s1 =	sld [smem:$0x3F89];
	s0 =	simm.s32 @p0 $0x1  }
0x13: {  	[smem:$0x3FA4] =	sst s0;
	s0 =	simm.s32 @!p1 $0x0  }
0x14: {  	s2 =	sld [smem:$0x3F88];
	s0 =	simm.s32 @p1 $0x1  }
0x15: {  	[smem:$0x3FA5] =	sst s0;
	s0 =	simm.s32 @!p2 $0x0  }
0x16: {  	s3 =	sld [smem:$0x3FDB];
	s0 =	simm.s32 @p2 $0x1  }
0x17: {  	s4 =	simm.s32 $0x1BF5;
	[smem:$0x3FA7] =	sst s0  }
0x18: {  	s0 =	sld [smem:$0x3F8A];
	_ =	swait.ge [sflag:s4], $0x0  }
0x19: {  	s7 =	sld [smem:$0x3F8B]  }
0x1a: {  	s8 =	sadd.s32 $0xFFFFE003, lr  }
0x1b: {  	s9 =	sadd.s32 $0xFFFFFEF7, lr;
	s5 =	simm.s32 $0xFFFFFFFF;
	p2 =	slt.u32 s8, $0xFFFFF086  }
0x1c: {  	p1 =	slt.u32 s9, $0xF7A;
	s5 =	simm.s32 @!p2 $0x0  }
0x1d: {  	s5 =	simm.s32 @p1 $0x1;
	p0 =	seq.s32 s7, s2  }
0x1e: {  	s7 =	smul.u32 @!p0 $0xF7A, s2;
	p2 =	seq.s32 @!p0 s5, $0x0  }
0x1f: {  	s9 =	smul.u32 $0xF7A, s1;
	s8 =	simm.s32 @!p0 $0x1BF5;
	p2 =	por !p2, p0  }
0x20: {  	[sflag:s8] =	ssyncset.s32 @!p0 $0xFFFFF086;
	s6 =	sadd.s32 @!p0 s3, s7;
	s7 =	simm.s32 @!p0 $0x108  }
0x21: {  	s3 =	sadd.s32 s3, s9;
	s6 =	sadd.s32 @!p0 $0x88, s6;
	s7 =	simm.s32 @p2 $0x1082  }
0x22: {  	[simem:s7], [sflag:s8] =	dma.local @!p0 [hbm:s6], $0xF7A  }
0x23: {  	s9 =	sor.u32 $0xD0000000, s2;
	s6 =	simm.s32 $0x108;
	_ =	swait.ge @!p0 [sflag:s8], $0x0  }
0x24: {  	s3 =	sadd.s32 $0x88, s3;
	s6 =	simm.s32 @!p1 $0x1082;
	[sflag:s4] =	ssyncset.s32 $0xFFFFF086  }
0x25: {  	[simem:s6], [sflag:s4] =	dma.local [hbm:s3], $0xF7A  }
0x26: {  	[smem:$0x3F8B] =	sst s1;
	(tag) =	ssettag s2;
	_ =	strace s9  }
0x27: {  	s1 =	sld [smem:$0x3F9B]  }
0x28: {  	s2 =	sld [smem:$0x3F9C]  }
0x29: {  	s4 =	sld [smem:$0x3F9E]  }
0x2a: {  	p0 =	seq.s32 s5, $0x0;
	s5 =	sld [smem:$0x3F9F]  }
0x2b: {  	s6 =	sld [smem:$0x3FA0]  }
0x2c: {  	s7 =	sld [smem:$0x3FA1]  }
0x2d: {  	s3 =	simm.s32 $0x108;
	s8 =	sld [smem:$0x3FA2]  }
0x2e: {  	s3 =	simm.s32 @!p0 $0x1082;
	s9 =	sld [smem:$0x3FA3]  }
0x2f: {  	lr =	sadd.s32 s0, s3;
	s0 =	sld [smem:$0x3F9A]  }
0x30: {  	s3 =	sld [smem:$0x3F9D]  }
0x31: {  	[smem:$0x3FA6] =	sst s10  }
0x32: {  	s10 =	sld [smem:$0x3FA4];
	_ =	sdelay $0x3  }
0x33: {  	p0 =	seq.s32 s10, $0x1;
	s10 =	sld [smem:$0x3FA6];
	_ =	sdelay $0x3  }
0x34: {  	[smem:$0x3FA6] =	sst s10  }
0x35: {  	s10 =	sld [smem:$0x3FA5];
	_ =	sdelay $0x3  }
0x36: {  	p1 =	seq.s32 s10, $0x1;
	s10 =	sld [smem:$0x3FA6];
	_ =	sdelay $0x3  }
0x37: {  	[smem:$0x3FA6] =	sst s10  }
0x38: {  	s10 =	sld [smem:$0x3FA7]  }
0x39: {  	_ = 	snop;
	(pc) =	sbr.ind lr, $3  }
0x3a: {  	_ = 	snop  }
0x3b: {  	_ = 	snop  }
0x3c: {  	p2 =	seq.s32 s10, $0x1;
	s10 =	sld [smem:$0x3FA6]  }
0x3d: {  	_ =	shalt  }
0x3e: {  	_ =	shalt  }
0x3f: {  	_ =	shalt  }
0x40: {  	_ =	shalt  }
0x41: {  	_ =	shalt  }
0x42: {  	_ =	shalt  }
0x43: {  	_ =	shalt  }
0x44: {  	_ =	shalt  }
0x45: {  	_ =	shalt  }
0x46: {  	_ =	shalt  }
0x47: {  	_ =	shalt  }
0x48: {  	_ =	shalt  }
0x49: {  	_ =	shalt  }
0x4a: {  	_ =	shalt  }
0x4b: {  	_ =	shalt  }
0x4c: {  	_ =	shalt  }
0x4d: {  	_ =	shalt  }
0x4e: {  	_ =	shalt  }
0x4f: {  	_ =	shalt  }
0x50: {  	_ =	shalt  }
0x51: {  	_ =	shalt  }
0x52: {  	_ =	shalt  }
0x53: {  	_ =	shalt  }
0x54: {  	_ =	shalt  }
0x55: {  	_ =	shalt  }
0x56: {  	_ =	shalt  }
0x57: {  	_ =	shalt  }
0x58: {  	_ =	shalt  }
0x59: {  	_ =	shalt  }
0x5a: {  	_ =	shalt  }
0x5b: {  	_ =	shalt  }
0x5c: {  	_ =	shalt  }
0x5d: {  	_ =	shalt  }
0x5e: {  	_ =	shalt  }
0x5f: {  	_ =	shalt  }
0x60: {  	_ =	shalt  }
0x61: {  	_ =	shalt  }
0x62: {  	_ =	shalt  }
0x63: {  	_ =	shalt  }
0x64: {  	_ =	shalt  }
0x65: {  	_ =	shalt  }
0x66: {  	_ =	shalt  }
0x67: {  	_ =	shalt  }
0x68: {  	_ =	shalt  }
0x69: {  	_ =	shalt  }
0x6a: {  	_ =	shalt  }
0x6b: {  	_ =	shalt  }
0x6c: {  	_ =	shalt  }
0x6d: {  	_ =	shalt  }
0x6e: {  	_ =	shalt  }
0x6f: {  	_ =	shalt  }
0x70: {  	_ =	shalt  }
0x71: {  	_ =	shalt  }
0x72: {  	_ =	shalt  }
0x73: {  	_ =	shalt  }
0x74: {  	_ =	shalt  }
0x75: {  	_ =	shalt  }
0x76: {  	_ =	shalt  }
0x77: {  	_ =	shalt  }
0x78: {  	_ =	shalt  }
0x79: {  	_ =	shalt  }
0x7a: {  	_ =	shalt  }
0x7b: {  	_ =	shalt  }
0x7c: {  	_ =	shalt  }
0x7d: {  	_ =	shalt  }
0x7e: {  	_ =	shalt  }
0x7f: {  	_ =	shalt  }
0x80: {  	_ =	shalt  }
0x81: {  	_ =	shalt  }
0x82: {  	_ =	shalt  }
0x83: {  	_ =	shalt  }
0x84: {  	_ =	shalt  }
0x85: {  	_ =	shalt  }
0x86: {  	_ =	shalt  }
0x87: {  	_ =	shalt  }
.Lfunc_end0:
.L_simem_size_0:
called_computation_lowered:
.L_overlay_start_0:
0x88: {  	s2 =	sld [smem:$0x3FD9]  }
0x89: {  	s3 =	sld [smem:$0x3FFE];
	_ =	sdelay $0x1  }
0x8a: {  	s1 =	srdreg.scid  }
0x8b: {  	s0 =	sand.u32 $0x1, s1  }
0x8c: {  	s16 =	sshll.u32 s0, $0xA;
	s2 =	sadd.s32 s3, s2  }
0x8d: {  	s2 =	sadd.s32 s2, s16  }
0x8e: {  	[smem:$0x3FB2] =	sst s2  }
0x8f: {  	_ = 	snop  }
0x90: {  	(tm) =	ssettm $0x1  }
0x91: {  	s17 =	sld [smem:$0x3FFB];
	_ =	sdelay $0x3  }
0x92: {  	_ =	strace s17  }
0x93: {  	s2 =	sld [smem:$0x3FFC];
	_ =	sdelay $0x3  }
0x94: {  	_ =	strace s2  }
0x95: {  	s2 =	sld [smem:$0x3FFD];
	_ =	sdelay $0x3  }
0x96: {  	_ =	strace s2  }
0x97: {  	_ =	strace $0x8FFFFFFF  }
0x98: {  	s18 =	sld [smem:$0x3FDB];
	_ =	sdelay $0x1  }
0x99: {  	s19 =	simm.s32 $_scs_section_size  }
0x9a: {  	s4 =	simm.s32 $_size__tile_overlayer_lowered;
	s5 =	simm.s32 $_tile_overlayer_lowered  }
0x9b: {  	s22 =	simm.s32 $0x1BFF;
	s21 =	sshll.u32 s5, $0x1;
	s2 =	sadd.s32 s19, s18  }
0x9c: {  	s6 =	simm.s32 $0x0;
	s20 =	sshll.u32 s4, $0x1;
	s4 =	sadd.s32 s21, s2  }
0x9d: {  	[timem:s6], [sflag:s22] =	dma.local [hbm:s4], s20  }
0x9e: {  	_ =	swait.ge [sflag:s22], s20  }
0x9f: {  	s3 =	ssub.s32 $0x0, s20;
	[sflag:s22] =	ssyncset.done $0x0  }
0xa0: {  	[sflag:s22] =	ssyncadd.s32 s3;
	_ =	sdelay $0x1  }
0xa1: {  	s23 =	simm.s32 $0x1B8B  }
0xa2: {  	_ =	swait.ge [sflag:s23], $0x1  }
0xa3: {  	[sflag:s23] =	ssyncset.done $0x0  }
0xa4: {  	s25 =	simm.s32 $0x1B8E;
	s24 =	sld [smem:$0x3FFE];
	[sflag:s23] =	ssyncadd.s32 $0xFFFFFFFF  }
0xa5: {  	s26 =	simm.s32 $execute0_lowered;
	[smem:$0x3FD2] =	sst s25  }
0xa6: {  	s4 =	sshll.u32 s26, $0x1;
	_ =	strace $0x80000046;
	[dreg:$0x1] =	wrdreg $0xFFFFFFFF  }
0xa7: {  	s28 =	simm.s32 $_size_execute0_lowered;
	s2 =	sadd.s32 s2, s4;
	[dreg:$0x0] =	wrdreg $0x0  }
0xa8: {  	s4 =	sshll.u32 s28, $0x1;
	[dreg:$0x2] =	wrdreg s2  }
0xa9: {  	[dreg:$0x3] =	wrdreg s4  }
0xaa: {  	[dreg:$0x4] =	wrdreg $0xC0  }
0xab: {  	_ =	task [dreg:s6], $0x5FFFF  }
0xac: {  	[dreg:$0x1] =	wrdreg $0xFFFFFFFF  }
0xad: {  	[dreg:$0x0] =	wrdreg $0x60  }
0xae: {  	[dreg:$0x2] =	wrdreg s24  }
0xaf: {  	[dreg:$0x3] =	wrdreg $0x9  }
0xb0: {  	_ =	task.clear_ibuf [dreg:s6], $0x4FFFF;
	_ =	strace $0x90000046  }
0xb1: {  	s29 =	simm.s32 $0x9;
	_ =	strace $0x80000048  }
0xb2: {  	_ =	swait.ge [sflag:s29], $0x1  }
0xb3: {  	[sflag:s29] =	ssyncadd.s32 $0xFFFFFFFF  }
0xb4: {  	_ =	strace $0x90000048  }
0xb5: {  	_ =	sfence  }
0xb6: {  	s30 =	sld [smem:$0x0];
	_ =	sdelay $0x2  }
0xb7: {  	s31 =	sshll.u32 s1, $0xD;
	s1 =	sshrl.u32 s1, $0x2  }
0xb8: {  	s3 =	sand.u32 $0x4000, s31;
	s1 =	sadd.s32 s1, s30  }
0xb9: {  	s0 =	sor.u32 s3, s0;
	s1 =	sshll.u32 s1, $0x11  }
0xba: {  	s0 =	sor.u32 s1, s0  }
0xbb: {  	s0 =	sadd.s32 $0x8F2B, s0  }
0xbc: {  	[sflag:s0] =	ssyncadd.remote.s32 $0x1  }
0xbd: {  	_ =	sfence.sel $0xFFFF  }
0xbe: {  	[dreg:$0x0] =	wrdreg $0xFFFFFFFF;
	(pc) =	sbr.abs _section_cstart, $3  }
0xbf: {  	[dreg:$0x1] =	wrdreg $0xFFFFFFFF  }
0xc0: {  	_ =	task.clear_ibuf [dreg:s6], $0x2FFFF;
	_ =	strace $0x9FFFFFFF  }
0xc1: {  	(tm) =	ssettm $0x7FFFFFFF  }
tec
execute0_lowered:
.L_overlay_start_1:
0x0: {  	(tag) =	ssettag $0x1  }
0x1: {  	s1 =	srdreg.scid;
	s0 =	stileid.u32  }
0x2: {  	s17 =	sand.u32 $0x1, s1;
	s26 =	sshll.u32 s0, $0x1  }
0x3: {  	s9 =	sor.u32 s17, s26  }
0x4: {  	s10 =	rddreg [dreg:$0x0];
	s18 =	smul.u32 $0x140, s9  }
0x5: {  	s2 =	simm.s32 $0x0;
	s1 =	rddreg [dreg:$0x1]  }
0x6: {  	[smem:$0x7FF] =	sst s2;
	s16 =	sadd.s32 $0x48000, s10;
	s3 =	sshrl.u32 s18, $0x3  }
0x7: {  	_ =	strace $0x80000047;
	s4 =	sadd.s32 s16, s3;
	s3 =	simm.s32 $0x2  }
0x8: {  	[tilespmem:s2], [sflag:$0x2] =	stream.linear.gather [hbm4b:s4+s2], $0x40, $0x38;
	[tilespmem:$0x2080] =	vst v63  }
0x9: {  	_ =	swait.ge [sflag:s3], $0x40  }
0xa: {  	s6 =	simm.s32 $0x40;
	s7 =	simm.s32 $0x80;
	[sflag:s3] =	ssyncset.done $0x0  }
0xb: {  	s8 =	simm.s32 $0x1;
	s5 =	sadd.s32 $0x69200, s10;
	[sflag:s3] =	ssyncadd.s32 $0xFFFFFFC0  }
0xc: {  	[tilespmem:s7], [sflag:$0x1] =	stream.indirect.gather [hbm4b:s5+s6], $0x80, s2, s6, $0xb8;
	[tilespmem:$0x2080] =	vst v63  }
0xd: {  	s9 =	smul.u32 $0x1400, s9;
	_ =	swait.ge [sflag:s8], $0x2000  }
0xe: {  	s19 =	sadd.s32 $0x89600, s10;
	[sflag:s8] =	ssyncset.done $0x0  }
0xf: {  	s9 =	sadd.s32 s19, s9;
	[sflag:s8] =	ssyncadd.s32 $0xFFFFE000  }
0x10: {  	[hbm4b:s9+s2] =	stream.linear.scatter [tilespmem:s7], [sflag:$0x2], $0x2000, $0x38;
	[tilespmem:$0x2080] =	vst v63  }
0x11: {  	s11 =	sadd.s32 $0x40, s18;
	_ =	swait.ge [sflag:s3], $0x2000  }
0x12: {  	s28 =	sshrl.u32 s11, $0x3;
	[sflag:s3] =	ssyncset.done $0x0  }
0x13: {  	s10 =	sadd.s32 s16, s28;
	[sflag:s3] =	ssyncadd.s32 $0xFFFFE000  }
0x14: {  	[tilespmem:s2], [sflag:$0x2] =	stream.linear.gather [hbm4b:s10+s2], $0x40, $0x38;
	[tilespmem:$0x2080] =	vst v63  }
0x15: {  	_ =	swait.ge [sflag:s3], $0x40  }
0x16: {  	[sflag:s3] =	ssyncset.done $0x0  }
0x17: {  	[sflag:s3] =	ssyncadd.s32 $0xFFFFFFC0  }
0x18: {  	[tilespmem:s7], [sflag:$0x1] =	stream.indirect.gather [hbm4b:s5+s6], $0x80, s2, s6, $0xb8;
	[tilespmem:$0x2080] =	vst v63  }
0x19: {  	_ =	swait.ge [sflag:s8], $0x2000  }
0x1a: {  	s11 =	sshll.u32 s11, $0x4;
	[sflag:s8] =	ssyncset.done $0x0  }
0x1b: {  	s11 =	sadd.s32 s19, s11;
	[sflag:s8] =	ssyncadd.s32 $0xFFFFE000  }
0x1c: {  	[hbm4b:s11+s2] =	stream.linear.scatter [tilespmem:s7], [sflag:$0x2], $0x2000, $0x38;
	[tilespmem:$0x2080] =	vst v63  }
0x1d: {  	s13 =	sadd.s32 $0x80, s18;
	_ =	swait.ge [sflag:s3], $0x2000  }
0x1e: {  	s12 =	sshrl.u32 s13, $0x3;
	[sflag:s3] =	ssyncset.done $0x0  }
0x1f: {  	s12 =	sadd.s32 s16, s12;
	[sflag:s3] =	ssyncadd.s32 $0xFFFFE000  }
0x20: {  	[tilespmem:s2], [sflag:$0x2] =	stream.linear.gather [hbm4b:s12+s2], $0x40, $0x38;
	[tilespmem:$0x2080] =	vst v63  }
0x21: {  	_ =	swait.ge [sflag:s3], $0x40  }
0x22: {  	[sflag:s3] =	ssyncset.done $0x0  }
0x23: {  	[sflag:s3] =	ssyncadd.s32 $0xFFFFFFC0  }
0x24: {  	[tilespmem:s7], [sflag:$0x1] =	stream.indirect.gather [hbm4b:s5+s6], $0x80, s2, s6, $0xb8;
	[tilespmem:$0x2080] =	vst v63  }
0x25: {  	_ =	swait.ge [sflag:s8], $0x2000  }
0x26: {  	s13 =	sshll.u32 s13, $0x4;
	[sflag:s8] =	ssyncset.done $0x0  }
0x27: {  	s13 =	sadd.s32 s19, s13;
	[sflag:s8] =	ssyncadd.s32 $0xFFFFE000  }
0x28: {  	[hbm4b:s13+s2] =	stream.linear.scatter [tilespmem:s7], [sflag:$0x2], $0x2000, $0x38;
	[tilespmem:$0x2080] =	vst v63  }
0x29: {  	s15 =	sadd.s32 $0xC0, s18;
	_ =	swait.ge [sflag:s3], $0x2000  }
0x2a: {  	s14 =	sshrl.u32 s15, $0x3;
	[sflag:s3] =	ssyncset.done $0x0  }
0x2b: {  	s14 =	sadd.s32 s16, s14;
	[sflag:s3] =	ssyncadd.s32 $0xFFFFE000  }
0x2c: {  	[tilespmem:s2], [sflag:$0x2] =	stream.linear.gather [hbm4b:s14+s2], $0x40, $0x38;
	[tilespmem:$0x2080] =	vst v63  }
0x2d: {  	_ =	swait.ge [sflag:s3], $0x40  }
0x2e: {  	[sflag:s3] =	ssyncset.done $0x0  }
0x2f: {  	[sflag:s3] =	ssyncadd.s32 $0xFFFFFFC0  }
0x30: {  	[tilespmem:s7], [sflag:$0x1] =	stream.indirect.gather [hbm4b:s5+s6], $0x80, s2, s6, $0xb8;
	[tilespmem:$0x2080] =	vst v63  }
0x31: {  	_ =	swait.ge [sflag:s8], $0x2000  }
0x32: {  	s15 =	sshll.u32 s15, $0x4;
	[sflag:s8] =	ssyncset.done $0x0  }
0x33: {  	s15 =	sadd.s32 s19, s15;
	[sflag:s8] =	ssyncadd.s32 $0xFFFFE000  }
0x34: {  	[hbm4b:s15+s2] =	stream.linear.scatter [tilespmem:s7], [sflag:$0x2], $0x2000, $0x38;
	[tilespmem:$0x2080] =	vst v63  }
0x35: {  	s18 =	sadd.s32 $0x100, s18;
	_ =	swait.ge [sflag:s3], $0x2000  }
0x36: {  	s20 =	sshrl.u32 s18, $0x3;
	[sflag:s3] =	ssyncset.done $0x0  }
0x37: {  	s17 =	ssub.s32 $0x2, s17;
	s16 =	sadd.s32 s16, s20;
	[sflag:s3] =	ssyncadd.s32 $0xFFFFE000  }
0x38: {  	[tilespmem:s2], [sflag:$0x2] =	stream.linear.gather [hbm4b:s16+s2], $0x40, $0x38;
	[tilespmem:$0x2080] =	vst v63  }
0x39: {  	s29 =	sshrl.u32 s17, $0x1;
	_ =	swait.ge [sflag:s3], $0x40  }
0x3a: {  	s20 =	ssub.s32 s17, s29;
	[sflag:s3] =	ssyncset.done $0x0  }
0x3b: {  	s31 =	smax.u32 s20, $0x1;
	[sflag:s3] =	ssyncadd.s32 $0xFFFFFFC0  }
0x3c: {  	[tilespmem:s7], [sflag:$0x1] =	stream.indirect.gather [hbm4b:s5+s6], $0x80, s2, s6, $0xb8;
	[tilespmem:$0x2080] =	vst v63  }
0x3d: {  	p0 =	sne.s32 s31, $0x1;
	_ =	swait.ge [sflag:s8], $0x2000  }
.Ltmp0:
0x3e: {  	s30 =	sshll.u32 s18, $0x4;
	[sflag:s8] =	ssyncset.done $0x0;
	(pc) =	sbr.rel @!p0 .LBB2_2-.Ltmp0, $4  }
0x3f: {  	s17 =	sadd.s32 s19, s30;
	[sflag:s8] =	ssyncadd.s32 $0xFFFFE000  }
0x40: {  	[hbm4b:s17+s2] =	stream.linear.scatter [tilespmem:s7], [sflag:$0x2], $0x2000, $0x38;
	[tilespmem:$0x2080] =	vst v63  }
0x41: {  	_ =	swait.ge [sflag:s3], $0x2000  }
0x42: {  	s18 =	sadd.s32 $0xFFFFFFFF, s31;
	[sflag:s3] =	ssyncset.done $0x0  }
.LBB2_1:
0x43: {  	p0 =	sne.s32 s18, $0x1;
	s18 =	sadd.s32 $0xFFFFFFFF, s18;
	[sflag:s3] =	ssyncadd.s32 $0xFFFFE000  }
0x44: {  	[tilespmem:s2], [sflag:$0x2] =	stream.linear.gather [hbm4b:s4+s2], $0x40, $0x38;
	[tilespmem:$0x2080] =	vst v63  }
0x45: {  	_ =	swait.ge [sflag:s3], $0x40  }
0x46: {  	[sflag:s3] =	ssyncset.done $0x0  }
0x47: {  	[sflag:s3] =	ssyncadd.s32 $0xFFFFFFC0  }
0x48: {  	[tilespmem:s7], [sflag:$0x1] =	stream.indirect.gather [hbm4b:s5+s6], $0x80, s2, s6, $0xb8;
	[tilespmem:$0x2080] =	vst v63  }
0x49: {  	_ =	swait.ge [sflag:s8], $0x2000  }
0x4a: {  	[sflag:s8] =	ssyncset.done $0x0  }
0x4b: {  	[sflag:s8] =	ssyncadd.s32 $0xFFFFE000  }
0x4c: {  	[hbm4b:s9+s2] =	stream.linear.scatter [tilespmem:s7], [sflag:$0x2], $0x2000, $0x38;
	[tilespmem:$0x2080] =	vst v63  }
0x4d: {  	_ =	swait.ge [sflag:s3], $0x2000  }
0x4e: {  	[sflag:s3] =	ssyncset.done $0x0  }
0x4f: {  	[sflag:s3] =	ssyncadd.s32 $0xFFFFE000  }
0x50: {  	[tilespmem:s2], [sflag:$0x2] =	stream.linear.gather [hbm4b:s10+s2], $0x40, $0x38;
	[tilespmem:$0x2080] =	vst v63  }
0x51: {  	_ =	swait.ge [sflag:s3], $0x40  }
0x52: {  	[sflag:s3] =	ssyncset.done $0x0  }
0x53: {  	[sflag:s3] =	ssyncadd.s32 $0xFFFFFFC0  }
0x54: {  	[tilespmem:s7], [sflag:$0x1] =	stream.indirect.gather [hbm4b:s5+s6], $0x80, s2, s6, $0xb8;
	[tilespmem:$0x2080] =	vst v63  }
0x55: {  	_ =	swait.ge [sflag:s8], $0x2000  }
0x56: {  	[sflag:s8] =	ssyncset.done $0x0  }
0x57: {  	[sflag:s8] =	ssyncadd.s32 $0xFFFFE000  }
0x58: {  	[hbm4b:s11+s2] =	stream.linear.scatter [tilespmem:s7], [sflag:$0x2], $0x2000, $0x38;
	[tilespmem:$0x2080] =	vst v63  }
0x59: {  	_ =	swait.ge [sflag:s3], $0x2000  }
0x5a: {  	[sflag:s3] =	ssyncset.done $0x0  }
0x5b: {  	[sflag:s3] =	ssyncadd.s32 $0xFFFFE000  }
0x5c: {  	[tilespmem:s2], [sflag:$0x2] =	stream.linear.gather [hbm4b:s12+s2], $0x40, $0x38;
	[tilespmem:$0x2080] =	vst v63  }
0x5d: {  	_ =	swait.ge [sflag:s3], $0x40  }
0x5e: {  	[sflag:s3] =	ssyncset.done $0x0  }
0x5f: {  	[sflag:s3] =	ssyncadd.s32 $0xFFFFFFC0  }
0x60: {  	[tilespmem:s7], [sflag:$0x1] =	stream.indirect.gather [hbm4b:s5+s6], $0x80, s2, s6, $0xb8;
	[tilespmem:$0x2080] =	vst v63  }
0x61: {  	_ =	swait.ge [sflag:s8], $0x2000  }
0x62: {  	[sflag:s8] =	ssyncset.done $0x0  }
0x63: {  	[sflag:s8] =	ssyncadd.s32 $0xFFFFE000  }
0x64: {  	[hbm4b:s13+s2] =	stream.linear.scatter [tilespmem:s7], [sflag:$0x2], $0x2000, $0x38;
	[tilespmem:$0x2080] =	vst v63  }
0x65: {  	_ =	swait.ge [sflag:s3], $0x2000  }
0x66: {  	[sflag:s3] =	ssyncset.done $0x0  }
0x67: {  	[sflag:s3] =	ssyncadd.s32 $0xFFFFE000  }
0x68: {  	[tilespmem:s2], [sflag:$0x2] =	stream.linear.gather [hbm4b:s14+s2], $0x40, $0x38;
	[tilespmem:$0x2080] =	vst v63  }
0x69: {  	_ =	swait.ge [sflag:s3], $0x40  }
0x6a: {  	[sflag:s3] =	ssyncset.done $0x0  }
0x6b: {  	[sflag:s3] =	ssyncadd.s32 $0xFFFFFFC0  }
0x6c: {  	[tilespmem:s7], [sflag:$0x1] =	stream.indirect.gather [hbm4b:s5+s6], $0x80, s2, s6, $0xb8;
	[tilespmem:$0x2080] =	vst v63  }
0x6d: {  	_ =	swait.ge [sflag:s8], $0x2000  }
0x6e: {  	[sflag:s8] =	ssyncset.done $0x0  }
0x6f: {  	[sflag:s8] =	ssyncadd.s32 $0xFFFFE000  }
0x70: {  	[hbm4b:s15+s2] =	stream.linear.scatter [tilespmem:s7], [sflag:$0x2], $0x2000, $0x38;
	[tilespmem:$0x2080] =	vst v63  }
0x71: {  	_ =	swait.ge [sflag:s3], $0x2000  }
0x72: {  	[sflag:s3] =	ssyncset.done $0x0  }
0x73: {  	[sflag:s3] =	ssyncadd.s32 $0xFFFFE000  }
0x74: {  	[tilespmem:s2], [sflag:$0x2] =	stream.linear.gather [hbm4b:s16+s2], $0x40, $0x38;
	[tilespmem:$0x2080] =	vst v63  }
0x75: {  	_ =	swait.ge [sflag:s3], $0x40  }
0x76: {  	[sflag:s3] =	ssyncset.done $0x0  }
0x77: {  	[sflag:s3] =	ssyncadd.s32 $0xFFFFFFC0  }
0x78: {  	[tilespmem:s7], [sflag:$0x1] =	stream.indirect.gather [hbm4b:s5+s6], $0x80, s2, s6, $0xb8;
	[tilespmem:$0x2080] =	vst v63  }
0x79: {  	_ =	swait.ge [sflag:s8], $0x2000  }
.Ltmp1:
0x7a: {  	[sflag:s8] =	ssyncset.done $0x0;
	(pc) =	sbr.rel @p0 .LBB2_1-.Ltmp1, $4  }
0x7b: {  	[sflag:s8] =	ssyncadd.s32 $0xFFFFE000  }
0x7c: {  	[hbm4b:s17+s2] =	stream.linear.scatter [tilespmem:s7], [sflag:$0x2], $0x2000, $0x38;
	[tilespmem:$0x2080] =	vst v63  }
0x7d: {  	_ =	swait.ge [sflag:s3], $0x2000  }
0x7e: {  	[sflag:s3] =	ssyncset.done $0x0  }
.LBB2_2:
0x7f: {  	[sflag:s3] =	ssyncadd.s32 $0xFFFFE000  }
0x80: {  	_ =	sfence.sel $0x180000  }
0x81: {  	[bflag:$0x0] =	sbarrier.arrive $0xFFFF  }
0x82: {  	p0 =	sne.s32 s0, $0x0;
	_ =	strace $0x90000047  }
0x83: {  	s0 =	sadd.s32 @!p0 $0x100000, s1;
	[bflag:$0x2] =	sbarrier.arrive $0xFFFF  }
0x84: {  	[sflag:s0] =	ssyncadd.tile.s32 @!p0 $0x1;
	_ =	shalt  }
.Lfunc_end2:
_tile_overlayer_lowered:
.L_overlay_start_2:
0x85: {  	(tag) =	ssettag $0x2  }
0x86: {  	s0 =	rddreg [dreg:$0x0];
	s2 =	stileid.u32  }
0x87: {  	s1 =	rddreg [dreg:$0x1];
	p0 =	sne.s32 s2, $0x0  }
0x88: {  	s3 =	rddreg [dreg:$0x2];
	[bflag:$0x3] =	sbarrier.arrive $0xFFFF;
	s2 =	simm.s32 @!p0 $0x1C02  }
0x89: {  	[timem:s3], [sflag:s2] =	dma.local @!p0 [hbm:s0], s1  }
0x8a: {  	s0 =	simm.s32 @!p0 $0x2  }
0x8b: {  	_ =	swait.ge @!p0 [sflag:s0], s1  }
0x8c: {  	s1 =	ssub.s32 @!p0 $0x0, s1;
	[sflag:s0] =	ssyncset.done @!p0 $0x0  }
0x8d: {  	[sflag:s0] =	ssyncadd.s32 @!p0 s1  }
0x8e: {  	[bflag:$0x3] =	sbarrier.arrive $0xFFFF  }
0x8f: {  	_ =	shalt  }

// kernel: kernel.10.cloned.1.call-start
scs
__scs_entry_jumppad:
0x0: {  	(pc) =	sbr.rel $0x88, $3  }
0x1: {  	(tag) =	ssettag $0x0;
	lr =	simm.s32 $0x1  }
0x2: {  	[smem:$0x3F8B] =	sst lr;
	_ =	strace $0xD0000000  }
0x3: {  	_ = 	snop  }
0x4: {  	_ = 	snop  }
0x5: {  	_ = 	snop  }
0x6: {  	_ = 	snop  }
0x7: {  	_ = 	snop  }
__scs_overlays_trampoline_lowered:
0x8: {  	[smem:$0x3F9A] =	sst s0  }
0x9: {  	[smem:$0x3F9B] =	sst s1  }
0xa: {  	[smem:$0x3F9C] =	sst s2  }
0xb: {  	[smem:$0x3F9D] =	sst s3  }
0xc: {  	[smem:$0x3F9E] =	sst s4  }
0xd: {  	[smem:$0x3F9F] =	sst s5  }
0xe: {  	[smem:$0x3FA0] =	sst s6  }
0xf: {  	[smem:$0x3FA1] =	sst s7  }
0x10: {  	[smem:$0x3FA2] =	sst s8  }
0x11: {  	[smem:$0x3FA3] =	sst s9;
	s0 =	simm.s32 @!p0 $0x0  }
0x12: {  	s1 =	sld [smem:$0x3F89];
	s0 =	simm.s32 @p0 $0x1  }
0x13: {  	[smem:$0x3FA4] =	sst s0;
	s0 =	simm.s32 @!p1 $0x0  }
0x14: {  	s2 =	sld [smem:$0x3F88];
	s0 =	simm.s32 @p1 $0x1  }
0x15: {  	[smem:$0x3FA5] =	sst s0;
	s0 =	simm.s32 @!p2 $0x0  }
0x16: {  	s3 =	sld [smem:$0x3FDB];
	s0 =	simm.s32 @p2 $0x1  }
0x17: {  	s4 =	simm.s32 $0x1BF5;
	[smem:$0x3FA7] =	sst s0  }
0x18: {  	s0 =	sld [smem:$0x3F8A];
	_ =	swait.ge [sflag:s4], $0x0  }
0x19: {  	s7 =	sld [smem:$0x3F8B]  }
0x1a: {  	s8 =	sadd.s32 $0xFFFFE003, lr  }
0x1b: {  	s9 =	sadd.s32 $0xFFFFFEF7, lr;
	s5 =	simm.s32 $0xFFFFFFFF;
	p2 =	slt.u32 s8, $0xFFFFF086  }
0x1c: {  	p1 =	slt.u32 s9, $0xF7A;
	s5 =	simm.s32 @!p2 $0x0  }
0x1d: {  	s5 =	simm.s32 @p1 $0x1;
	p0 =	seq.s32 s7, s2  }
0x1e: {  	s7 =	smul.u32 @!p0 $0xF7A, s2;
	p2 =	seq.s32 @!p0 s5, $0x0  }
0x1f: {  	s9 =	smul.u32 $0xF7A, s1;
	s8 =	simm.s32 @!p0 $0x1BF5;
	p2 =	por !p2, p0  }
0x20: {  	[sflag:s8] =	ssyncset.s32 @!p0 $0xFFFFF086;
	s6 =	sadd.s32 @!p0 s3, s7;
	s7 =	simm.s32 @!p0 $0x108  }
0x21: {  	s3 =	sadd.s32 s3, s9;
	s6 =	sadd.s32 @!p0 $0x88, s6;
	s7 =	simm.s32 @p2 $0x1082  }
0x22: {  	[simem:s7], [sflag:s8] =	dma.local @!p0 [hbm:s6], $0xF7A  }
0x23: {  	s9 =	sor.u32 $0xD0000000, s2;
	s6 =	simm.s32 $0x108;
	_ =	swait.ge @!p0 [sflag:s8], $0x0  }
0x24: {  	s3 =	sadd.s32 $0x88, s3;
	s6 =	simm.s32 @!p1 $0x1082;
	[sflag:s4] =	ssyncset.s32 $0xFFFFF086  }
0x25: {  	[simem:s6], [sflag:s4] =	dma.local [hbm:s3], $0xF7A  }
0x26: {  	[smem:$0x3F8B] =	sst s1;
	(tag) =	ssettag s2;
	_ =	strace s9  }
0x27: {  	s1 =	sld [smem:$0x3F9B]  }
0x28: {  	s2 =	sld [smem:$0x3F9C]  }
0x29: {  	s4 =	sld [smem:$0x3F9E]  }
0x2a: {  	p0 =	seq.s32 s5, $0x0;
	s5 =	sld [smem:$0x3F9F]  }
0x2b: {  	s6 =	sld [smem:$0x3FA0]  }
0x2c: {  	s7 =	sld [smem:$0x3FA1]  }
0x2d: {  	s3 =	simm.s32 $0x108;
	s8 =	sld [smem:$0x3FA2]  }
0x2e: {  	s3 =	simm.s32 @!p0 $0x1082;
	s9 =	sld [smem:$0x3FA3]  }
0x2f: {  	lr =	sadd.s32 s0, s3;
	s0 =	sld [smem:$0x3F9A]  }
0x30: {  	s3 =	sld [smem:$0x3F9D]  }
0x31: {  	[smem:$0x3FA6] =	sst s10  }
0x32: {  	s10 =	sld [smem:$0x3FA4];
	_ =	sdelay $0x3  }
0x33: {  	p0 =	seq.s32 s10, $0x1;
	s10 =	sld [smem:$0x3FA6];
	_ =	sdelay $0x3  }
0x34: {  	[smem:$0x3FA6] =	sst s10  }
0x35: {  	s10 =	sld [smem:$0x3FA5];
	_ =	sdelay $0x3  }
0x36: {  	p1 =	seq.s32 s10, $0x1;
	s10 =	sld [smem:$0x3FA6];
	_ =	sdelay $0x3  }
0x37: {  	[smem:$0x3FA6] =	sst s10  }
0x38: {  	s10 =	sld [smem:$0x3FA7]  }
0x39: {  	_ = 	snop;
	(pc) =	sbr.ind lr, $3  }
0x3a: {  	_ = 	snop  }
0x3b: {  	_ = 	snop  }
0x3c: {  	p2 =	seq.s32 s10, $0x1;
	s10 =	sld [smem:$0x3FA6]  }
0x3d: {  	_ =	shalt  }
0x3e: {  	_ =	shalt  }
0x3f: {  	_ =	shalt  }
0x40: {  	_ =	shalt  }
0x41: {  	_ =	shalt  }
0x42: {  	_ =	shalt  }
0x43: {  	_ =	shalt  }
0x44: {  	_ =	shalt  }
0x45: {  	_ =	shalt  }
0x46: {  	_ =	shalt  }
0x47: {  	_ =	shalt  }
0x48: {  	_ =	shalt  }
0x49: {  	_ =	shalt  }
0x4a: {  	_ =	shalt  }
0x4b: {  	_ =	shalt  }
0x4c: {  	_ =	shalt  }
0x4d: {  	_ =	shalt  }
0x4e: {  	_ =	shalt  }
0x4f: {  	_ =	shalt  }
0x50: {  	_ =	shalt  }
0x51: {  	_ =	shalt  }
0x52: {  	_ =	shalt  }
0x53: {  	_ =	shalt  }
0x54: {  	_ =	shalt  }
0x55: {  	_ =	shalt  }
0x56: {  	_ =	shalt  }
0x57: {  	_ =	shalt  }
0x58: {  	_ =	shalt  }
0x59: {  	_ =	shalt  }
0x5a: {  	_ =	shalt  }
0x5b: {  	_ =	shalt  }
0x5c: {  	_ =	shalt  }
0x5d: {  	_ =	shalt  }
0x5e: {  	_ =	shalt  }
0x5f: {  	_ =	shalt  }
0x60: {  	_ =	shalt  }
0x61: {  	_ =	shalt  }
0x62: {  	_ =	shalt  }
0x63: {  	_ =	shalt  }
0x64: {  	_ =	shalt  }
0x65: {  	_ =	shalt  }
0x66: {  	_ =	shalt  }
0x67: {  	_ =	shalt  }
0x68: {  	_ =	shalt  }
0x69: {  	_ =	shalt  }
0x6a: {  	_ =	shalt  }
0x6b: {  	_ =	shalt  }
0x6c: {  	_ =	shalt  }
0x6d: {  	_ =	shalt  }
0x6e: {  	_ =	shalt  }
0x6f: {  	_ =	shalt  }
0x70: {  	_ =	shalt  }
0x71: {  	_ =	shalt  }
0x72: {  	_ =	shalt  }
0x73: {  	_ =	shalt  }
0x74: {  	_ =	shalt  }
0x75: {  	_ =	shalt  }
0x76: {  	_ =	shalt  }
0x77: {  	_ =	shalt  }
0x78: {  	_ =	shalt  }
0x79: {  	_ =	shalt  }
0x7a: {  	_ =	shalt  }
0x7b: {  	_ =	shalt  }
0x7c: {  	_ =	shalt  }
0x7d: {  	_ =	shalt  }
0x7e: {  	_ =	shalt  }
0x7f: {  	_ =	shalt  }
0x80: {  	_ =	shalt  }
0x81: {  	_ =	shalt  }
0x82: {  	_ =	shalt  }
0x83: {  	_ =	shalt  }
0x84: {  	_ =	shalt  }
0x85: {  	_ =	shalt  }
0x86: {  	_ =	shalt  }
0x87: {  	_ =	shalt  }
.Lfunc_end0:
.L_simem_size_0:
called_computation.5_lowered:
.L_overlay_start_0:
0x88: {  	s2 =	sld [smem:$0x3FD9]  }
0x89: {  	s3 =	sld [smem:$0x3FFE];
	_ =	sdelay $0x1  }
0x8a: {  	s1 =	srdreg.scid  }
0x8b: {  	s0 =	sand.u32 $0x1, s1  }
0x8c: {  	s16 =	sshll.u32 s0, $0xA;
	s2 =	sadd.s32 s3, s2  }
0x8d: {  	s2 =	sadd.s32 s2, s16  }
0x8e: {  	[smem:$0x3FB2] =	sst s2  }
0x8f: {  	_ = 	snop  }
0x90: {  	(tm) =	ssettm $0x1  }
0x91: {  	s17 =	sld [smem:$0x3FFB];
	_ =	sdelay $0x3  }
0x92: {  	_ =	strace s17  }
0x93: {  	s2 =	sld [smem:$0x3FFC];
	_ =	sdelay $0x3  }
0x94: {  	_ =	strace s2  }
0x95: {  	s2 =	sld [smem:$0x3FFD];
	_ =	sdelay $0x3  }
0x96: {  	_ =	strace s2  }
0x97: {  	_ =	strace $0x8FFFFFFF  }
0x98: {  	s18 =	sld [smem:$0x3FDB];
	_ =	sdelay $0x1  }
0x99: {  	s19 =	simm.s32 $_scs_section_size  }
0x9a: {  	s4 =	simm.s32 $_size__tile_overlayer_lowered;
	s5 =	simm.s32 $_tile_overlayer_lowered  }
0x9b: {  	s22 =	simm.s32 $0x1BFF;
	s21 =	sshll.u32 s5, $0x1;
	s2 =	sadd.s32 s19, s18  }
0x9c: {  	s6 =	simm.s32 $0x0;
	s20 =	sshll.u32 s4, $0x1;
	s4 =	sadd.s32 s21, s2  }
0x9d: {  	[timem:s6], [sflag:s22] =	dma.local [hbm:s4], s20  }
0x9e: {  	_ =	swait.ge [sflag:s22], s20  }
0x9f: {  	s3 =	ssub.s32 $0x0, s20;
	[sflag:s22] =	ssyncset.done $0x0  }
0xa0: {  	[sflag:s22] =	ssyncadd.s32 s3;
	_ =	sdelay $0x1  }
0xa1: {  	s23 =	simm.s32 $0x1B8B  }
0xa2: {  	_ =	swait.ge [sflag:s23], $0x1  }
0xa3: {  	[sflag:s23] =	ssyncset.done $0x0  }
0xa4: {  	s25 =	simm.s32 $0x1B8E;
	s24 =	sld [smem:$0x3FFE];
	[sflag:s23] =	ssyncadd.s32 $0xFFFFFFFF  }
0xa5: {  	s26 =	simm.s32 $execute0_lowered;
	[smem:$0x3FD2] =	sst s25  }
0xa6: {  	s4 =	sshll.u32 s26, $0x1;
	_ =	strace $0x80000055;
	[dreg:$0x1] =	wrdreg $0xFFFFFFFF  }
0xa7: {  	s28 =	simm.s32 $_size_execute0_lowered;
	s2 =	sadd.s32 s2, s4;
	[dreg:$0x0] =	wrdreg $0x0  }
0xa8: {  	s4 =	sshll.u32 s28, $0x1;
	[dreg:$0x2] =	wrdreg s2  }
0xa9: {  	[dreg:$0x3] =	wrdreg s4  }
0xaa: {  	[dreg:$0x4] =	wrdreg $0xC0  }
0xab: {  	_ =	task [dreg:s6], $0x5FFFF  }
0xac: {  	[dreg:$0x1] =	wrdreg $0xFFFFFFFF  }
0xad: {  	[dreg:$0x0] =	wrdreg $0x60  }
0xae: {  	[dreg:$0x2] =	wrdreg s24  }
0xaf: {  	[dreg:$0x3] =	wrdreg $0x9  }
0xb0: {  	_ =	task.clear_ibuf [dreg:s6], $0x4FFFF;
	_ =	strace $0x90000055  }
0xb1: {  	s29 =	simm.s32 $0x9;
	_ =	strace $0x80000057  }
0xb2: {  	_ =	swait.ge [sflag:s29], $0x1  }
0xb3: {  	[sflag:s29] =	ssyncadd.s32 $0xFFFFFFFF  }
0xb4: {  	_ =	strace $0x90000057  }
0xb5: {  	_ =	sfence  }
0xb6: {  	s30 =	sld [smem:$0x0];
	_ =	sdelay $0x2  }
0xb7: {  	s31 =	sshll.u32 s1, $0xD;
	s1 =	sshrl.u32 s1, $0x2  }
0xb8: {  	s3 =	sand.u32 $0x4000, s31;
	s1 =	sadd.s32 s1, s30  }
0xb9: {  	s0 =	sor.u32 s3, s0;
	s1 =	sshll.u32 s1, $0x11  }
0xba: {  	s0 =	sor.u32 s1, s0  }
0xbb: {  	s0 =	sadd.s32 $0x8F2B, s0  }
0xbc: {  	[sflag:s0] =	ssyncadd.remote.s32 $0x1  }
0xbd: {  	_ =	sfence.sel $0xFFFF  }
0xbe: {  	[dreg:$0x0] =	wrdreg $0xFFFFFFFF;
	(pc) =	sbr.abs _section_cstart, $3  }
0xbf: {  	[dreg:$0x1] =	wrdreg $0xFFFFFFFF  }
0xc0: {  	_ =	task.clear_ibuf [dreg:s6], $0x2FFFF;
	_ =	strace $0x9FFFFFFF  }
0xc1: {  	(tm) =	ssettm $0x7FFFFFFF  }
tec
execute0_lowered:
.L_overlay_start_1:
0x0: {  	(tag) =	ssettag $0x1  }
0x1: {  	s5 =	rddreg [dreg:$0x0]  }
0x2: {  	s0 =	rddreg [dreg:$0x1];
	s1 =	simm.s32 $0x0  }
0x3: {  	s2 =	srdreg.scid;
	s10 =	simm.s32 $0x4080;
	s11 =	simm.s32 $0x1  }
0x4: {  	s12 =	simm.s32 $0x0;
	[smem:$0x7FF] =	sst s1;
	s3 =	sadd.s32 $0x27800, s5  }
.Ltmp0:
0x5: {  	s6 =	sand.u32 $0x1, s2;
	s4 =	sadd.s32 $0x47800, s5;
	(pc) =	sbr.rel .LBB2_1-.Ltmp0, $4  }
0x6: {  	s2 =	stileid.u32;
	s5 =	sadd.s32 $0x4C800, s5;
	s7 =	ssub.s32 $0x2, s6  }
0x7: {  	s9 =	sshll.u32 s2, $0x9;
	s6 =	sshll.u32 s6, $0x8;
	s8 =	sshrl.u32 s7, $0x1  }
0x8: {  	_ =	strace $0x80000056;
	s6 =	sor.u32 s6, s9;
	s7 =	ssub.s32 s7, s8  }
0x9: {  	s9 =	simm.s32 $0x80;
	s8 =	simm.s32 $0x2;
	s7 =	smax.u32 s7, $0x1  }
.LBB2_10:
0xa: {  	s12 =	sadd.s32 $0x1, s12  }
0xb: {  	p0 =	sne.s32 s12, s7  }
.Ltmp1:
0xc: {  	_ = 	snop;
	(pc) =	sbr.rel @!p0 .LBB2_11-.Ltmp1, $1  }
0xd: {  	_ =	sdelay $0x3  }
.LBB2_1:
.Ltmp2:
0xe: {  	(pc) =	sbr.rel .LBB2_2-.Ltmp2, $2  }
0xf: {  	_ =	sdelay $0x2  }
0x10: {  	p1 =	por $0x1, $0x1;
	s13 =	simm.s32 $0x0  }
.LBB2_9:
0x11: {  	s13 =	sshll.u32 s13, $0x4  }
.Ltmp3:
0x12: {  	s13 =	sadd.s32 s5, s13;
	(pc) =	sbr.rel @!p0 .LBB2_10-.Ltmp3, $4  }
0x13: {  	[hbm4b:s13+s1] =	stream.linear.scatter [tilespmem:s10], [sflag:$0x2], $0x4000, $0x38;
	[tilespmem:$0x8080] =	vst v63  }
0x14: {  	_ =	swait.ge [sflag:s8], $0x4000  }
0x15: {  	[sflag:s8] =	ssyncset.done $0x0  }
0x16: {  	p1 =	por $0x0, $0x0;
	s13 =	simm.s32 $0x80;
	[sflag:s8] =	ssyncadd.s32 $0xFFFFC000  }
.LBB2_2:
.Ltmp4:
0x17: {  	(pc) =	sbr.rel .LBB2_3-.Ltmp4, $2  }
0x18: {  	_ =	sdelay $0x2  }
0x19: {  	p0 =	por p1, p1;
	s13 =	sor.u32 s6, s13;
	s14 =	simm.s32 $0x0  }
.LBB2_4:
0x1a: {  	[tilespmem:s10], [sflag:$0x1] =	stream.indirect.gather [hbm4b:s3+s9], $0x80, s1, s9, $0xb8;
	[tilespmem:$0x8080] =	vst v63  }
0x1b: {  	_ =	swait.ge [sflag:s11], $0x4000  }
0x1c: {  	[sflag:s11] =	ssyncset.done $0x0  }
0x1d: {  	[sflag:s11] =	ssyncadd.s32 $0xFFFFC000  }
.LBB2_8:
0x1e: {  	s14 =	sadd.s32 $0x1, s14  }
0x1f: {  	p1 =	sne.s32 s14, $0x14  }
.Ltmp5:
0x20: {  	_ = 	snop;
	(pc) =	sbr.rel @!p1 .LBB2_9-.Ltmp5, $1  }
0x21: {  	_ =	sdelay $0x3  }
.LBB2_3:
0x22: {  	s15 =	sshll.u32 s14, $0xD  }
0x23: {  	s15 =	sor.u32 s13, s15  }
0x24: {  	p1 =	sne.s32 s14, $0x0;
	s15 =	sshrl.u32 s15, $0x3  }
.Ltmp6:
0x25: {  	s15 =	sadd.s32 s4, s15;
	(pc) =	sbr.rel @!p1 .LBB2_4-.Ltmp6, $4  }
0x26: {  	[tilespmem:s1], [sflag:$0x2] =	stream.linear.gather [hbm4b:s15+s1], $0x80, $0x38;
	[tilespmem:$0x8080] =	vst v63  }
0x27: {  	_ =	swait.ge [sflag:s8], $0x80  }
0x28: {  	[sflag:s8] =	ssyncset.done $0x0  }
0x29: {  	[sflag:s8] =	ssyncadd.s32 $0xFFFFFF80  }
0x2a: {  	s15 =	simm.s32 $0x0  }
0x2b: {  	[tilespmem:s9], [sflag:$0x1] =	stream.indirect.gather [hbm4b:s3+s9], $0x80, s15, s9, $0xb8;
	[tilespmem:$0x8080] =	vst v63  }
0x2c: {  	_ =	swait.ge [sflag:s11], $0x4000  }
0x2d: {  	[sflag:s11] =	ssyncset.done $0x0  }
0x2e: {  	s15 =	simm.s32 $0x0;
	[sflag:s11] =	ssyncadd.s32 $0xFFFFC000  }
0x2f: {  	v6 =	vld [tilespmem:s15+$0x80]  }
0x30: {  	v8 =	vld [tilespmem:s15+$0x90]  }
0x31: {  	v5 =	vld [tilespmem:s15+$0xA0]  }
0x32: {  	v4 =	vld [tilespmem:s15+$0xB0]  }
0x33: {  	v3 =	vld [tilespmem:s15+$0xC0]  }
0x34: {  	v2 =	vld [tilespmem:s15+$0xD0]  }
0x35: {  	v1 =	vld [tilespmem:s15+$0xE0]  }
0x36: {  	v0 =	vld [tilespmem:s15+$0xF0]  }
0x37: {  	v11 =	vld [tilespmem:s15+$0x4080]  }
0x38: {  	v12 =	vld [tilespmem:s15+$0x4090]  }
0x39: {  	v10 =	vld [tilespmem:s15+$0x40A0]  }
0x3a: {  	v9 =	vld [tilespmem:s15+$0x40B0]  }
0x3b: {  	v7 =	vld [tilespmem:s15+$0x40C0]  }
0x3c: {  	v11 =	vmax.f32 v11, v6;
	v6 =	vld [tilespmem:s15+$0x40D0]  }
0x3d: {  	s16 =	simm.s32 $0x200;
	[tilespmem:s15+$0x4080] =	vst v11;
	v11 =	vmax.f32 v12, v8;
	v8 =	vld [tilespmem:s15+$0x40E0]  }
.LBB2_6:
0x3e: {  	s17 =	sshra.s32 s16, $0x2;
	p1 =	sne.s32 s16, $0xFE00;
	[tilespmem:s15+$0x4090] =	vst v11;
	v5 =	vmax.f32 v10, v5;
	v10 =	vld [tilespmem:s15+$0x40F0]  }
0x3f: {  	v11 =	vld [tilespmem:s17+$0x80];
	[tilespmem:s15+$0x40A0] =	vst v5;
	v4 =	vmax.f32 v9, v4  }
0x40: {  	v12 =	vld [tilespmem:s17+$0x90];
	[tilespmem:s15+$0x40B0] =	vst v4;
	v3 =	vmax.f32 v7, v3  }
0x41: {  	v5 =	vld [tilespmem:s17+$0xA0];
	[tilespmem:s15+$0x40C0] =	vst v3;
	v2 =	vmax.f32 v6, v2  }
0x42: {  	v4 =	vld [tilespmem:s17+$0xB0];
	[tilespmem:s15+$0x40D0] =	vst v2;
	v1 =	vmax.f32 v8, v1  }
0x43: {  	v3 =	vld [tilespmem:s17+$0xC0];
	[tilespmem:s15+$0x40E0] =	vst v1;
	v0 =	vmax.f32 v10, v0  }
0x44: {  	v2 =	vld [tilespmem:s17+$0xD0];
	[tilespmem:s15+$0x40F0] =	vst v0;
	s15 =	smov.u32 s17  }
0x45: {  	v1 =	vld [tilespmem:s15+$0xE0]  }
0x46: {  	v0 =	vld [tilespmem:s15+$0xF0]  }
0x47: {  	v6 =	vld [tilespmem:s15+$0x4080]  }
0x48: {  	v8 =	vld [tilespmem:s15+$0x4090]  }
.Ltmp7:
0x49: {  	v10 =	vld [tilespmem:s15+$0x40A0];
	(pc) =	sbr.rel @p1 .LBB2_6-.Ltmp7, $4  }
0x4a: {  	v9 =	vld [tilespmem:s15+$0x40B0]  }
0x4b: {  	v7 =	vld [tilespmem:s15+$0x40C0]  }
0x4c: {  	v11 =	vmax.f32 v6, v11;
	v6 =	vld [tilespmem:s15+$0x40D0]  }
0x4d: {  	s16 =	sadd.s32 $0x200, s16;
	[tilespmem:s15+$0x4080] =	vst v11;
	v11 =	vmax.f32 v8, v12;
	v8 =	vld [tilespmem:s15+$0x40E0]  }
0x4e: {  	[tilespmem:s15+$0x4090] =	vst v11;
	v5 =	vmax.f32 v10, v5;
	v63 =	vld [tilespmem:s15+$0x40F0]  }
0x4f: {  	[tilespmem:s15+$0x40A0] =	vst v5;
	v4 =	vmax.f32 v9, v4  }
.Ltmp8:
0x50: {  	[tilespmem:s15+$0x40B0] =	vst v4;
	v3 =	vmax.f32 v7, v3;
	(pc) =	sbr.rel .LBB2_8-.Ltmp8, $4  }
0x51: {  	[tilespmem:s15+$0x40C0] =	vst v3;
	v2 =	vmax.f32 v6, v2  }
0x52: {  	[tilespmem:s15+$0x40D0] =	vst v2;
	v1 =	vmax.f32 v8, v1  }
0x53: {  	[tilespmem:s15+$0x40E0] =	vst v1;
	v0 =	vmax.f32 v63, v0  }
0x54: {  	[tilespmem:s15+$0x40F0] =	vst v0  }
.LBB2_11:
0x55: {  	_ =	sfence.sel $0x180000  }
0x56: {  	[bflag:$0x0] =	sbarrier.arrive $0xFFFF  }
0x57: {  	p0 =	sne.s32 s2, $0x0;
	_ =	strace $0x90000056  }
0x58: {  	s0 =	sadd.s32 @!p0 $0x100000, s0;
	[bflag:$0x2] =	sbarrier.arrive $0xFFFF  }
0x59: {  	[sflag:s0] =	ssyncadd.tile.s32 @!p0 $0x1;
	_ =	shalt  }
.Lfunc_end2:
_tile_overlayer_lowered:
.L_overlay_start_2:
0x5a: {  	(tag) =	ssettag $0x2  }
0x5b: {  	s0 =	rddreg [dreg:$0x0];
	s2 =	stileid.u32  }
0x5c: {  	s1 =	rddreg [dreg:$0x1];
	p0 =	sne.s32 s2, $0x0  }
0x5d: {  	s3 =	rddreg [dreg:$0x2];
	[bflag:$0x3] =	sbarrier.arrive $0xFFFF;
	s2 =	simm.s32 @!p0 $0x1C02  }
0x5e: {  	[timem:s3], [sflag:s2] =	dma.local @!p0 [hbm:s0], s1  }
0x5f: {  	s0 =	simm.s32 @!p0 $0x2  }
0x60: {  	_ =	swait.ge @!p0 [sflag:s0], s1  }
0x61: {  	s1 =	ssub.s32 @!p0 $0x0, s1;
	[sflag:s0] =	ssyncset.done @!p0 $0x0  }
0x62: {  	[sflag:s0] =	ssyncadd.s32 @!p0 s1  }
0x63: {  	[bflag:$0x3] =	sbarrier.arrive $0xFFFF  }
0x64: {  	_ =	shalt  }

// kernel: kernel.7.cloned.1.call-start
scs
__scs_entry_jumppad:
0x0: {  	(pc) =	sbr.rel $0x88, $3  }
0x1: {  	(tag) =	ssettag $0x0;
	lr =	simm.s32 $0x1  }
0x2: {  	[smem:$0x3F8B] =	sst lr;
	_ =	strace $0xD0000000  }
0x3: {  	_ = 	snop  }
0x4: {  	_ = 	snop  }
0x5: {  	_ = 	snop  }
0x6: {  	_ = 	snop  }
0x7: {  	_ = 	snop  }
__scs_overlays_trampoline_lowered:
0x8: {  	[smem:$0x3F9A] =	sst s0  }
0x9: {  	[smem:$0x3F9B] =	sst s1  }
0xa: {  	[smem:$0x3F9C] =	sst s2  }
0xb: {  	[smem:$0x3F9D] =	sst s3  }
0xc: {  	[smem:$0x3F9E] =	sst s4  }
0xd: {  	[smem:$0x3F9F] =	sst s5  }
0xe: {  	[smem:$0x3FA0] =	sst s6  }
0xf: {  	[smem:$0x3FA1] =	sst s7  }
0x10: {  	[smem:$0x3FA2] =	sst s8  }
0x11: {  	[smem:$0x3FA3] =	sst s9;
	s0 =	simm.s32 @!p0 $0x0  }
0x12: {  	s1 =	sld [smem:$0x3F89];
	s0 =	simm.s32 @p0 $0x1  }
0x13: {  	[smem:$0x3FA4] =	sst s0;
	s0 =	simm.s32 @!p1 $0x0  }
0x14: {  	s2 =	sld [smem:$0x3F88];
	s0 =	simm.s32 @p1 $0x1  }
0x15: {  	[smem:$0x3FA5] =	sst s0;
	s0 =	simm.s32 @!p2 $0x0  }
0x16: {  	s3 =	sld [smem:$0x3FDB];
	s0 =	simm.s32 @p2 $0x1  }
0x17: {  	s4 =	simm.s32 $0x1BF5;
	[smem:$0x3FA7] =	sst s0  }
0x18: {  	s0 =	sld [smem:$0x3F8A];
	_ =	swait.ge [sflag:s4], $0x0  }
0x19: {  	s7 =	sld [smem:$0x3F8B]  }
0x1a: {  	s8 =	sadd.s32 $0xFFFFE003, lr  }
0x1b: {  	s9 =	sadd.s32 $0xFFFFFEF7, lr;
	s5 =	simm.s32 $0xFFFFFFFF;
	p2 =	slt.u32 s8, $0xFFFFF086  }
0x1c: {  	p1 =	slt.u32 s9, $0xF7A;
	s5 =	simm.s32 @!p2 $0x0  }
0x1d: {  	s5 =	simm.s32 @p1 $0x1;
	p0 =	seq.s32 s7, s2  }
0x1e: {  	s7 =	smul.u32 @!p0 $0xF7A, s2;
	p2 =	seq.s32 @!p0 s5, $0x0  }
0x1f: {  	s9 =	smul.u32 $0xF7A, s1;
	s8 =	simm.s32 @!p0 $0x1BF5;
	p2 =	por !p2, p0  }
0x20: {  	[sflag:s8] =	ssyncset.s32 @!p0 $0xFFFFF086;
	s6 =	sadd.s32 @!p0 s3, s7;
	s7 =	simm.s32 @!p0 $0x108  }
0x21: {  	s3 =	sadd.s32 s3, s9;
	s6 =	sadd.s32 @!p0 $0x88, s6;
	s7 =	simm.s32 @p2 $0x1082  }
0x22: {  	[simem:s7], [sflag:s8] =	dma.local @!p0 [hbm:s6], $0xF7A  }
0x23: {  	s9 =	sor.u32 $0xD0000000, s2;
	s6 =	simm.s32 $0x108;
	_ =	swait.ge @!p0 [sflag:s8], $0x0  }
0x24: {  	s3 =	sadd.s32 $0x88, s3;
	s6 =	simm.s32 @!p1 $0x1082;
	[sflag:s4] =	ssyncset.s32 $0xFFFFF086  }
0x25: {  	[simem:s6], [sflag:s4] =	dma.local [hbm:s3], $0xF7A  }
0x26: {  	[smem:$0x3F8B] =	sst s1;
	(tag) =	ssettag s2;
	_ =	strace s9  }
0x27: {  	s1 =	sld [smem:$0x3F9B]  }
0x28: {  	s2 =	sld [smem:$0x3F9C]  }
0x29: {  	s4 =	sld [smem:$0x3F9E]  }
0x2a: {  	p0 =	seq.s32 s5, $0x0;
	s5 =	sld [smem:$0x3F9F]  }
0x2b: {  	s6 =	sld [smem:$0x3FA0]  }
0x2c: {  	s7 =	sld [smem:$0x3FA1]  }
0x2d: {  	s3 =	simm.s32 $0x108;
	s8 =	sld [smem:$0x3FA2]  }
0x2e: {  	s3 =	simm.s32 @!p0 $0x1082;
	s9 =	sld [smem:$0x3FA3]  }
0x2f: {  	lr =	sadd.s32 s0, s3;
	s0 =	sld [smem:$0x3F9A]  }
0x30: {  	s3 =	sld [smem:$0x3F9D]  }
0x31: {  	[smem:$0x3FA6] =	sst s10  }
0x32: {  	s10 =	sld [smem:$0x3FA4];
	_ =	sdelay $0x3  }
0x33: {  	p0 =	seq.s32 s10, $0x1;
	s10 =	sld [smem:$0x3FA6];
	_ =	sdelay $0x3  }
0x34: {  	[smem:$0x3FA6] =	sst s10  }
0x35: {  	s10 =	sld [smem:$0x3FA5];
	_ =	sdelay $0x3  }
0x36: {  	p1 =	seq.s32 s10, $0x1;
	s10 =	sld [smem:$0x3FA6];
	_ =	sdelay $0x3  }
0x37: {  	[smem:$0x3FA6] =	sst s10  }
0x38: {  	s10 =	sld [smem:$0x3FA7]  }
0x39: {  	_ = 	snop;
	(pc) =	sbr.ind lr, $3  }
0x3a: {  	_ = 	snop  }
0x3b: {  	_ = 	snop  }
0x3c: {  	p2 =	seq.s32 s10, $0x1;
	s10 =	sld [smem:$0x3FA6]  }
0x3d: {  	_ =	shalt  }
0x3e: {  	_ =	shalt  }
0x3f: {  	_ =	shalt  }
0x40: {  	_ =	shalt  }
0x41: {  	_ =	shalt  }
0x42: {  	_ =	shalt  }
0x43: {  	_ =	shalt  }
0x44: {  	_ =	shalt  }
0x45: {  	_ =	shalt  }
0x46: {  	_ =	shalt  }
0x47: {  	_ =	shalt  }
0x48: {  	_ =	shalt  }
0x49: {  	_ =	shalt  }
0x4a: {  	_ =	shalt  }
0x4b: {  	_ =	shalt  }
0x4c: {  	_ =	shalt  }
0x4d: {  	_ =	shalt  }
0x4e: {  	_ =	shalt  }
0x4f: {  	_ =	shalt  }
0x50: {  	_ =	shalt  }
0x51: {  	_ =	shalt  }
0x52: {  	_ =	shalt  }
0x53: {  	_ =	shalt  }
0x54: {  	_ =	shalt  }
0x55: {  	_ =	shalt  }
0x56: {  	_ =	shalt  }
0x57: {  	_ =	shalt  }
0x58: {  	_ =	shalt  }
0x59: {  	_ =	shalt  }
0x5a: {  	_ =	shalt  }
0x5b: {  	_ =	shalt  }
0x5c: {  	_ =	shalt  }
0x5d: {  	_ =	shalt  }
0x5e: {  	_ =	shalt  }
0x5f: {  	_ =	shalt  }
0x60: {  	_ =	shalt  }
0x61: {  	_ =	shalt  }
0x62: {  	_ =	shalt  }
0x63: {  	_ =	shalt  }
0x64: {  	_ =	shalt  }
0x65: {  	_ =	shalt  }
0x66: {  	_ =	shalt  }
0x67: {  	_ =	shalt  }
0x68: {  	_ =	shalt  }
0x69: {  	_ =	shalt  }
0x6a: {  	_ =	shalt  }
0x6b: {  	_ =	shalt  }
0x6c: {  	_ =	shalt  }
0x6d: {  	_ =	shalt  }
0x6e: {  	_ =	shalt  }
0x6f: {  	_ =	shalt  }
0x70: {  	_ =	shalt  }
0x71: {  	_ =	shalt  }
0x72: {  	_ =	shalt  }
0x73: {  	_ =	shalt  }
0x74: {  	_ =	shalt  }
0x75: {  	_ =	shalt  }
0x76: {  	_ =	shalt  }
0x77: {  	_ =	shalt  }
0x78: {  	_ =	shalt  }
0x79: {  	_ =	shalt  }
0x7a: {  	_ =	shalt  }
0x7b: {  	_ =	shalt  }
0x7c: {  	_ =	shalt  }
0x7d: {  	_ =	shalt  }
0x7e: {  	_ =	shalt  }
0x7f: {  	_ =	shalt  }
0x80: {  	_ =	shalt  }
0x81: {  	_ =	shalt  }
0x82: {  	_ =	shalt  }
0x83: {  	_ =	shalt  }
0x84: {  	_ =	shalt  }
0x85: {  	_ =	shalt  }
0x86: {  	_ =	shalt  }
0x87: {  	_ =	shalt  }
.Lfunc_end0:
.L_simem_size_0:
called_computation.4_lowered:
.L_overlay_start_0:
0x88: {  	s2 =	sld [smem:$0x3FD9]  }
0x89: {  	s3 =	sld [smem:$0x3FFE];
	_ =	sdelay $0x1  }
0x8a: {  	s1 =	srdreg.scid  }
0x8b: {  	s0 =	sand.u32 $0x1, s1  }
0x8c: {  	s16 =	sshll.u32 s0, $0xA;
	s2 =	sadd.s32 s3, s2  }
0x8d: {  	s2 =	sadd.s32 s2, s16  }
0x8e: {  	[smem:$0x3FB2] =	sst s2  }
0x8f: {  	_ = 	snop  }
0x90: {  	(tm) =	ssettm $0x1  }
0x91: {  	s17 =	sld [smem:$0x3FFB];
	_ =	sdelay $0x3  }
0x92: {  	_ =	strace s17  }
0x93: {  	s2 =	sld [smem:$0x3FFC];
	_ =	sdelay $0x3  }
0x94: {  	_ =	strace s2  }
0x95: {  	s2 =	sld [smem:$0x3FFD];
	_ =	sdelay $0x3  }
0x96: {  	_ =	strace s2  }
0x97: {  	_ =	strace $0x8FFFFFFF  }
0x98: {  	s18 =	sld [smem:$0x3FDB];
	_ =	sdelay $0x1  }
0x99: {  	s19 =	simm.s32 $_scs_section_size  }
0x9a: {  	s4 =	simm.s32 $_size__tile_overlayer_lowered;
	s5 =	simm.s32 $_tile_overlayer_lowered  }
0x9b: {  	s22 =	simm.s32 $0x1BFF;
	s21 =	sshll.u32 s5, $0x1;
	s2 =	sadd.s32 s19, s18  }
0x9c: {  	s6 =	simm.s32 $0x0;
	s20 =	sshll.u32 s4, $0x1;
	s4 =	sadd.s32 s21, s2  }
0x9d: {  	[timem:s6], [sflag:s22] =	dma.local [hbm:s4], s20  }
0x9e: {  	_ =	swait.ge [sflag:s22], s20  }
0x9f: {  	s3 =	ssub.s32 $0x0, s20;
	[sflag:s22] =	ssyncset.done $0x0  }
0xa0: {  	[sflag:s22] =	ssyncadd.s32 s3;
	_ =	sdelay $0x1  }
0xa1: {  	s23 =	simm.s32 $0x1B8B  }
0xa2: {  	_ =	swait.ge [sflag:s23], $0x1  }
0xa3: {  	[sflag:s23] =	ssyncset.done $0x0  }
0xa4: {  	s25 =	simm.s32 $0x1B8E;
	s24 =	sld [smem:$0x3FFE];
	[sflag:s23] =	ssyncadd.s32 $0xFFFFFFFF  }
0xa5: {  	s26 =	simm.s32 $execute0_lowered;
	[smem:$0x3FD2] =	sst s25  }
0xa6: {  	s4 =	sshll.u32 s26, $0x1;
	_ =	strace $0x80000052;
	[dreg:$0x1] =	wrdreg $0xFFFFFFFF  }
0xa7: {  	s28 =	simm.s32 $_size_execute0_lowered;
	s2 =	sadd.s32 s2, s4;
	[dreg:$0x0] =	wrdreg $0x0  }
0xa8: {  	s4 =	sshll.u32 s28, $0x1;
	[dreg:$0x2] =	wrdreg s2  }
0xa9: {  	[dreg:$0x3] =	wrdreg s4  }
0xaa: {  	[dreg:$0x4] =	wrdreg $0xC0  }
0xab: {  	_ =	task [dreg:s6], $0x5FFFF  }
0xac: {  	[dreg:$0x1] =	wrdreg $0xFFFFFFFF  }
0xad: {  	[dreg:$0x0] =	wrdreg $0x60  }
0xae: {  	[dreg:$0x2] =	wrdreg s24  }
0xaf: {  	[dreg:$0x3] =	wrdreg $0x9  }
0xb0: {  	_ =	task.clear_ibuf [dreg:s6], $0x4FFFF;
	_ =	strace $0x90000052  }
0xb1: {  	s29 =	simm.s32 $0x9;
	_ =	strace $0x80000054  }
0xb2: {  	_ =	swait.ge [sflag:s29], $0x1  }
0xb3: {  	[sflag:s29] =	ssyncadd.s32 $0xFFFFFFFF  }
0xb4: {  	_ =	strace $0x90000054  }
0xb5: {  	_ =	sfence  }
0xb6: {  	s30 =	sld [smem:$0x0];
	_ =	sdelay $0x2  }
0xb7: {  	s31 =	sshll.u32 s1, $0xD;
	s1 =	sshrl.u32 s1, $0x2  }
0xb8: {  	s3 =	sand.u32 $0x4000, s31;
	s1 =	sadd.s32 s1, s30  }
0xb9: {  	s0 =	sor.u32 s3, s0;
	s1 =	sshll.u32 s1, $0x11  }
0xba: {  	s0 =	sor.u32 s1, s0  }
0xbb: {  	s0 =	sadd.s32 $0x8F2B, s0  }
0xbc: {  	[sflag:s0] =	ssyncadd.remote.s32 $0x1  }
0xbd: {  	_ =	sfence.sel $0xFFFF  }
0xbe: {  	[dreg:$0x0] =	wrdreg $0xFFFFFFFF;
	(pc) =	sbr.abs _section_cstart, $3  }
0xbf: {  	[dreg:$0x1] =	wrdreg $0xFFFFFFFF  }
0xc0: {  	_ =	task.clear_ibuf [dreg:s6], $0x2FFFF;
	_ =	strace $0x9FFFFFFF  }
0xc1: {  	(tm) =	ssettm $0x7FFFFFFF  }
tec
execute0_lowered:
.L_overlay_start_1:
0x0: {  	(tag) =	ssettag $0x1  }
0x1: {  	s4 =	rddreg [dreg:$0x0]  }
0x2: {  	s0 =	rddreg [dreg:$0x1];
	s2 =	simm.s32 $0x0;
	s1 =	stileid.u32  }
0x3: {  	s3 =	srdreg.scid;
	s10 =	simm.s32 $0x0;
	s6 =	smul.u32 $0x2800, s1  }
0x4: {  	[smem:$0x7FF] =	sst s2;
	s5 =	sand.u32 $0x1, s3;
	s8 =	smul.u32 $0x28000, s1  }
0x5: {  	s3 =	sadd.s32 $0x7A00, s4;
	s7 =	smul.u32 $0x1400, s5;
	s9 =	ssub.s32 $0x2, s5  }
0x6: {  	_ =	strace $0x80000053;
	s5 =	smul.u32 $0x14000, s5;
	s31 =	sshrl.u32 s9, $0x1  }
0x7: {  	s8 =	sadd.s32 s8, s4;
	s6 =	sadd.s32 s7, s6;
	s7 =	ssub.s32 s9, s31  }
0x8: {  	s5 =	sadd.s32 s5, s8;
	s8 =	simm.s32 $0x80;
	s6 =	sshrl.u32 s6, $0x3  }
0x9: {  	s9 =	simm.s32 $0x1;
	s5 =	sadd.s32 $0x4E200, s5;
	s6 =	sadd.s32 s6, s4  }
0xa: {  	s4 =	smax.u32 s7, $0x1;
	s7 =	simm.s32 $0x2;
	s6 =	sadd.s32 $0x49200, s6  }
.LBB2_1:
0xb: {  	s11 =	sadd.s32 $0x0, s6  }
0xc: {  	[tilespmem:s2], [sflag:$0x2] =	stream.linear.gather [hbm4b:s11+s2], $0x80, $0x38;
	[tilespmem:$0x4080] =	vst v63  }
0xd: {  	_ =	swait.ge [sflag:s7], $0x80  }
0xe: {  	[sflag:s7] =	ssyncset.done $0x0  }
0xf: {  	[sflag:s7] =	ssyncadd.s32 $0xFFFFFF80  }
0x10: {  	[tilespmem:s8], [sflag:$0x1] =	stream.indirect.gather [hbm4b:s3+s8], $0x80, s2, s8, $0xb8;
	[tilespmem:$0x4080] =	vst v63  }
0x11: {  	_ =	swait.ge [sflag:s9], $0x4000  }
0x12: {  	[sflag:s9] =	ssyncset.done $0x0  }
0x13: {  	[sflag:s9] =	ssyncadd.s32 $0xFFFFC000  }
0x14: {  	[hbm4b:s5+s2] =	stream.linear.scatter [tilespmem:s8], [sflag:$0x2], $0x4000, $0x38;
	[tilespmem:$0x4080] =	vst v63  }
0x15: {  	s12 =	simm.s32 $0x10;
	_ =	swait.ge [sflag:s7], $0x4000  }
0x16: {  	s13 =	simm.s32 $0x20;
	s11 =	sadd.s32 $0x800, s5;
	[sflag:s7] =	ssyncset.done $0x0  }
.LBB2_2:
0x17: {  	s14 =	sadd.s32 s12, s6  }
0x18: {  	[sflag:s7] =	ssyncadd.s32 $0xFFFFC000;
	s12 =	smov.u32 s13;
	s15 =	sadd.s32 $0x10, s13  }
0x19: {  	[tilespmem:s2], [sflag:$0x2] =	stream.linear.gather [hbm4b:s14+s2], $0x80, $0x38;
	[tilespmem:$0x4080] =	vst v63  }
0x1a: {  	p0 =	sne.s32 s13, $0x270;
	_ =	swait.ge [sflag:s7], $0x80  }
0x1b: {  	[sflag:s7] =	ssyncset.done $0x0  }
0x1c: {  	[sflag:s7] =	ssyncadd.s32 $0xFFFFFF80  }
0x1d: {  	[tilespmem:s8], [sflag:$0x1] =	stream.indirect.gather [hbm4b:s3+s8], $0x80, s2, s8, $0xb8;
	[tilespmem:$0x4080] =	vst v63  }
0x1e: {  	_ =	swait.ge [sflag:s9], $0x4000  }
.Ltmp0:
0x1f: {  	[sflag:s9] =	ssyncset.done $0x0;
	(pc) =	sbr.rel @p0 .LBB2_2-.Ltmp0, $4  }
0x20: {  	[sflag:s9] =	ssyncadd.s32 $0xFFFFC000  }
0x21: {  	[hbm4b:s11+s2] =	stream.linear.scatter [tilespmem:s8], [sflag:$0x2], $0x4000, $0x38;
	[tilespmem:$0x4080] =	vst v63  }
0x22: {  	_ =	swait.ge [sflag:s7], $0x4000  }
0x23: {  	s13 =	smov.u32 s15;
	s11 =	sadd.s32 $0x800, s11;
	[sflag:s7] =	ssyncset.done $0x0  }
0x24: {  	s12 =	sadd.s32 s12, s6;
	[sflag:s7] =	ssyncadd.s32 $0xFFFFC000  }
0x25: {  	[tilespmem:s2], [sflag:$0x2] =	stream.linear.gather [hbm4b:s12+s2], $0x80, $0x38;
	[tilespmem:$0x4080] =	vst v63  }
0x26: {  	_ =	swait.ge [sflag:s7], $0x80  }
0x27: {  	[sflag:s7] =	ssyncset.done $0x0  }
0x28: {  	[sflag:s7] =	ssyncadd.s32 $0xFFFFFF80  }
0x29: {  	[tilespmem:s8], [sflag:$0x1] =	stream.indirect.gather [hbm4b:s3+s8], $0x80, s2, s8, $0xb8;
	[tilespmem:$0x4080] =	vst v63  }
0x2a: {  	s10 =	sadd.s32 $0x1, s10;
	_ =	swait.ge [sflag:s9], $0x4000  }
0x2b: {  	p0 =	sne.s32 s10, s4;
	[sflag:s9] =	ssyncset.done $0x0  }
.Ltmp1:
0x2c: {  	[sflag:s9] =	ssyncadd.s32 $0xFFFFC000;
	(pc) =	sbr.rel @p0 .LBB2_1-.Ltmp1, $4  }
0x2d: {  	[hbm4b:s11+s2] =	stream.linear.scatter [tilespmem:s8], [sflag:$0x2], $0x4000, $0x38;
	[tilespmem:$0x4080] =	vst v63  }
0x2e: {  	_ =	swait.ge [sflag:s7], $0x4000  }
0x2f: {  	[sflag:s7] =	ssyncset.done $0x0  }
0x30: {  	[sflag:s7] =	ssyncadd.s32 $0xFFFFC000  }
0x31: {  	_ =	sfence.sel $0x180000  }
0x32: {  	[bflag:$0x0] =	sbarrier.arrive $0xFFFF  }
0x33: {  	p0 =	sne.s32 s1, $0x0;
	_ =	strace $0x90000053  }
0x34: {  	s0 =	sadd.s32 @!p0 $0x100000, s0;
	[bflag:$0x2] =	sbarrier.arrive $0xFFFF  }
0x35: {  	[sflag:s0] =	ssyncadd.tile.s32 @!p0 $0x1;
	_ =	shalt  }
.Lfunc_end2:
_tile_overlayer_lowered:
.L_overlay_start_2:
0x36: {  	(tag) =	ssettag $0x2  }
0x37: {  	s0 =	rddreg [dreg:$0x0];
	s2 =	stileid.u32  }
0x38: {  	s1 =	rddreg [dreg:$0x1];
	p0 =	sne.s32 s2, $0x0  }
0x39: {  	s3 =	rddreg [dreg:$0x2];
	[bflag:$0x3] =	sbarrier.arrive $0xFFFF;
	s2 =	simm.s32 @!p0 $0x1C02  }
0x3a: {  	[timem:s3], [sflag:s2] =	dma.local @!p0 [hbm:s0], s1  }
0x3b: {  	s0 =	simm.s32 @!p0 $0x2  }
0x3c: {  	_ =	swait.ge @!p0 [sflag:s0], s1  }
0x3d: {  	s1 =	ssub.s32 @!p0 $0x0, s1;
	[sflag:s0] =	ssyncset.done @!p0 $0x0  }
0x3e: {  	[sflag:s0] =	ssyncadd.s32 @!p0 s1  }
0x3f: {  	[bflag:$0x3] =	sbarrier.arrive $0xFFFF  }
0x40: {  	_ =	shalt  }

</sc_bundles>
